<compile_context>
chip_gen: v7x
topology: tpu7x:2x2x1
jax: 0.10.2.dev20260603
libtpu: 0.0.44.dev20260713+nightly
codegen_flags: <defaults>
</compile_context>

<pallas_src>
import functools

import jax
import jax.numpy as jnp
from jax import lax
from jax.experimental import pallas as pl
from jax.experimental.pallas import tpu as pltpu
from jax.experimental.pallas import tpu_sc as plsc

N = 10000
E = 320000
D = 128
NP = 10240
BLK = 1024
E2 = E + N
NC = 2
NS = 16
L = 16
NW = NC * NS
CB = 128
EPW = ((E2 + NW * 2 * CB - 1) // (NW * 2 * CB)) * 2 * CB
EP = EPW * NW
NCH = EPW // CB
NG = NCH // 2
CB2 = 128
NCH2 = EPW // CB2
NG2 = NCH2 // 2
TPN = NP // NS



def _pre_body(x_ref, w_ref, att_ref, h_ref, a_ref):
    h = jnp.dot(x_ref[...], w_ref[...], preferred_element_type=jnp.float32)
    h_ref[...] = h
    a_ref[...] = jnp.dot(h, att_ref[...], preferred_element_type=jnp.float32)


def _tc_pre(x_pad, w, att_m):
    grid = (NP // BLK,)
    return pl.pallas_call(
        _pre_body,
        grid=grid,
        in_specs=[
            pl.BlockSpec((BLK, D), lambda i: (i, 0)),
            pl.BlockSpec((D, D), lambda i: (0, 0)),
            pl.BlockSpec((D, D), lambda i: (0, 0)),
        ],
        out_specs=[
            pl.BlockSpec((BLK, D), lambda i: (i, 0)),
            pl.BlockSpec((BLK, D), lambda i: (i, 0)),
        ],
        out_shape=[
            jax.ShapeDtypeStruct((NP, D), jnp.float32),
            jax.ShapeDtypeStruct((NP, D), jnp.float32),
        ],
    )(x_pad, w, att_m)


def _mid_body(p_ref, d_ref, b_ref, w_ref, att_ref, h_ref, a_ref):
    r = 1.0 / (d_ref[0] + d_ref[1] + 1e-16)
    s = (p_ref[0] + p_ref[1]) * r + b_ref[...]
    hin = jnp.maximum(s, 0.0)
    h = jnp.dot(hin, w_ref[...], preferred_element_type=jnp.float32)
    h_ref[...] = h
    a_ref[...] = jnp.dot(h, att_ref[...], preferred_element_type=jnp.float32)


def _tc_mid(acc, den, b, w, att_m):
    grid = (NP // BLK,)
    return pl.pallas_call(
        _mid_body,
        grid=grid,
        in_specs=[
            pl.BlockSpec((2, BLK, D), lambda i: (0, i, 0)),
            pl.BlockSpec((2, BLK, 1), lambda i: (0, i, 0)),
            pl.BlockSpec((1, D), lambda i: (0, 0)),
            pl.BlockSpec((D, D), lambda i: (0, 0)),
            pl.BlockSpec((D, D), lambda i: (0, 0)),
        ],
        out_specs=[
            pl.BlockSpec((BLK, D), lambda i: (i, 0)),
            pl.BlockSpec((BLK, D), lambda i: (i, 0)),
        ],
        out_shape=[
            jax.ShapeDtypeStruct((NP, D), jnp.float32),
            jax.ShapeDtypeStruct((NP, D), jnp.float32),
        ],
    )(acc, den.reshape(2, NP, 1), b, w, att_m)


def _post_body(p_ref, d_ref, b_ref, o_ref):
    r = 1.0 / (d_ref[0] + d_ref[1] + 1e-16)
    s = (p_ref[0] + p_ref[1]) * r + b_ref[...]
    m = jnp.max(s, axis=1, keepdims=True)
    z = s - m
    lse = jnp.log(jnp.sum(jnp.exp(z), axis=1, keepdims=True))
    o_ref[...] = z - lse


def _tc_post(acc, den, b):
    grid = (NP // BLK,)
    return pl.pallas_call(
        _post_body,
        grid=grid,
        in_specs=[
            pl.BlockSpec((2, BLK, D), lambda i: (0, i, 0)),
            pl.BlockSpec((2, BLK, 1), lambda i: (0, i, 0)),
            pl.BlockSpec((1, D), lambda i: (0, 0)),
        ],
        out_specs=pl.BlockSpec((BLK, D), lambda i: (i, 0)),
        out_shape=jax.ShapeDtypeStruct((NP, D), jnp.float32),
    )(acc, den.reshape(2, NP, 1), b)



def _sc_mesh():
    return plsc.VectorSubcoreMesh(
        core_axis_name="c", subcore_axis_name="s",
        num_cores=NC, num_subcores=NS)


def _sc_pass1(src, dst, asrc, adst):

    @functools.partial(
        pl.kernel,
        out_type=[jax.ShapeDtypeStruct((EP,), jnp.float32),
                  jax.ShapeDtypeStruct((NC, NP), jnp.float32)],
        mesh=_sc_mesh(),
        compiler_params=pltpu.CompilerParams(needs_layout_passes=False),
        scratch_types=[
            pltpu.VMEM((NP,), jnp.float32),
            pltpu.VMEM((NP,), jnp.float32),
            [pltpu.VMEM((CB,), jnp.int32)] * 2,
            [pltpu.VMEM((CB,), jnp.int32)] * 2,
            [pltpu.VMEM((CB,), jnp.int32)] * 2,
            [pltpu.VMEM((CB,), jnp.float32)] * 2,
            pltpu.VMEM((TPN,), jnp.float32),
            pltpu.VMEM_SHARED((NP,), jnp.float32),
            [pltpu.SemaphoreType.DMA] * 2,
            [pltpu.SemaphoreType.DMA] * 2,
            [pltpu.SemaphoreType.DMA] * 2,
        ],
    )
    def k(src_hbm, dst_hbm, asrc_hbm, adst_hbm, ee_hbm, den_hbm,
          asrc_v, adst_v, SR, DS, DI, EO, zb_v, den_sh, IS, WS, SS):
        cid = lax.axis_index("c")
        sid = lax.axis_index("s")
        wid = cid * NS + sid

        def zb_body(i, _):
            zb_v[pl.ds(i * L, L)] = jnp.zeros((L,), jnp.float32)
            return 0
        lax.fori_loop(0, TPN // L, zb_body, 0)
        pltpu.sync_copy(zb_v, den_sh.at[pl.ds(sid * TPN, TPN)])
        pltpu.sync_copy(asrc_hbm, asrc_v)
        pltpu.sync_copy(adst_hbm, adst_v)

        def idx_issue(j, b):
            base = wid * EPW + j * CB
            pltpu.async_copy(src_hbm.at[pl.ds(base, CB)], SR[b], IS[b])
            pltpu.async_copy(dst_hbm.at[pl.ds(base, CB)], DS[b], IS[b])

        def idx_wait(j, b):
            base = wid * EPW + j * CB
            pltpu.make_async_copy(src_hbm.at[pl.ds(base, CB)], SR[b], IS[b]).wait()
            pltpu.make_async_copy(dst_hbm.at[pl.ds(base, CB)], DS[b], IS[b]).wait()

        def out_wait(j, b):
            base = wid * EPW + j * CB
            pltpu.make_async_copy(EO[b], ee_hbm.at[pl.ds(base, CB)], WS[b]).wait()
            pltpu.make_async_copy(EO[b], den_sh.at[DI[b]], SS[b]).wait()

        idx_issue(0, 0)
        idx_issue(1, 1)
        plsc.subcore_barrier()

        def body(g, _):
            for b in range(2):
                j = 2 * g + b
                idx_wait(j, b)
                @pl.when(g >= 1)
                def _():
                    out_wait(j - 2, b)
                for jj in range(CB // L):
                    si = SR[b][pl.ds(jj * L, L)]
                    di = DS[b][pl.ds(jj * L, L)]
                    e = (plsc.load_gather(asrc_v, [si])
                         + plsc.load_gather(adst_v, [di]))
                    e = jnp.where(e >= 0.0, e, e * 0.2)
                    EO[b][pl.ds(jj * L, L)] = jnp.exp(e)
                    DI[b][pl.ds(jj * L, L)] = di
                base = wid * EPW + j * CB
                pltpu.async_copy(EO[b], ee_hbm.at[pl.ds(base, CB)], WS[b])
                pltpu.async_copy(EO[b], den_sh.at[DI[b]], SS[b], add=True)
                @pl.when(g < NG - 1)
                def _():
                    idx_issue(j + 2, b)
            return 0
        lax.fori_loop(0, NG, body, 0)
        out_wait(NCH - 2, 0)
        out_wait(NCH - 1, 1)
        plsc.subcore_barrier()
        pltpu.sync_copy(den_sh.at[pl.ds(sid * TPN, TPN)],
                        den_hbm.at[cid, pl.ds(sid * TPN, TPN)])

    return k(src, dst, asrc, adst)


def _sc_pass2(src, dst, ee, hv):

    @functools.partial(
        pl.kernel,
        out_type=jax.ShapeDtypeStruct((NC, NP, D), jnp.float32),
        mesh=_sc_mesh(),
        compiler_params=pltpu.CompilerParams(needs_layout_passes=False),
        scratch_types=[
            [pltpu.VMEM((CB2,), jnp.int32)] * 2,
            [pltpu.VMEM((CB2,), jnp.int32)] * 2,
            [pltpu.VMEM((CB2,), jnp.int32)] * 2,
            [pltpu.VMEM((CB2,), jnp.float32)] * 2,
            [pltpu.VMEM((CB2, D), jnp.float32)] * 2,
            pltpu.VMEM_SHARED((NP, D), jnp.float32),
            [pltpu.SemaphoreType.DMA] * 2,
            [pltpu.SemaphoreType.DMA] * 2,
            [pltpu.SemaphoreType.DMA] * 2,
        ],
    )
    def k(src_hbm, dst_hbm, ee_hbm, hv_hbm, acc_hbm,
          SR, DS, SI, EI, RO, acc_sh, IS, GS, SS):
        cid = lax.axis_index("c")
        sid = lax.axis_index("s")
        wid = cid * NS + sid

        def z_body(r, _):
            for c in range(D // L):
                RO[0][r, pl.ds(c * L, L)] = jnp.zeros((L,), jnp.float32)
            return 0
        lax.fori_loop(0, CB2, z_body, 0)

        def zi_body(kk, _):
            pltpu.sync_copy(RO[0],
                            acc_sh.at[pl.ds(sid * TPN + kk * CB2, CB2), :])
            return 0
        lax.fori_loop(0, TPN // CB2, zi_body, 0)

        def idx_issue(j, b):
            base = wid * EPW + j * CB2
            pltpu.async_copy(src_hbm.at[pl.ds(base, CB2)], SR[b], IS[b])
            pltpu.async_copy(dst_hbm.at[pl.ds(base, CB2)], DS[b], IS[b])
            pltpu.async_copy(ee_hbm.at[pl.ds(base, CB2)], EI[b], IS[b])

        def idx_wait(j, b):
            base = wid * EPW + j * CB2
            pltpu.make_async_copy(src_hbm.at[pl.ds(base, CB2)], SR[b], IS[b]).wait()
            pltpu.make_async_copy(dst_hbm.at[pl.ds(base, CB2)], DS[b], IS[b]).wait()
            pltpu.make_async_copy(ee_hbm.at[pl.ds(base, CB2)], EI[b], IS[b]).wait()

        idx_issue(0, 0)
        idx_issue(1, 1)
        plsc.subcore_barrier()
        idx_wait(0, 0)
        pltpu.async_copy(hv_hbm.at[SR[0]], RO[0], GS[0])

        def body(g, _):
            for b in range(2):
                j = 2 * g + b
                bo = 1 - b
                for jj in range(CB2 // L):
                    SI[b][pl.ds(jj * L, L)] = DS[b][pl.ds(jj * L, L)]
                pltpu.make_async_copy(hv_hbm.at[SR[b]], RO[b], GS[b]).wait()
                @pl.when(j + 1 < NCH2)
                def _():
                    @pl.when(j >= 1)
                    def _():
                        pltpu.make_async_copy(
                            RO[bo], acc_sh.at[SI[bo]], SS[bo]).wait()
                    idx_wait(j + 1, bo)
                    pltpu.async_copy(hv_hbm.at[SR[bo]], RO[bo], GS[bo])

                def scale(r4, _):
                    for u in range(4):
                        r = r4 * 4 + u
                        a = plsc.load_gather(
                            EI[b], [jnp.full((L,), r, jnp.int32)])
                        for c in range(D // L):
                            RO[b][r, pl.ds(c * L, L)] = (
                                RO[b][r, pl.ds(c * L, L)] * a)
                    return 0
                lax.fori_loop(0, CB2 // 4, scale, 0)
                pltpu.async_copy(RO[b], acc_sh.at[SI[b]], SS[b], add=True)

                @pl.when(j + 2 < NCH2)
                def _():
                    idx_issue(j + 2, b)
            return 0
        lax.fori_loop(0, NG2, body, 0)
        pltpu.make_async_copy(RO[0], acc_sh.at[SI[0]], SS[0]).wait()
        pltpu.make_async_copy(RO[1], acc_sh.at[SI[1]], SS[1]).wait()
        plsc.subcore_barrier()

        def out_body(kk, _):
            r0 = sid * TPN + kk * CB2
            pltpu.sync_copy(acc_sh.at[pl.ds(r0, CB2), :], RO[0])
            pltpu.sync_copy(RO[0], acc_hbm.at[cid, pl.ds(r0, CB2), :])
            return 0
        lax.fori_loop(0, TPN // CB2, out_body, 0)

    return k(src, dst, ee, hv)


def kernel(x, edge_index, W1, att_src1, att_dst1, b1, W2, att_src2, att_dst2, b2):
    loop = jnp.arange(N, dtype=edge_index.dtype)
    src = jnp.concatenate([edge_index[0], loop])
    dst = jnp.concatenate([edge_index[1], loop])
    src = jnp.pad(src, (0, EP - E2), constant_values=N)
    dst = jnp.pad(dst, (0, EP - E2), constant_values=N)

    x_pad = jnp.pad(x, ((0, NP - N), (0, 0)))

    def att_mat(att_s, att_d):
        m = jnp.zeros((D, D), jnp.float32)
        m = m.at[:, 0].set(att_s[0])
        m = m.at[:, 1].set(att_d[0])
        return m

    h1, A1 = _tc_pre(x_pad, W1, att_mat(att_src1, att_dst1))
    ee1, den1 = _sc_pass1(src, dst, A1[:, 0], A1[:, 1])
    acc1 = _sc_pass2(src, dst, ee1, h1)

    h2, A2 = _tc_mid(acc1, den1, b1.reshape(1, D), W2,
                     att_mat(att_src2, att_dst2))
    ee2, den2 = _sc_pass1(src, dst, A2[:, 0], A2[:, 1])
    acc2 = _sc_pass2(src, dst, ee2, h2)

    out = _tc_post(acc2, den2, b2.reshape(1, D))
    return out[:N]

# --- scband reference (transcript-rebuilt; emitter-appended) ---
"""Pipeline reference for scband-gat-6330781794595 (READ-ONLY COPY).

The authoritative reference and input builder live on the scoring server;
editing this copy changes nothing except your own understanding.
"""

import jax, jax.numpy as jnp
import numpy as np

N = 10000
E = 320000
D_IN = 128
D_HID = 128
D_OUT = 128


def setup_inputs(seed: int = 0) -> dict:
    key = jax.random.key(seed)
    ks = jax.random.split(key, 12)
    x = jax.random.normal(ks[0], (N, D_IN), dtype=jnp.float32)
    edge_index = jax.random.randint(ks[1], (2, E), 0, N, dtype=jnp.int32)
    s1 = 1.0 / np.sqrt(D_IN)
    s2 = 1.0 / np.sqrt(D_HID)
    W1 = jax.random.normal(ks[2], (D_IN, D_HID), dtype=jnp.float32) * s1
    att_src1 = jax.random.normal(ks[3], (1, D_HID), dtype=jnp.float32) * s2
    att_dst1 = jax.random.normal(ks[4], (1, D_HID), dtype=jnp.float32) * s2
    b1 = jnp.zeros((D_HID,), dtype=jnp.float32)
    W2 = jax.random.normal(ks[5], (D_HID, D_OUT), dtype=jnp.float32) * s2
    att_src2 = jax.random.normal(ks[6], (1, D_OUT), dtype=jnp.float32) * s2
    att_dst2 = jax.random.normal(ks[7], (1, D_OUT), dtype=jnp.float32) * s2
    b2 = jnp.zeros((D_OUT,), dtype=jnp.float32)
    return {"x": x, "edge_index": edge_index, "W1": W1, "att_src1": att_src1,
            "att_dst1": att_dst1, "b1": b1, "W2": W2, "att_src2": att_src2,
            "att_dst2": att_dst2, "b2": b2}


def gat_conv(x, edge_index, W, att_src, att_dst, bias, heads, C):
    n = x.shape[0]
    loop = jnp.arange(n, dtype=edge_index.dtype)
    src = jnp.concatenate([edge_index[0], loop])
    dst = jnp.concatenate([edge_index[1], loop])
    h = (x @ W).reshape(n, heads, C)
    a_src = (h * att_src.reshape(1, heads, C)).sum(axis=-1)  # [n, H]
    a_dst = (h * att_dst.reshape(1, heads, C)).sum(axis=-1)  # [n, H]
    e = a_src[src] + a_dst[dst]  # [E', H]
    e = jax.nn.leaky_relu(e, negative_slope=0.2)
    e_max = jax.ops.segment_max(e, dst, num_segments=n)
    e_max = jnp.where(jnp.isfinite(e_max), e_max, 0.0)
    e_exp = jnp.exp(e - jax.lax.stop_gradient(e_max)[dst])
    denom = jax.ops.segment_sum(e_exp, dst, num_segments=n)
    alpha = e_exp / (denom[dst] + 1e-16)
    msg = h[src] * alpha[:, :, None]
    out = jax.ops.segment_sum(msg, dst, num_segments=n)
    return out.reshape(n, heads * C) + bias


def reference(x, edge_index, W1, att_src1, att_dst1, b1, W2, att_src2, att_dst2, b2):
    h = jax.nn.relu(gat_conv(x, edge_index, W1, att_src1, att_dst1, b1, 1, D_HID))
    out = gat_conv(h, edge_index, W2, att_src2, att_dst2, b2, 1, D_OUT)
    return jax.nn.log_softmax(out, axis=1)

if __name__ == "__main__":
    import jax
    _d = setup_inputs()
    print(jax.jit(kernel)(*tuple(_d.values())))

</pallas_src>

<mosaic_0001>
#map = affine_map<(d0, d1) -> (0)>
#map1 = affine_map<(d0, d1) -> (0, 0)>
#map2 = affine_map<(d0, d1) -> (0, 0, 0)>
module attributes {stable_mosaic.version = 14 : i64} {
  func.func @k(%arg0: i32, %arg1: i32, %arg2: memref<335872xi32, #tpu.memory_space<hbm>>, %arg3: memref<335872xi32, #tpu.memory_space<hbm>>, %arg4: memref<335872xf32, #tpu.memory_space<hbm>>, %arg5: memref<10240x128xf32, #tpu.memory_space<hbm>>, %arg6: memref<2x10240x128xf32, #tpu.memory_space<hbm>>, %arg7: memref<128xi32, #tpu.memory_space<vmem>>, %arg8: memref<128xi32, #tpu.memory_space<vmem>>, %arg9: memref<128xi32, #tpu.memory_space<vmem>>, %arg10: memref<128xi32, #tpu.memory_space<vmem>>, %arg11: memref<128xi32, #tpu.memory_space<vmem>>, %arg12: memref<128xi32, #tpu.memory_space<vmem>>, %arg13: memref<128xf32, #tpu.memory_space<vmem>>, %arg14: memref<128xf32, #tpu.memory_space<vmem>>, %arg15: memref<128x128xf32, #tpu.memory_space<vmem>>, %arg16: memref<128x128xf32, #tpu.memory_space<vmem>>, %arg17: memref<10240x128xf32, #tpu.memory_space<vmem_shared>>, %arg18: memref<!tpu.dma_semaphore, #tpu.memory_space<semaphore_mem>>, %arg19: memref<!tpu.dma_semaphore, #tpu.memory_space<semaphore_mem>>, %arg20: memref<!tpu.dma_semaphore, #tpu.memory_space<semaphore_mem>>, %arg21: memref<!tpu.dma_semaphore, #tpu.memory_space<semaphore_mem>>, %arg22: memref<!tpu.dma_semaphore, #tpu.memory_space<semaphore_mem>>, %arg23: memref<!tpu.dma_semaphore, #tpu.memory_space<semaphore_mem>>) attributes {dimension_semantics = [#tpu.dimension_semantics<core_parallel>, #tpu.dimension_semantics<subcore_parallel>], iteration_bounds = array<i64: 2, 16>, scalar_prefetch = 0 : i64, scratch_operands = 17 : i64, tpu.core_type = #tpu.core_type<sc_vector_subcore>, window_params = [{transform_indices = #map}, {transform_indices = #map}, {transform_indices = #map}, {transform_indices = #map1}, {transform_indices = #map2}]} {
    %mul3A = arith.constant 16 : i32
    %mul3A_0 = arith.muli %arg0, %mul3A : i32
    %add3A = arith.addi %mul3A_0, %arg1 : i32
    %scan3A = arith.constant 0 : i32
    %scan3A_1 = arith.constant 0 : i32
    %scan3A_2 = arith.constant 128 : i32
    %scan3A_3 = arith.addi %scan3A_1, %scan3A_2 : i32
    %scan3A_4 = arith.constant 1 : i32
    %scan3A_5 = scf.for %scan3A_66 = %scan3A_1 to %scan3A_3 step %scan3A_4 iter_args(%scan3A_67 = %scan3A) -> (i32)  : i32 {
      %broadcast_in_dim3A = arith.constant 0.000000e+00 : f32
      %broadcast_in_dim3A_68 = vector.broadcast %broadcast_in_dim3A : f32 to vector<16xf32>
      %swap3A = arith.index_cast %scan3A_66 : i32 to index
      %swap3A_69 = arith.constant 0 : index
      %swap3A_70 = tpu.vector_load %arg15[%swap3A, %swap3A_69] {strides = array<i32>} : memref<128x128xf32, #tpu.memory_space<vmem>>, vector<16xf32>,
      tpu.vector_store %arg15[%swap3A, %swap3A_69], %broadcast_in_dim3A_68 {strides = array<i32>} : memref<128x128xf32, #tpu.memory_space<vmem>>, vector<16xf32>,
      %broadcast_in_dim3A_71 = arith.constant 0.000000e+00 : f32
      %broadcast_in_dim3A_72 = vector.broadcast %broadcast_in_dim3A_71 : f32 to vector<16xf32>
      %swap3A_73 = arith.index_cast %scan3A_66 : i32 to index
      %swap3A_74 = arith.constant 16 : index
      %swap3A_75 = tpu.vector_load %arg15[%swap3A_73, %swap3A_74] {strides = array<i32>} : memref<128x128xf32, #tpu.memory_space<vmem>>, vector<16xf32>,
      tpu.vector_store %arg15[%swap3A_73, %swap3A_74], %broadcast_in_dim3A_72 {strides = array<i32>} : memref<128x128xf32, #tpu.memory_space<vmem>>, vector<16xf32>,
      %broadcast_in_dim3A_76 = arith.constant 0.000000e+00 : f32
      %broadcast_in_dim3A_77 = vector.broadcast %broadcast_in_dim3A_76 : f32 to vector<16xf32>
      %swap3A_78 = arith.index_cast %scan3A_66 : i32 to index
      %swap3A_79 = arith.constant 32 : index
      %swap3A_80 = tpu.vector_load %arg15[%swap3A_78, %swap3A_79] {strides = array<i32>} : memref<128x128xf32, #tpu.memory_space<vmem>>, vector<16xf32>,
      tpu.vector_store %arg15[%swap3A_78, %swap3A_79], %broadcast_in_dim3A_77 {strides = array<i32>} : memref<128x128xf32, #tpu.memory_space<vmem>>, vector<16xf32>,
      %broadcast_in_dim3A_81 = arith.constant 0.000000e+00 : f32
      %broadcast_in_dim3A_82 = vector.broadcast %broadcast_in_dim3A_81 : f32 to vector<16xf32>
      %swap3A_83 = arith.index_cast %scan3A_66 : i32 to index
      %swap3A_84 = arith.constant 48 : index
      %swap3A_85 = tpu.vector_load %arg15[%swap3A_83, %swap3A_84] {strides = array<i32>} : memref<128x128xf32, #tpu.memory_space<vmem>>, vector<16xf32>,
      tpu.vector_store %arg15[%swap3A_83, %swap3A_84], %broadcast_in_dim3A_82 {strides = array<i32>} : memref<128x128xf32, #tpu.memory_space<vmem>>, vector<16xf32>,
      %broadcast_in_dim3A_86 = arith.constant 0.000000e+00 : f32
      %broadcast_in_dim3A_87 = vector.broadcast %broadcast_in_dim3A_86 : f32 to vector<16xf32>
      %swap3A_88 = arith.index_cast %scan3A_66 : i32 to index
      %swap3A_89 = arith.constant 64 : index
      %swap3A_90 = tpu.vector_load %arg15[%swap3A_88, %swap3A_89] {strides = array<i32>} : memref<128x128xf32, #tpu.memory_space<vmem>>, vector<16xf32>,
      tpu.vector_store %arg15[%swap3A_88, %swap3A_89], %broadcast_in_dim3A_87 {strides = array<i32>} : memref<128x128xf32, #tpu.memory_space<vmem>>, vector<16xf32>,
      %broadcast_in_dim3A_91 = arith.constant 0.000000e+00 : f32
      %broadcast_in_dim3A_92 = vector.broadcast %broadcast_in_dim3A_91 : f32 to vector<16xf32>
      %swap3A_93 = arith.index_cast %scan3A_66 : i32 to index
      %swap3A_94 = arith.constant 80 : index
      %swap3A_95 = tpu.vector_load %arg15[%swap3A_93, %swap3A_94] {strides = array<i32>} : memref<128x128xf32, #tpu.memory_space<vmem>>, vector<16xf32>,
      tpu.vector_store %arg15[%swap3A_93, %swap3A_94], %broadcast_in_dim3A_92 {strides = array<i32>} : memref<128x128xf32, #tpu.memory_space<vmem>>, vector<16xf32>,
      %broadcast_in_dim3A_96 = arith.constant 0.000000e+00 : f32
      %broadcast_in_dim3A_97 = vector.broadcast %broadcast_in_dim3A_96 : f32 to vector<16xf32>
      %swap3A_98 = arith.index_cast %scan3A_66 : i32 to index
      %swap3A_99 = arith.constant 96 : index
      %swap3A_100 = tpu.vector_load %arg15[%swap3A_98, %swap3A_99] {strides = array<i32>} : memref<128x128xf32, #tpu.memory_space<vmem>>, vector<16xf32>,
      tpu.vector_store %arg15[%swap3A_98, %swap3A_99], %broadcast_in_dim3A_97 {strides = array<i32>} : memref<128x128xf32, #tpu.memory_space<vmem>>, vector<16xf32>,
      %broadcast_in_dim3A_101 = arith.constant 0.000000e+00 : f32
      %broadcast_in_dim3A_102 = vector.broadcast %broadcast_in_dim3A_101 : f32 to vector<16xf32>
      %swap3A_103 = arith.index_cast %scan3A_66 : i32 to index
      %swap3A_104 = arith.constant 112 : index
      %swap3A_105 = tpu.vector_load %arg15[%swap3A_103, %swap3A_104] {strides = array<i32>} : memref<128x128xf32, #tpu.memory_space<vmem>>, vector<16xf32>,
      tpu.vector_store %arg15[%swap3A_103, %swap3A_104], %broadcast_in_dim3A_102 {strides = array<i32>} : memref<128x128xf32, #tpu.memory_space<vmem>>, vector<16xf32>,
      %scan3A_106 = arith.constant 0 : i32
      scf.yield %scan3A_106 : i32
    }
    %scan3A_6 = arith.constant 128 : i32
    %scan3A_7 = arith.constant 0 : i32
    %scan3A_8 = arith.constant 0 : i32
    %scan3A_9 = arith.constant 5 : i32
    %scan3A_10 = arith.addi %scan3A_8, %scan3A_9 : i32
    %scan3A_11 = arith.constant 1 : i32
    %scan3A_12 = scf.for %scan3A_66 = %scan3A_8 to %scan3A_10 step %scan3A_11 iter_args(%scan3A_67 = %scan3A_7) -> (i32)  : i32 {
      %mul3A_68 = arith.constant 640 : i32
      %mul3A_69 = arith.muli %arg1, %mul3A_68 : i32
      %mul3A_70 = arith.constant 128 : i32
      %mul3A_71 = arith.muli %scan3A_66, %mul3A_70 : i32
      %add3A_72 = arith.addi %mul3A_69, %mul3A_71 : i32
      "tpu.region"() ({
        %run_scoped3A = tpu.sem_alloc : memref<!tpu.dma_semaphore, #tpu.memory_space<semaphore_mem>>
        %dma_start3A_74 = arith.constant 0 : i32
        %dma_start3A_75 = tpu.memref_slice %arg17[%add3A_72, %dma_start3A_74] : memref<10240x128xf32, #tpu.memory_space<vmem_shared>> -> memref<128x128xf32, #tpu.memory_space<vmem_shared>>
        %dma_start3A_76 = arith.constant 0 : i32
        %dma_start3A_77 = tpu.memref_slice %arg17[%add3A_72, %dma_start3A_76] : memref<10240x128xf32, #tpu.memory_space<vmem_shared>> -> memref<128x128xf32, #tpu.memory_space<vmem_shared>>
        tpu.enqueue_dma source(%arg15 : memref<128x128xf32, #tpu.memory_space<vmem>>) target(%dma_start3A_77 : memref<128x128xf32, #tpu.memory_space<vmem_shared>>) target_semaphore(%run_scoped3A : memref<!tpu.dma_semaphore, #tpu.memory_space<semaphore_mem>>)
        %dma_wait3A_78 = arith.constant 0 : i32
        %dma_wait3A_79 = tpu.memref_slice %arg17[%add3A_72, %dma_wait3A_78] : memref<10240x128xf32, #tpu.memory_space<vmem_shared>> -> memref<128x128xf32, #tpu.memory_space<vmem_shared>>
        %dma_wait3A_80 = arith.constant 0 : i32
        %dma_wait3A_81 = tpu.memref_slice %arg17[%add3A_72, %dma_wait3A_80] : memref<10240x128xf32, #tpu.memory_space<vmem_shared>> -> memref<128x128xf32, #tpu.memory_space<vmem_shared>>
        tpu.wait_dma2 semaphore(%run_scoped3A : memref<!tpu.dma_semaphore, #tpu.memory_space<semaphore_mem>>) src(%arg15 : memref<128x128xf32, #tpu.memory_space<vmem>>) dst(%dma_wait3A_81 : memref<128x128xf32, #tpu.memory_space<vmem_shared>>)
        tpu.yield
      }) : () -> ()
      %scan3A_73 = arith.constant 0 : i32
      scf.yield %scan3A_73 : i32
    }
    %scan3A_13 = arith.constant 5 : i32
    %mul3A_14 = arith.constant 10496 : i32
    %mul3A_15 = arith.muli %add3A, %mul3A_14 : i32
    %add3A_16 = arith.constant 0 : i32
    %add3A_17 = arith.addi %mul3A_15, %add3A_16 : i32
    %dma_start3A = tpu.memref_slice %arg2[%add3A_17] : memref<335872xi32, #tpu.memory_space<hbm>> -> memref<128xi32, #tpu.memory_space<hbm>>
    %dma_start3A_18 = tpu.memref_slice %arg2[%add3A_17] : memref<335872xi32, #tpu.memory_space<hbm>> -> memref<128xi32, #tpu.memory_space<hbm>>
    tpu.enqueue_dma source(%dma_start3A_18 : memref<128xi32, #tpu.memory_space<hbm>>) target(%arg7 : memref<128xi32, #tpu.memory_space<vmem>>) target_semaphore(%arg18 : memref<!tpu.dma_semaphore, #tpu.memory_space<semaphore_mem>>)
    %dma_start3A_19 = tpu.memref_slice %arg3[%add3A_17] : memref<335872xi32, #tpu.memory_space<hbm>> -> memref<128xi32, #tpu.memory_space<hbm>>
    %dma_start3A_20 = tpu.memref_slice %arg3[%add3A_17] : memref<335872xi32, #tpu.memory_space<hbm>> -> memref<128xi32, #tpu.memory_space<hbm>>
    tpu.enqueue_dma source(%dma_start3A_20 : memref<128xi32, #tpu.memory_space<hbm>>) target(%arg9 : memref<128xi32, #tpu.memory_space<vmem>>) target_semaphore(%arg18 : memref<!tpu.dma_semaphore, #tpu.memory_space<semaphore_mem>>)
    %dma_start3A_21 = tpu.memref_slice %arg4[%add3A_17] : memref<335872xf32, #tpu.memory_space<hbm>> -> memref<128xf32, #tpu.memory_space<hbm>>
    %dma_start3A_22 = tpu.memref_slice %arg4[%add3A_17] : memref<335872xf32, #tpu.memory_space<hbm>> -> memref<128xf32, #tpu.memory_space<hbm>>
    tpu.enqueue_dma source(%dma_start3A_22 : memref<128xf32, #tpu.memory_space<hbm>>) target(%arg13 : memref<128xf32, #tpu.memory_space<vmem>>) target_semaphore(%arg18 : memref<!tpu.dma_semaphore, #tpu.memory_space<semaphore_mem>>)
    %mul3A_23 = arith.constant 10496 : i32
    %mul3A_24 = arith.muli %add3A, %mul3A_23 : i32
    %add3A_25 = arith.constant 128 : i32
    %add3A_26 = arith.addi %mul3A_24, %add3A_25 : i32
    %dma_start3A_27 = tpu.memref_slice %arg2[%add3A_26] : memref<335872xi32, #tpu.memory_space<hbm>> -> memref<128xi32, #tpu.memory_space<hbm>>
    %dma_start3A_28 = tpu.memref_slice %arg2[%add3A_26] : memref<335872xi32, #tpu.memory_space<hbm>> -> memref<128xi32, #tpu.memory_space<hbm>>
    tpu.enqueue_dma source(%dma_start3A_28 : memref<128xi32, #tpu.memory_space<hbm>>) target(%arg8 : memref<128xi32, #tpu.memory_space<vmem>>) target_semaphore(%arg19 : memref<!tpu.dma_semaphore, #tpu.memory_space<semaphore_mem>>)
    %dma_start3A_29 = tpu.memref_slice %arg3[%add3A_26] : memref<335872xi32, #tpu.memory_space<hbm>> -> memref<128xi32, #tpu.memory_space<hbm>>
    %dma_start3A_30 = tpu.memref_slice %arg3[%add3A_26] : memref<335872xi32, #tpu.memory_space<hbm>> -> memref<128xi32, #tpu.memory_space<hbm>>
    tpu.enqueue_dma source(%dma_start3A_30 : memref<128xi32, #tpu.memory_space<hbm>>) target(%arg10 : memref<128xi32, #tpu.memory_space<vmem>>) target_semaphore(%arg19 : memref<!tpu.dma_semaphore, #tpu.memory_space<semaphore_mem>>)
    %dma_start3A_31 = tpu.memref_slice %arg4[%add3A_26] : memref<335872xf32, #tpu.memory_space<hbm>> -> memref<128xf32, #tpu.memory_space<hbm>>
    %dma_start3A_32 = tpu.memref_slice %arg4[%add3A_26] : memref<335872xf32, #tpu.memory_space<hbm>> -> memref<128xf32, #tpu.memory_space<hbm>>
    tpu.enqueue_dma source(%dma_start3A_32 : memref<128xf32, #tpu.memory_space<hbm>>) target(%arg14 : memref<128xf32, #tpu.memory_space<vmem>>) target_semaphore(%arg19 : memref<!tpu.dma_semaphore, #tpu.memory_space<semaphore_mem>>)
    %barrier3A = arith.constant 0 : index
    tpu.barrier barrier_id(%barrier3A)
    %mul3A_33 = arith.constant 10496 : i32
    %mul3A_34 = arith.muli %add3A, %mul3A_33 : i32
    %add3A_35 = arith.constant 0 : i32
    %add3A_36 = arith.addi %mul3A_34, %add3A_35 : i32
    %dma_wait3A = tpu.memref_slice %arg2[%add3A_36] : memref<335872xi32, #tpu.memory_space<hbm>> -> memref<128xi32, #tpu.memory_space<hbm>>
    %dma_wait3A_37 = tpu.memref_slice %arg2[%add3A_36] : memref<335872xi32, #tpu.memory_space<hbm>> -> memref<128xi32, #tpu.memory_space<hbm>>
    tpu.wait_dma2 semaphore(%arg18 : memref<!tpu.dma_semaphore, #tpu.memory_space<semaphore_mem>>) src(%dma_wait3A_37 : memref<128xi32, #tpu.memory_space<hbm>>) dst(%arg7 : memref<128xi32, #tpu.memory_space<vmem>>)
    %dma_wait3A_38 = tpu.memref_slice %arg3[%add3A_36] : memref<335872xi32, #tpu.memory_space<hbm>> -> memref<128xi32, #tpu.memory_space<hbm>>
    %dma_wait3A_39 = tpu.memref_slice %arg3[%add3A_36] : memref<335872xi32, #tpu.memory_space<hbm>> -> memref<128xi32, #tpu.memory_space<hbm>>
    tpu.wait_dma2 semaphore(%arg18 : memref<!tpu.dma_semaphore, #tpu.memory_space<semaphore_mem>>) src(%dma_wait3A_39 : memref<128xi32, #tpu.memory_space<hbm>>) dst(%arg9 : memref<128xi32, #tpu.memory_space<vmem>>)
    %dma_wait3A_40 = tpu.memref_slice %arg4[%add3A_36] : memref<335872xf32, #tpu.memory_space<hbm>> -> memref<128xf32, #tpu.memory_space<hbm>>
    %dma_wait3A_41 = tpu.memref_slice %arg4[%add3A_36] : memref<335872xf32, #tpu.memory_space<hbm>> -> memref<128xf32, #tpu.memory_space<hbm>>
    tpu.wait_dma2 semaphore(%arg18 : memref<!tpu.dma_semaphore, #tpu.memory_space<semaphore_mem>>) src(%dma_wait3A_41 : memref<128xf32, #tpu.memory_space<hbm>>) dst(%arg13 : memref<128xf32, #tpu.memory_space<vmem>>)
    %dma_start3A_42 = arith.constant 0 : i32
    %dma_start3A_43 = arith.constant 0 : i32
    %dma_start3A_44 = tpu.memref_slice %arg5[%dma_start3A_42, %dma_start3A_43] : memref<10240x128xf32, #tpu.memory_space<hbm>> -> memref<10240x128xf32, #tpu.memory_space<hbm>>
    tpu.enqueue_indirect_dma source(%dma_start3A_44 : memref<10240x128xf32, #tpu.memory_space<hbm>>) target(%arg15 : memref<128x128xf32, #tpu.memory_space<vmem>>) offsets(%arg7 : memref<128xi32, #tpu.memory_space<vmem>>) semaphore(%arg20 : memref<!tpu.dma_semaphore, #tpu.memory_space<semaphore_mem>>)
    %scan3A_45 = arith.constant 0 : i32
    %scan3A_46 = arith.constant 0 : i32
    %scan3A_47 = arith.constant 41 : i32
    %scan3A_48 = arith.addi %scan3A_46, %scan3A_47 : i32
    %scan3A_49 = arith.constant 1 : i32
    %scan3A_50 = scf.for %scan3A_66 = %scan3A_46 to %scan3A_48 step %scan3A_49 iter_args(%scan3A_67 = %scan3A_45) -> (i32)  : i32 {
      %mul3A_68 = arith.constant 2 : i32
      %mul3A_69 = arith.muli %mul3A_68, %scan3A_66 : i32
      %add3A_70 = arith.constant 0 : i32
      %add3A_71 = arith.addi %mul3A_69, %add3A_70 : i32
      %get3A = arith.constant 0 : index
      %get3A_72 = tpu.vector_load %arg9[%get3A] {strides = array<i32>} : memref<128xi32, #tpu.memory_space<vmem>>, vector<16xi32>,
      %swap3A = arith.constant 0 : index
      %swap3A_73 = tpu.vector_load %arg11[%swap3A] {strides = array<i32>} : memref<128xi32, #tpu.memory_space<vmem>>, vector<16xi32>,
      tpu.vector_store %arg11[%swap3A], %get3A_72 {strides = array<i32>} : memref<128xi32, #tpu.memory_space<vmem>>, vector<16xi32>,
      %get3A_74 = arith.constant 16 : index
      %get3A_75 = tpu.vector_load %arg9[%get3A_74] {strides = array<i32>} : memref<128xi32, #tpu.memory_space<vmem>>, vector<16xi32>,
      %swap3A_76 = arith.constant 16 : index
      %swap3A_77 = tpu.vector_load %arg11[%swap3A_76] {strides = array<i32>} : memref<128xi32, #tpu.memory_space<vmem>>, vector<16xi32>,
      tpu.vector_store %arg11[%swap3A_76], %get3A_75 {strides = array<i32>} : memref<128xi32, #tpu.memory_space<vmem>>, vector<16xi32>,
      %get3A_78 = arith.constant 32 : index
      %get3A_79 = tpu.vector_load %arg9[%get3A_78] {strides = array<i32>} : memref<128xi32, #tpu.memory_space<vmem>>, vector<16xi32>,
      %swap3A_80 = arith.constant 32 : index
      %swap3A_81 = tpu.vector_load %arg11[%swap3A_80] {strides = array<i32>} : memref<128xi32, #tpu.memory_space<vmem>>, vector<16xi32>,
      tpu.vector_store %arg11[%swap3A_80], %get3A_79 {strides = array<i32>} : memref<128xi32, #tpu.memory_space<vmem>>, vector<16xi32>,
      %get3A_82 = arith.constant 48 : index
      %get3A_83 = tpu.vector_load %arg9[%get3A_82] {strides = array<i32>} : memref<128xi32, #tpu.memory_space<vmem>>, vector<16xi32>,
      %swap3A_84 = arith.constant 48 : index
      %swap3A_85 = tpu.vector_load %arg11[%swap3A_84] {strides = array<i32>} : memref<128xi32, #tpu.memory_space<vmem>>, vector<16xi32>,
      tpu.vector_store %arg11[%swap3A_84], %get3A_83 {strides = array<i32>} : memref<128xi32, #tpu.memory_space<vmem>>, vector<16xi32>,
      %get3A_86 = arith.constant 64 : index
      %get3A_87 = tpu.vector_load %arg9[%get3A_86] {strides = array<i32>} : memref<128xi32, #tpu.memory_space<vmem>>, vector<16xi32>,
      %swap3A_88 = arith.constant 64 : index
      %swap3A_89 = tpu.vector_load %arg11[%swap3A_88] {strides = array<i32>} : memref<128xi32, #tpu.memory_space<vmem>>, vector<16xi32>,
      tpu.vector_store %arg11[%swap3A_88], %get3A_87 {strides = array<i32>} : memref<128xi32, #tpu.memory_space<vmem>>, vector<16xi32>,
      %get3A_90 = arith.constant 80 : index
      %get3A_91 = tpu.vector_load %arg9[%get3A_90] {strides = array<i32>} : memref<128xi32, #tpu.memory_space<vmem>>, vector<16xi32>,
      %swap3A_92 = arith.constant 80 : index
      %swap3A_93 = tpu.vector_load %arg11[%swap3A_92] {strides = array<i32>} : memref<128xi32, #tpu.memory_space<vmem>>, vector<16xi32>,
      tpu.vector_store %arg11[%swap3A_92], %get3A_91 {strides = array<i32>} : memref<128xi32, #tpu.memory_space<vmem>>, vector<16xi32>,
      %get3A_94 = arith.constant 96 : index
      %get3A_95 = tpu.vector_load %arg9[%get3A_94] {strides = array<i32>} : memref<128xi32, #tpu.memory_space<vmem>>, vector<16xi32>,
      %swap3A_96 = arith.constant 96 : index
      %swap3A_97 = tpu.vector_load %arg11[%swap3A_96] {strides = array<i32>} : memref<128xi32, #tpu.memory_space<vmem>>, vector<16xi32>,
      tpu.vector_store %arg11[%swap3A_96], %get3A_95 {strides = array<i32>} : memref<128xi32, #tpu.memory_space<vmem>>, vector<16xi32>,
      %get3A_98 = arith.constant 112 : index
      %get3A_99 = tpu.vector_load %arg9[%get3A_98] {strides = array<i32>} : memref<128xi32, #tpu.memory_space<vmem>>, vector<16xi32>,
      %swap3A_100 = arith.constant 112 : index
      %swap3A_101 = tpu.vector_load %arg11[%swap3A_100] {strides = array<i32>} : memref<128xi32, #tpu.memory_space<vmem>>, vector<16xi32>,
      tpu.vector_store %arg11[%swap3A_100], %get3A_99 {strides = array<i32>} : memref<128xi32, #tpu.memory_space<vmem>>, vector<16xi32>,
      %dma_wait3A_102 = arith.constant 0 : i32
      %dma_wait3A_103 = arith.constant 0 : i32
      %dma_wait3A_104 = tpu.memref_slice %arg5[%dma_wait3A_102, %dma_wait3A_103] : memref<10240x128xf32, #tpu.memory_space<hbm>> -> memref<10240x128xf32, #tpu.memory_space<hbm>>
      tpu.wait_indirect_dma semaphore(%arg20 : memref<!tpu.dma_semaphore, #tpu.memory_space<semaphore_mem>>) src(%dma_wait3A_104 : memref<10240x128xf32, #tpu.memory_space<hbm>>) dst(%arg15 : memref<128x128xf32, #tpu.memory_space<vmem>>)
      %add3A_105 = arith.constant 1 : i32
      %add3A_106 = arith.addi %add3A_71, %add3A_105 : i32
      %lt3A = arith.constant 82 : i32
      %lt3A_107 = arith.cmpi slt, %add3A_106, %lt3A : i32
      %convert_element_type3A = arith.extui %lt3A_107 : i1 to i32
      %cond3A = arith.constant 0 : i32
      %cond3A_108 = arith.cmpi ne, %convert_element_type3A, %cond3A : i32
      scf.if %cond3A_108 {
        %ge3A = arith.constant 1 : i32
        %ge3A_190 = arith.cmpi sge, %add3A_71, %ge3A : i32
        %convert_element_type3A_191 = arith.extui %ge3A_190 : i1 to i32
        %cond3A_192 = arith.constant 0 : i32
        %cond3A_193 = arith.cmpi ne, %convert_element_type3A_191, %cond3A_192 : i32
        scf.if %cond3A_193 {
          %dma_wait3A_210 = arith.constant 0 : i32
          %dma_wait3A_211 = arith.constant 0 : i32
          %dma_wait3A_212 = tpu.memref_slice %arg17[%dma_wait3A_210, %dma_wait3A_211] : memref<10240x128xf32, #tpu.memory_space<vmem_shared>> -> memref<10240x128xf32, #tpu.memory_space<vmem_shared>>
          tpu.wait_indirect_dma semaphore(%arg23 : memref<!tpu.dma_semaphore, #tpu.memory_space<semaphore_mem>>) src(%arg16 : memref<128x128xf32, #tpu.memory_space<vmem>>) dst(%dma_wait3A_212 : memref<10240x128xf32, #tpu.memory_space<vmem_shared>>)
        } else {
        }
        %add3A_194 = arith.constant 1 : i32
        %add3A_195 = arith.addi %add3A_71, %add3A_194 : i32
        %mul3A_196 = arith.constant 10496 : i32
        %mul3A_197 = arith.muli %add3A, %mul3A_196 : i32
        %mul3A_198 = arith.constant 128 : i32
        %mul3A_199 = arith.muli %add3A_195, %mul3A_198 : i32
        %add3A_200 = arith.addi %mul3A_197, %mul3A_199 : i32
        %dma_wait3A_201 = tpu.memref_slice %arg2[%add3A_200] : memref<335872xi32, #tpu.memory_space<hbm>> -> memref<128xi32, #tpu.memory_space<hbm>>
        %dma_wait3A_202 = tpu.memref_slice %arg2[%add3A_200] : memref<335872xi32, #tpu.memory_space<hbm>> -> memref<128xi32, #tpu.memory_space<hbm>>
        tpu.wait_dma2 semaphore(%arg19 : memref<!tpu.dma_semaphore, #tpu.memory_space<semaphore_mem>>) src(%dma_wait3A_202 : memref<128xi32, #tpu.memory_space<hbm>>) dst(%arg8 : memref<128xi32, #tpu.memory_space<vmem>>)
        %dma_wait3A_203 = tpu.memref_slice %arg3[%add3A_200] : memref<335872xi32, #tpu.memory_space<hbm>> -> memref<128xi32, #tpu.memory_space<hbm>>
        %dma_wait3A_204 = tpu.memref_slice %arg3[%add3A_200] : memref<335872xi32, #tpu.memory_space<hbm>> -> memref<128xi32, #tpu.memory_space<hbm>>
        tpu.wait_dma2 semaphore(%arg19 : memref<!tpu.dma_semaphore, #tpu.memory_space<semaphore_mem>>) src(%dma_wait3A_204 : memref<128xi32, #tpu.memory_space<hbm>>) dst(%arg10 : memref<128xi32, #tpu.memory_space<vmem>>)
        %dma_wait3A_205 = tpu.memref_slice %arg4[%add3A_200] : memref<335872xf32, #tpu.memory_space<hbm>> -> memref<128xf32, #tpu.memory_space<hbm>>
        %dma_wait3A_206 = tpu.memref_slice %arg4[%add3A_200] : memref<335872xf32, #tpu.memory_space<hbm>> -> memref<128xf32, #tpu.memory_space<hbm>>
        tpu.wait_dma2 semaphore(%arg19 : memref<!tpu.dma_semaphore, #tpu.memory_space<semaphore_mem>>) src(%dma_wait3A_206 : memref<128xf32, #tpu.memory_space<hbm>>) dst(%arg14 : memref<128xf32, #tpu.memory_space<vmem>>)
        %dma_start3A_207 = arith.constant 0 : i32
        %dma_start3A_208 = arith.constant 0 : i32
        %dma_start3A_209 = tpu.memref_slice %arg5[%dma_start3A_207, %dma_start3A_208] : memref<10240x128xf32, #tpu.memory_space<hbm>> -> memref<10240x128xf32, #tpu.memory_space<hbm>>
        tpu.enqueue_indirect_dma source(%dma_start3A_209 : memref<10240x128xf32, #tpu.memory_space<hbm>>) target(%arg16 : memref<128x128xf32, #tpu.memory_space<vmem>>) offsets(%arg8 : memref<128xi32, #tpu.memory_space<vmem>>) semaphore(%arg21 : memref<!tpu.dma_semaphore, #tpu.memory_space<semaphore_mem>>)
      } else {
      }
      %scan3A_109 = arith.constant 0 : i32
      %scan3A_110 = arith.constant 0 : i32
      %scan3A_111 = arith.constant 32 : i32
      %scan3A_112 = arith.addi %scan3A_110, %scan3A_111 : i32
      %scan3A_113 = arith.constant 1 : i32
      %scan3A_114 = scf.for %scan3A_190 = %scan3A_110 to %scan3A_112 step %scan3A_113 iter_args(%scan3A_191 = %scan3A_109) -> (i32)  : i32 {
        %mul3A_192 = arith.constant 4 : i32
        %mul3A_193 = arith.muli %scan3A_190, %mul3A_192 : i32
        %add3A_194 = arith.constant 0 : i32
        %add3A_195 = arith.addi %mul3A_193, %add3A_194 : i32
        %broadcast_in_dim3A = vector.broadcast %add3A_195 : i32 to vector<16xi32>
        %gather3A = tpu.vector_load_idx %arg13[%broadcast_in_dim3A] : memref<128xf32, #tpu.memory_space<vmem>>[vector<16xi32>], vector<16xf32>,
        %get3A_196 = arith.index_cast %add3A_195 : i32 to index
        %get3A_197 = arith.constant 0 : index
        %get3A_198 = tpu.vector_load %arg15[%get3A_196, %get3A_197] {strides = array<i32>} : memref<128x128xf32, #tpu.memory_space<vmem>>, vector<16xf32>,
        %mul3A_199 = arith.mulf %get3A_198, %gather3A : vector<16xf32>
        %swap3A_200 = arith.index_cast %add3A_195 : i32 to index
        %swap3A_201 = arith.constant 0 : index
        %swap3A_202 = tpu.vector_load %arg15[%swap3A_200, %swap3A_201] {strides = array<i32>} : memref<128x128xf32, #tpu.memory_space<vmem>>, vector<16xf32>,
        tpu.vector_store %arg15[%swap3A_200, %swap3A_201], %mul3A_199 {strides = array<i32>} : memref<128x128xf32, #tpu.memory_space<vmem>>, vector<16xf32>,
        %get3A_203 = arith.index_cast %add3A_195 : i32 to index
        %get3A_204 = arith.constant 16 : index
        %get3A_205 = tpu.vector_load %arg15[%get3A_203, %get3A_204] {strides = array<i32>} : memref<128x128xf32, #tpu.memory_space<vmem>>, vector<16xf32>,
        %mul3A_206 = arith.mulf %get3A_205, %gather3A : vector<16xf32>
        %swap3A_207 = arith.index_cast %add3A_195 : i32 to index
        %swap3A_208 = arith.constant 16 : index
        %swap3A_209 = tpu.vector_load %arg15[%swap3A_207, %swap3A_208] {strides = array<i32>} : memref<128x128xf32, #tpu.memory_space<vmem>>, vector<16xf32>,
        tpu.vector_store %arg15[%swap3A_207, %swap3A_208], %mul3A_206 {strides = array<i32>} : memref<128x128xf32, #tpu.memory_space<vmem>>, vector<16xf32>,
        %get3A_210 = arith.index_cast %add3A_195 : i32 to index
        %get3A_211 = arith.constant 32 : index
        %get3A_212 = tpu.vector_load %arg15[%get3A_210, %get3A_211] {strides = array<i32>} : memref<128x128xf32, #tpu.memory_space<vmem>>, vector<16xf32>,
        %mul3A_213 = arith.mulf %get3A_212, %gather3A : vector<16xf32>
        %swap3A_214 = arith.index_cast %add3A_195 : i32 to index
        %swap3A_215 = arith.constant 32 : index
        %swap3A_216 = tpu.vector_load %arg15[%swap3A_214, %swap3A_215] {strides = array<i32>} : memref<128x128xf32, #tpu.memory_space<vmem>>, vector<16xf32>,
        tpu.vector_store %arg15[%swap3A_214, %swap3A_215], %mul3A_213 {strides = array<i32>} : memref<128x128xf32, #tpu.memory_space<vmem>>, vector<16xf32>,
        %get3A_217 = arith.index_cast %add3A_195 : i32 to index
        %get3A_218 = arith.constant 48 : index
        %get3A_219 = tpu.vector_load %arg15[%get3A_217, %get3A_218] {strides = array<i32>} : memref<128x128xf32, #tpu.memory_space<vmem>>, vector<16xf32>,
        %mul3A_220 = arith.mulf %get3A_219, %gather3A : vector<16xf32>
        %swap3A_221 = arith.index_cast %add3A_195 : i32 to index
        %swap3A_222 = arith.constant 48 : index
        %swap3A_223 = tpu.vector_load %arg15[%swap3A_221, %swap3A_222] {strides = array<i32>} : memref<128x128xf32, #tpu.memory_space<vmem>>, vector<16xf32>,
        tpu.vector_store %arg15[%swap3A_221, %swap3A_222], %mul3A_220 {strides = array<i32>} : memref<128x128xf32, #tpu.memory_space<vmem>>, vector<16xf32>,
        %get3A_224 = arith.index_cast %add3A_195 : i32 to index
        %get3A_225 = arith.constant 64 : index
        %get3A_226 = tpu.vector_load %arg15[%get3A_224, %get3A_225] {strides = array<i32>} : memref<128x128xf32, #tpu.memory_space<vmem>>, vector<16xf32>,
        %mul3A_227 = arith.mulf %get3A_226, %gather3A : vector<16xf32>
        %swap3A_228 = arith.index_cast %add3A_195 : i32 to index
        %swap3A_229 = arith.constant 64 : index
        %swap3A_230 = tpu.vector_load %arg15[%swap3A_228, %swap3A_229] {strides = array<i32>} : memref<128x128xf32, #tpu.memory_space<vmem>>, vector<16xf32>,
        tpu.vector_store %arg15[%swap3A_228, %swap3A_229], %mul3A_227 {strides = array<i32>} : memref<128x128xf32, #tpu.memory_space<vmem>>, vector<16xf32>,
        %get3A_231 = arith.index_cast %add3A_195 : i32 to index
        %get3A_232 = arith.constant 80 : index
        %get3A_233 = tpu.vector_load %arg15[%get3A_231, %get3A_232] {strides = array<i32>} : memref<128x128xf32, #tpu.memory_space<vmem>>, vector<16xf32>,
        %mul3A_234 = arith.mulf %get3A_233, %gather3A : vector<16xf32>
        %swap3A_235 = arith.index_cast %add3A_195 : i32 to index
        %swap3A_236 = arith.constant 80 : index
        %swap3A_237 = tpu.vector_load %arg15[%swap3A_235, %swap3A_236] {strides = array<i32>} : memref<128x128xf32, #tpu.memory_space<vmem>>, vector<16xf32>,
        tpu.vector_store %arg15[%swap3A_235, %swap3A_236], %mul3A_234 {strides = array<i32>} : memref<128x128xf32, #tpu.memory_space<vmem>>, vector<16xf32>,
        %get3A_238 = arith.index_cast %add3A_195 : i32 to index
        %get3A_239 = arith.constant 96 : index
        %get3A_240 = tpu.vector_load %arg15[%get3A_238, %get3A_239] {strides = array<i32>} : memref<128x128xf32, #tpu.memory_space<vmem>>, vector<16xf32>,
        %mul3A_241 = arith.mulf %get3A_240, %gather3A : vector<16xf32>
        %swap3A_242 = arith.index_cast %add3A_195 : i32 to index
        %swap3A_243 = arith.constant 96 : index
        %swap3A_244 = tpu.vector_load %arg15[%swap3A_242, %swap3A_243] {strides = array<i32>} : memref<128x128xf32, #tpu.memory_space<vmem>>, vector<16xf32>,
        tpu.vector_store %arg15[%swap3A_242, %swap3A_243], %mul3A_241 {strides = array<i32>} : memref<128x128xf32, #tpu.memory_space<vmem>>, vector<16xf32>,
        %get3A_245 = arith.index_cast %add3A_195 : i32 to index
        %get3A_246 = arith.constant 112 : index
        %get3A_247 = tpu.vector_load %arg15[%get3A_245, %get3A_246] {strides = array<i32>} : memref<128x128xf32, #tpu.memory_space<vmem>>, vector<16xf32>,
        %mul3A_248 = arith.mulf %get3A_247, %gather3A : vector<16xf32>
        %swap3A_249 = arith.index_cast %add3A_195 : i32 to index
        %swap3A_250 = arith.constant 112 : index
        %swap3A_251 = tpu.vector_load %arg15[%swap3A_249, %swap3A_250] {strides = array<i32>} : memref<128x128xf32, #tpu.memory_space<vmem>>, vector<16xf32>,
        tpu.vector_store %arg15[%swap3A_249, %swap3A_250], %mul3A_248 {strides = array<i32>} : memref<128x128xf32, #tpu.memory_space<vmem>>, vector<16xf32>,
        %mul3A_252 = arith.constant 4 : i32
        %mul3A_253 = arith.muli %scan3A_190, %mul3A_252 : i32
        %add3A_254 = arith.constant 1 : i32
        %add3A_255 = arith.addi %mul3A_253, %add3A_254 : i32
        %broadcast_in_dim3A_256 = vector.broadcast %add3A_255 : i32 to vector<16xi32>
        %gather3A_257 = tpu.vector_load_idx %arg13[%broadcast_in_dim3A_256] : memref<128xf32, #tpu.memory_space<vmem>>[vector<16xi32>], vector<16xf32>,
        %get3A_258 = arith.index_cast %add3A_255 : i32 to index
        %get3A_259 = arith.constant 0 : index
        %get3A_260 = tpu.vector_load %arg15[%get3A_258, %get3A_259] {strides = array<i32>} : memref<128x128xf32, #tpu.memory_space<vmem>>, vector<16xf32>,
        %mul3A_261 = arith.mulf %get3A_260, %gather3A_257 : vector<16xf32>
        %swap3A_262 = arith.index_cast %add3A_255 : i32 to index
        %swap3A_263 = arith.constant 0 : index
        %swap3A_264 = tpu.vector_load %arg15[%swap3A_262, %swap3A_263] {strides = array<i32>} : memref<128x128xf32, #tpu.memory_space<vmem>>, vector<16xf32>,
        tpu.vector_store %arg15[%swap3A_262, %swap3A_263], %mul3A_261 {strides = array<i32>} : memref<128x128xf32, #tpu.memory_space<vmem>>, vector<16xf32>,
        %get3A_265 = arith.index_cast %add3A_255 : i32 to index
        %get3A_266 = arith.constant 16 : index
        %get3A_267 = tpu.vector_load %arg15[%get3A_265, %get3A_266] {strides = array<i32>} : memref<128x128xf32, #tpu.memory_space<vmem>>, vector<16xf32>,
        %mul3A_268 = arith.mulf %get3A_267, %gather3A_257 : vector<16xf32>
        %swap3A_269 = arith.index_cast %add3A_255 : i32 to index
        %swap3A_270 = arith.constant 16 : index
        %swap3A_271 = tpu.vector_load %arg15[%swap3A_269, %swap3A_270] {strides = array<i32>} : memref<128x128xf32, #tpu.memory_space<vmem>>, vector<16xf32>,
        tpu.vector_store %arg15[%swap3A_269, %swap3A_270], %mul3A_268 {strides = array<i32>} : memref<128x128xf32, #tpu.memory_space<vmem>>, vector<16xf32>,
        %get3A_272 = arith.index_cast %add3A_255 : i32 to index
        %get3A_273 = arith.constant 32 : index
        %get3A_274 = tpu.vector_load %arg15[%get3A_272, %get3A_273] {strides = array<i32>} : memref<128x128xf32, #tpu.memory_space<vmem>>, vector<16xf32>,
        %mul3A_275 = arith.mulf %get3A_274, %gather3A_257 : vector<16xf32>
        %swap3A_276 = arith.index_cast %add3A_255 : i32 to index
        %swap3A_277 = arith.constant 32 : index
        %swap3A_278 = tpu.vector_load %arg15[%swap3A_276, %swap3A_277] {strides = array<i32>} : memref<128x128xf32, #tpu.memory_space<vmem>>, vector<16xf32>,
        tpu.vector_store %arg15[%swap3A_276, %swap3A_277], %mul3A_275 {strides = array<i32>} : memref<128x128xf32, #tpu.memory_space<vmem>>, vector<16xf32>,
        %get3A_279 = arith.index_cast %add3A_255 : i32 to index
        %get3A_280 = arith.constant 48 : index
        %get3A_281 = tpu.vector_load %arg15[%get3A_279, %get3A_280] {strides = array<i32>} : memref<128x128xf32, #tpu.memory_space<vmem>>, vector<16xf32>,
        %mul3A_282 = arith.mulf %get3A_281, %gather3A_257 : vector<16xf32>
        %swap3A_283 = arith.index_cast %add3A_255 : i32 to index
        %swap3A_284 = arith.constant 48 : index
        %swap3A_285 = tpu.vector_load %arg15[%swap3A_283, %swap3A_284] {strides = array<i32>} : memref<128x128xf32, #tpu.memory_space<vmem>>, vector<16xf32>,
        tpu.vector_store %arg15[%swap3A_283, %swap3A_284], %mul3A_282 {strides = array<i32>} : memref<128x128xf32, #tpu.memory_space<vmem>>, vector<16xf32>,
        %get3A_286 = arith.index_cast %add3A_255 : i32 to index
        %get3A_287 = arith.constant 64 : index
        %get3A_288 = tpu.vector_load %arg15[%get3A_286, %get3A_287] {strides = array<i32>} : memref<128x128xf32, #tpu.memory_space<vmem>>, vector<16xf32>,
        %mul3A_289 = arith.mulf %get3A_288, %gather3A_257 : vector<16xf32>
        %swap3A_290 = arith.index_cast %add3A_255 : i32 to index
        %swap3A_291 = arith.constant 64 : index
        %swap3A_292 = tpu.vector_load %arg15[%swap3A_290, %swap3A_291] {strides = array<i32>} : memref<128x128xf32, #tpu.memory_space<vmem>>, vector<16xf32>,
        tpu.vector_store %arg15[%swap3A_290, %swap3A_291], %mul3A_289 {strides = array<i32>} : memref<128x128xf32, #tpu.memory_space<vmem>>, vector<16xf32>,
        %get3A_293 = arith.index_cast %add3A_255 : i32 to index
        %get3A_294 = arith.constant 80 : index
        %get3A_295 = tpu.vector_load %arg15[%get3A_293, %get3A_294] {strides = array<i32>} : memref<128x128xf32, #tpu.memory_space<vmem>>, vector<16xf32>,
        %mul3A_296 = arith.mulf %get3A_295, %gather3A_257 : vector<16xf32>
        %swap3A_297 = arith.index_cast %add3A_255 : i32 to index
        %swap3A_298 = arith.constant 80 : index
        %swap3A_299 = tpu.vector_load %arg15[%swap3A_297, %swap3A_298] {strides = array<i32>} : memref<128x128xf32, #tpu.memory_space<vmem>>, vector<16xf32>,
        tpu.vector_store %arg15[%swap3A_297, %swap3A_298], %mul3A_296 {strides = array<i32>} : memref<128x128xf32, #tpu.memory_space<vmem>>, vector<16xf32>,
        %get3A_300 = arith.index_cast %add3A_255 : i32 to index
        %get3A_301 = arith.constant 96 : index
        %get3A_302 = tpu.vector_load %arg15[%get3A_300, %get3A_301] {strides = array<i32>} : memref<128x128xf32, #tpu.memory_space<vmem>>, vector<16xf32>,
        %mul3A_303 = arith.mulf %get3A_302, %gather3A_257 : vector<16xf32>
        %swap3A_304 = arith.index_cast %add3A_255 : i32 to index
        %swap3A_305 = arith.constant 96 : index
        %swap3A_306 = tpu.vector_load %arg15[%swap3A_304, %swap3A_305] {strides = array<i32>} : memref<128x128xf32, #tpu.memory_space<vmem>>, vector<16xf32>,
        tpu.vector_store %arg15[%swap3A_304, %swap3A_305], %mul3A_303 {strides = array<i32>} : memref<128x128xf32, #tpu.memory_space<vmem>>, vector<16xf32>,
        %get3A_307 = arith.index_cast %add3A_255 : i32 to index
        %get3A_308 = arith.constant 112 : index
        %get3A_309 = tpu.vector_load %arg15[%get3A_307, %get3A_308] {strides = array<i32>} : memref<128x128xf32, #tpu.memory_space<vmem>>, vector<16xf32>,
        %mul3A_310 = arith.mulf %get3A_309, %gather3A_257 : vector<16xf32>
        %swap3A_311 = arith.index_cast %add3A_255 : i32 to index
        %swap3A_312 = arith.constant 112 : index
        %swap3A_313 = tpu.vector_load %arg15[%swap3A_311, %swap3A_312] {strides = array<i32>} : memref<128x128xf32, #tpu.memory_space<vmem>>, vector<16xf32>,
        tpu.vector_store %arg15[%swap3A_311, %swap3A_312], %mul3A_310 {strides = array<i32>} : memref<128x128xf32, #tpu.memory_space<vmem>>, vector<16xf32>,
        %mul3A_314 = arith.constant 4 : i32
        %mul3A_315 = arith.muli %scan3A_190, %mul3A_314 : i32
        %add3A_316 = arith.constant 2 : i32
        %add3A_317 = arith.addi %mul3A_315, %add3A_316 : i32
        %broadcast_in_dim3A_318 = vector.broadcast %add3A_317 : i32 to vector<16xi32>
        %gather3A_319 = tpu.vector_load_idx %arg13[%broadcast_in_dim3A_318] : memref<128xf32, #tpu.memory_space<vmem>>[vector<16xi32>], vector<16xf32>,
        %get3A_320 = arith.index_cast %add3A_317 : i32 to index
        %get3A_321 = arith.constant 0 : index
        %get3A_322 = tpu.vector_load %arg15[%get3A_320, %get3A_321] {strides = array<i32>} : memref<128x128xf32, #tpu.memory_space<vmem>>, vector<16xf32>,
        %mul3A_323 = arith.mulf %get3A_322, %gather3A_319 : vector<16xf32>
        %swap3A_324 = arith.index_cast %add3A_317 : i32 to index
        %swap3A_325 = arith.constant 0 : index
        %swap3A_326 = tpu.vector_load %arg15[%swap3A_324, %swap3A_325] {strides = array<i32>} : memref<128x128xf32, #tpu.memory_space<vmem>>, vector<16xf32>,
        tpu.vector_store %arg15[%swap3A_324, %swap3A_325], %mul3A_323 {strides = array<i32>} : memref<128x128xf32, #tpu.memory_space<vmem>>, vector<16xf32>,
        %get3A_327 = arith.index_cast %add3A_317 : i32 to index
        %get3A_328 = arith.constant 16 : index
        %get3A_329 = tpu.vector_load %arg15[%get3A_327, %get3A_328] {strides = array<i32>} : memref<128x128xf32, #tpu.memory_space<vmem>>, vector<16xf32>,
        %mul3A_330 = arith.mulf %get3A_329, %gather3A_319 : vector<16xf32>
        %swap3A_331 = arith.index_cast %add3A_317 : i32 to index
        %swap3A_332 = arith.constant 16 : index
        %swap3A_333 = tpu.vector_load %arg15[%swap3A_331, %swap3A_332] {strides = array<i32>} : memref<128x128xf32, #tpu.memory_space<vmem>>, vector<16xf32>,
        tpu.vector_store %arg15[%swap3A_331, %swap3A_332], %mul3A_330 {strides = array<i32>} : memref<128x128xf32, #tpu.memory_space<vmem>>, vector<16xf32>,
        %get3A_334 = arith.index_cast %add3A_317 : i32 to index
        %get3A_335 = arith.constant 32 : index
        %get3A_336 = tpu.vector_load %arg15[%get3A_334, %get3A_335] {strides = array<i32>} : memref<128x128xf32, #tpu.memory_space<vmem>>, vector<16xf32>,
        %mul3A_337 = arith.mulf %get3A_336, %gather3A_319 : vector<16xf32>
        %swap3A_338 = arith.index_cast %add3A_317 : i32 to index
        %swap3A_339 = arith.constant 32 : index
        %swap3A_340 = tpu.vector_load %arg15[%swap3A_338, %swap3A_339] {strides = array<i32>} : memref<128x128xf32, #tpu.memory_space<vmem>>, vector<16xf32>,
        tpu.vector_store %arg15[%swap3A_338, %swap3A_339], %mul3A_337 {strides = array<i32>} : memref<128x128xf32, #tpu.memory_space<vmem>>, vector<16xf32>,
        %get3A_341 = arith.index_cast %add3A_317 : i32 to index
        %get3A_342 = arith.constant 48 : index
        %get3A_343 = tpu.vector_load %arg15[%get3A_341, %get3A_342] {strides = array<i32>} : memref<128x128xf32, #tpu.memory_space<vmem>>, vector<16xf32>,
        %mul3A_344 = arith.mulf %get3A_343, %gather3A_319 : vector<16xf32>
        %swap3A_345 = arith.index_cast %add3A_317 : i32 to index
        %swap3A_346 = arith.constant 48 : index
        %swap3A_347 = tpu.vector_load %arg15[%swap3A_345, %swap3A_346] {strides = array<i32>} : memref<128x128xf32, #tpu.memory_space<vmem>>, vector<16xf32>,
        tpu.vector_store %arg15[%swap3A_345, %swap3A_346], %mul3A_344 {strides = array<i32>} : memref<128x128xf32, #tpu.memory_space<vmem>>, vector<16xf32>,
        %get3A_348 = arith.index_cast %add3A_317 : i32 to index
        %get3A_349 = arith.constant 64 : index
        %get3A_350 = tpu.vector_load %arg15[%get3A_348, %get3A_349] {strides = array<i32>} : memref<128x128xf32, #tpu.memory_space<vmem>>, vector<16xf32>,
        %mul3A_351 = arith.mulf %get3A_350, %gather3A_319 : vector<16xf32>
        %swap3A_352 = arith.index_cast %add3A_317 : i32 to index
        %swap3A_353 = arith.constant 64 : index
        %swap3A_354 = tpu.vector_load %arg15[%swap3A_352, %swap3A_353] {strides = array<i32>} : memref<128x128xf32, #tpu.memory_space<vmem>>, vector<16xf32>,
        tpu.vector_store %arg15[%swap3A_352, %swap3A_353], %mul3A_351 {strides = array<i32>} : memref<128x128xf32, #tpu.memory_space<vmem>>, vector<16xf32>,
        %get3A_355 = arith.index_cast %add3A_317 : i32 to index
        %get3A_356 = arith.constant 80 : index
        %get3A_357 = tpu.vector_load %arg15[%get3A_355, %get3A_356] {strides = array<i32>} : memref<128x128xf32, #tpu.memory_space<vmem>>, vector<16xf32>,
        %mul3A_358 = arith.mulf %get3A_357, %gather3A_319 : vector<16xf32>
        %swap3A_359 = arith.index_cast %add3A_317 : i32 to index
        %swap3A_360 = arith.constant 80 : index
        %swap3A_361 = tpu.vector_load %arg15[%swap3A_359, %swap3A_360] {strides = array<i32>} : memref<128x128xf32, #tpu.memory_space<vmem>>, vector<16xf32>,
        tpu.vector_store %arg15[%swap3A_359, %swap3A_360], %mul3A_358 {strides = array<i32>} : memref<128x128xf32, #tpu.memory_space<vmem>>, vector<16xf32>,
        %get3A_362 = arith.index_cast %add3A_317 : i32 to index
        %get3A_363 = arith.constant 96 : index
        %get3A_364 = tpu.vector_load %arg15[%get3A_362, %get3A_363] {strides = array<i32>} : memref<128x128xf32, #tpu.memory_space<vmem>>, vector<16xf32>,
        %mul3A_365 = arith.mulf %get3A_364, %gather3A_319 : vector<16xf32>
        %swap3A_366 = arith.index_cast %add3A_317 : i32 to index
        %swap3A_367 = arith.constant 96 : index
        %swap3A_368 = tpu.vector_load %arg15[%swap3A_366, %swap3A_367] {strides = array<i32>} : memref<128x128xf32, #tpu.memory_space<vmem>>, vector<16xf32>,
        tpu.vector_store %arg15[%swap3A_366, %swap3A_367], %mul3A_365 {strides = array<i32>} : memref<128x128xf32, #tpu.memory_space<vmem>>, vector<16xf32>,
        %get3A_369 = arith.index_cast %add3A_317 : i32 to index
        %get3A_370 = arith.constant 112 : index
        %get3A_371 = tpu.vector_load %arg15[%get3A_369, %get3A_370] {strides = array<i32>} : memref<128x128xf32, #tpu.memory_space<vmem>>, vector<16xf32>,
        %mul3A_372 = arith.mulf %get3A_371, %gather3A_319 : vector<16xf32>
        %swap3A_373 = arith.index_cast %add3A_317 : i32 to index
        %swap3A_374 = arith.constant 112 : index
        %swap3A_375 = tpu.vector_load %arg15[%swap3A_373, %swap3A_374] {strides = array<i32>} : memref<128x128xf32, #tpu.memory_space<vmem>>, vector<16xf32>,
        tpu.vector_store %arg15[%swap3A_373, %swap3A_374], %mul3A_372 {strides = array<i32>} : memref<128x128xf32, #tpu.memory_space<vmem>>, vector<16xf32>,
        %mul3A_376 = arith.constant 4 : i32
        %mul3A_377 = arith.muli %scan3A_190, %mul3A_376 : i32
        %add3A_378 = arith.constant 3 : i32
        %add3A_379 = arith.addi %mul3A_377, %add3A_378 : i32
        %broadcast_in_dim3A_380 = vector.broadcast %add3A_379 : i32 to vector<16xi32>
        %gather3A_381 = tpu.vector_load_idx %arg13[%broadcast_in_dim3A_380] : memref<128xf32, #tpu.memory_space<vmem>>[vector<16xi32>], vector<16xf32>,
        %get3A_382 = arith.index_cast %add3A_379 : i32 to index
        %get3A_383 = arith.constant 0 : index
        %get3A_384 = tpu.vector_load %arg15[%get3A_382, %get3A_383] {strides = array<i32>} : memref<128x128xf32, #tpu.memory_space<vmem>>, vector<16xf32>,
        %mul3A_385 = arith.mulf %get3A_384, %gather3A_381 : vector<16xf32>
        %swap3A_386 = arith.index_cast %add3A_379 : i32 to index
        %swap3A_387 = arith.constant 0 : index
        %swap3A_388 = tpu.vector_load %arg15[%swap3A_386, %swap3A_387] {strides = array<i32>} : memref<128x128xf32, #tpu.memory_space<vmem>>, vector<16xf32>,
        tpu.vector_store %arg15[%swap3A_386, %swap3A_387], %mul3A_385 {strides = array<i32>} : memref<128x128xf32, #tpu.memory_space<vmem>>, vector<16xf32>,
        %get3A_389 = arith.index_cast %add3A_379 : i32 to index
        %get3A_390 = arith.constant 16 : index
        %get3A_391 = tpu.vector_load %arg15[%get3A_389, %get3A_390] {strides = array<i32>} : memref<128x128xf32, #tpu.memory_space<vmem>>, vector<16xf32>,
        %mul3A_392 = arith.mulf %get3A_391, %gather3A_381 : vector<16xf32>
        %swap3A_393 = arith.index_cast %add3A_379 : i32 to index
        %swap3A_394 = arith.constant 16 : index
        %swap3A_395 = tpu.vector_load %arg15[%swap3A_393, %swap3A_394] {strides = array<i32>} : memref<128x128xf32, #tpu.memory_space<vmem>>, vector<16xf32>,
        tpu.vector_store %arg15[%swap3A_393, %swap3A_394], %mul3A_392 {strides = array<i32>} : memref<128x128xf32, #tpu.memory_space<vmem>>, vector<16xf32>,
        %get3A_396 = arith.index_cast %add3A_379 : i32 to index
        %get3A_397 = arith.constant 32 : index
        %get3A_398 = tpu.vector_load %arg15[%get3A_396, %get3A_397] {strides = array<i32>} : memref<128x128xf32, #tpu.memory_space<vmem>>, vector<16xf32>,
        %mul3A_399 = arith.mulf %get3A_398, %gather3A_381 : vector<16xf32>
        %swap3A_400 = arith.index_cast %add3A_379 : i32 to index
        %swap3A_401 = arith.constant 32 : index
        %swap3A_402 = tpu.vector_load %arg15[%swap3A_400, %swap3A_401] {strides = array<i32>} : memref<128x128xf32, #tpu.memory_space<vmem>>, vector<16xf32>,
        tpu.vector_store %arg15[%swap3A_400, %swap3A_401], %mul3A_399 {strides = array<i32>} : memref<128x128xf32, #tpu.memory_space<vmem>>, vector<16xf32>,
        %get3A_403 = arith.index_cast %add3A_379 : i32 to index
        %get3A_404 = arith.constant 48 : index
        %get3A_405 = tpu.vector_load %arg15[%get3A_403, %get3A_404] {strides = array<i32>} : memref<128x128xf32, #tpu.memory_space<vmem>>, vector<16xf32>,
        %mul3A_406 = arith.mulf %get3A_405, %gather3A_381 : vector<16xf32>
        %swap3A_407 = arith.index_cast %add3A_379 : i32 to index
        %swap3A_408 = arith.constant 48 : index
        %swap3A_409 = tpu.vector_load %arg15[%swap3A_407, %swap3A_408] {strides = array<i32>} : memref<128x128xf32, #tpu.memory_space<vmem>>, vector<16xf32>,
        tpu.vector_store %arg15[%swap3A_407, %swap3A_408], %mul3A_406 {strides = array<i32>} : memref<128x128xf32, #tpu.memory_space<vmem>>, vector<16xf32>,
        %get3A_410 = arith.index_cast %add3A_379 : i32 to index
        %get3A_411 = arith.constant 64 : index
        %get3A_412 = tpu.vector_load %arg15[%get3A_410, %get3A_411] {strides = array<i32>} : memref<128x128xf32, #tpu.memory_space<vmem>>, vector<16xf32>,
        %mul3A_413 = arith.mulf %get3A_412, %gather3A_381 : vector<16xf32>
        %swap3A_414 = arith.index_cast %add3A_379 : i32 to index
        %swap3A_415 = arith.constant 64 : index
        %swap3A_416 = tpu.vector_load %arg15[%swap3A_414, %swap3A_415] {strides = array<i32>} : memref<128x128xf32, #tpu.memory_space<vmem>>, vector<16xf32>,
        tpu.vector_store %arg15[%swap3A_414, %swap3A_415], %mul3A_413 {strides = array<i32>} : memref<128x128xf32, #tpu.memory_space<vmem>>, vector<16xf32>,
        %get3A_417 = arith.index_cast %add3A_379 : i32 to index
        %get3A_418 = arith.constant 80 : index
        %get3A_419 = tpu.vector_load %arg15[%get3A_417, %get3A_418] {strides = array<i32>} : memref<128x128xf32, #tpu.memory_space<vmem>>, vector<16xf32>,
        %mul3A_420 = arith.mulf %get3A_419, %gather3A_381 : vector<16xf32>
        %swap3A_421 = arith.index_cast %add3A_379 : i32 to index
        %swap3A_422 = arith.constant 80 : index
        %swap3A_423 = tpu.vector_load %arg15[%swap3A_421, %swap3A_422] {strides = array<i32>} : memref<128x128xf32, #tpu.memory_space<vmem>>, vector<16xf32>,
        tpu.vector_store %arg15[%swap3A_421, %swap3A_422], %mul3A_420 {strides = array<i32>} : memref<128x128xf32, #tpu.memory_space<vmem>>, vector<16xf32>,
        %get3A_424 = arith.index_cast %add3A_379 : i32 to index
        %get3A_425 = arith.constant 96 : index
        %get3A_426 = tpu.vector_load %arg15[%get3A_424, %get3A_425] {strides = array<i32>} : memref<128x128xf32, #tpu.memory_space<vmem>>, vector<16xf32>,
        %mul3A_427 = arith.mulf %get3A_426, %gather3A_381 : vector<16xf32>
        %swap3A_428 = arith.index_cast %add3A_379 : i32 to index
        %swap3A_429 = arith.constant 96 : index
        %swap3A_430 = tpu.vector_load %arg15[%swap3A_428, %swap3A_429] {strides = array<i32>} : memref<128x128xf32, #tpu.memory_space<vmem>>, vector<16xf32>,
        tpu.vector_store %arg15[%swap3A_428, %swap3A_429], %mul3A_427 {strides = array<i32>} : memref<128x128xf32, #tpu.memory_space<vmem>>, vector<16xf32>,
        %get3A_431 = arith.index_cast %add3A_379 : i32 to index
        %get3A_432 = arith.constant 112 : index
        %get3A_433 = tpu.vector_load %arg15[%get3A_431, %get3A_432] {strides = array<i32>} : memref<128x128xf32, #tpu.memory_space<vmem>>, vector<16xf32>,
        %mul3A_434 = arith.mulf %get3A_433, %gather3A_381 : vector<16xf32>
        %swap3A_435 = arith.index_cast %add3A_379 : i32 to index
        %swap3A_436 = arith.constant 112 : index
        %swap3A_437 = tpu.vector_load %arg15[%swap3A_435, %swap3A_436] {strides = array<i32>} : memref<128x128xf32, #tpu.memory_space<vmem>>, vector<16xf32>,
        tpu.vector_store %arg15[%swap3A_435, %swap3A_436], %mul3A_434 {strides = array<i32>} : memref<128x128xf32, #tpu.memory_space<vmem>>, vector<16xf32>,
        %scan3A_438 = arith.constant 0 : i32
        scf.yield %scan3A_438 : i32
      }
      %scan3A_115 = arith.constant 32 : i32
      %dma_start3A_116 = arith.constant 0 : i32
      %dma_start3A_117 = arith.constant 0 : i32
      %dma_start3A_118 = tpu.memref_slice %arg17[%dma_start3A_116, %dma_start3A_117] : memref<10240x128xf32, #tpu.memory_space<vmem_shared>> -> memref<10240x128xf32, #tpu.memory_space<vmem_shared>>
      tpu.enqueue_indirect_dma source(%arg15 : memref<128x128xf32, #tpu.memory_space<vmem>>) target(%dma_start3A_118 : memref<10240x128xf32, #tpu.memory_space<vmem_shared>>) offsets(%arg11 : memref<128xi32, #tpu.memory_space<vmem>>) semaphore(%arg22 : memref<!tpu.dma_semaphore, #tpu.memory_space<semaphore_mem>>) {add = true}
      %add3A_119 = arith.constant 2 : i32
      %add3A_120 = arith.addi %add3A_71, %add3A_119 : i32
      %lt3A_121 = arith.constant 82 : i32
      %lt3A_122 = arith.cmpi slt, %add3A_120, %lt3A_121 : i32
      %convert_element_type3A_123 = arith.extui %lt3A_122 : i1 to i32
      %cond3A_124 = arith.constant 0 : i32
      %cond3A_125 = arith.cmpi ne, %convert_element_type3A_123, %cond3A_124 : i32
      scf.if %cond3A_125 {
        %add3A_190 = arith.constant 2 : i32
        %add3A_191 = arith.addi %add3A_71, %add3A_190 : i32
        %mul3A_192 = arith.constant 10496 : i32
        %mul3A_193 = arith.muli %add3A, %mul3A_192 : i32
        %mul3A_194 = arith.constant 128 : i32
        %mul3A_195 = arith.muli %add3A_191, %mul3A_194 : i32
        %add3A_196 = arith.addi %mul3A_193, %mul3A_195 : i32
        %dma_start3A_197 = tpu.memref_slice %arg2[%add3A_196] : memref<335872xi32, #tpu.memory_space<hbm>> -> memref<128xi32, #tpu.memory_space<hbm>>
        %dma_start3A_198 = tpu.memref_slice %arg2[%add3A_196] : memref<335872xi32, #tpu.memory_space<hbm>> -> memref<128xi32, #tpu.memory_space<hbm>>
        tpu.enqueue_dma source(%dma_start3A_198 : memref<128xi32, #tpu.memory_space<hbm>>) target(%arg7 : memref<128xi32, #tpu.memory_space<vmem>>) target_semaphore(%arg18 : memref<!tpu.dma_semaphore, #tpu.memory_space<semaphore_mem>>)
        %dma_start3A_199 = tpu.memref_slice %arg3[%add3A_196] : memref<335872xi32, #tpu.memory_space<hbm>> -> memref<128xi32, #tpu.memory_space<hbm>>
        %dma_start3A_200 = tpu.memref_slice %arg3[%add3A_196] : memref<335872xi32, #tpu.memory_space<hbm>> -> memref<128xi32, #tpu.memory_space<hbm>>
        tpu.enqueue_dma source(%dma_start3A_200 : memref<128xi32, #tpu.memory_space<hbm>>) target(%arg9 : memref<128xi32, #tpu.memory_space<vmem>>) target_semaphore(%arg18 : memref<!tpu.dma_semaphore, #tpu.memory_space<semaphore_mem>>)
        %dma_start3A_201 = tpu.memref_slice %arg4[%add3A_196] : memref<335872xf32, #tpu.memory_space<hbm>> -> memref<128xf32, #tpu.memory_space<hbm>>
        %dma_start3A_202 = tpu.memref_slice %arg4[%add3A_196] : memref<335872xf32, #tpu.memory_space<hbm>> -> memref<128xf32, #tpu.memory_space<hbm>>
        tpu.enqueue_dma source(%dma_start3A_202 : memref<128xf32, #tpu.memory_space<hbm>>) target(%arg13 : memref<128xf32, #tpu.memory_space<vmem>>) target_semaphore(%arg18 : memref<!tpu.dma_semaphore, #tpu.memory_space<semaphore_mem>>)
      } else {
      }
      %mul3A_126 = arith.constant 2 : i32
      %mul3A_127 = arith.muli %mul3A_126, %scan3A_66 : i32
      %add3A_128 = arith.constant 1 : i32
      %add3A_129 = arith.addi %mul3A_127, %add3A_128 : i32
      %get3A_130 = arith.constant 0 : index
      %get3A_131 = tpu.vector_load %arg10[%get3A_130] {strides = array<i32>} : memref<128xi32, #tpu.memory_space<vmem>>, vector<16xi32>,
      %swap3A_132 = arith.constant 0 : index
      %swap3A_133 = tpu.vector_load %arg12[%swap3A_132] {strides = array<i32>} : memref<128xi32, #tpu.memory_space<vmem>>, vector<16xi32>,
      tpu.vector_store %arg12[%swap3A_132], %get3A_131 {strides = array<i32>} : memref<128xi32, #tpu.memory_space<vmem>>, vector<16xi32>,
      %get3A_134 = arith.constant 16 : index
      %get3A_135 = tpu.vector_load %arg10[%get3A_134] {strides = array<i32>} : memref<128xi32, #tpu.memory_space<vmem>>, vector<16xi32>,
      %swap3A_136 = arith.constant 16 : index
      %swap3A_137 = tpu.vector_load %arg12[%swap3A_136] {strides = array<i32>} : memref<128xi32, #tpu.memory_space<vmem>>, vector<16xi32>,
      tpu.vector_store %arg12[%swap3A_136], %get3A_135 {strides = array<i32>} : memref<128xi32, #tpu.memory_space<vmem>>, vector<16xi32>,
      %get3A_138 = arith.constant 32 : index
      %get3A_139 = tpu.vector_load %arg10[%get3A_138] {strides = array<i32>} : memref<128xi32, #tpu.memory_space<vmem>>, vector<16xi32>,
      %swap3A_140 = arith.constant 32 : index
      %swap3A_141 = tpu.vector_load %arg12[%swap3A_140] {strides = array<i32>} : memref<128xi32, #tpu.memory_space<vmem>>, vector<16xi32>,
      tpu.vector_store %arg12[%swap3A_140], %get3A_139 {strides = array<i32>} : memref<128xi32, #tpu.memory_space<vmem>>, vector<16xi32>,
      %get3A_142 = arith.constant 48 : index
      %get3A_143 = tpu.vector_load %arg10[%get3A_142] {strides = array<i32>} : memref<128xi32, #tpu.memory_space<vmem>>, vector<16xi32>,
      %swap3A_144 = arith.constant 48 : index
      %swap3A_145 = tpu.vector_load %arg12[%swap3A_144] {strides = array<i32>} : memref<128xi32, #tpu.memory_space<vmem>>, vector<16xi32>,
      tpu.vector_store %arg12[%swap3A_144], %get3A_143 {strides = array<i32>} : memref<128xi32, #tpu.memory_space<vmem>>, vector<16xi32>,
      %get3A_146 = arith.constant 64 : index
      %get3A_147 = tpu.vector_load %arg10[%get3A_146] {strides = array<i32>} : memref<128xi32, #tpu.memory_space<vmem>>, vector<16xi32>,
      %swap3A_148 = arith.constant 64 : index
      %swap3A_149 = tpu.vector_load %arg12[%swap3A_148] {strides = array<i32>} : memref<128xi32, #tpu.memory_space<vmem>>, vector<16xi32>,
      tpu.vector_store %arg12[%swap3A_148], %get3A_147 {strides = array<i32>} : memref<128xi32, #tpu.memory_space<vmem>>, vector<16xi32>,
      %get3A_150 = arith.constant 80 : index
      %get3A_151 = tpu.vector_load %arg10[%get3A_150] {strides = array<i32>} : memref<128xi32, #tpu.memory_space<vmem>>, vector<16xi32>,
      %swap3A_152 = arith.constant 80 : index
      %swap3A_153 = tpu.vector_load %arg12[%swap3A_152] {strides = array<i32>} : memref<128xi32, #tpu.memory_space<vmem>>, vector<16xi32>,
      tpu.vector_store %arg12[%swap3A_152], %get3A_151 {strides = array<i32>} : memref<128xi32, #tpu.memory_space<vmem>>, vector<16xi32>,
      %get3A_154 = arith.constant 96 : index
      %get3A_155 = tpu.vector_load %arg10[%get3A_154] {strides = array<i32>} : memref<128xi32, #tpu.memory_space<vmem>>, vector<16xi32>,
      %swap3A_156 = arith.constant 96 : index
      %swap3A_157 = tpu.vector_load %arg12[%swap3A_156] {strides = array<i32>} : memref<128xi32, #tpu.memory_space<vmem>>, vector<16xi32>,
      tpu.vector_store %arg12[%swap3A_156], %get3A_155 {strides = array<i32>} : memref<128xi32, #tpu.memory_space<vmem>>, vector<16xi32>,
      %get3A_158 = arith.constant 112 : index
      %get3A_159 = tpu.vector_load %arg10[%get3A_158] {strides = array<i32>} : memref<128xi32, #tpu.memory_space<vmem>>, vector<16xi32>,
      %swap3A_160 = arith.constant 112 : index
      %swap3A_161 = tpu.vector_load %arg12[%swap3A_160] {strides = array<i32>} : memref<128xi32, #tpu.memory_space<vmem>>, vector<16xi32>,
      tpu.vector_store %arg12[%swap3A_160], %get3A_159 {strides = array<i32>} : memref<128xi32, #tpu.memory_space<vmem>>, vector<16xi32>,
      %dma_wait3A_162 = arith.constant 0 : i32
      %dma_wait3A_163 = arith.constant 0 : i32
      %dma_wait3A_164 = tpu.memref_slice %arg5[%dma_wait3A_162, %dma_wait3A_163] : memref<10240x128xf32, #tpu.memory_space<hbm>> -> memref<10240x128xf32, #tpu.memory_space<hbm>>
      tpu.wait_indirect_dma semaphore(%arg21 : memref<!tpu.dma_semaphore, #tpu.memory_space<semaphore_mem>>) src(%dma_wait3A_164 : memref<10240x128xf32, #tpu.memory_space<hbm>>) dst(%arg16 : memref<128x128xf32, #tpu.memory_space<vmem>>)
      %add3A_165 = arith.constant 1 : i32
      %add3A_166 = arith.addi %add3A_129, %add3A_165 : i32
      %lt3A_167 = arith.constant 82 : i32
      %lt3A_168 = arith.cmpi slt, %add3A_166, %lt3A_167 : i32
      %convert_element_type3A_169 = arith.extui %lt3A_168 : i1 to i32
      %cond3A_170 = arith.constant 0 : i32
      %cond3A_171 = arith.cmpi ne, %convert_element_type3A_169, %cond3A_170 : i32
      scf.if %cond3A_171 {
        %ge3A = arith.constant 1 : i32
        %ge3A_190 = arith.cmpi sge, %add3A_129, %ge3A : i32
        %convert_element_type3A_191 = arith.extui %ge3A_190 : i1 to i32
        %cond3A_192 = arith.constant 0 : i32
        %cond3A_193 = arith.cmpi ne, %convert_element_type3A_191, %cond3A_192 : i32
        scf.if %cond3A_193 {
          %dma_wait3A_210 = arith.constant 0 : i32
          %dma_wait3A_211 = arith.constant 0 : i32
          %dma_wait3A_212 = tpu.memref_slice %arg17[%dma_wait3A_210, %dma_wait3A_211] : memref<10240x128xf32, #tpu.memory_space<vmem_shared>> -> memref<10240x128xf32, #tpu.memory_space<vmem_shared>>
          tpu.wait_indirect_dma semaphore(%arg22 : memref<!tpu.dma_semaphore, #tpu.memory_space<semaphore_mem>>) src(%arg15 : memref<128x128xf32, #tpu.memory_space<vmem>>) dst(%dma_wait3A_212 : memref<10240x128xf32, #tpu.memory_space<vmem_shared>>)
        } else {
        }
        %add3A_194 = arith.constant 1 : i32
        %add3A_195 = arith.addi %add3A_129, %add3A_194 : i32
        %mul3A_196 = arith.constant 10496 : i32
        %mul3A_197 = arith.muli %add3A, %mul3A_196 : i32
        %mul3A_198 = arith.constant 128 : i32
        %mul3A_199 = arith.muli %add3A_195, %mul3A_198 : i32
        %add3A_200 = arith.addi %mul3A_197, %mul3A_199 : i32
        %dma_wait3A_201 = tpu.memref_slice %arg2[%add3A_200] : memref<335872xi32, #tpu.memory_space<hbm>> -> memref<128xi32, #tpu.memory_space<hbm>>
        %dma_wait3A_202 = tpu.memref_slice %arg2[%add3A_200] : memref<335872xi32, #tpu.memory_space<hbm>> -> memref<128xi32, #tpu.memory_space<hbm>>
        tpu.wait_dma2 semaphore(%arg18 : memref<!tpu.dma_semaphore, #tpu.memory_space<semaphore_mem>>) src(%dma_wait3A_202 : memref<128xi32, #tpu.memory_space<hbm>>) dst(%arg7 : memref<128xi32, #tpu.memory_space<vmem>>)
        %dma_wait3A_203 = tpu.memref_slice %arg3[%add3A_200] : memref<335872xi32, #tpu.memory_space<hbm>> -> memref<128xi32, #tpu.memory_space<hbm>>
        %dma_wait3A_204 = tpu.memref_slice %arg3[%add3A_200] : memref<335872xi32, #tpu.memory_space<hbm>> -> memref<128xi32, #tpu.memory_space<hbm>>
        tpu.wait_dma2 semaphore(%arg18 : memref<!tpu.dma_semaphore, #tpu.memory_space<semaphore_mem>>) src(%dma_wait3A_204 : memref<128xi32, #tpu.memory_space<hbm>>) dst(%arg9 : memref<128xi32, #tpu.memory_space<vmem>>)
        %dma_wait3A_205 = tpu.memref_slice %arg4[%add3A_200] : memref<335872xf32, #tpu.memory_space<hbm>> -> memref<128xf32, #tpu.memory_space<hbm>>
        %dma_wait3A_206 = tpu.memref_slice %arg4[%add3A_200] : memref<335872xf32, #tpu.memory_space<hbm>> -> memref<128xf32, #tpu.memory_space<hbm>>
        tpu.wait_dma2 semaphore(%arg18 : memref<!tpu.dma_semaphore, #tpu.memory_space<semaphore_mem>>) src(%dma_wait3A_206 : memref<128xf32, #tpu.memory_space<hbm>>) dst(%arg13 : memref<128xf32, #tpu.memory_space<vmem>>)
        %dma_start3A_207 = arith.constant 0 : i32
        %dma_start3A_208 = arith.constant 0 : i32
        %dma_start3A_209 = tpu.memref_slice %arg5[%dma_start3A_207, %dma_start3A_208] : memref<10240x128xf32, #tpu.memory_space<hbm>> -> memref<10240x128xf32, #tpu.memory_space<hbm>>
        tpu.enqueue_indirect_dma source(%dma_start3A_209 : memref<10240x128xf32, #tpu.memory_space<hbm>>) target(%arg15 : memref<128x128xf32, #tpu.memory_space<vmem>>) offsets(%arg7 : memref<128xi32, #tpu.memory_space<vmem>>) semaphore(%arg20 : memref<!tpu.dma_semaphore, #tpu.memory_space<semaphore_mem>>)
      } else {
      }
      %scan3A_172 = arith.constant 0 : i32
      %scan3A_173 = arith.constant 0 : i32
      %scan3A_174 = arith.constant 32 : i32
      %scan3A_175 = arith.addi %scan3A_173, %scan3A_174 : i32
      %scan3A_176 = arith.constant 1 : i32
      %scan3A_177 = scf.for %scan3A_190 = %scan3A_173 to %scan3A_175 step %scan3A_176 iter_args(%scan3A_191 = %scan3A_172) -> (i32)  : i32 {
        %mul3A_192 = arith.constant 4 : i32
        %mul3A_193 = arith.muli %scan3A_190, %mul3A_192 : i32
        %add3A_194 = arith.constant 0 : i32
        %add3A_195 = arith.addi %mul3A_193, %add3A_194 : i32
        %broadcast_in_dim3A = vector.broadcast %add3A_195 : i32 to vector<16xi32>
        %gather3A = tpu.vector_load_idx %arg14[%broadcast_in_dim3A] : memref<128xf32, #tpu.memory_space<vmem>>[vector<16xi32>], vector<16xf32>,
        %get3A_196 = arith.index_cast %add3A_195 : i32 to index
        %get3A_197 = arith.constant 0 : index
        %get3A_198 = tpu.vector_load %arg16[%get3A_196, %get3A_197] {strides = array<i32>} : memref<128x128xf32, #tpu.memory_space<vmem>>, vector<16xf32>,
        %mul3A_199 = arith.mulf %get3A_198, %gather3A : vector<16xf32>
        %swap3A_200 = arith.index_cast %add3A_195 : i32 to index
        %swap3A_201 = arith.constant 0 : index
        %swap3A_202 = tpu.vector_load %arg16[%swap3A_200, %swap3A_201] {strides = array<i32>} : memref<128x128xf32, #tpu.memory_space<vmem>>, vector<16xf32>,
        tpu.vector_store %arg16[%swap3A_200, %swap3A_201], %mul3A_199 {strides = array<i32>} : memref<128x128xf32, #tpu.memory_space<vmem>>, vector<16xf32>,
        %get3A_203 = arith.index_cast %add3A_195 : i32 to index
        %get3A_204 = arith.constant 16 : index
        %get3A_205 = tpu.vector_load %arg16[%get3A_203, %get3A_204] {strides = array<i32>} : memref<128x128xf32, #tpu.memory_space<vmem>>, vector<16xf32>,
        %mul3A_206 = arith.mulf %get3A_205, %gather3A : vector<16xf32>
        %swap3A_207 = arith.index_cast %add3A_195 : i32 to index
        %swap3A_208 = arith.constant 16 : index
        %swap3A_209 = tpu.vector_load %arg16[%swap3A_207, %swap3A_208] {strides = array<i32>} : memref<128x128xf32, #tpu.memory_space<vmem>>, vector<16xf32>,
        tpu.vector_store %arg16[%swap3A_207, %swap3A_208], %mul3A_206 {strides = array<i32>} : memref<128x128xf32, #tpu.memory_space<vmem>>, vector<16xf32>,
        %get3A_210 = arith.index_cast %add3A_195 : i32 to index
        %get3A_211 = arith.constant 32 : index
        %get3A_212 = tpu.vector_load %arg16[%get3A_210, %get3A_211] {strides = array<i32>} : memref<128x128xf32, #tpu.memory_space<vmem>>, vector<16xf32>,
        %mul3A_213 = arith.mulf %get3A_212, %gather3A : vector<16xf32>
        %swap3A_214 = arith.index_cast %add3A_195 : i32 to index
        %swap3A_215 = arith.constant 32 : index
        %swap3A_216 = tpu.vector_load %arg16[%swap3A_214, %swap3A_215] {strides = array<i32>} : memref<128x128xf32, #tpu.memory_space<vmem>>, vector<16xf32>,
        tpu.vector_store %arg16[%swap3A_214, %swap3A_215], %mul3A_213 {strides = array<i32>} : memref<128x128xf32, #tpu.memory_space<vmem>>, vector<16xf32>,
        %get3A_217 = arith.index_cast %add3A_195 : i32 to index
        %get3A_218 = arith.constant 48 : index
        %get3A_219 = tpu.vector_load %arg16[%get3A_217, %get3A_218] {strides = array<i32>} : memref<128x128xf32, #tpu.memory_space<vmem>>, vector<16xf32>,
        %mul3A_220 = arith.mulf %get3A_219, %gather3A : vector<16xf32>
        %swap3A_221 = arith.index_cast %add3A_195 : i32 to index
        %swap3A_222 = arith.constant 48 : index
        %swap3A_223 = tpu.vector_load %arg16[%swap3A_221, %swap3A_222] {strides = array<i32>} : memref<128x128xf32, #tpu.memory_space<vmem>>, vector<16xf32>,
        tpu.vector_store %arg16[%swap3A_221, %swap3A_222], %mul3A_220 {strides = array<i32>} : memref<128x128xf32, #tpu.memory_space<vmem>>, vector<16xf32>,
        %get3A_224 = arith.index_cast %add3A_195 : i32 to index
        %get3A_225 = arith.constant 64 : index
        %get3A_226 = tpu.vector_load %arg16[%get3A_224, %get3A_225] {strides = array<i32>} : memref<128x128xf32, #tpu.memory_space<vmem>>, vector<16xf32>,
        %mul3A_227 = arith.mulf %get3A_226, %gather3A : vector<16xf32>
        %swap3A_228 = arith.index_cast %add3A_195 : i32 to index
        %swap3A_229 = arith.constant 64 : index
        %swap3A_230 = tpu.vector_load %arg16[%swap3A_228, %swap3A_229] {strides = array<i32>} : memref<128x128xf32, #tpu.memory_space<vmem>>, vector<16xf32>,
        tpu.vector_store %arg16[%swap3A_228, %swap3A_229], %mul3A_227 {strides = array<i32>} : memref<128x128xf32, #tpu.memory_space<vmem>>, vector<16xf32>,
        %get3A_231 = arith.index_cast %add3A_195 : i32 to index
        %get3A_232 = arith.constant 80 : index
        %get3A_233 = tpu.vector_load %arg16[%get3A_231, %get3A_232] {strides = array<i32>} : memref<128x128xf32, #tpu.memory_space<vmem>>, vector<16xf32>,
        %mul3A_234 = arith.mulf %get3A_233, %gather3A : vector<16xf32>
        %swap3A_235 = arith.index_cast %add3A_195 : i32 to index
        %swap3A_236 = arith.constant 80 : index
        %swap3A_237 = tpu.vector_load %arg16[%swap3A_235, %swap3A_236] {strides = array<i32>} : memref<128x128xf32, #tpu.memory_space<vmem>>, vector<16xf32>,
        tpu.vector_store %arg16[%swap3A_235, %swap3A_236], %mul3A_234 {strides = array<i32>} : memref<128x128xf32, #tpu.memory_space<vmem>>, vector<16xf32>,
        %get3A_238 = arith.index_cast %add3A_195 : i32 to index
        %get3A_239 = arith.constant 96 : index
        %get3A_240 = tpu.vector_load %arg16[%get3A_238, %get3A_239] {strides = array<i32>} : memref<128x128xf32, #tpu.memory_space<vmem>>, vector<16xf32>,
        %mul3A_241 = arith.mulf %get3A_240, %gather3A : vector<16xf32>
        %swap3A_242 = arith.index_cast %add3A_195 : i32 to index
        %swap3A_243 = arith.constant 96 : index
        %swap3A_244 = tpu.vector_load %arg16[%swap3A_242, %swap3A_243] {strides = array<i32>} : memref<128x128xf32, #tpu.memory_space<vmem>>, vector<16xf32>,
        tpu.vector_store %arg16[%swap3A_242, %swap3A_243], %mul3A_241 {strides = array<i32>} : memref<128x128xf32, #tpu.memory_space<vmem>>, vector<16xf32>,
        %get3A_245 = arith.index_cast %add3A_195 : i32 to index
        %get3A_246 = arith.constant 112 : index
        %get3A_247 = tpu.vector_load %arg16[%get3A_245, %get3A_246] {strides = array<i32>} : memref<128x128xf32, #tpu.memory_space<vmem>>, vector<16xf32>,
        %mul3A_248 = arith.mulf %get3A_247, %gather3A : vector<16xf32>
        %swap3A_249 = arith.index_cast %add3A_195 : i32 to index
        %swap3A_250 = arith.constant 112 : index
        %swap3A_251 = tpu.vector_load %arg16[%swap3A_249, %swap3A_250] {strides = array<i32>} : memref<128x128xf32, #tpu.memory_space<vmem>>, vector<16xf32>,
        tpu.vector_store %arg16[%swap3A_249, %swap3A_250], %mul3A_248 {strides = array<i32>} : memref<128x128xf32, #tpu.memory_space<vmem>>, vector<16xf32>,
        %mul3A_252 = arith.constant 4 : i32
        %mul3A_253 = arith.muli %scan3A_190, %mul3A_252 : i32
        %add3A_254 = arith.constant 1 : i32
        %add3A_255 = arith.addi %mul3A_253, %add3A_254 : i32
        %broadcast_in_dim3A_256 = vector.broadcast %add3A_255 : i32 to vector<16xi32>
        %gather3A_257 = tpu.vector_load_idx %arg14[%broadcast_in_dim3A_256] : memref<128xf32, #tpu.memory_space<vmem>>[vector<16xi32>], vector<16xf32>,
        %get3A_258 = arith.index_cast %add3A_255 : i32 to index
        %get3A_259 = arith.constant 0 : index
        %get3A_260 = tpu.vector_load %arg16[%get3A_258, %get3A_259] {strides = array<i32>} : memref<128x128xf32, #tpu.memory_space<vmem>>, vector<16xf32>,
        %mul3A_261 = arith.mulf %get3A_260, %gather3A_257 : vector<16xf32>
        %swap3A_262 = arith.index_cast %add3A_255 : i32 to index
        %swap3A_263 = arith.constant 0 : index
        %swap3A_264 = tpu.vector_load %arg16[%swap3A_262, %swap3A_263] {strides = array<i32>} : memref<128x128xf32, #tpu.memory_space<vmem>>, vector<16xf32>,
        tpu.vector_store %arg16[%swap3A_262, %swap3A_263], %mul3A_261 {strides = array<i32>} : memref<128x128xf32, #tpu.memory_space<vmem>>, vector<16xf32>,
        %get3A_265 = arith.index_cast %add3A_255 : i32 to index
        %get3A_266 = arith.constant 16 : index
        %get3A_267 = tpu.vector_load %arg16[%get3A_265, %get3A_266] {strides = array<i32>} : memref<128x128xf32, #tpu.memory_space<vmem>>, vector<16xf32>,
        %mul3A_268 = arith.mulf %get3A_267, %gather3A_257 : vector<16xf32>
        %swap3A_269 = arith.index_cast %add3A_255 : i32 to index
        %swap3A_270 = arith.constant 16 : index
        %swap3A_271 = tpu.vector_load %arg16[%swap3A_269, %swap3A_270] {strides = array<i32>} : memref<128x128xf32, #tpu.memory_space<vmem>>, vector<16xf32>,
        tpu.vector_store %arg16[%swap3A_269, %swap3A_270], %mul3A_268 {strides = array<i32>} : memref<128x128xf32, #tpu.memory_space<vmem>>, vector<16xf32>,
        %get3A_272 = arith.index_cast %add3A_255 : i32 to index
        %get3A_273 = arith.constant 32 : index
        %get3A_274 = tpu.vector_load %arg16[%get3A_272, %get3A_273] {strides = array<i32>} : memref<128x128xf32, #tpu.memory_space<vmem>>, vector<16xf32>,
        %mul3A_275 = arith.mulf %get3A_274, %gather3A_257 : vector<16xf32>
        %swap3A_276 = arith.index_cast %add3A_255 : i32 to index
        %swap3A_277 = arith.constant 32 : index
        %swap3A_278 = tpu.vector_load %arg16[%swap3A_276, %swap3A_277] {strides = array<i32>} : memref<128x128xf32, #tpu.memory_space<vmem>>, vector<16xf32>,
        tpu.vector_store %arg16[%swap3A_276, %swap3A_277], %mul3A_275 {strides = array<i32>} : memref<128x128xf32, #tpu.memory_space<vmem>>, vector<16xf32>,
        %get3A_279 = arith.index_cast %add3A_255 : i32 to index
        %get3A_280 = arith.constant 48 : index
        %get3A_281 = tpu.vector_load %arg16[%get3A_279, %get3A_280] {strides = array<i32>} : memref<128x128xf32, #tpu.memory_space<vmem>>, vector<16xf32>,
        %mul3A_282 = arith.mulf %get3A_281, %gather3A_257 : vector<16xf32>
        %swap3A_283 = arith.index_cast %add3A_255 : i32 to index
        %swap3A_284 = arith.constant 48 : index
        %swap3A_285 = tpu.vector_load %arg16[%swap3A_283, %swap3A_284] {strides = array<i32>} : memref<128x128xf32, #tpu.memory_space<vmem>>, vector<16xf32>,
        tpu.vector_store %arg16[%swap3A_283, %swap3A_284], %mul3A_282 {strides = array<i32>} : memref<128x128xf32, #tpu.memory_space<vmem>>, vector<16xf32>,
        %get3A_286 = arith.index_cast %add3A_255 : i32 to index
        %get3A_287 = arith.constant 64 : index
        %get3A_288 = tpu.vector_load %arg16[%get3A_286, %get3A_287] {strides = array<i32>} : memref<128x128xf32, #tpu.memory_space<vmem>>, vector<16xf32>,
        %mul3A_289 = arith.mulf %get3A_288, %gather3A_257 : vector<16xf32>
        %swap3A_290 = arith.index_cast %add3A_255 : i32 to index
        %swap3A_291 = arith.constant 64 : index
        %swap3A_292 = tpu.vector_load %arg16[%swap3A_290, %swap3A_291] {strides = array<i32>} : memref<128x128xf32, #tpu.memory_space<vmem>>, vector<16xf32>,
        tpu.vector_store %arg16[%swap3A_290, %swap3A_291], %mul3A_289 {strides = array<i32>} : memref<128x128xf32, #tpu.memory_space<vmem>>, vector<16xf32>,
        %get3A_293 = arith.index_cast %add3A_255 : i32 to index
        %get3A_294 = arith.constant 80 : index
        %get3A_295 = tpu.vector_load %arg16[%get3A_293, %get3A_294] {strides = array<i32>} : memref<128x128xf32, #tpu.memory_space<vmem>>, vector<16xf32>,
        %mul3A_296 = arith.mulf %get3A_295, %gather3A_257 : vector<16xf32>
        %swap3A_297 = arith.index_cast %add3A_255 : i32 to index
        %swap3A_298 = arith.constant 80 : index
        %swap3A_299 = tpu.vector_load %arg16[%swap3A_297, %swap3A_298] {strides = array<i32>} : memref<128x128xf32, #tpu.memory_space<vmem>>, vector<16xf32>,
        tpu.vector_store %arg16[%swap3A_297, %swap3A_298], %mul3A_296 {strides = array<i32>} : memref<128x128xf32, #tpu.memory_space<vmem>>, vector<16xf32>,
        %get3A_300 = arith.index_cast %add3A_255 : i32 to index
        %get3A_301 = arith.constant 96 : index
        %get3A_302 = tpu.vector_load %arg16[%get3A_300, %get3A_301] {strides = array<i32>} : memref<128x128xf32, #tpu.memory_space<vmem>>, vector<16xf32>,
        %mul3A_303 = arith.mulf %get3A_302, %gather3A_257 : vector<16xf32>
        %swap3A_304 = arith.index_cast %add3A_255 : i32 to index
        %swap3A_305 = arith.constant 96 : index
        %swap3A_306 = tpu.vector_load %arg16[%swap3A_304, %swap3A_305] {strides = array<i32>} : memref<128x128xf32, #tpu.memory_space<vmem>>, vector<16xf32>,
        tpu.vector_store %arg16[%swap3A_304, %swap3A_305], %mul3A_303 {strides = array<i32>} : memref<128x128xf32, #tpu.memory_space<vmem>>, vector<16xf32>,
        %get3A_307 = arith.index_cast %add3A_255 : i32 to index
        %get3A_308 = arith.constant 112 : index
        %get3A_309 = tpu.vector_load %arg16[%get3A_307, %get3A_308] {strides = array<i32>} : memref<128x128xf32, #tpu.memory_space<vmem>>, vector<16xf32>,
        %mul3A_310 = arith.mulf %get3A_309, %gather3A_257 : vector<16xf32>
        %swap3A_311 = arith.index_cast %add3A_255 : i32 to index
        %swap3A_312 = arith.constant 112 : index
        %swap3A_313 = tpu.vector_load %arg16[%swap3A_311, %swap3A_312] {strides = array<i32>} : memref<128x128xf32, #tpu.memory_space<vmem>>, vector<16xf32>,
        tpu.vector_store %arg16[%swap3A_311, %swap3A_312], %mul3A_310 {strides = array<i32>} : memref<128x128xf32, #tpu.memory_space<vmem>>, vector<16xf32>,
        %mul3A_314 = arith.constant 4 : i32
        %mul3A_315 = arith.muli %scan3A_190, %mul3A_314 : i32
        %add3A_316 = arith.constant 2 : i32
        %add3A_317 = arith.addi %mul3A_315, %add3A_316 : i32
        %broadcast_in_dim3A_318 = vector.broadcast %add3A_317 : i32 to vector<16xi32>
        %gather3A_319 = tpu.vector_load_idx %arg14[%broadcast_in_dim3A_318] : memref<128xf32, #tpu.memory_space<vmem>>[vector<16xi32>], vector<16xf32>,
        %get3A_320 = arith.index_cast %add3A_317 : i32 to index
        %get3A_321 = arith.constant 0 : index
        %get3A_322 = tpu.vector_load %arg16[%get3A_320, %get3A_321] {strides = array<i32>} : memref<128x128xf32, #tpu.memory_space<vmem>>, vector<16xf32>,
        %mul3A_323 = arith.mulf %get3A_322, %gather3A_319 : vector<16xf32>
        %swap3A_324 = arith.index_cast %add3A_317 : i32 to index
        %swap3A_325 = arith.constant 0 : index
        %swap3A_326 = tpu.vector_load %arg16[%swap3A_324, %swap3A_325] {strides = array<i32>} : memref<128x128xf32, #tpu.memory_space<vmem>>, vector<16xf32>,
        tpu.vector_store %arg16[%swap3A_324, %swap3A_325], %mul3A_323 {strides = array<i32>} : memref<128x128xf32, #tpu.memory_space<vmem>>, vector<16xf32>,
        %get3A_327 = arith.index_cast %add3A_317 : i32 to index
        %get3A_328 = arith.constant 16 : index
        %get3A_329 = tpu.vector_load %arg16[%get3A_327, %get3A_328] {strides = array<i32>} : memref<128x128xf32, #tpu.memory_space<vmem>>, vector<16xf32>,
        %mul3A_330 = arith.mulf %get3A_329, %gather3A_319 : vector<16xf32>
        %swap3A_331 = arith.index_cast %add3A_317 : i32 to index
        %swap3A_332 = arith.constant 16 : index
        %swap3A_333 = tpu.vector_load %arg16[%swap3A_331, %swap3A_332] {strides = array<i32>} : memref<128x128xf32, #tpu.memory_space<vmem>>, vector<16xf32>,
        tpu.vector_store %arg16[%swap3A_331, %swap3A_332], %mul3A_330 {strides = array<i32>} : memref<128x128xf32, #tpu.memory_space<vmem>>, vector<16xf32>,
        %get3A_334 = arith.index_cast %add3A_317 : i32 to index
        %get3A_335 = arith.constant 32 : index
        %get3A_336 = tpu.vector_load %arg16[%get3A_334, %get3A_335] {strides = array<i32>} : memref<128x128xf32, #tpu.memory_space<vmem>>, vector<16xf32>,
        %mul3A_337 = arith.mulf %get3A_336, %gather3A_319 : vector<16xf32>
        %swap3A_338 = arith.index_cast %add3A_317 : i32 to index
        %swap3A_339 = arith.constant 32 : index
        %swap3A_340 = tpu.vector_load %arg16[%swap3A_338, %swap3A_339] {strides = array<i32>} : memref<128x128xf32, #tpu.memory_space<vmem>>, vector<16xf32>,
        tpu.vector_store %arg16[%swap3A_338, %swap3A_339], %mul3A_337 {strides = array<i32>} : memref<128x128xf32, #tpu.memory_space<vmem>>, vector<16xf32>,
        %get3A_341 = arith.index_cast %add3A_317 : i32 to index
        %get3A_342 = arith.constant 48 : index
        %get3A_343 = tpu.vector_load %arg16[%get3A_341, %get3A_342] {strides = array<i32>} : memref<128x128xf32, #tpu.memory_space<vmem>>, vector<16xf32>,
        %mul3A_344 = arith.mulf %get3A_343, %gather3A_319 : vector<16xf32>
        %swap3A_345 = arith.index_cast %add3A_317 : i32 to index
        %swap3A_346 = arith.constant 48 : index
        %swap3A_347 = tpu.vector_load %arg16[%swap3A_345, %swap3A_346] {strides = array<i32>} : memref<128x128xf32, #tpu.memory_space<vmem>>, vector<16xf32>,
        tpu.vector_store %arg16[%swap3A_345, %swap3A_346], %mul3A_344 {strides = array<i32>} : memref<128x128xf32, #tpu.memory_space<vmem>>, vector<16xf32>,
        %get3A_348 = arith.index_cast %add3A_317 : i32 to index
        %get3A_349 = arith.constant 64 : index
        %get3A_350 = tpu.vector_load %arg16[%get3A_348, %get3A_349] {strides = array<i32>} : memref<128x128xf32, #tpu.memory_space<vmem>>, vector<16xf32>,
        %mul3A_351 = arith.mulf %get3A_350, %gather3A_319 : vector<16xf32>
        %swap3A_352 = arith.index_cast %add3A_317 : i32 to index
        %swap3A_353 = arith.constant 64 : index
        %swap3A_354 = tpu.vector_load %arg16[%swap3A_352, %swap3A_353] {strides = array<i32>} : memref<128x128xf32, #tpu.memory_space<vmem>>, vector<16xf32>,
        tpu.vector_store %arg16[%swap3A_352, %swap3A_353], %mul3A_351 {strides = array<i32>} : memref<128x128xf32, #tpu.memory_space<vmem>>, vector<16xf32>,
        %get3A_355 = arith.index_cast %add3A_317 : i32 to index
        %get3A_356 = arith.constant 80 : index
        %get3A_357 = tpu.vector_load %arg16[%get3A_355, %get3A_356] {strides = array<i32>} : memref<128x128xf32, #tpu.memory_space<vmem>>, vector<16xf32>,
        %mul3A_358 = arith.mulf %get3A_357, %gather3A_319 : vector<16xf32>
        %swap3A_359 = arith.index_cast %add3A_317 : i32 to index
        %swap3A_360 = arith.constant 80 : index
        %swap3A_361 = tpu.vector_load %arg16[%swap3A_359, %swap3A_360] {strides = array<i32>} : memref<128x128xf32, #tpu.memory_space<vmem>>, vector<16xf32>,
        tpu.vector_store %arg16[%swap3A_359, %swap3A_360], %mul3A_358 {strides = array<i32>} : memref<128x128xf32, #tpu.memory_space<vmem>>, vector<16xf32>,
        %get3A_362 = arith.index_cast %add3A_317 : i32 to index
        %get3A_363 = arith.constant 96 : index
        %get3A_364 = tpu.vector_load %arg16[%get3A_362, %get3A_363] {strides = array<i32>} : memref<128x128xf32, #tpu.memory_space<vmem>>, vector<16xf32>,
        %mul3A_365 = arith.mulf %get3A_364, %gather3A_319 : vector<16xf32>
        %swap3A_366 = arith.index_cast %add3A_317 : i32 to index
        %swap3A_367 = arith.constant 96 : index
        %swap3A_368 = tpu.vector_load %arg16[%swap3A_366, %swap3A_367] {strides = array<i32>} : memref<128x128xf32, #tpu.memory_space<vmem>>, vector<16xf32>,
        tpu.vector_store %arg16[%swap3A_366, %swap3A_367], %mul3A_365 {strides = array<i32>} : memref<128x128xf32, #tpu.memory_space<vmem>>, vector<16xf32>,
        %get3A_369 = arith.index_cast %add3A_317 : i32 to index
        %get3A_370 = arith.constant 112 : index
        %get3A_371 = tpu.vector_load %arg16[%get3A_369, %get3A_370] {strides = array<i32>} : memref<128x128xf32, #tpu.memory_space<vmem>>, vector<16xf32>,
        %mul3A_372 = arith.mulf %get3A_371, %gather3A_319 : vector<16xf32>
        %swap3A_373 = arith.index_cast %add3A_317 : i32 to index
        %swap3A_374 = arith.constant 112 : index
        %swap3A_375 = tpu.vector_load %arg16[%swap3A_373, %swap3A_374] {strides = array<i32>} : memref<128x128xf32, #tpu.memory_space<vmem>>, vector<16xf32>,
        tpu.vector_store %arg16[%swap3A_373, %swap3A_374], %mul3A_372 {strides = array<i32>} : memref<128x128xf32, #tpu.memory_space<vmem>>, vector<16xf32>,
        %mul3A_376 = arith.constant 4 : i32
        %mul3A_377 = arith.muli %scan3A_190, %mul3A_376 : i32
        %add3A_378 = arith.constant 3 : i32
        %add3A_379 = arith.addi %mul3A_377, %add3A_378 : i32
        %broadcast_in_dim3A_380 = vector.broadcast %add3A_379 : i32 to vector<16xi32>
        %gather3A_381 = tpu.vector_load_idx %arg14[%broadcast_in_dim3A_380] : memref<128xf32, #tpu.memory_space<vmem>>[vector<16xi32>], vector<16xf32>,
        %get3A_382 = arith.index_cast %add3A_379 : i32 to index
        %get3A_383 = arith.constant 0 : index
        %get3A_384 = tpu.vector_load %arg16[%get3A_382, %get3A_383] {strides = array<i32>} : memref<128x128xf32, #tpu.memory_space<vmem>>, vector<16xf32>,
        %mul3A_385 = arith.mulf %get3A_384, %gather3A_381 : vector<16xf32>
        %swap3A_386 = arith.index_cast %add3A_379 : i32 to index
        %swap3A_387 = arith.constant 0 : index
        %swap3A_388 = tpu.vector_load %arg16[%swap3A_386, %swap3A_387] {strides = array<i32>} : memref<128x128xf32, #tpu.memory_space<vmem>>, vector<16xf32>,
        tpu.vector_store %arg16[%swap3A_386, %swap3A_387], %mul3A_385 {strides = array<i32>} : memref<128x128xf32, #tpu.memory_space<vmem>>, vector<16xf32>,
        %get3A_389 = arith.index_cast %add3A_379 : i32 to index
        %get3A_390 = arith.constant 16 : index
        %get3A_391 = tpu.vector_load %arg16[%get3A_389, %get3A_390] {strides = array<i32>} : memref<128x128xf32, #tpu.memory_space<vmem>>, vector<16xf32>,
        %mul3A_392 = arith.mulf %get3A_391, %gather3A_381 : vector<16xf32>
        %swap3A_393 = arith.index_cast %add3A_379 : i32 to index
        %swap3A_394 = arith.constant 16 : index
        %swap3A_395 = tpu.vector_load %arg16[%swap3A_393, %swap3A_394] {strides = array<i32>} : memref<128x128xf32, #tpu.memory_space<vmem>>, vector<16xf32>,
        tpu.vector_store %arg16[%swap3A_393, %swap3A_394], %mul3A_392 {strides = array<i32>} : memref<128x128xf32, #tpu.memory_space<vmem>>, vector<16xf32>,
        %get3A_396 = arith.index_cast %add3A_379 : i32 to index
        %get3A_397 = arith.constant 32 : index
        %get3A_398 = tpu.vector_load %arg16[%get3A_396, %get3A_397] {strides = array<i32>} : memref<128x128xf32, #tpu.memory_space<vmem>>, vector<16xf32>,
        %mul3A_399 = arith.mulf %get3A_398, %gather3A_381 : vector<16xf32>
        %swap3A_400 = arith.index_cast %add3A_379 : i32 to index
        %swap3A_401 = arith.constant 32 : index
        %swap3A_402 = tpu.vector_load %arg16[%swap3A_400, %swap3A_401] {strides = array<i32>} : memref<128x128xf32, #tpu.memory_space<vmem>>, vector<16xf32>,
        tpu.vector_store %arg16[%swap3A_400, %swap3A_401], %mul3A_399 {strides = array<i32>} : memref<128x128xf32, #tpu.memory_space<vmem>>, vector<16xf32>,
        %get3A_403 = arith.index_cast %add3A_379 : i32 to index
        %get3A_404 = arith.constant 48 : index
        %get3A_405 = tpu.vector_load %arg16[%get3A_403, %get3A_404] {strides = array<i32>} : memref<128x128xf32, #tpu.memory_space<vmem>>, vector<16xf32>,
        %mul3A_406 = arith.mulf %get3A_405, %gather3A_381 : vector<16xf32>
        %swap3A_407 = arith.index_cast %add3A_379 : i32 to index
        %swap3A_408 = arith.constant 48 : index
        %swap3A_409 = tpu.vector_load %arg16[%swap3A_407, %swap3A_408] {strides = array<i32>} : memref<128x128xf32, #tpu.memory_space<vmem>>, vector<16xf32>,
        tpu.vector_store %arg16[%swap3A_407, %swap3A_408], %mul3A_406 {strides = array<i32>} : memref<128x128xf32, #tpu.memory_space<vmem>>, vector<16xf32>,
        %get3A_410 = arith.index_cast %add3A_379 : i32 to index
        %get3A_411 = arith.constant 64 : index
        %get3A_412 = tpu.vector_load %arg16[%get3A_410, %get3A_411] {strides = array<i32>} : memref<128x128xf32, #tpu.memory_space<vmem>>, vector<16xf32>,
        %mul3A_413 = arith.mulf %get3A_412, %gather3A_381 : vector<16xf32>
        %swap3A_414 = arith.index_cast %add3A_379 : i32 to index
        %swap3A_415 = arith.constant 64 : index
        %swap3A_416 = tpu.vector_load %arg16[%swap3A_414, %swap3A_415] {strides = array<i32>} : memref<128x128xf32, #tpu.memory_space<vmem>>, vector<16xf32>,
        tpu.vector_store %arg16[%swap3A_414, %swap3A_415], %mul3A_413 {strides = array<i32>} : memref<128x128xf32, #tpu.memory_space<vmem>>, vector<16xf32>,
        %get3A_417 = arith.index_cast %add3A_379 : i32 to index
        %get3A_418 = arith.constant 80 : index
        %get3A_419 = tpu.vector_load %arg16[%get3A_417, %get3A_418] {strides = array<i32>} : memref<128x128xf32, #tpu.memory_space<vmem>>, vector<16xf32>,
        %mul3A_420 = arith.mulf %get3A_419, %gather3A_381 : vector<16xf32>
        %swap3A_421 = arith.index_cast %add3A_379 : i32 to index
        %swap3A_422 = arith.constant 80 : index
        %swap3A_423 = tpu.vector_load %arg16[%swap3A_421, %swap3A_422] {strides = array<i32>} : memref<128x128xf32, #tpu.memory_space<vmem>>, vector<16xf32>,
        tpu.vector_store %arg16[%swap3A_421, %swap3A_422], %mul3A_420 {strides = array<i32>} : memref<128x128xf32, #tpu.memory_space<vmem>>, vector<16xf32>,
        %get3A_424 = arith.index_cast %add3A_379 : i32 to index
        %get3A_425 = arith.constant 96 : index
        %get3A_426 = tpu.vector_load %arg16[%get3A_424, %get3A_425] {strides = array<i32>} : memref<128x128xf32, #tpu.memory_space<vmem>>, vector<16xf32>,
        %mul3A_427 = arith.mulf %get3A_426, %gather3A_381 : vector<16xf32>
        %swap3A_428 = arith.index_cast %add3A_379 : i32 to index
        %swap3A_429 = arith.constant 96 : index
        %swap3A_430 = tpu.vector_load %arg16[%swap3A_428, %swap3A_429] {strides = array<i32>} : memref<128x128xf32, #tpu.memory_space<vmem>>, vector<16xf32>,
        tpu.vector_store %arg16[%swap3A_428, %swap3A_429], %mul3A_427 {strides = array<i32>} : memref<128x128xf32, #tpu.memory_space<vmem>>, vector<16xf32>,
        %get3A_431 = arith.index_cast %add3A_379 : i32 to index
        %get3A_432 = arith.constant 112 : index
        %get3A_433 = tpu.vector_load %arg16[%get3A_431, %get3A_432] {strides = array<i32>} : memref<128x128xf32, #tpu.memory_space<vmem>>, vector<16xf32>,
        %mul3A_434 = arith.mulf %get3A_433, %gather3A_381 : vector<16xf32>
        %swap3A_435 = arith.index_cast %add3A_379 : i32 to index
        %swap3A_436 = arith.constant 112 : index
        %swap3A_437 = tpu.vector_load %arg16[%swap3A_435, %swap3A_436] {strides = array<i32>} : memref<128x128xf32, #tpu.memory_space<vmem>>, vector<16xf32>,
        tpu.vector_store %arg16[%swap3A_435, %swap3A_436], %mul3A_434 {strides = array<i32>} : memref<128x128xf32, #tpu.memory_space<vmem>>, vector<16xf32>,
        %scan3A_438 = arith.constant 0 : i32
        scf.yield %scan3A_438 : i32
      }
      %scan3A_178 = arith.constant 32 : i32
      %dma_start3A_179 = arith.constant 0 : i32
      %dma_start3A_180 = arith.constant 0 : i32
      %dma_start3A_181 = tpu.memref_slice %arg17[%dma_start3A_179, %dma_start3A_180] : memref<10240x128xf32, #tpu.memory_space<vmem_shared>> -> memref<10240x128xf32, #tpu.memory_space<vmem_shared>>
      tpu.enqueue_indirect_dma source(%arg16 : memref<128x128xf32, #tpu.memory_space<vmem>>) target(%dma_start3A_181 : memref<10240x128xf32, #tpu.memory_space<vmem_shared>>) offsets(%arg12 : memref<128xi32, #tpu.memory_space<vmem>>) semaphore(%arg23 : memref<!tpu.dma_semaphore, #tpu.memory_space<semaphore_mem>>) {add = true}
      %add3A_182 = arith.constant 2 : i32
      %add3A_183 = arith.addi %add3A_129, %add3A_182 : i32
      %lt3A_184 = arith.constant 82 : i32
      %lt3A_185 = arith.cmpi slt, %add3A_183, %lt3A_184 : i32
      %convert_element_type3A_186 = arith.extui %lt3A_185 : i1 to i32
      %cond3A_187 = arith.constant 0 : i32
      %cond3A_188 = arith.cmpi ne, %convert_element_type3A_186, %cond3A_187 : i32
      scf.if %cond3A_188 {
        %add3A_190 = arith.constant 2 : i32
        %add3A_191 = arith.addi %add3A_129, %add3A_190 : i32
        %mul3A_192 = arith.constant 10496 : i32
        %mul3A_193 = arith.muli %add3A, %mul3A_192 : i32
        %mul3A_194 = arith.constant 128 : i32
        %mul3A_195 = arith.muli %add3A_191, %mul3A_194 : i32
        %add3A_196 = arith.addi %mul3A_193, %mul3A_195 : i32
        %dma_start3A_197 = tpu.memref_slice %arg2[%add3A_196] : memref<335872xi32, #tpu.memory_space<hbm>> -> memref<128xi32, #tpu.memory_space<hbm>>
        %dma_start3A_198 = tpu.memref_slice %arg2[%add3A_196] : memref<335872xi32, #tpu.memory_space<hbm>> -> memref<128xi32, #tpu.memory_space<hbm>>
        tpu.enqueue_dma source(%dma_start3A_198 : memref<128xi32, #tpu.memory_space<hbm>>) target(%arg8 : memref<128xi32, #tpu.memory_space<vmem>>) target_semaphore(%arg19 : memref<!tpu.dma_semaphore, #tpu.memory_space<semaphore_mem>>)
        %dma_start3A_199 = tpu.memref_slice %arg3[%add3A_196] : memref<335872xi32, #tpu.memory_space<hbm>> -> memref<128xi32, #tpu.memory_space<hbm>>
        %dma_start3A_200 = tpu.memref_slice %arg3[%add3A_196] : memref<335872xi32, #tpu.memory_space<hbm>> -> memref<128xi32, #tpu.memory_space<hbm>>
        tpu.enqueue_dma source(%dma_start3A_200 : memref<128xi32, #tpu.memory_space<hbm>>) target(%arg10 : memref<128xi32, #tpu.memory_space<vmem>>) target_semaphore(%arg19 : memref<!tpu.dma_semaphore, #tpu.memory_space<semaphore_mem>>)
        %dma_start3A_201 = tpu.memref_slice %arg4[%add3A_196] : memref<335872xf32, #tpu.memory_space<hbm>> -> memref<128xf32, #tpu.memory_space<hbm>>
        %dma_start3A_202 = tpu.memref_slice %arg4[%add3A_196] : memref<335872xf32, #tpu.memory_space<hbm>> -> memref<128xf32, #tpu.memory_space<hbm>>
        tpu.enqueue_dma source(%dma_start3A_202 : memref<128xf32, #tpu.memory_space<hbm>>) target(%arg14 : memref<128xf32, #tpu.memory_space<vmem>>) target_semaphore(%arg19 : memref<!tpu.dma_semaphore, #tpu.memory_space<semaphore_mem>>)
      } else {
      }
      %scan3A_189 = arith.constant 0 : i32
      scf.yield %scan3A_189 : i32
    }
    %scan3A_51 = arith.constant 41 : i32
    %dma_wait3A_52 = arith.constant 0 : i32
    %dma_wait3A_53 = arith.constant 0 : i32
    %dma_wait3A_54 = tpu.memref_slice %arg17[%dma_wait3A_52, %dma_wait3A_53] : memref<10240x128xf32, #tpu.memory_space<vmem_shared>> -> memref<10240x128xf32, #tpu.memory_space<vmem_shared>>
    tpu.wait_indirect_dma semaphore(%arg22 : memref<!tpu.dma_semaphore, #tpu.memory_space<semaphore_mem>>) src(%arg15 : memref<128x128xf32, #tpu.memory_space<vmem>>) dst(%dma_wait3A_54 : memref<10240x128xf32, #tpu.memory_space<vmem_shared>>)
    %dma_wait3A_55 = arith.constant 0 : i32
    %dma_wait3A_56 = arith.constant 0 : i32
    %dma_wait3A_57 = tpu.memref_slice %arg17[%dma_wait3A_55, %dma_wait3A_56] : memref<10240x128xf32, #tpu.memory_space<vmem_shared>> -> memref<10240x128xf32, #tpu.memory_space<vmem_shared>>
    tpu.wait_indirect_dma semaphore(%arg23 : memref<!tpu.dma_semaphore, #tpu.memory_space<semaphore_mem>>) src(%arg16 : memref<128x128xf32, #tpu.memory_space<vmem>>) dst(%dma_wait3A_57 : memref<10240x128xf32, #tpu.memory_space<vmem_shared>>)
    %barrier3A_58 = arith.constant 0 : index
    tpu.barrier barrier_id(%barrier3A_58)
    %scan3A_59 = arith.constant 0 : i32
    %scan3A_60 = arith.constant 0 : i32
    %scan3A_61 = arith.constant 5 : i32
    %scan3A_62 = arith.addi %scan3A_60, %scan3A_61 : i32
    %scan3A_63 = arith.constant 1 : i32
    %scan3A_64 = scf.for %scan3A_66 = %scan3A_60 to %scan3A_62 step %scan3A_63 iter_args(%scan3A_67 = %scan3A_59) -> (i32)  : i32 {
      %mul3A_68 = arith.constant 640 : i32
      %mul3A_69 = arith.muli %arg1, %mul3A_68 : i32
      %mul3A_70 = arith.constant 128 : i32
      %mul3A_71 = arith.muli %scan3A_66, %mul3A_70 : i32
      %add3A_72 = arith.addi %mul3A_69, %mul3A_71 : i32
      "tpu.region"() ({
        %run_scoped3A = tpu.sem_alloc : memref<!tpu.dma_semaphore, #tpu.memory_space<semaphore_mem>>
        %dma_start3A_74 = arith.constant 0 : i32
        %dma_start3A_75 = tpu.memref_slice %arg17[%add3A_72, %dma_start3A_74] : memref<10240x128xf32, #tpu.memory_space<vmem_shared>> -> memref<128x128xf32, #tpu.memory_space<vmem_shared>>
        %dma_start3A_76 = arith.constant 0 : i32
        %dma_start3A_77 = tpu.memref_slice %arg17[%add3A_72, %dma_start3A_76] : memref<10240x128xf32, #tpu.memory_space<vmem_shared>> -> memref<128x128xf32, #tpu.memory_space<vmem_shared>>
        tpu.enqueue_dma source(%dma_start3A_77 : memref<128x128xf32, #tpu.memory_space<vmem_shared>>) target(%arg15 : memref<128x128xf32, #tpu.memory_space<vmem>>) target_semaphore(%run_scoped3A : memref<!tpu.dma_semaphore, #tpu.memory_space<semaphore_mem>>)
        %dma_wait3A_78 = arith.constant 0 : i32
        %dma_wait3A_79 = tpu.memref_slice %arg17[%add3A_72, %dma_wait3A_78] : memref<10240x128xf32, #tpu.memory_space<vmem_shared>> -> memref<128x128xf32, #tpu.memory_space<vmem_shared>>
        %dma_wait3A_80 = arith.constant 0 : i32
        %dma_wait3A_81 = tpu.memref_slice %arg17[%add3A_72, %dma_wait3A_80] : memref<10240x128xf32, #tpu.memory_space<vmem_shared>> -> memref<128x128xf32, #tpu.memory_space<vmem_shared>>
        tpu.wait_dma2 semaphore(%run_scoped3A : memref<!tpu.dma_semaphore, #tpu.memory_space<semaphore_mem>>) src(%dma_wait3A_81 : memref<128x128xf32, #tpu.memory_space<vmem_shared>>) dst(%arg15 : memref<128x128xf32, #tpu.memory_space<vmem>>)
        tpu.yield
      }) : () -> ()
      "tpu.region"() ({
        %run_scoped3A = tpu.sem_alloc : memref<!tpu.dma_semaphore, #tpu.memory_space<semaphore_mem>>
        %dma_start3A_74 = arith.constant 0 : i32
        %dma_start3A_75 = tpu.memref_slice %arg6[%arg0, %add3A_72, %dma_start3A_74] : memref<2x10240x128xf32, #tpu.memory_space<hbm>> -> memref<1x128x128xf32, #tpu.memory_space<hbm>>
        %dma_start3A_76 = tpu.memref_squeeze %dma_start3A_75 : memref<1x128x128xf32, #tpu.memory_space<hbm>> -> memref<128x128xf32, #tpu.memory_space<hbm>>
        %dma_start3A_77 = arith.constant 0 : i32
        %dma_start3A_78 = tpu.memref_slice %arg6[%arg0, %add3A_72, %dma_start3A_77] : memref<2x10240x128xf32, #tpu.memory_space<hbm>> -> memref<1x128x128xf32, #tpu.memory_space<hbm>>
        %dma_start3A_79 = tpu.memref_squeeze %dma_start3A_78 : memref<1x128x128xf32, #tpu.memory_space<hbm>> -> memref<128x128xf32, #tpu.memory_space<hbm>>
        tpu.enqueue_dma source(%arg15 : memref<128x128xf32, #tpu.memory_space<vmem>>) target(%dma_start3A_79 : memref<128x128xf32, #tpu.memory_space<hbm>>) target_semaphore(%run_scoped3A : memref<!tpu.dma_semaphore, #tpu.memory_space<semaphore_mem>>)
        %dma_wait3A_80 = arith.constant 0 : i32
        %dma_wait3A_81 = tpu.memref_slice %arg6[%arg0, %add3A_72, %dma_wait3A_80] : memref<2x10240x128xf32, #tpu.memory_space<hbm>> -> memref<1x128x128xf32, #tpu.memory_space<hbm>>
        %dma_wait3A_82 = tpu.memref_squeeze %dma_wait3A_81 : memref<1x128x128xf32, #tpu.memory_space<hbm>> -> memref<128x128xf32, #tpu.memory_space<hbm>>
        %dma_wait3A_83 = arith.constant 0 : i32
        %dma_wait3A_84 = tpu.memref_slice %arg6[%arg0, %add3A_72, %dma_wait3A_83] : memref<2x10240x128xf32, #tpu.memory_space<hbm>> -> memref<1x128x128xf32, #tpu.memory_space<hbm>>
        %dma_wait3A_85 = tpu.memref_squeeze %dma_wait3A_84 : memref<1x128x128xf32, #tpu.memory_space<hbm>> -> memref<128x128xf32, #tpu.memory_space<hbm>>
        tpu.wait_dma2 semaphore(%run_scoped3A : memref<!tpu.dma_semaphore, #tpu.memory_space<semaphore_mem>>) src(%arg15 : memref<128x128xf32, #tpu.memory_space<vmem>>) dst(%dma_wait3A_85 : memref<128x128xf32, #tpu.memory_space<hbm>>)
        tpu.yield
      }) : () -> ()
      %scan3A_73 = arith.constant 0 : i32
      scf.yield %scan3A_73 : i32
    }
    %scan3A_65 = arith.constant 5 : i32
    return
  }
}

#map = affine_map<(d0, d1) -> (0)>
#map1 = affine_map<(d0, d1) -> (0, 0)>
module attributes {stable_mosaic.version = 14 : i64} {
  func.func @k(%arg0: i32, %arg1: i32, %arg2: memref<335872xi32, #tpu.memory_space<hbm>>, %arg3: memref<335872xi32, #tpu.memory_space<hbm>>, %arg4: memref<10240xf32, #tpu.memory_space<hbm>>, %arg5: memref<10240xf32, #tpu.memory_space<hbm>>, %arg6: memref<335872xf32, #tpu.memory_space<hbm>>, %arg7: memref<2x10240xf32, #tpu.memory_space<hbm>>, %arg8: memref<10240xf32, #tpu.memory_space<vmem>>, %arg9: memref<10240xf32, #tpu.memory_space<vmem>>, %arg10: memref<128xi32, #tpu.memory_space<vmem>>, %arg11: memref<128xi32, #tpu.memory_space<vmem>>, %arg12: memref<128xi32, #tpu.memory_space<vmem>>, %arg13: memref<128xi32, #tpu.memory_space<vmem>>, %arg14: memref<128xi32, #tpu.memory_space<vmem>>, %arg15: memref<128xi32, #tpu.memory_space<vmem>>, %arg16: memref<128xf32, #tpu.memory_space<vmem>>, %arg17: memref<128xf32, #tpu.memory_space<vmem>>, %arg18: memref<640xf32, #tpu.memory_space<vmem>>, %arg19: memref<10240xf32, #tpu.memory_space<vmem_shared>>, %arg20: memref<!tpu.dma_semaphore, #tpu.memory_space<semaphore_mem>>, %arg21: memref<!tpu.dma_semaphore, #tpu.memory_space<semaphore_mem>>, %arg22: memref<!tpu.dma_semaphore, #tpu.memory_space<semaphore_mem>>, %arg23: memref<!tpu.dma_semaphore, #tpu.memory_space<semaphore_mem>>, %arg24: memref<!tpu.dma_semaphore, #tpu.memory_space<semaphore_mem>>, %arg25: memref<!tpu.dma_semaphore, #tpu.memory_space<semaphore_mem>>) attributes {dimension_semantics = [#tpu.dimension_semantics<core_parallel>, #tpu.dimension_semantics<subcore_parallel>], iteration_bounds = array<i64: 2, 16>, scalar_prefetch = 0 : i64, scratch_operands = 18 : i64, tpu.core_type = #tpu.core_type<sc_vector_subcore>, window_params = [{transform_indices = #map}, {transform_indices = #map}, {transform_indices = #map}, {transform_indices = #map}, {transform_indices = #map}, {transform_indices = #map1}]} {
    %mul3A = arith.constant 16 : i32
    %mul3A_0 = arith.muli %arg0, %mul3A : i32
    %add3A = arith.addi %mul3A_0, %arg1 : i32
    %scan3A = arith.constant 0 : i32
    %scan3A_1 = arith.constant 0 : i32
    %scan3A_2 = arith.constant 40 : i32
    %scan3A_3 = arith.addi %scan3A_1, %scan3A_2 : i32
    %scan3A_4 = arith.constant 1 : i32
    %scan3A_5 = scf.for %scan3A_51 = %scan3A_1 to %scan3A_3 step %scan3A_4 iter_args(%scan3A_52 = %scan3A) -> (i32)  : i32 {
      %broadcast_in_dim3A = arith.constant 0.000000e+00 : f32
      %broadcast_in_dim3A_53 = vector.broadcast %broadcast_in_dim3A : f32 to vector<16xf32>
      %mul3A_54 = arith.constant 16 : i32
      %mul3A_55 = arith.muli %scan3A_51, %mul3A_54 : i32
      %swap3A = arith.index_cast %mul3A_55 : i32 to index
      %swap3A_56 = tpu.vector_load %arg18[%swap3A] {strides = array<i32>} : memref<640xf32, #tpu.memory_space<vmem>>, vector<16xf32>,
      tpu.vector_store %arg18[%swap3A], %broadcast_in_dim3A_53 {strides = array<i32>} : memref<640xf32, #tpu.memory_space<vmem>>, vector<16xf32>,
      %scan3A_57 = arith.constant 0 : i32
      scf.yield %scan3A_57 : i32
    }
    %scan3A_6 = arith.constant 40 : i32
    %mul3A_7 = arith.constant 640 : i32
    %mul3A_8 = arith.muli %arg1, %mul3A_7 : i32
    "tpu.region"() ({
      %run_scoped3A = tpu.sem_alloc : memref<!tpu.dma_semaphore, #tpu.memory_space<semaphore_mem>>
      %dma_start3A_51 = tpu.memref_slice %arg19[%mul3A_8] : memref<10240xf32, #tpu.memory_space<vmem_shared>> -> memref<640xf32, #tpu.memory_space<vmem_shared>>
      %dma_start3A_52 = tpu.memref_slice %arg19[%mul3A_8] : memref<10240xf32, #tpu.memory_space<vmem_shared>> -> memref<640xf32, #tpu.memory_space<vmem_shared>>
      tpu.enqueue_dma source(%arg18 : memref<640xf32, #tpu.memory_space<vmem>>) target(%dma_start3A_52 : memref<640xf32, #tpu.memory_space<vmem_shared>>) target_semaphore(%run_scoped3A : memref<!tpu.dma_semaphore, #tpu.memory_space<semaphore_mem>>)
      %dma_wait3A_53 = tpu.memref_slice %arg19[%mul3A_8] : memref<10240xf32, #tpu.memory_space<vmem_shared>> -> memref<640xf32, #tpu.memory_space<vmem_shared>>
      %dma_wait3A_54 = tpu.memref_slice %arg19[%mul3A_8] : memref<10240xf32, #tpu.memory_space<vmem_shared>> -> memref<640xf32, #tpu.memory_space<vmem_shared>>
      tpu.wait_dma2 semaphore(%run_scoped3A : memref<!tpu.dma_semaphore, #tpu.memory_space<semaphore_mem>>) src(%arg18 : memref<640xf32, #tpu.memory_space<vmem>>) dst(%dma_wait3A_54 : memref<640xf32, #tpu.memory_space<vmem_shared>>)
      tpu.yield
    }) : () -> ()
    "tpu.region"() ({
      %run_scoped3A = tpu.sem_alloc : memref<!tpu.dma_semaphore, #tpu.memory_space<semaphore_mem>>
      tpu.enqueue_dma source(%arg4 : memref<10240xf32, #tpu.memory_space<hbm>>) target(%arg8 : memref<10240xf32, #tpu.memory_space<vmem>>) target_semaphore(%run_scoped3A : memref<!tpu.dma_semaphore, #tpu.memory_space<semaphore_mem>>)
      tpu.wait_dma2 semaphore(%run_scoped3A : memref<!tpu.dma_semaphore, #tpu.memory_space<semaphore_mem>>) src(%arg4 : memref<10240xf32, #tpu.memory_space<hbm>>) dst(%arg8 : memref<10240xf32, #tpu.memory_space<vmem>>)
      tpu.yield
    }) : () -> ()
    "tpu.region"() ({
      %run_scoped3A = tpu.sem_alloc : memref<!tpu.dma_semaphore, #tpu.memory_space<semaphore_mem>>
      tpu.enqueue_dma source(%arg5 : memref<10240xf32, #tpu.memory_space<hbm>>) target(%arg9 : memref<10240xf32, #tpu.memory_space<vmem>>) target_semaphore(%run_scoped3A : memref<!tpu.dma_semaphore, #tpu.memory_space<semaphore_mem>>)
      tpu.wait_dma2 semaphore(%run_scoped3A : memref<!tpu.dma_semaphore, #tpu.memory_space<semaphore_mem>>) src(%arg5 : memref<10240xf32, #tpu.memory_space<hbm>>) dst(%arg9 : memref<10240xf32, #tpu.memory_space<vmem>>)
      tpu.yield
    }) : () -> ()
    %mul3A_9 = arith.constant 10496 : i32
    %mul3A_10 = arith.muli %add3A, %mul3A_9 : i32
    %add3A_11 = arith.constant 0 : i32
    %add3A_12 = arith.addi %mul3A_10, %add3A_11 : i32
    %dma_start3A = tpu.memref_slice %arg2[%add3A_12] : memref<335872xi32, #tpu.memory_space<hbm>> -> memref<128xi32, #tpu.memory_space<hbm>>
    %dma_start3A_13 = tpu.memref_slice %arg2[%add3A_12] : memref<335872xi32, #tpu.memory_space<hbm>> -> memref<128xi32, #tpu.memory_space<hbm>>
    tpu.enqueue_dma source(%dma_start3A_13 : memref<128xi32, #tpu.memory_space<hbm>>) target(%arg10 : memref<128xi32, #tpu.memory_space<vmem>>) target_semaphore(%arg20 : memref<!tpu.dma_semaphore, #tpu.memory_space<semaphore_mem>>)
    %dma_start3A_14 = tpu.memref_slice %arg3[%add3A_12] : memref<335872xi32, #tpu.memory_space<hbm>> -> memref<128xi32, #tpu.memory_space<hbm>>
    %dma_start3A_15 = tpu.memref_slice %arg3[%add3A_12] : memref<335872xi32, #tpu.memory_space<hbm>> -> memref<128xi32, #tpu.memory_space<hbm>>
    tpu.enqueue_dma source(%dma_start3A_15 : memref<128xi32, #tpu.memory_space<hbm>>) target(%arg12 : memref<128xi32, #tpu.memory_space<vmem>>) target_semaphore(%arg20 : memref<!tpu.dma_semaphore, #tpu.memory_space<semaphore_mem>>)
    %mul3A_16 = arith.constant 10496 : i32
    %mul3A_17 = arith.muli %add3A, %mul3A_16 : i32
    %add3A_18 = arith.constant 128 : i32
    %add3A_19 = arith.addi %mul3A_17, %add3A_18 : i32
    %dma_start3A_20 = tpu.memref_slice %arg2[%add3A_19] : memref<335872xi32, #tpu.memory_space<hbm>> -> memref<128xi32, #tpu.memory_space<hbm>>
    %dma_start3A_21 = tpu.memref_slice %arg2[%add3A_19] : memref<335872xi32, #tpu.memory_space<hbm>> -> memref<128xi32, #tpu.memory_space<hbm>>
    tpu.enqueue_dma source(%dma_start3A_21 : memref<128xi32, #tpu.memory_space<hbm>>) target(%arg11 : memref<128xi32, #tpu.memory_space<vmem>>) target_semaphore(%arg21 : memref<!tpu.dma_semaphore, #tpu.memory_space<semaphore_mem>>)
    %dma_start3A_22 = tpu.memref_slice %arg3[%add3A_19] : memref<335872xi32, #tpu.memory_space<hbm>> -> memref<128xi32, #tpu.memory_space<hbm>>
    %dma_start3A_23 = tpu.memref_slice %arg3[%add3A_19] : memref<335872xi32, #tpu.memory_space<hbm>> -> memref<128xi32, #tpu.memory_space<hbm>>
    tpu.enqueue_dma source(%dma_start3A_23 : memref<128xi32, #tpu.memory_space<hbm>>) target(%arg13 : memref<128xi32, #tpu.memory_space<vmem>>) target_semaphore(%arg21 : memref<!tpu.dma_semaphore, #tpu.memory_space<semaphore_mem>>)
    %barrier3A = arith.constant 0 : index
    tpu.barrier barrier_id(%barrier3A)
    %scan3A_24 = arith.constant 0 : i32
    %scan3A_25 = arith.constant 0 : i32
    %scan3A_26 = arith.constant 41 : i32
    %scan3A_27 = arith.addi %scan3A_25, %scan3A_26 : i32
    %scan3A_28 = arith.constant 1 : i32
    %scan3A_29 = scf.for %scan3A_51 = %scan3A_25 to %scan3A_27 step %scan3A_28 iter_args(%scan3A_52 = %scan3A_24) -> (i32)  : i32 {
      %mul3A_53 = arith.constant 2 : i32
      %mul3A_54 = arith.muli %mul3A_53, %scan3A_51 : i32
      %add3A_55 = arith.constant 0 : i32
      %add3A_56 = arith.addi %mul3A_54, %add3A_55 : i32
      %mul3A_57 = arith.constant 10496 : i32
      %mul3A_58 = arith.muli %add3A, %mul3A_57 : i32
      %mul3A_59 = arith.constant 128 : i32
      %mul3A_60 = arith.muli %add3A_56, %mul3A_59 : i32
      %add3A_61 = arith.addi %mul3A_58, %mul3A_60 : i32
      %dma_wait3A_62 = tpu.memref_slice %arg2[%add3A_61] : memref<335872xi32, #tpu.memory_space<hbm>> -> memref<128xi32, #tpu.memory_space<hbm>>
      %dma_wait3A_63 = tpu.memref_slice %arg2[%add3A_61] : memref<335872xi32, #tpu.memory_space<hbm>> -> memref<128xi32, #tpu.memory_space<hbm>>
      tpu.wait_dma2 semaphore(%arg20 : memref<!tpu.dma_semaphore, #tpu.memory_space<semaphore_mem>>) src(%dma_wait3A_63 : memref<128xi32, #tpu.memory_space<hbm>>) dst(%arg10 : memref<128xi32, #tpu.memory_space<vmem>>)
      %dma_wait3A_64 = tpu.memref_slice %arg3[%add3A_61] : memref<335872xi32, #tpu.memory_space<hbm>> -> memref<128xi32, #tpu.memory_space<hbm>>
      %dma_wait3A_65 = tpu.memref_slice %arg3[%add3A_61] : memref<335872xi32, #tpu.memory_space<hbm>> -> memref<128xi32, #tpu.memory_space<hbm>>
      tpu.wait_dma2 semaphore(%arg20 : memref<!tpu.dma_semaphore, #tpu.memory_space<semaphore_mem>>) src(%dma_wait3A_65 : memref<128xi32, #tpu.memory_space<hbm>>) dst(%arg12 : memref<128xi32, #tpu.memory_space<vmem>>)
      %ge3A = arith.constant 1 : i32
      %ge3A_66 = arith.cmpi sge, %scan3A_51, %ge3A : i32
      %convert_element_type3A = arith.extui %ge3A_66 : i1 to i32
      %cond3A = arith.constant 0 : i32
      %cond3A_67 = arith.cmpi ne, %convert_element_type3A, %cond3A : i32
      scf.if %cond3A_67 {
        %sub3A = arith.constant 2 : i32
        %sub3A_413 = arith.subi %add3A_56, %sub3A : i32
        %mul3A_414 = arith.constant 10496 : i32
        %mul3A_415 = arith.muli %add3A, %mul3A_414 : i32
        %mul3A_416 = arith.constant 128 : i32
        %mul3A_417 = arith.muli %sub3A_413, %mul3A_416 : i32
        %add3A_418 = arith.addi %mul3A_415, %mul3A_417 : i32
        %dma_wait3A_419 = tpu.memref_slice %arg6[%add3A_418] : memref<335872xf32, #tpu.memory_space<hbm>> -> memref<128xf32, #tpu.memory_space<hbm>>
        %dma_wait3A_420 = tpu.memref_slice %arg6[%add3A_418] : memref<335872xf32, #tpu.memory_space<hbm>> -> memref<128xf32, #tpu.memory_space<hbm>>
        tpu.wait_dma2 semaphore(%arg22 : memref<!tpu.dma_semaphore, #tpu.memory_space<semaphore_mem>>) src(%arg16 : memref<128xf32, #tpu.memory_space<vmem>>) dst(%dma_wait3A_420 : memref<128xf32, #tpu.memory_space<hbm>>)
        %dma_wait3A_421 = arith.constant 0 : i32
        %dma_wait3A_422 = tpu.memref_slice %arg19[%dma_wait3A_421] : memref<10240xf32, #tpu.memory_space<vmem_shared>> -> memref<10240xf32, #tpu.memory_space<vmem_shared>>
        tpu.wait_indirect_dma semaphore(%arg24 : memref<!tpu.dma_semaphore, #tpu.memory_space<semaphore_mem>>) src(%arg16 : memref<128xf32, #tpu.memory_space<vmem>>) dst(%dma_wait3A_422 : memref<10240xf32, #tpu.memory_space<vmem_shared>>)
      } else {
      }
      %get3A = arith.constant 0 : index
      %get3A_68 = tpu.vector_load %arg10[%get3A] {strides = array<i32>} : memref<128xi32, #tpu.memory_space<vmem>>, vector<16xi32>,
      %get3A_69 = arith.constant 0 : index
      %get3A_70 = tpu.vector_load %arg12[%get3A_69] {strides = array<i32>} : memref<128xi32, #tpu.memory_space<vmem>>, vector<16xi32>,
      %gather3A = tpu.vector_load_idx %arg8[%get3A_68] : memref<10240xf32, #tpu.memory_space<vmem>>[vector<16xi32>], vector<16xf32>,
      %gather3A_71 = tpu.vector_load_idx %arg9[%get3A_70] : memref<10240xf32, #tpu.memory_space<vmem>>[vector<16xi32>], vector<16xf32>,
      %add3A_72 = arith.addf %gather3A, %gather3A_71 : vector<16xf32>
      %ge3A_73 = arith.constant 0.000000e+00 : f32
      %ge3A_74 = vector.broadcast %ge3A_73 : f32 to vector<16xf32>
      %ge3A_75 = arith.cmpf oge, %add3A_72, %ge3A_74 : vector<16xf32>
      %mul3A_76 = arith.constant 2.000000e-01 : f32
      %mul3A_77 = vector.broadcast %mul3A_76 : f32 to vector<16xf32>
      %mul3A_78 = arith.mulf %add3A_72, %mul3A_77 : vector<16xf32>
      %select_n3A = arith.select %ge3A_75, %add3A_72, %mul3A_78 : vector<16xi1>, vector<16xf32>
      %exp3A = math.exp %select_n3A : vector<16xf32>
      %swap3A = arith.constant 0 : index
      %swap3A_79 = tpu.vector_load %arg16[%swap3A] {strides = array<i32>} : memref<128xf32, #tpu.memory_space<vmem>>, vector<16xf32>,
      tpu.vector_store %arg16[%swap3A], %exp3A {strides = array<i32>} : memref<128xf32, #tpu.memory_space<vmem>>, vector<16xf32>,
      %swap3A_80 = arith.constant 0 : index
      %swap3A_81 = tpu.vector_load %arg14[%swap3A_80] {strides = array<i32>} : memref<128xi32, #tpu.memory_space<vmem>>, vector<16xi32>,
      tpu.vector_store %arg14[%swap3A_80], %get3A_70 {strides = array<i32>} : memref<128xi32, #tpu.memory_space<vmem>>, vector<16xi32>,
      %get3A_82 = arith.constant 16 : index
      %get3A_83 = tpu.vector_load %arg10[%get3A_82] {strides = array<i32>} : memref<128xi32, #tpu.memory_space<vmem>>, vector<16xi32>,
      %get3A_84 = arith.constant 16 : index
      %get3A_85 = tpu.vector_load %arg12[%get3A_84] {strides = array<i32>} : memref<128xi32, #tpu.memory_space<vmem>>, vector<16xi32>,
      %gather3A_86 = tpu.vector_load_idx %arg8[%get3A_83] : memref<10240xf32, #tpu.memory_space<vmem>>[vector<16xi32>], vector<16xf32>,
      %gather3A_87 = tpu.vector_load_idx %arg9[%get3A_85] : memref<10240xf32, #tpu.memory_space<vmem>>[vector<16xi32>], vector<16xf32>,
      %add3A_88 = arith.addf %gather3A_86, %gather3A_87 : vector<16xf32>
      %ge3A_89 = arith.constant 0.000000e+00 : f32
      %ge3A_90 = vector.broadcast %ge3A_89 : f32 to vector<16xf32>
      %ge3A_91 = arith.cmpf oge, %add3A_88, %ge3A_90 : vector<16xf32>
      %mul3A_92 = arith.constant 2.000000e-01 : f32
      %mul3A_93 = vector.broadcast %mul3A_92 : f32 to vector<16xf32>
      %mul3A_94 = arith.mulf %add3A_88, %mul3A_93 : vector<16xf32>
      %select_n3A_95 = arith.select %ge3A_91, %add3A_88, %mul3A_94 : vector<16xi1>, vector<16xf32>
      %exp3A_96 = math.exp %select_n3A_95 : vector<16xf32>
      %swap3A_97 = arith.constant 16 : index
      %swap3A_98 = tpu.vector_load %arg16[%swap3A_97] {strides = array<i32>} : memref<128xf32, #tpu.memory_space<vmem>>, vector<16xf32>,
      tpu.vector_store %arg16[%swap3A_97], %exp3A_96 {strides = array<i32>} : memref<128xf32, #tpu.memory_space<vmem>>, vector<16xf32>,
      %swap3A_99 = arith.constant 16 : index
      %swap3A_100 = tpu.vector_load %arg14[%swap3A_99] {strides = array<i32>} : memref<128xi32, #tpu.memory_space<vmem>>, vector<16xi32>,
      tpu.vector_store %arg14[%swap3A_99], %get3A_85 {strides = array<i32>} : memref<128xi32, #tpu.memory_space<vmem>>, vector<16xi32>,
      %get3A_101 = arith.constant 32 : index
      %get3A_102 = tpu.vector_load %arg10[%get3A_101] {strides = array<i32>} : memref<128xi32, #tpu.memory_space<vmem>>, vector<16xi32>,
      %get3A_103 = arith.constant 32 : index
      %get3A_104 = tpu.vector_load %arg12[%get3A_103] {strides = array<i32>} : memref<128xi32, #tpu.memory_space<vmem>>, vector<16xi32>,
      %gather3A_105 = tpu.vector_load_idx %arg8[%get3A_102] : memref<10240xf32, #tpu.memory_space<vmem>>[vector<16xi32>], vector<16xf32>,
      %gather3A_106 = tpu.vector_load_idx %arg9[%get3A_104] : memref<10240xf32, #tpu.memory_space<vmem>>[vector<16xi32>], vector<16xf32>,
      %add3A_107 = arith.addf %gather3A_105, %gather3A_106 : vector<16xf32>
      %ge3A_108 = arith.constant 0.000000e+00 : f32
      %ge3A_109 = vector.broadcast %ge3A_108 : f32 to vector<16xf32>
      %ge3A_110 = arith.cmpf oge, %add3A_107, %ge3A_109 : vector<16xf32>
      %mul3A_111 = arith.constant 2.000000e-01 : f32
      %mul3A_112 = vector.broadcast %mul3A_111 : f32 to vector<16xf32>
      %mul3A_113 = arith.mulf %add3A_107, %mul3A_112 : vector<16xf32>
      %select_n3A_114 = arith.select %ge3A_110, %add3A_107, %mul3A_113 : vector<16xi1>, vector<16xf32>
      %exp3A_115 = math.exp %select_n3A_114 : vector<16xf32>
      %swap3A_116 = arith.constant 32 : index
      %swap3A_117 = tpu.vector_load %arg16[%swap3A_116] {strides = array<i32>} : memref<128xf32, #tpu.memory_space<vmem>>, vector<16xf32>,
      tpu.vector_store %arg16[%swap3A_116], %exp3A_115 {strides = array<i32>} : memref<128xf32, #tpu.memory_space<vmem>>, vector<16xf32>,
      %swap3A_118 = arith.constant 32 : index
      %swap3A_119 = tpu.vector_load %arg14[%swap3A_118] {strides = array<i32>} : memref<128xi32, #tpu.memory_space<vmem>>, vector<16xi32>,
      tpu.vector_store %arg14[%swap3A_118], %get3A_104 {strides = array<i32>} : memref<128xi32, #tpu.memory_space<vmem>>, vector<16xi32>,
      %get3A_120 = arith.constant 48 : index
      %get3A_121 = tpu.vector_load %arg10[%get3A_120] {strides = array<i32>} : memref<128xi32, #tpu.memory_space<vmem>>, vector<16xi32>,
      %get3A_122 = arith.constant 48 : index
      %get3A_123 = tpu.vector_load %arg12[%get3A_122] {strides = array<i32>} : memref<128xi32, #tpu.memory_space<vmem>>, vector<16xi32>,
      %gather3A_124 = tpu.vector_load_idx %arg8[%get3A_121] : memref<10240xf32, #tpu.memory_space<vmem>>[vector<16xi32>], vector<16xf32>,
      %gather3A_125 = tpu.vector_load_idx %arg9[%get3A_123] : memref<10240xf32, #tpu.memory_space<vmem>>[vector<16xi32>], vector<16xf32>,
      %add3A_126 = arith.addf %gather3A_124, %gather3A_125 : vector<16xf32>
      %ge3A_127 = arith.constant 0.000000e+00 : f32
      %ge3A_128 = vector.broadcast %ge3A_127 : f32 to vector<16xf32>
      %ge3A_129 = arith.cmpf oge, %add3A_126, %ge3A_128 : vector<16xf32>
      %mul3A_130 = arith.constant 2.000000e-01 : f32
      %mul3A_131 = vector.broadcast %mul3A_130 : f32 to vector<16xf32>
      %mul3A_132 = arith.mulf %add3A_126, %mul3A_131 : vector<16xf32>
      %select_n3A_133 = arith.select %ge3A_129, %add3A_126, %mul3A_132 : vector<16xi1>, vector<16xf32>
      %exp3A_134 = math.exp %select_n3A_133 : vector<16xf32>
      %swap3A_135 = arith.constant 48 : index
      %swap3A_136 = tpu.vector_load %arg16[%swap3A_135] {strides = array<i32>} : memref<128xf32, #tpu.memory_space<vmem>>, vector<16xf32>,
      tpu.vector_store %arg16[%swap3A_135], %exp3A_134 {strides = array<i32>} : memref<128xf32, #tpu.memory_space<vmem>>, vector<16xf32>,
      %swap3A_137 = arith.constant 48 : index
      %swap3A_138 = tpu.vector_load %arg14[%swap3A_137] {strides = array<i32>} : memref<128xi32, #tpu.memory_space<vmem>>, vector<16xi32>,
      tpu.vector_store %arg14[%swap3A_137], %get3A_123 {strides = array<i32>} : memref<128xi32, #tpu.memory_space<vmem>>, vector<16xi32>,
      %get3A_139 = arith.constant 64 : index
      %get3A_140 = tpu.vector_load %arg10[%get3A_139] {strides = array<i32>} : memref<128xi32, #tpu.memory_space<vmem>>, vector<16xi32>,
      %get3A_141 = arith.constant 64 : index
      %get3A_142 = tpu.vector_load %arg12[%get3A_141] {strides = array<i32>} : memref<128xi32, #tpu.memory_space<vmem>>, vector<16xi32>,
      %gather3A_143 = tpu.vector_load_idx %arg8[%get3A_140] : memref<10240xf32, #tpu.memory_space<vmem>>[vector<16xi32>], vector<16xf32>,
      %gather3A_144 = tpu.vector_load_idx %arg9[%get3A_142] : memref<10240xf32, #tpu.memory_space<vmem>>[vector<16xi32>], vector<16xf32>,
      %add3A_145 = arith.addf %gather3A_143, %gather3A_144 : vector<16xf32>
      %ge3A_146 = arith.constant 0.000000e+00 : f32
      %ge3A_147 = vector.broadcast %ge3A_146 : f32 to vector<16xf32>
      %ge3A_148 = arith.cmpf oge, %add3A_145, %ge3A_147 : vector<16xf32>
      %mul3A_149 = arith.constant 2.000000e-01 : f32
      %mul3A_150 = vector.broadcast %mul3A_149 : f32 to vector<16xf32>
      %mul3A_151 = arith.mulf %add3A_145, %mul3A_150 : vector<16xf32>
      %select_n3A_152 = arith.select %ge3A_148, %add3A_145, %mul3A_151 : vector<16xi1>, vector<16xf32>
      %exp3A_153 = math.exp %select_n3A_152 : vector<16xf32>
      %swap3A_154 = arith.constant 64 : index
      %swap3A_155 = tpu.vector_load %arg16[%swap3A_154] {strides = array<i32>} : memref<128xf32, #tpu.memory_space<vmem>>, vector<16xf32>,
      tpu.vector_store %arg16[%swap3A_154], %exp3A_153 {strides = array<i32>} : memref<128xf32, #tpu.memory_space<vmem>>, vector<16xf32>,
      %swap3A_156 = arith.constant 64 : index
      %swap3A_157 = tpu.vector_load %arg14[%swap3A_156] {strides = array<i32>} : memref<128xi32, #tpu.memory_space<vmem>>, vector<16xi32>,
      tpu.vector_store %arg14[%swap3A_156], %get3A_142 {strides = array<i32>} : memref<128xi32, #tpu.memory_space<vmem>>, vector<16xi32>,
      %get3A_158 = arith.constant 80 : index
      %get3A_159 = tpu.vector_load %arg10[%get3A_158] {strides = array<i32>} : memref<128xi32, #tpu.memory_space<vmem>>, vector<16xi32>,
      %get3A_160 = arith.constant 80 : index
      %get3A_161 = tpu.vector_load %arg12[%get3A_160] {strides = array<i32>} : memref<128xi32, #tpu.memory_space<vmem>>, vector<16xi32>,
      %gather3A_162 = tpu.vector_load_idx %arg8[%get3A_159] : memref<10240xf32, #tpu.memory_space<vmem>>[vector<16xi32>], vector<16xf32>,
      %gather3A_163 = tpu.vector_load_idx %arg9[%get3A_161] : memref<10240xf32, #tpu.memory_space<vmem>>[vector<16xi32>], vector<16xf32>,
      %add3A_164 = arith.addf %gather3A_162, %gather3A_163 : vector<16xf32>
      %ge3A_165 = arith.constant 0.000000e+00 : f32
      %ge3A_166 = vector.broadcast %ge3A_165 : f32 to vector<16xf32>
      %ge3A_167 = arith.cmpf oge, %add3A_164, %ge3A_166 : vector<16xf32>
      %mul3A_168 = arith.constant 2.000000e-01 : f32
      %mul3A_169 = vector.broadcast %mul3A_168 : f32 to vector<16xf32>
      %mul3A_170 = arith.mulf %add3A_164, %mul3A_169 : vector<16xf32>
      %select_n3A_171 = arith.select %ge3A_167, %add3A_164, %mul3A_170 : vector<16xi1>, vector<16xf32>
      %exp3A_172 = math.exp %select_n3A_171 : vector<16xf32>
      %swap3A_173 = arith.constant 80 : index
      %swap3A_174 = tpu.vector_load %arg16[%swap3A_173] {strides = array<i32>} : memref<128xf32, #tpu.memory_space<vmem>>, vector<16xf32>,
      tpu.vector_store %arg16[%swap3A_173], %exp3A_172 {strides = array<i32>} : memref<128xf32, #tpu.memory_space<vmem>>, vector<16xf32>,
      %swap3A_175 = arith.constant 80 : index
      %swap3A_176 = tpu.vector_load %arg14[%swap3A_175] {strides = array<i32>} : memref<128xi32, #tpu.memory_space<vmem>>, vector<16xi32>,
      tpu.vector_store %arg14[%swap3A_175], %get3A_161 {strides = array<i32>} : memref<128xi32, #tpu.memory_space<vmem>>, vector<16xi32>,
      %get3A_177 = arith.constant 96 : index
      %get3A_178 = tpu.vector_load %arg10[%get3A_177] {strides = array<i32>} : memref<128xi32, #tpu.memory_space<vmem>>, vector<16xi32>,
      %get3A_179 = arith.constant 96 : index
      %get3A_180 = tpu.vector_load %arg12[%get3A_179] {strides = array<i32>} : memref<128xi32, #tpu.memory_space<vmem>>, vector<16xi32>,
      %gather3A_181 = tpu.vector_load_idx %arg8[%get3A_178] : memref<10240xf32, #tpu.memory_space<vmem>>[vector<16xi32>], vector<16xf32>,
      %gather3A_182 = tpu.vector_load_idx %arg9[%get3A_180] : memref<10240xf32, #tpu.memory_space<vmem>>[vector<16xi32>], vector<16xf32>,
      %add3A_183 = arith.addf %gather3A_181, %gather3A_182 : vector<16xf32>
      %ge3A_184 = arith.constant 0.000000e+00 : f32
      %ge3A_185 = vector.broadcast %ge3A_184 : f32 to vector<16xf32>
      %ge3A_186 = arith.cmpf oge, %add3A_183, %ge3A_185 : vector<16xf32>
      %mul3A_187 = arith.constant 2.000000e-01 : f32
      %mul3A_188 = vector.broadcast %mul3A_187 : f32 to vector<16xf32>
      %mul3A_189 = arith.mulf %add3A_183, %mul3A_188 : vector<16xf32>
      %select_n3A_190 = arith.select %ge3A_186, %add3A_183, %mul3A_189 : vector<16xi1>, vector<16xf32>
      %exp3A_191 = math.exp %select_n3A_190 : vector<16xf32>
      %swap3A_192 = arith.constant 96 : index
      %swap3A_193 = tpu.vector_load %arg16[%swap3A_192] {strides = array<i32>} : memref<128xf32, #tpu.memory_space<vmem>>, vector<16xf32>,
      tpu.vector_store %arg16[%swap3A_192], %exp3A_191 {strides = array<i32>} : memref<128xf32, #tpu.memory_space<vmem>>, vector<16xf32>,
      %swap3A_194 = arith.constant 96 : index
      %swap3A_195 = tpu.vector_load %arg14[%swap3A_194] {strides = array<i32>} : memref<128xi32, #tpu.memory_space<vmem>>, vector<16xi32>,
      tpu.vector_store %arg14[%swap3A_194], %get3A_180 {strides = array<i32>} : memref<128xi32, #tpu.memory_space<vmem>>, vector<16xi32>,
      %get3A_196 = arith.constant 112 : index
      %get3A_197 = tpu.vector_load %arg10[%get3A_196] {strides = array<i32>} : memref<128xi32, #tpu.memory_space<vmem>>, vector<16xi32>,
      %get3A_198 = arith.constant 112 : index
      %get3A_199 = tpu.vector_load %arg12[%get3A_198] {strides = array<i32>} : memref<128xi32, #tpu.memory_space<vmem>>, vector<16xi32>,
      %gather3A_200 = tpu.vector_load_idx %arg8[%get3A_197] : memref<10240xf32, #tpu.memory_space<vmem>>[vector<16xi32>], vector<16xf32>,
      %gather3A_201 = tpu.vector_load_idx %arg9[%get3A_199] : memref<10240xf32, #tpu.memory_space<vmem>>[vector<16xi32>], vector<16xf32>,
      %add3A_202 = arith.addf %gather3A_200, %gather3A_201 : vector<16xf32>
      %ge3A_203 = arith.constant 0.000000e+00 : f32
      %ge3A_204 = vector.broadcast %ge3A_203 : f32 to vector<16xf32>
      %ge3A_205 = arith.cmpf oge, %add3A_202, %ge3A_204 : vector<16xf32>
      %mul3A_206 = arith.constant 2.000000e-01 : f32
      %mul3A_207 = vector.broadcast %mul3A_206 : f32 to vector<16xf32>
      %mul3A_208 = arith.mulf %add3A_202, %mul3A_207 : vector<16xf32>
      %select_n3A_209 = arith.select %ge3A_205, %add3A_202, %mul3A_208 : vector<16xi1>, vector<16xf32>
      %exp3A_210 = math.exp %select_n3A_209 : vector<16xf32>
      %swap3A_211 = arith.constant 112 : index
      %swap3A_212 = tpu.vector_load %arg16[%swap3A_211] {strides = array<i32>} : memref<128xf32, #tpu.memory_space<vmem>>, vector<16xf32>,
      tpu.vector_store %arg16[%swap3A_211], %exp3A_210 {strides = array<i32>} : memref<128xf32, #tpu.memory_space<vmem>>, vector<16xf32>,
      %swap3A_213 = arith.constant 112 : index
      %swap3A_214 = tpu.vector_load %arg14[%swap3A_213] {strides = array<i32>} : memref<128xi32, #tpu.memory_space<vmem>>, vector<16xi32>,
      tpu.vector_store %arg14[%swap3A_213], %get3A_199 {strides = array<i32>} : memref<128xi32, #tpu.memory_space<vmem>>, vector<16xi32>,
      %mul3A_215 = arith.constant 10496 : i32
      %mul3A_216 = arith.muli %add3A, %mul3A_215 : i32
      %mul3A_217 = arith.constant 128 : i32
      %mul3A_218 = arith.muli %add3A_56, %mul3A_217 : i32
      %add3A_219 = arith.addi %mul3A_216, %mul3A_218 : i32
      %dma_start3A_220 = tpu.memref_slice %arg6[%add3A_219] : memref<335872xf32, #tpu.memory_space<hbm>> -> memref<128xf32, #tpu.memory_space<hbm>>
      %dma_start3A_221 = tpu.memref_slice %arg6[%add3A_219] : memref<335872xf32, #tpu.memory_space<hbm>> -> memref<128xf32, #tpu.memory_space<hbm>>
      tpu.enqueue_dma source(%arg16 : memref<128xf32, #tpu.memory_space<vmem>>) target(%dma_start3A_221 : memref<128xf32, #tpu.memory_space<hbm>>) target_semaphore(%arg22 : memref<!tpu.dma_semaphore, #tpu.memory_space<semaphore_mem>>)
      %dma_start3A_222 = arith.constant 0 : i32
      %dma_start3A_223 = tpu.memref_slice %arg19[%dma_start3A_222] : memref<10240xf32, #tpu.memory_space<vmem_shared>> -> memref<10240xf32, #tpu.memory_space<vmem_shared>>
      tpu.enqueue_indirect_dma source(%arg16 : memref<128xf32, #tpu.memory_space<vmem>>) target(%dma_start3A_223 : memref<10240xf32, #tpu.memory_space<vmem_shared>>) offsets(%arg14 : memref<128xi32, #tpu.memory_space<vmem>>) semaphore(%arg24 : memref<!tpu.dma_semaphore, #tpu.memory_space<semaphore_mem>>) {add = true}
      %lt3A = arith.constant 40 : i32
      %lt3A_224 = arith.cmpi slt, %scan3A_51, %lt3A : i32
      %convert_element_type3A_225 = arith.extui %lt3A_224 : i1 to i32
      %cond3A_226 = arith.constant 0 : i32
      %cond3A_227 = arith.cmpi ne, %convert_element_type3A_225, %cond3A_226 : i32
      scf.if %cond3A_227 {
        %add3A_413 = arith.constant 2 : i32
        %add3A_414 = arith.addi %add3A_56, %add3A_413 : i32
        %mul3A_415 = arith.constant 10496 : i32
        %mul3A_416 = arith.muli %add3A, %mul3A_415 : i32
        %mul3A_417 = arith.constant 128 : i32
        %mul3A_418 = arith.muli %add3A_414, %mul3A_417 : i32
        %add3A_419 = arith.addi %mul3A_416, %mul3A_418 : i32
        %dma_start3A_420 = tpu.memref_slice %arg2[%add3A_419] : memref<335872xi32, #tpu.memory_space<hbm>> -> memref<128xi32, #tpu.memory_space<hbm>>
        %dma_start3A_421 = tpu.memref_slice %arg2[%add3A_419] : memref<335872xi32, #tpu.memory_space<hbm>> -> memref<128xi32, #tpu.memory_space<hbm>>
        tpu.enqueue_dma source(%dma_start3A_421 : memref<128xi32, #tpu.memory_space<hbm>>) target(%arg10 : memref<128xi32, #tpu.memory_space<vmem>>) target_semaphore(%arg20 : memref<!tpu.dma_semaphore, #tpu.memory_space<semaphore_mem>>)
        %dma_start3A_422 = tpu.memref_slice %arg3[%add3A_419] : memref<335872xi32, #tpu.memory_space<hbm>> -> memref<128xi32, #tpu.memory_space<hbm>>
        %dma_start3A_423 = tpu.memref_slice %arg3[%add3A_419] : memref<335872xi32, #tpu.memory_space<hbm>> -> memref<128xi32, #tpu.memory_space<hbm>>
        tpu.enqueue_dma source(%dma_start3A_423 : memref<128xi32, #tpu.memory_space<hbm>>) target(%arg12 : memref<128xi32, #tpu.memory_space<vmem>>) target_semaphore(%arg20 : memref<!tpu.dma_semaphore, #tpu.memory_space<semaphore_mem>>)
      } else {
      }
      %mul3A_228 = arith.constant 2 : i32
      %mul3A_229 = arith.muli %mul3A_228, %scan3A_51 : i32
      %add3A_230 = arith.constant 1 : i32
      %add3A_231 = arith.addi %mul3A_229, %add3A_230 : i32
      %mul3A_232 = arith.constant 10496 : i32
      %mul3A_233 = arith.muli %add3A, %mul3A_232 : i32
      %mul3A_234 = arith.constant 128 : i32
      %mul3A_235 = arith.muli %add3A_231, %mul3A_234 : i32
      %add3A_236 = arith.addi %mul3A_233, %mul3A_235 : i32
      %dma_wait3A_237 = tpu.memref_slice %arg2[%add3A_236] : memref<335872xi32, #tpu.memory_space<hbm>> -> memref<128xi32, #tpu.memory_space<hbm>>
      %dma_wait3A_238 = tpu.memref_slice %arg2[%add3A_236] : memref<335872xi32, #tpu.memory_space<hbm>> -> memref<128xi32, #tpu.memory_space<hbm>>
      tpu.wait_dma2 semaphore(%arg21 : memref<!tpu.dma_semaphore, #tpu.memory_space<semaphore_mem>>) src(%dma_wait3A_238 : memref<128xi32, #tpu.memory_space<hbm>>) dst(%arg11 : memref<128xi32, #tpu.memory_space<vmem>>)
      %dma_wait3A_239 = tpu.memref_slice %arg3[%add3A_236] : memref<335872xi32, #tpu.memory_space<hbm>> -> memref<128xi32, #tpu.memory_space<hbm>>
      %dma_wait3A_240 = tpu.memref_slice %arg3[%add3A_236] : memref<335872xi32, #tpu.memory_space<hbm>> -> memref<128xi32, #tpu.memory_space<hbm>>
      tpu.wait_dma2 semaphore(%arg21 : memref<!tpu.dma_semaphore, #tpu.memory_space<semaphore_mem>>) src(%dma_wait3A_240 : memref<128xi32, #tpu.memory_space<hbm>>) dst(%arg13 : memref<128xi32, #tpu.memory_space<vmem>>)
      %ge3A_241 = arith.constant 1 : i32
      %ge3A_242 = arith.cmpi sge, %scan3A_51, %ge3A_241 : i32
      %convert_element_type3A_243 = arith.extui %ge3A_242 : i1 to i32
      %cond3A_244 = arith.constant 0 : i32
      %cond3A_245 = arith.cmpi ne, %convert_element_type3A_243, %cond3A_244 : i32
      scf.if %cond3A_245 {
        %sub3A = arith.constant 2 : i32
        %sub3A_413 = arith.subi %add3A_231, %sub3A : i32
        %mul3A_414 = arith.constant 10496 : i32
        %mul3A_415 = arith.muli %add3A, %mul3A_414 : i32
        %mul3A_416 = arith.constant 128 : i32
        %mul3A_417 = arith.muli %sub3A_413, %mul3A_416 : i32
        %add3A_418 = arith.addi %mul3A_415, %mul3A_417 : i32
        %dma_wait3A_419 = tpu.memref_slice %arg6[%add3A_418] : memref<335872xf32, #tpu.memory_space<hbm>> -> memref<128xf32, #tpu.memory_space<hbm>>
        %dma_wait3A_420 = tpu.memref_slice %arg6[%add3A_418] : memref<335872xf32, #tpu.memory_space<hbm>> -> memref<128xf32, #tpu.memory_space<hbm>>
        tpu.wait_dma2 semaphore(%arg23 : memref<!tpu.dma_semaphore, #tpu.memory_space<semaphore_mem>>) src(%arg17 : memref<128xf32, #tpu.memory_space<vmem>>) dst(%dma_wait3A_420 : memref<128xf32, #tpu.memory_space<hbm>>)
        %dma_wait3A_421 = arith.constant 0 : i32
        %dma_wait3A_422 = tpu.memref_slice %arg19[%dma_wait3A_421] : memref<10240xf32, #tpu.memory_space<vmem_shared>> -> memref<10240xf32, #tpu.memory_space<vmem_shared>>
        tpu.wait_indirect_dma semaphore(%arg25 : memref<!tpu.dma_semaphore, #tpu.memory_space<semaphore_mem>>) src(%arg17 : memref<128xf32, #tpu.memory_space<vmem>>) dst(%dma_wait3A_422 : memref<10240xf32, #tpu.memory_space<vmem_shared>>)
      } else {
      }
      %get3A_246 = arith.constant 0 : index
      %get3A_247 = tpu.vector_load %arg11[%get3A_246] {strides = array<i32>} : memref<128xi32, #tpu.memory_space<vmem>>, vector<16xi32>,
      %get3A_248 = arith.constant 0 : index
      %get3A_249 = tpu.vector_load %arg13[%get3A_248] {strides = array<i32>} : memref<128xi32, #tpu.memory_space<vmem>>, vector<16xi32>,
      %gather3A_250 = tpu.vector_load_idx %arg8[%get3A_247] : memref<10240xf32, #tpu.memory_space<vmem>>[vector<16xi32>], vector<16xf32>,
      %gather3A_251 = tpu.vector_load_idx %arg9[%get3A_249] : memref<10240xf32, #tpu.memory_space<vmem>>[vector<16xi32>], vector<16xf32>,
      %add3A_252 = arith.addf %gather3A_250, %gather3A_251 : vector<16xf32>
      %ge3A_253 = arith.constant 0.000000e+00 : f32
      %ge3A_254 = vector.broadcast %ge3A_253 : f32 to vector<16xf32>
      %ge3A_255 = arith.cmpf oge, %add3A_252, %ge3A_254 : vector<16xf32>
      %mul3A_256 = arith.constant 2.000000e-01 : f32
      %mul3A_257 = vector.broadcast %mul3A_256 : f32 to vector<16xf32>
      %mul3A_258 = arith.mulf %add3A_252, %mul3A_257 : vector<16xf32>
      %select_n3A_259 = arith.select %ge3A_255, %add3A_252, %mul3A_258 : vector<16xi1>, vector<16xf32>
      %exp3A_260 = math.exp %select_n3A_259 : vector<16xf32>
      %swap3A_261 = arith.constant 0 : index
      %swap3A_262 = tpu.vector_load %arg17[%swap3A_261] {strides = array<i32>} : memref<128xf32, #tpu.memory_space<vmem>>, vector<16xf32>,
      tpu.vector_store %arg17[%swap3A_261], %exp3A_260 {strides = array<i32>} : memref<128xf32, #tpu.memory_space<vmem>>, vector<16xf32>,
      %swap3A_263 = arith.constant 0 : index
      %swap3A_264 = tpu.vector_load %arg15[%swap3A_263] {strides = array<i32>} : memref<128xi32, #tpu.memory_space<vmem>>, vector<16xi32>,
      tpu.vector_store %arg15[%swap3A_263], %get3A_249 {strides = array<i32>} : memref<128xi32, #tpu.memory_space<vmem>>, vector<16xi32>,
      %get3A_265 = arith.constant 16 : index
      %get3A_266 = tpu.vector_load %arg11[%get3A_265] {strides = array<i32>} : memref<128xi32, #tpu.memory_space<vmem>>, vector<16xi32>,
      %get3A_267 = arith.constant 16 : index
      %get3A_268 = tpu.vector_load %arg13[%get3A_267] {strides = array<i32>} : memref<128xi32, #tpu.memory_space<vmem>>, vector<16xi32>,
      %gather3A_269 = tpu.vector_load_idx %arg8[%get3A_266] : memref<10240xf32, #tpu.memory_space<vmem>>[vector<16xi32>], vector<16xf32>,
      %gather3A_270 = tpu.vector_load_idx %arg9[%get3A_268] : memref<10240xf32, #tpu.memory_space<vmem>>[vector<16xi32>], vector<16xf32>,
      %add3A_271 = arith.addf %gather3A_269, %gather3A_270 : vector<16xf32>
      %ge3A_272 = arith.constant 0.000000e+00 : f32
      %ge3A_273 = vector.broadcast %ge3A_272 : f32 to vector<16xf32>
      %ge3A_274 = arith.cmpf oge, %add3A_271, %ge3A_273 : vector<16xf32>
      %mul3A_275 = arith.constant 2.000000e-01 : f32
      %mul3A_276 = vector.broadcast %mul3A_275 : f32 to vector<16xf32>
      %mul3A_277 = arith.mulf %add3A_271, %mul3A_276 : vector<16xf32>
      %select_n3A_278 = arith.select %ge3A_274, %add3A_271, %mul3A_277 : vector<16xi1>, vector<16xf32>
      %exp3A_279 = math.exp %select_n3A_278 : vector<16xf32>
      %swap3A_280 = arith.constant 16 : index
      %swap3A_281 = tpu.vector_load %arg17[%swap3A_280] {strides = array<i32>} : memref<128xf32, #tpu.memory_space<vmem>>, vector<16xf32>,
      tpu.vector_store %arg17[%swap3A_280], %exp3A_279 {strides = array<i32>} : memref<128xf32, #tpu.memory_space<vmem>>, vector<16xf32>,
      %swap3A_282 = arith.constant 16 : index
      %swap3A_283 = tpu.vector_load %arg15[%swap3A_282] {strides = array<i32>} : memref<128xi32, #tpu.memory_space<vmem>>, vector<16xi32>,
      tpu.vector_store %arg15[%swap3A_282], %get3A_268 {strides = array<i32>} : memref<128xi32, #tpu.memory_space<vmem>>, vector<16xi32>,
      %get3A_284 = arith.constant 32 : index
      %get3A_285 = tpu.vector_load %arg11[%get3A_284] {strides = array<i32>} : memref<128xi32, #tpu.memory_space<vmem>>, vector<16xi32>,
      %get3A_286 = arith.constant 32 : index
      %get3A_287 = tpu.vector_load %arg13[%get3A_286] {strides = array<i32>} : memref<128xi32, #tpu.memory_space<vmem>>, vector<16xi32>,
      %gather3A_288 = tpu.vector_load_idx %arg8[%get3A_285] : memref<10240xf32, #tpu.memory_space<vmem>>[vector<16xi32>], vector<16xf32>,
      %gather3A_289 = tpu.vector_load_idx %arg9[%get3A_287] : memref<10240xf32, #tpu.memory_space<vmem>>[vector<16xi32>], vector<16xf32>,
      %add3A_290 = arith.addf %gather3A_288, %gather3A_289 : vector<16xf32>
      %ge3A_291 = arith.constant 0.000000e+00 : f32
      %ge3A_292 = vector.broadcast %ge3A_291 : f32 to vector<16xf32>
      %ge3A_293 = arith.cmpf oge, %add3A_290, %ge3A_292 : vector<16xf32>
      %mul3A_294 = arith.constant 2.000000e-01 : f32
      %mul3A_295 = vector.broadcast %mul3A_294 : f32 to vector<16xf32>
      %mul3A_296 = arith.mulf %add3A_290, %mul3A_295 : vector<16xf32>
      %select_n3A_297 = arith.select %ge3A_293, %add3A_290, %mul3A_296 : vector<16xi1>, vector<16xf32>
      %exp3A_298 = math.exp %select_n3A_297 : vector<16xf32>
      %swap3A_299 = arith.constant 32 : index
      %swap3A_300 = tpu.vector_load %arg17[%swap3A_299] {strides = array<i32>} : memref<128xf32, #tpu.memory_space<vmem>>, vector<16xf32>,
      tpu.vector_store %arg17[%swap3A_299], %exp3A_298 {strides = array<i32>} : memref<128xf32, #tpu.memory_space<vmem>>, vector<16xf32>,
      %swap3A_301 = arith.constant 32 : index
      %swap3A_302 = tpu.vector_load %arg15[%swap3A_301] {strides = array<i32>} : memref<128xi32, #tpu.memory_space<vmem>>, vector<16xi32>,
      tpu.vector_store %arg15[%swap3A_301], %get3A_287 {strides = array<i32>} : memref<128xi32, #tpu.memory_space<vmem>>, vector<16xi32>,
      %get3A_303 = arith.constant 48 : index
      %get3A_304 = tpu.vector_load %arg11[%get3A_303] {strides = array<i32>} : memref<128xi32, #tpu.memory_space<vmem>>, vector<16xi32>,
      %get3A_305 = arith.constant 48 : index
      %get3A_306 = tpu.vector_load %arg13[%get3A_305] {strides = array<i32>} : memref<128xi32, #tpu.memory_space<vmem>>, vector<16xi32>,
      %gather3A_307 = tpu.vector_load_idx %arg8[%get3A_304] : memref<10240xf32, #tpu.memory_space<vmem>>[vector<16xi32>], vector<16xf32>,
      %gather3A_308 = tpu.vector_load_idx %arg9[%get3A_306] : memref<10240xf32, #tpu.memory_space<vmem>>[vector<16xi32>], vector<16xf32>,
      %add3A_309 = arith.addf %gather3A_307, %gather3A_308 : vector<16xf32>
      %ge3A_310 = arith.constant 0.000000e+00 : f32
      %ge3A_311 = vector.broadcast %ge3A_310 : f32 to vector<16xf32>
      %ge3A_312 = arith.cmpf oge, %add3A_309, %ge3A_311 : vector<16xf32>
      %mul3A_313 = arith.constant 2.000000e-01 : f32
      %mul3A_314 = vector.broadcast %mul3A_313 : f32 to vector<16xf32>
      %mul3A_315 = arith.mulf %add3A_309, %mul3A_314 : vector<16xf32>
      %select_n3A_316 = arith.select %ge3A_312, %add3A_309, %mul3A_315 : vector<16xi1>, vector<16xf32>
      %exp3A_317 = math.exp %select_n3A_316 : vector<16xf32>
      %swap3A_318 = arith.constant 48 : index
      %swap3A_319 = tpu.vector_load %arg17[%swap3A_318] {strides = array<i32>} : memref<128xf32, #tpu.memory_space<vmem>>, vector<16xf32>,
      tpu.vector_store %arg17[%swap3A_318], %exp3A_317 {strides = array<i32>} : memref<128xf32, #tpu.memory_space<vmem>>, vector<16xf32>,
      %swap3A_320 = arith.constant 48 : index
      %swap3A_321 = tpu.vector_load %arg15[%swap3A_320] {strides = array<i32>} : memref<128xi32, #tpu.memory_space<vmem>>, vector<16xi32>,
      tpu.vector_store %arg15[%swap3A_320], %get3A_306 {strides = array<i32>} : memref<128xi32, #tpu.memory_space<vmem>>, vector<16xi32>,
      %get3A_322 = arith.constant 64 : index
      %get3A_323 = tpu.vector_load %arg11[%get3A_322] {strides = array<i32>} : memref<128xi32, #tpu.memory_space<vmem>>, vector<16xi32>,
      %get3A_324 = arith.constant 64 : index
      %get3A_325 = tpu.vector_load %arg13[%get3A_324] {strides = array<i32>} : memref<128xi32, #tpu.memory_space<vmem>>, vector<16xi32>,
      %gather3A_326 = tpu.vector_load_idx %arg8[%get3A_323] : memref<10240xf32, #tpu.memory_space<vmem>>[vector<16xi32>], vector<16xf32>,
      %gather3A_327 = tpu.vector_load_idx %arg9[%get3A_325] : memref<10240xf32, #tpu.memory_space<vmem>>[vector<16xi32>], vector<16xf32>,
      %add3A_328 = arith.addf %gather3A_326, %gather3A_327 : vector<16xf32>
      %ge3A_329 = arith.constant 0.000000e+00 : f32
      %ge3A_330 = vector.broadcast %ge3A_329 : f32 to vector<16xf32>
      %ge3A_331 = arith.cmpf oge, %add3A_328, %ge3A_330 : vector<16xf32>
      %mul3A_332 = arith.constant 2.000000e-01 : f32
      %mul3A_333 = vector.broadcast %mul3A_332 : f32 to vector<16xf32>
      %mul3A_334 = arith.mulf %add3A_328, %mul3A_333 : vector<16xf32>
      %select_n3A_335 = arith.select %ge3A_331, %add3A_328, %mul3A_334 : vector<16xi1>, vector<16xf32>
      %exp3A_336 = math.exp %select_n3A_335 : vector<16xf32>
      %swap3A_337 = arith.constant 64 : index
      %swap3A_338 = tpu.vector_load %arg17[%swap3A_337] {strides = array<i32>} : memref<128xf32, #tpu.memory_space<vmem>>, vector<16xf32>,
      tpu.vector_store %arg17[%swap3A_337], %exp3A_336 {strides = array<i32>} : memref<128xf32, #tpu.memory_space<vmem>>, vector<16xf32>,
      %swap3A_339 = arith.constant 64 : index
      %swap3A_340 = tpu.vector_load %arg15[%swap3A_339] {strides = array<i32>} : memref<128xi32, #tpu.memory_space<vmem>>, vector<16xi32>,
      tpu.vector_store %arg15[%swap3A_339], %get3A_325 {strides = array<i32>} : memref<128xi32, #tpu.memory_space<vmem>>, vector<16xi32>,
      %get3A_341 = arith.constant 80 : index
      %get3A_342 = tpu.vector_load %arg11[%get3A_341] {strides = array<i32>} : memref<128xi32, #tpu.memory_space<vmem>>, vector<16xi32>,
      %get3A_343 = arith.constant 80 : index
      %get3A_344 = tpu.vector_load %arg13[%get3A_343] {strides = array<i32>} : memref<128xi32, #tpu.memory_space<vmem>>, vector<16xi32>,
      %gather3A_345 = tpu.vector_load_idx %arg8[%get3A_342] : memref<10240xf32, #tpu.memory_space<vmem>>[vector<16xi32>], vector<16xf32>,
      %gather3A_346 = tpu.vector_load_idx %arg9[%get3A_344] : memref<10240xf32, #tpu.memory_space<vmem>>[vector<16xi32>], vector<16xf32>,
      %add3A_347 = arith.addf %gather3A_345, %gather3A_346 : vector<16xf32>
      %ge3A_348 = arith.constant 0.000000e+00 : f32
      %ge3A_349 = vector.broadcast %ge3A_348 : f32 to vector<16xf32>
      %ge3A_350 = arith.cmpf oge, %add3A_347, %ge3A_349 : vector<16xf32>
      %mul3A_351 = arith.constant 2.000000e-01 : f32
      %mul3A_352 = vector.broadcast %mul3A_351 : f32 to vector<16xf32>
      %mul3A_353 = arith.mulf %add3A_347, %mul3A_352 : vector<16xf32>
      %select_n3A_354 = arith.select %ge3A_350, %add3A_347, %mul3A_353 : vector<16xi1>, vector<16xf32>
      %exp3A_355 = math.exp %select_n3A_354 : vector<16xf32>
      %swap3A_356 = arith.constant 80 : index
      %swap3A_357 = tpu.vector_load %arg17[%swap3A_356] {strides = array<i32>} : memref<128xf32, #tpu.memory_space<vmem>>, vector<16xf32>,
      tpu.vector_store %arg17[%swap3A_356], %exp3A_355 {strides = array<i32>} : memref<128xf32, #tpu.memory_space<vmem>>, vector<16xf32>,
      %swap3A_358 = arith.constant 80 : index
      %swap3A_359 = tpu.vector_load %arg15[%swap3A_358] {strides = array<i32>} : memref<128xi32, #tpu.memory_space<vmem>>, vector<16xi32>,
      tpu.vector_store %arg15[%swap3A_358], %get3A_344 {strides = array<i32>} : memref<128xi32, #tpu.memory_space<vmem>>, vector<16xi32>,
      %get3A_360 = arith.constant 96 : index
      %get3A_361 = tpu.vector_load %arg11[%get3A_360] {strides = array<i32>} : memref<128xi32, #tpu.memory_space<vmem>>, vector<16xi32>,
      %get3A_362 = arith.constant 96 : index
      %get3A_363 = tpu.vector_load %arg13[%get3A_362] {strides = array<i32>} : memref<128xi32, #tpu.memory_space<vmem>>, vector<16xi32>,
      %gather3A_364 = tpu.vector_load_idx %arg8[%get3A_361] : memref<10240xf32, #tpu.memory_space<vmem>>[vector<16xi32>], vector<16xf32>,
      %gather3A_365 = tpu.vector_load_idx %arg9[%get3A_363] : memref<10240xf32, #tpu.memory_space<vmem>>[vector<16xi32>], vector<16xf32>,
      %add3A_366 = arith.addf %gather3A_364, %gather3A_365 : vector<16xf32>
      %ge3A_367 = arith.constant 0.000000e+00 : f32
      %ge3A_368 = vector.broadcast %ge3A_367 : f32 to vector<16xf32>
      %ge3A_369 = arith.cmpf oge, %add3A_366, %ge3A_368 : vector<16xf32>
      %mul3A_370 = arith.constant 2.000000e-01 : f32
      %mul3A_371 = vector.broadcast %mul3A_370 : f32 to vector<16xf32>
      %mul3A_372 = arith.mulf %add3A_366, %mul3A_371 : vector<16xf32>
      %select_n3A_373 = arith.select %ge3A_369, %add3A_366, %mul3A_372 : vector<16xi1>, vector<16xf32>
      %exp3A_374 = math.exp %select_n3A_373 : vector<16xf32>
      %swap3A_375 = arith.constant 96 : index
      %swap3A_376 = tpu.vector_load %arg17[%swap3A_375] {strides = array<i32>} : memref<128xf32, #tpu.memory_space<vmem>>, vector<16xf32>,
      tpu.vector_store %arg17[%swap3A_375], %exp3A_374 {strides = array<i32>} : memref<128xf32, #tpu.memory_space<vmem>>, vector<16xf32>,
      %swap3A_377 = arith.constant 96 : index
      %swap3A_378 = tpu.vector_load %arg15[%swap3A_377] {strides = array<i32>} : memref<128xi32, #tpu.memory_space<vmem>>, vector<16xi32>,
      tpu.vector_store %arg15[%swap3A_377], %get3A_363 {strides = array<i32>} : memref<128xi32, #tpu.memory_space<vmem>>, vector<16xi32>,
      %get3A_379 = arith.constant 112 : index
      %get3A_380 = tpu.vector_load %arg11[%get3A_379] {strides = array<i32>} : memref<128xi32, #tpu.memory_space<vmem>>, vector<16xi32>,
      %get3A_381 = arith.constant 112 : index
      %get3A_382 = tpu.vector_load %arg13[%get3A_381] {strides = array<i32>} : memref<128xi32, #tpu.memory_space<vmem>>, vector<16xi32>,
      %gather3A_383 = tpu.vector_load_idx %arg8[%get3A_380] : memref<10240xf32, #tpu.memory_space<vmem>>[vector<16xi32>], vector<16xf32>,
      %gather3A_384 = tpu.vector_load_idx %arg9[%get3A_382] : memref<10240xf32, #tpu.memory_space<vmem>>[vector<16xi32>], vector<16xf32>,
      %add3A_385 = arith.addf %gather3A_383, %gather3A_384 : vector<16xf32>
      %ge3A_386 = arith.constant 0.000000e+00 : f32
      %ge3A_387 = vector.broadcast %ge3A_386 : f32 to vector<16xf32>
      %ge3A_388 = arith.cmpf oge, %add3A_385, %ge3A_387 : vector<16xf32>
      %mul3A_389 = arith.constant 2.000000e-01 : f32
      %mul3A_390 = vector.broadcast %mul3A_389 : f32 to vector<16xf32>
      %mul3A_391 = arith.mulf %add3A_385, %mul3A_390 : vector<16xf32>
      %select_n3A_392 = arith.select %ge3A_388, %add3A_385, %mul3A_391 : vector<16xi1>, vector<16xf32>
      %exp3A_393 = math.exp %select_n3A_392 : vector<16xf32>
      %swap3A_394 = arith.constant 112 : index
      %swap3A_395 = tpu.vector_load %arg17[%swap3A_394] {strides = array<i32>} : memref<128xf32, #tpu.memory_space<vmem>>, vector<16xf32>,
      tpu.vector_store %arg17[%swap3A_394], %exp3A_393 {strides = array<i32>} : memref<128xf32, #tpu.memory_space<vmem>>, vector<16xf32>,
      %swap3A_396 = arith.constant 112 : index
      %swap3A_397 = tpu.vector_load %arg15[%swap3A_396] {strides = array<i32>} : memref<128xi32, #tpu.memory_space<vmem>>, vector<16xi32>,
      tpu.vector_store %arg15[%swap3A_396], %get3A_382 {strides = array<i32>} : memref<128xi32, #tpu.memory_space<vmem>>, vector<16xi32>,
      %mul3A_398 = arith.constant 10496 : i32
      %mul3A_399 = arith.muli %add3A, %mul3A_398 : i32
      %mul3A_400 = arith.constant 128 : i32
      %mul3A_401 = arith.muli %add3A_231, %mul3A_400 : i32
      %add3A_402 = arith.addi %mul3A_399, %mul3A_401 : i32
      %dma_start3A_403 = tpu.memref_slice %arg6[%add3A_402] : memref<335872xf32, #tpu.memory_space<hbm>> -> memref<128xf32, #tpu.memory_space<hbm>>
      %dma_start3A_404 = tpu.memref_slice %arg6[%add3A_402] : memref<335872xf32, #tpu.memory_space<hbm>> -> memref<128xf32, #tpu.memory_space<hbm>>
      tpu.enqueue_dma source(%arg17 : memref<128xf32, #tpu.memory_space<vmem>>) target(%dma_start3A_404 : memref<128xf32, #tpu.memory_space<hbm>>) target_semaphore(%arg23 : memref<!tpu.dma_semaphore, #tpu.memory_space<semaphore_mem>>)
      %dma_start3A_405 = arith.constant 0 : i32
      %dma_start3A_406 = tpu.memref_slice %arg19[%dma_start3A_405] : memref<10240xf32, #tpu.memory_space<vmem_shared>> -> memref<10240xf32, #tpu.memory_space<vmem_shared>>
      tpu.enqueue_indirect_dma source(%arg17 : memref<128xf32, #tpu.memory_space<vmem>>) target(%dma_start3A_406 : memref<10240xf32, #tpu.memory_space<vmem_shared>>) offsets(%arg15 : memref<128xi32, #tpu.memory_space<vmem>>) semaphore(%arg25 : memref<!tpu.dma_semaphore, #tpu.memory_space<semaphore_mem>>) {add = true}
      %lt3A_407 = arith.constant 40 : i32
      %lt3A_408 = arith.cmpi slt, %scan3A_51, %lt3A_407 : i32
      %convert_element_type3A_409 = arith.extui %lt3A_408 : i1 to i32
      %cond3A_410 = arith.constant 0 : i32
      %cond3A_411 = arith.cmpi ne, %convert_element_type3A_409, %cond3A_410 : i32
      scf.if %cond3A_411 {
        %add3A_413 = arith.constant 2 : i32
        %add3A_414 = arith.addi %add3A_231, %add3A_413 : i32
        %mul3A_415 = arith.constant 10496 : i32
        %mul3A_416 = arith.muli %add3A, %mul3A_415 : i32
        %mul3A_417 = arith.constant 128 : i32
        %mul3A_418 = arith.muli %add3A_414, %mul3A_417 : i32
        %add3A_419 = arith.addi %mul3A_416, %mul3A_418 : i32
        %dma_start3A_420 = tpu.memref_slice %arg2[%add3A_419] : memref<335872xi32, #tpu.memory_space<hbm>> -> memref<128xi32, #tpu.memory_space<hbm>>
        %dma_start3A_421 = tpu.memref_slice %arg2[%add3A_419] : memref<335872xi32, #tpu.memory_space<hbm>> -> memref<128xi32, #tpu.memory_space<hbm>>
        tpu.enqueue_dma source(%dma_start3A_421 : memref<128xi32, #tpu.memory_space<hbm>>) target(%arg11 : memref<128xi32, #tpu.memory_space<vmem>>) target_semaphore(%arg21 : memref<!tpu.dma_semaphore, #tpu.memory_space<semaphore_mem>>)
        %dma_start3A_422 = tpu.memref_slice %arg3[%add3A_419] : memref<335872xi32, #tpu.memory_space<hbm>> -> memref<128xi32, #tpu.memory_space<hbm>>
        %dma_start3A_423 = tpu.memref_slice %arg3[%add3A_419] : memref<335872xi32, #tpu.memory_space<hbm>> -> memref<128xi32, #tpu.memory_space<hbm>>
        tpu.enqueue_dma source(%dma_start3A_423 : memref<128xi32, #tpu.memory_space<hbm>>) target(%arg13 : memref<128xi32, #tpu.memory_space<vmem>>) target_semaphore(%arg21 : memref<!tpu.dma_semaphore, #tpu.memory_space<semaphore_mem>>)
      } else {
      }
      %scan3A_412 = arith.constant 0 : i32
      scf.yield %scan3A_412 : i32
    }
    %scan3A_30 = arith.constant 41 : i32
    %mul3A_31 = arith.constant 10496 : i32
    %mul3A_32 = arith.muli %add3A, %mul3A_31 : i32
    %add3A_33 = arith.constant 10240 : i32
    %add3A_34 = arith.addi %mul3A_32, %add3A_33 : i32
    %dma_wait3A = tpu.memref_slice %arg6[%add3A_34] : memref<335872xf32, #tpu.memory_space<hbm>> -> memref<128xf32, #tpu.memory_space<hbm>>
    %dma_wait3A_35 = tpu.memref_slice %arg6[%add3A_34] : memref<335872xf32, #tpu.memory_space<hbm>> -> memref<128xf32, #tpu.memory_space<hbm>>
    tpu.wait_dma2 semaphore(%arg22 : memref<!tpu.dma_semaphore, #tpu.memory_space<semaphore_mem>>) src(%arg16 : memref<128xf32, #tpu.memory_space<vmem>>) dst(%dma_wait3A_35 : memref<128xf32, #tpu.memory_space<hbm>>)
    %dma_wait3A_36 = arith.constant 0 : i32
    %dma_wait3A_37 = tpu.memref_slice %arg19[%dma_wait3A_36] : memref<10240xf32, #tpu.memory_space<vmem_shared>> -> memref<10240xf32, #tpu.memory_space<vmem_shared>>
    tpu.wait_indirect_dma semaphore(%arg24 : memref<!tpu.dma_semaphore, #tpu.memory_space<semaphore_mem>>) src(%arg16 : memref<128xf32, #tpu.memory_space<vmem>>) dst(%dma_wait3A_37 : memref<10240xf32, #tpu.memory_space<vmem_shared>>)
    %mul3A_38 = arith.constant 10496 : i32
    %mul3A_39 = arith.muli %add3A, %mul3A_38 : i32
    %add3A_40 = arith.constant 10368 : i32
    %add3A_41 = arith.addi %mul3A_39, %add3A_40 : i32
    %dma_wait3A_42 = tpu.memref_slice %arg6[%add3A_41] : memref<335872xf32, #tpu.memory_space<hbm>> -> memref<128xf32, #tpu.memory_space<hbm>>
    %dma_wait3A_43 = tpu.memref_slice %arg6[%add3A_41] : memref<335872xf32, #tpu.memory_space<hbm>> -> memref<128xf32, #tpu.memory_space<hbm>>
    tpu.wait_dma2 semaphore(%arg23 : memref<!tpu.dma_semaphore, #tpu.memory_space<semaphore_mem>>) src(%arg17 : memref<128xf32, #tpu.memory_space<vmem>>) dst(%dma_wait3A_43 : memref<128xf32, #tpu.memory_space<hbm>>)
    %dma_wait3A_44 = arith.constant 0 : i32
    %dma_wait3A_45 = tpu.memref_slice %arg19[%dma_wait3A_44] : memref<10240xf32, #tpu.memory_space<vmem_shared>> -> memref<10240xf32, #tpu.memory_space<vmem_shared>>
    tpu.wait_indirect_dma semaphore(%arg25 : memref<!tpu.dma_semaphore, #tpu.memory_space<semaphore_mem>>) src(%arg17 : memref<128xf32, #tpu.memory_space<vmem>>) dst(%dma_wait3A_45 : memref<10240xf32, #tpu.memory_space<vmem_shared>>)
    %barrier3A_46 = arith.constant 0 : index
    tpu.barrier barrier_id(%barrier3A_46)
    %mul3A_47 = arith.constant 640 : i32
    %mul3A_48 = arith.muli %arg1, %mul3A_47 : i32
    %mul3A_49 = arith.constant 640 : i32
    %mul3A_50 = arith.muli %arg1, %mul3A_49 : i32
    "tpu.region"() ({
      %run_scoped3A = tpu.sem_alloc : memref<!tpu.dma_semaphore, #tpu.memory_space<semaphore_mem>>
      %dma_start3A_51 = tpu.memref_slice %arg7[%arg0, %mul3A_50] : memref<2x10240xf32, #tpu.memory_space<hbm>> -> memref<1x640xf32, #tpu.memory_space<hbm>>
      %dma_start3A_52 = tpu.memref_squeeze %dma_start3A_51 : memref<1x640xf32, #tpu.memory_space<hbm>> -> memref<640xf32, #tpu.memory_space<hbm>>
      %dma_start3A_53 = tpu.memref_slice %arg19[%mul3A_48] : memref<10240xf32, #tpu.memory_space<vmem_shared>> -> memref<640xf32, #tpu.memory_space<vmem_shared>>
      tpu.enqueue_dma source(%dma_start3A_53 : memref<640xf32, #tpu.memory_space<vmem_shared>>) target(%dma_start3A_52 : memref<640xf32, #tpu.memory_space<hbm>>) target_semaphore(%run_scoped3A : memref<!tpu.dma_semaphore, #tpu.memory_space<semaphore_mem>>)
      %dma_wait3A_54 = tpu.memref_slice %arg7[%arg0, %mul3A_50] : memref<2x10240xf32, #tpu.memory_space<hbm>> -> memref<1x640xf32, #tpu.memory_space<hbm>>
      %dma_wait3A_55 = tpu.memref_squeeze %dma_wait3A_54 : memref<1x640xf32, #tpu.memory_space<hbm>> -> memref<640xf32, #tpu.memory_space<hbm>>
      %dma_wait3A_56 = tpu.memref_slice %arg19[%mul3A_48] : memref<10240xf32, #tpu.memory_space<vmem_shared>> -> memref<640xf32, #tpu.memory_space<vmem_shared>>
      tpu.wait_dma2 semaphore(%run_scoped3A : memref<!tpu.dma_semaphore, #tpu.memory_space<semaphore_mem>>) src(%dma_wait3A_56 : memref<640xf32, #tpu.memory_space<vmem_shared>>) dst(%dma_wait3A_55 : memref<640xf32, #tpu.memory_space<hbm>>)
      tpu.yield
    }) : () -> ()
    return
  }
}

#map = affine_map<(d0, d1) -> (0)>
#map1 = affine_map<(d0, d1) -> (0, 0)>
module attributes {stable_mosaic.version = 14 : i64} {
  func.func @k(%arg0: i32, %arg1: i32, %arg2: memref<335872xi32, #tpu.memory_space<hbm>>, %arg3: memref<335872xi32, #tpu.memory_space<hbm>>, %arg4: memref<10240xf32, #tpu.memory_space<hbm>>, %arg5: memref<10240xf32, #tpu.memory_space<hbm>>, %arg6: memref<335872xf32, #tpu.memory_space<hbm>>, %arg7: memref<2x10240xf32, #tpu.memory_space<hbm>>, %arg8: memref<10240xf32, #tpu.memory_space<vmem>>, %arg9: memref<10240xf32, #tpu.memory_space<vmem>>, %arg10: memref<128xi32, #tpu.memory_space<vmem>>, %arg11: memref<128xi32, #tpu.memory_space<vmem>>, %arg12: memref<128xi32, #tpu.memory_space<vmem>>, %arg13: memref<128xi32, #tpu.memory_space<vmem>>, %arg14: memref<128xi32, #tpu.memory_space<vmem>>, %arg15: memref<128xi32, #tpu.memory_space<vmem>>, %arg16: memref<128xf32, #tpu.memory_space<vmem>>, %arg17: memref<128xf32, #tpu.memory_space<vmem>>, %arg18: memref<640xf32, #tpu.memory_space<vmem>>, %arg19: memref<10240xf32, #tpu.memory_space<vmem_shared>>, %arg20: memref<!tpu.dma_semaphore, #tpu.memory_space<semaphore_mem>>, %arg21: memref<!tpu.dma_semaphore, #tpu.memory_space<semaphore_mem>>, %arg22: memref<!tpu.dma_semaphore, #tpu.memory_space<semaphore_mem>>, %arg23: memref<!tpu.dma_semaphore, #tpu.memory_space<semaphore_mem>>, %arg24: memref<!tpu.dma_semaphore, #tpu.memory_space<semaphore_mem>>, %arg25: memref<!tpu.dma_semaphore, #tpu.memory_space<semaphore_mem>>) attributes {dimension_semantics = [#tpu.dimension_semantics<core_parallel>, #tpu.dimension_semantics<subcore_parallel>], iteration_bounds = array<i64: 2, 16>, scalar_prefetch = 0 : i64, scratch_operands = 18 : i64, tpu.core_type = #tpu.core_type<sc_vector_subcore>, window_params = [{transform_indices = #map}, {transform_indices = #map}, {transform_indices = #map}, {transform_indices = #map}, {transform_indices = #map}, {transform_indices = #map1}]} {
    %mul3A = arith.constant 16 : i32
    %mul3A_0 = arith.muli %arg0, %mul3A : i32
    %add3A = arith.addi %mul3A_0, %arg1 : i32
    %scan3A = arith.constant 0 : i32
    %scan3A_1 = arith.constant 0 : i32
    %scan3A_2 = arith.constant 40 : i32
    %scan3A_3 = arith.addi %scan3A_1, %scan3A_2 : i32
    %scan3A_4 = arith.constant 1 : i32
    %scan3A_5 = scf.for %scan3A_51 = %scan3A_1 to %scan3A_3 step %scan3A_4 iter_args(%scan3A_52 = %scan3A) -> (i32)  : i32 {
      %broadcast_in_dim3A = arith.constant 0.000000e+00 : f32
      %broadcast_in_dim3A_53 = vector.broadcast %broadcast_in_dim3A : f32 to vector<16xf32>
      %mul3A_54 = arith.constant 16 : i32
      %mul3A_55 = arith.muli %scan3A_51, %mul3A_54 : i32
      %swap3A = arith.index_cast %mul3A_55 : i32 to index
      %swap3A_56 = tpu.vector_load %arg18[%swap3A] {strides = array<i32>} : memref<640xf32, #tpu.memory_space<vmem>>, vector<16xf32>,
      tpu.vector_store %arg18[%swap3A], %broadcast_in_dim3A_53 {strides = array<i32>} : memref<640xf32, #tpu.memory_space<vmem>>, vector<16xf32>,
      %scan3A_57 = arith.constant 0 : i32
      scf.yield %scan3A_57 : i32
    }
    %scan3A_6 = arith.constant 40 : i32
    %mul3A_7 = arith.constant 640 : i32
    %mul3A_8 = arith.muli %arg1, %mul3A_7 : i32
    "tpu.region"() ({
      %run_scoped3A = tpu.sem_alloc : memref<!tpu.dma_semaphore, #tpu.memory_space<semaphore_mem>>
      %dma_start3A_51 = tpu.memref_slice %arg19[%mul3A_8] : memref<10240xf32, #tpu.memory_space<vmem_shared>> -> memref<640xf32, #tpu.memory_space<vmem_shared>>
      %dma_start3A_52 = tpu.memref_slice %arg19[%mul3A_8] : memref<10240xf32, #tpu.memory_space<vmem_shared>> -> memref<640xf32, #tpu.memory_space<vmem_shared>>
      tpu.enqueue_dma source(%arg18 : memref<640xf32, #tpu.memory_space<vmem>>) target(%dma_start3A_52 : memref<640xf32, #tpu.memory_space<vmem_shared>>) target_semaphore(%run_scoped3A : memref<!tpu.dma_semaphore, #tpu.memory_space<semaphore_mem>>)
      %dma_wait3A_53 = tpu.memref_slice %arg19[%mul3A_8] : memref<10240xf32, #tpu.memory_space<vmem_shared>> -> memref<640xf32, #tpu.memory_space<vmem_shared>>
      %dma_wait3A_54 = tpu.memref_slice %arg19[%mul3A_8] : memref<10240xf32, #tpu.memory_space<vmem_shared>> -> memref<640xf32, #tpu.memory_space<vmem_shared>>
      tpu.wait_dma2 semaphore(%run_scoped3A : memref<!tpu.dma_semaphore, #tpu.memory_space<semaphore_mem>>) src(%arg18 : memref<640xf32, #tpu.memory_space<vmem>>) dst(%dma_wait3A_54 : memref<640xf32, #tpu.memory_space<vmem_shared>>)
      tpu.yield
    }) : () -> ()
    "tpu.region"() ({
      %run_scoped3A = tpu.sem_alloc : memref<!tpu.dma_semaphore, #tpu.memory_space<semaphore_mem>>
      tpu.enqueue_dma source(%arg4 : memref<10240xf32, #tpu.memory_space<hbm>>) target(%arg8 : memref<10240xf32, #tpu.memory_space<vmem>>) target_semaphore(%run_scoped3A : memref<!tpu.dma_semaphore, #tpu.memory_space<semaphore_mem>>)
      tpu.wait_dma2 semaphore(%run_scoped3A : memref<!tpu.dma_semaphore, #tpu.memory_space<semaphore_mem>>) src(%arg4 : memref<10240xf32, #tpu.memory_space<hbm>>) dst(%arg8 : memref<10240xf32, #tpu.memory_space<vmem>>)
      tpu.yield
    }) : () -> ()
    "tpu.region"() ({
      %run_scoped3A = tpu.sem_alloc : memref<!tpu.dma_semaphore, #tpu.memory_space<semaphore_mem>>
      tpu.enqueue_dma source(%arg5 : memref<10240xf32, #tpu.memory_space<hbm>>) target(%arg9 : memref<10240xf32, #tpu.memory_space<vmem>>) target_semaphore(%run_scoped3A : memref<!tpu.dma_semaphore, #tpu.memory_space<semaphore_mem>>)
      tpu.wait_dma2 semaphore(%run_scoped3A : memref<!tpu.dma_semaphore, #tpu.memory_space<semaphore_mem>>) src(%arg5 : memref<10240xf32, #tpu.memory_space<hbm>>) dst(%arg9 : memref<10240xf32, #tpu.memory_space<vmem>>)
      tpu.yield
    }) : () -> ()
    %mul3A_9 = arith.constant 10496 : i32
    %mul3A_10 = arith.muli %add3A, %mul3A_9 : i32
    %add3A_11 = arith.constant 0 : i32
    %add3A_12 = arith.addi %mul3A_10, %add3A_11 : i32
    %dma_start3A = tpu.memref_slice %arg2[%add3A_12] : memref<335872xi32, #tpu.memory_space<hbm>> -> memref<128xi32, #tpu.memory_space<hbm>>
    %dma_start3A_13 = tpu.memref_slice %arg2[%add3A_12] : memref<335872xi32, #tpu.memory_space<hbm>> -> memref<128xi32, #tpu.memory_space<hbm>>
    tpu.enqueue_dma source(%dma_start3A_13 : memref<128xi32, #tpu.memory_space<hbm>>) target(%arg10 : memref<128xi32, #tpu.memory_space<vmem>>) target_semaphore(%arg20 : memref<!tpu.dma_semaphore, #tpu.memory_space<semaphore_mem>>)
    %dma_start3A_14 = tpu.memref_slice %arg3[%add3A_12] : memref<335872xi32, #tpu.memory_space<hbm>> -> memref<128xi32, #tpu.memory_space<hbm>>
    %dma_start3A_15 = tpu.memref_slice %arg3[%add3A_12] : memref<335872xi32, #tpu.memory_space<hbm>> -> memref<128xi32, #tpu.memory_space<hbm>>
    tpu.enqueue_dma source(%dma_start3A_15 : memref<128xi32, #tpu.memory_space<hbm>>) target(%arg12 : memref<128xi32, #tpu.memory_space<vmem>>) target_semaphore(%arg20 : memref<!tpu.dma_semaphore, #tpu.memory_space<semaphore_mem>>)
    %mul3A_16 = arith.constant 10496 : i32
    %mul3A_17 = arith.muli %add3A, %mul3A_16 : i32
    %add3A_18 = arith.constant 128 : i32
    %add3A_19 = arith.addi %mul3A_17, %add3A_18 : i32
    %dma_start3A_20 = tpu.memref_slice %arg2[%add3A_19] : memref<335872xi32, #tpu.memory_space<hbm>> -> memref<128xi32, #tpu.memory_space<hbm>>
    %dma_start3A_21 = tpu.memref_slice %arg2[%add3A_19] : memref<335872xi32, #tpu.memory_space<hbm>> -> memref<128xi32, #tpu.memory_space<hbm>>
    tpu.enqueue_dma source(%dma_start3A_21 : memref<128xi32, #tpu.memory_space<hbm>>) target(%arg11 : memref<128xi32, #tpu.memory_space<vmem>>) target_semaphore(%arg21 : memref<!tpu.dma_semaphore, #tpu.memory_space<semaphore_mem>>)
    %dma_start3A_22 = tpu.memref_slice %arg3[%add3A_19] : memref<335872xi32, #tpu.memory_space<hbm>> -> memref<128xi32, #tpu.memory_space<hbm>>
    %dma_start3A_23 = tpu.memref_slice %arg3[%add3A_19] : memref<335872xi32, #tpu.memory_space<hbm>> -> memref<128xi32, #tpu.memory_space<hbm>>
    tpu.enqueue_dma source(%dma_start3A_23 : memref<128xi32, #tpu.memory_space<hbm>>) target(%arg13 : memref<128xi32, #tpu.memory_space<vmem>>) target_semaphore(%arg21 : memref<!tpu.dma_semaphore, #tpu.memory_space<semaphore_mem>>)
    %barrier3A = arith.constant 0 : index
    tpu.barrier barrier_id(%barrier3A)
    %scan3A_24 = arith.constant 0 : i32
    %scan3A_25 = arith.constant 0 : i32
    %scan3A_26 = arith.constant 41 : i32
    %scan3A_27 = arith.addi %scan3A_25, %scan3A_26 : i32
    %scan3A_28 = arith.constant 1 : i32
    %scan3A_29 = scf.for %scan3A_51 = %scan3A_25 to %scan3A_27 step %scan3A_28 iter_args(%scan3A_52 = %scan3A_24) -> (i32)  : i32 {
      %mul3A_53 = arith.constant 2 : i32
      %mul3A_54 = arith.muli %mul3A_53, %scan3A_51 : i32
      %add3A_55 = arith.constant 0 : i32
      %add3A_56 = arith.addi %mul3A_54, %add3A_55 : i32
      %mul3A_57 = arith.constant 10496 : i32
      %mul3A_58 = arith.muli %add3A, %mul3A_57 : i32
      %mul3A_59 = arith.constant 128 : i32
      %mul3A_60 = arith.muli %add3A_56, %mul3A_59 : i32
      %add3A_61 = arith.addi %mul3A_58, %mul3A_60 : i32
      %dma_wait3A_62 = tpu.memref_slice %arg2[%add3A_61] : memref<335872xi32, #tpu.memory_space<hbm>> -> memref<128xi32, #tpu.memory_space<hbm>>
      %dma_wait3A_63 = tpu.memref_slice %arg2[%add3A_61] : memref<335872xi32, #tpu.memory_space<hbm>> -> memref<128xi32, #tpu.memory_space<hbm>>
      tpu.wait_dma2 semaphore(%arg20 : memref<!tpu.dma_semaphore, #tpu.memory_space<semaphore_mem>>) src(%dma_wait3A_63 : memref<128xi32, #tpu.memory_space<hbm>>) dst(%arg10 : memref<128xi32, #tpu.memory_space<vmem>>)
      %dma_wait3A_64 = tpu.memref_slice %arg3[%add3A_61] : memref<335872xi32, #tpu.memory_space<hbm>> -> memref<128xi32, #tpu.memory_space<hbm>>
      %dma_wait3A_65 = tpu.memref_slice %arg3[%add3A_61] : memref<335872xi32, #tpu.memory_space<hbm>> -> memref<128xi32, #tpu.memory_space<hbm>>
      tpu.wait_dma2 semaphore(%arg20 : memref<!tpu.dma_semaphore, #tpu.memory_space<semaphore_mem>>) src(%dma_wait3A_65 : memref<128xi32, #tpu.memory_space<hbm>>) dst(%arg12 : memref<128xi32, #tpu.memory_space<vmem>>)
      %ge3A = arith.constant 1 : i32
      %ge3A_66 = arith.cmpi sge, %scan3A_51, %ge3A : i32
      %convert_element_type3A = arith.extui %ge3A_66 : i1 to i32
      %cond3A = arith.constant 0 : i32
      %cond3A_67 = arith.cmpi ne, %convert_element_type3A, %cond3A : i32
      scf.if %cond3A_67 {
        %sub3A = arith.constant 2 : i32
        %sub3A_413 = arith.subi %add3A_56, %sub3A : i32
        %mul3A_414 = arith.constant 10496 : i32
        %mul3A_415 = arith.muli %add3A, %mul3A_414 : i32
        %mul3A_416 = arith.constant 128 : i32
        %mul3A_417 = arith.muli %sub3A_413, %mul3A_416 : i32
        %add3A_418 = arith.addi %mul3A_415, %mul3A_417 : i32
        %dma_wait3A_419 = tpu.memref_slice %arg6[%add3A_418] : memref<335872xf32, #tpu.memory_space<hbm>> -> memref<128xf32, #tpu.memory_space<hbm>>
        %dma_wait3A_420 = tpu.memref_slice %arg6[%add3A_418] : memref<335872xf32, #tpu.memory_space<hbm>> -> memref<128xf32, #tpu.memory_space<hbm>>
        tpu.wait_dma2 semaphore(%arg22 : memref<!tpu.dma_semaphore, #tpu.memory_space<semaphore_mem>>) src(%arg16 : memref<128xf32, #tpu.memory_space<vmem>>) dst(%dma_wait3A_420 : memref<128xf32, #tpu.memory_space<hbm>>)
        %dma_wait3A_421 = arith.constant 0 : i32
        %dma_wait3A_422 = tpu.memref_slice %arg19[%dma_wait3A_421] : memref<10240xf32, #tpu.memory_space<vmem_shared>> -> memref<10240xf32, #tpu.memory_space<vmem_shared>>
        tpu.wait_indirect_dma semaphore(%arg24 : memref<!tpu.dma_semaphore, #tpu.memory_space<semaphore_mem>>) src(%arg16 : memref<128xf32, #tpu.memory_space<vmem>>) dst(%dma_wait3A_422 : memref<10240xf32, #tpu.memory_space<vmem_shared>>)
      } else {
      }
      %get3A = arith.constant 0 : index
      %get3A_68 = tpu.vector_load %arg10[%get3A] {strides = array<i32>} : memref<128xi32, #tpu.memory_space<vmem>>, vector<16xi32>,
      %get3A_69 = arith.constant 0 : index
      %get3A_70 = tpu.vector_load %arg12[%get3A_69] {strides = array<i32>} : memref<128xi32, #tpu.memory_space<vmem>>, vector<16xi32>,
      %gather3A = tpu.vector_load_idx %arg8[%get3A_68] : memref<10240xf32, #tpu.memory_space<vmem>>[vector<16xi32>], vector<16xf32>,
      %gather3A_71 = tpu.vector_load_idx %arg9[%get3A_70] : memref<10240xf32, #tpu.memory_space<vmem>>[vector<16xi32>], vector<16xf32>,
      %add3A_72 = arith.addf %gather3A, %gather3A_71 : vector<16xf32>
      %ge3A_73 = arith.constant 0.000000e+00 : f32
      %ge3A_74 = vector.broadcast %ge3A_73 : f32 to vector<16xf32>
      %ge3A_75 = arith.cmpf oge, %add3A_72, %ge3A_74 : vector<16xf32>
      %mul3A_76 = arith.constant 2.000000e-01 : f32
      %mul3A_77 = vector.broadcast %mul3A_76 : f32 to vector<16xf32>
      %mul3A_78 = arith.mulf %add3A_72, %mul3A_77 : vector<16xf32>
      %select_n3A = arith.select %ge3A_75, %add3A_72, %mul3A_78 : vector<16xi1>, vector<16xf32>
      %exp3A = math.exp %select_n3A : vector<16xf32>
      %swap3A = arith.constant 0 : index
      %swap3A_79 = tpu.vector_load %arg16[%swap3A] {strides = array<i32>} : memref<128xf32, #tpu.memory_space<vmem>>, vector<16xf32>,
      tpu.vector_store %arg16[%swap3A], %exp3A {strides = array<i32>} : memref<128xf32, #tpu.memory_space<vmem>>, vector<16xf32>,
      %swap3A_80 = arith.constant 0 : index
      %swap3A_81 = tpu.vector_load %arg14[%swap3A_80] {strides = array<i32>} : memref<128xi32, #tpu.memory_space<vmem>>, vector<16xi32>,
      tpu.vector_store %arg14[%swap3A_80], %get3A_70 {strides = array<i32>} : memref<128xi32, #tpu.memory_space<vmem>>, vector<16xi32>,
      %get3A_82 = arith.constant 16 : index
      %get3A_83 = tpu.vector_load %arg10[%get3A_82] {strides = array<i32>} : memref<128xi32, #tpu.memory_space<vmem>>, vector<16xi32>,
      %get3A_84 = arith.constant 16 : index
      %get3A_85 = tpu.vector_load %arg12[%get3A_84] {strides = array<i32>} : memref<128xi32, #tpu.memory_space<vmem>>, vector<16xi32>,
      %gather3A_86 = tpu.vector_load_idx %arg8[%get3A_83] : memref<10240xf32, #tpu.memory_space<vmem>>[vector<16xi32>], vector<16xf32>,
      %gather3A_87 = tpu.vector_load_idx %arg9[%get3A_85] : memref<10240xf32, #tpu.memory_space<vmem>>[vector<16xi32>], vector<16xf32>,
      %add3A_88 = arith.addf %gather3A_86, %gather3A_87 : vector<16xf32>
      %ge3A_89 = arith.constant 0.000000e+00 : f32
      %ge3A_90 = vector.broadcast %ge3A_89 : f32 to vector<16xf32>
      %ge3A_91 = arith.cmpf oge, %add3A_88, %ge3A_90 : vector<16xf32>
      %mul3A_92 = arith.constant 2.000000e-01 : f32
      %mul3A_93 = vector.broadcast %mul3A_92 : f32 to vector<16xf32>
      %mul3A_94 = arith.mulf %add3A_88, %mul3A_93 : vector<16xf32>
      %select_n3A_95 = arith.select %ge3A_91, %add3A_88, %mul3A_94 : vector<16xi1>, vector<16xf32>
      %exp3A_96 = math.exp %select_n3A_95 : vector<16xf32>
      %swap3A_97 = arith.constant 16 : index
      %swap3A_98 = tpu.vector_load %arg16[%swap3A_97] {strides = array<i32>} : memref<128xf32, #tpu.memory_space<vmem>>, vector<16xf32>,
      tpu.vector_store %arg16[%swap3A_97], %exp3A_96 {strides = array<i32>} : memref<128xf32, #tpu.memory_space<vmem>>, vector<16xf32>,
      %swap3A_99 = arith.constant 16 : index
      %swap3A_100 = tpu.vector_load %arg14[%swap3A_99] {strides = array<i32>} : memref<128xi32, #tpu.memory_space<vmem>>, vector<16xi32>,
      tpu.vector_store %arg14[%swap3A_99], %get3A_85 {strides = array<i32>} : memref<128xi32, #tpu.memory_space<vmem>>, vector<16xi32>,
      %get3A_101 = arith.constant 32 : index
      %get3A_102 = tpu.vector_load %arg10[%get3A_101] {strides = array<i32>} : memref<128xi32, #tpu.memory_space<vmem>>, vector<16xi32>,
      %get3A_103 = arith.constant 32 : index
      %get3A_104 = tpu.vector_load %arg12[%get3A_103] {strides = array<i32>} : memref<128xi32, #tpu.memory_space<vmem>>, vector<16xi32>,
      %gather3A_105 = tpu.vector_load_idx %arg8[%get3A_102] : memref<10240xf32, #tpu.memory_space<vmem>>[vector<16xi32>], vector<16xf32>,
      %gather3A_106 = tpu.vector_load_idx %arg9[%get3A_104] : memref<10240xf32, #tpu.memory_space<vmem>>[vector<16xi32>], vector<16xf32>,
      %add3A_107 = arith.addf %gather3A_105, %gather3A_106 : vector<16xf32>
      %ge3A_108 = arith.constant 0.000000e+00 : f32
      %ge3A_109 = vector.broadcast %ge3A_108 : f32 to vector<16xf32>
      %ge3A_110 = arith.cmpf oge, %add3A_107, %ge3A_109 : vector<16xf32>
      %mul3A_111 = arith.constant 2.000000e-01 : f32
      %mul3A_112 = vector.broadcast %mul3A_111 : f32 to vector<16xf32>
      %mul3A_113 = arith.mulf %add3A_107, %mul3A_112 : vector<16xf32>
      %select_n3A_114 = arith.select %ge3A_110, %add3A_107, %mul3A_113 : vector<16xi1>, vector<16xf32>
      %exp3A_115 = math.exp %select_n3A_114 : vector<16xf32>
      %swap3A_116 = arith.constant 32 : index
      %swap3A_117 = tpu.vector_load %arg16[%swap3A_116] {strides = array<i32>} : memref<128xf32, #tpu.memory_space<vmem>>, vector<16xf32>,
      tpu.vector_store %arg16[%swap3A_116], %exp3A_115 {strides = array<i32>} : memref<128xf32, #tpu.memory_space<vmem>>, vector<16xf32>,
      %swap3A_118 = arith.constant 32 : index
      %swap3A_119 = tpu.vector_load %arg14[%swap3A_118] {strides = array<i32>} : memref<128xi32, #tpu.memory_space<vmem>>, vector<16xi32>,
      tpu.vector_store %arg14[%swap3A_118], %get3A_104 {strides = array<i32>} : memref<128xi32, #tpu.memory_space<vmem>>, vector<16xi32>,
      %get3A_120 = arith.constant 48 : index
      %get3A_121 = tpu.vector_load %arg10[%get3A_120] {strides = array<i32>} : memref<128xi32, #tpu.memory_space<vmem>>, vector<16xi32>,
      %get3A_122 = arith.constant 48 : index
      %get3A_123 = tpu.vector_load %arg12[%get3A_122] {strides = array<i32>} : memref<128xi32, #tpu.memory_space<vmem>>, vector<16xi32>,
      %gather3A_124 = tpu.vector_load_idx %arg8[%get3A_121] : memref<10240xf32, #tpu.memory_space<vmem>>[vector<16xi32>], vector<16xf32>,
      %gather3A_125 = tpu.vector_load_idx %arg9[%get3A_123] : memref<10240xf32, #tpu.memory_space<vmem>>[vector<16xi32>], vector<16xf32>,
      %add3A_126 = arith.addf %gather3A_124, %gather3A_125 : vector<16xf32>
      %ge3A_127 = arith.constant 0.000000e+00 : f32
      %ge3A_128 = vector.broadcast %ge3A_127 : f32 to vector<16xf32>
      %ge3A_129 = arith.cmpf oge, %add3A_126, %ge3A_128 : vector<16xf32>
      %mul3A_130 = arith.constant 2.000000e-01 : f32
      %mul3A_131 = vector.broadcast %mul3A_130 : f32 to vector<16xf32>
      %mul3A_132 = arith.mulf %add3A_126, %mul3A_131 : vector<16xf32>
      %select_n3A_133 = arith.select %ge3A_129, %add3A_126, %mul3A_132 : vector<16xi1>, vector<16xf32>
      %exp3A_134 = math.exp %select_n3A_133 : vector<16xf32>
      %swap3A_135 = arith.constant 48 : index
      %swap3A_136 = tpu.vector_load %arg16[%swap3A_135] {strides = array<i32>} : memref<128xf32, #tpu.memory_space<vmem>>, vector<16xf32>,
      tpu.vector_store %arg16[%swap3A_135], %exp3A_134 {strides = array<i32>} : memref<128xf32, #tpu.memory_space<vmem>>, vector<16xf32>,
      %swap3A_137 = arith.constant 48 : index
      %swap3A_138 = tpu.vector_load %arg14[%swap3A_137] {strides = array<i32>} : memref<128xi32, #tpu.memory_space<vmem>>, vector<16xi32>,
      tpu.vector_store %arg14[%swap3A_137], %get3A_123 {strides = array<i32>} : memref<128xi32, #tpu.memory_space<vmem>>, vector<16xi32>,
      %get3A_139 = arith.constant 64 : index
      %get3A_140 = tpu.vector_load %arg10[%get3A_139] {strides = array<i32>} : memref<128xi32, #tpu.memory_space<vmem>>, vector<16xi32>,
      %get3A_141 = arith.constant 64 : index
      %get3A_142 = tpu.vector_load %arg12[%get3A_141] {strides = array<i32>} : memref<128xi32, #tpu.memory_space<vmem>>, vector<16xi32>,
      %gather3A_143 = tpu.vector_load_idx %arg8[%get3A_140] : memref<10240xf32, #tpu.memory_space<vmem>>[vector<16xi32>], vector<16xf32>,
      %gather3A_144 = tpu.vector_load_idx %arg9[%get3A_142] : memref<10240xf32, #tpu.memory_space<vmem>>[vector<16xi32>], vector<16xf32>,
      %add3A_145 = arith.addf %gather3A_143, %gather3A_144 : vector<16xf32>
      %ge3A_146 = arith.constant 0.000000e+00 : f32
      %ge3A_147 = vector.broadcast %ge3A_146 : f32 to vector<16xf32>
      %ge3A_148 = arith.cmpf oge, %add3A_145, %ge3A_147 : vector<16xf32>
      %mul3A_149 = arith.constant 2.000000e-01 : f32
      %mul3A_150 = vector.broadcast %mul3A_149 : f32 to vector<16xf32>
      %mul3A_151 = arith.mulf %add3A_145, %mul3A_150 : vector<16xf32>
      %select_n3A_152 = arith.select %ge3A_148, %add3A_145, %mul3A_151 : vector<16xi1>, vector<16xf32>
      %exp3A_153 = math.exp %select_n3A_152 : vector<16xf32>
      %swap3A_154 = arith.constant 64 : index
      %swap3A_155 = tpu.vector_load %arg16[%swap3A_154] {strides = array<i32>} : memref<128xf32, #tpu.memory_space<vmem>>, vector<16xf32>,
      tpu.vector_store %arg16[%swap3A_154], %exp3A_153 {strides = array<i32>} : memref<128xf32, #tpu.memory_space<vmem>>, vector<16xf32>,
      %swap3A_156 = arith.constant 64 : index
      %swap3A_157 = tpu.vector_load %arg14[%swap3A_156] {strides = array<i32>} : memref<128xi32, #tpu.memory_space<vmem>>, vector<16xi32>,
      tpu.vector_store %arg14[%swap3A_156], %get3A_142 {strides = array<i32>} : memref<128xi32, #tpu.memory_space<vmem>>, vector<16xi32>,
      %get3A_158 = arith.constant 80 : index
      %get3A_159 = tpu.vector_load %arg10[%get3A_158] {strides = array<i32>} : memref<128xi32, #tpu.memory_space<vmem>>, vector<16xi32>,
      %get3A_160 = arith.constant 80 : index
      %get3A_161 = tpu.vector_load %arg12[%get3A_160] {strides = array<i32>} : memref<128xi32, #tpu.memory_space<vmem>>, vector<16xi32>,
      %gather3A_162 = tpu.vector_load_idx %arg8[%get3A_159] : memref<10240xf32, #tpu.memory_space<vmem>>[vector<16xi32>], vector<16xf32>,
      %gather3A_163 = tpu.vector_load_idx %arg9[%get3A_161] : memref<10240xf32, #tpu.memory_space<vmem>>[vector<16xi32>], vector<16xf32>,
      %add3A_164 = arith.addf %gather3A_162, %gather3A_163 : vector<16xf32>
      %ge3A_165 = arith.constant 0.000000e+00 : f32
      %ge3A_166 = vector.broadcast %ge3A_165 : f32 to vector<16xf32>
      %ge3A_167 = arith.cmpf oge, %add3A_164, %ge3A_166 : vector<16xf32>
      %mul3A_168 = arith.constant 2.000000e-01 : f32
      %mul3A_169 = vector.broadcast %mul3A_168 : f32 to vector<16xf32>
      %mul3A_170 = arith.mulf %add3A_164, %mul3A_169 : vector<16xf32>
      %select_n3A_171 = arith.select %ge3A_167, %add3A_164, %mul3A_170 : vector<16xi1>, vector<16xf32>
      %exp3A_172 = math.exp %select_n3A_171 : vector<16xf32>
      %swap3A_173 = arith.constant 80 : index
      %swap3A_174 = tpu.vector_load %arg16[%swap3A_173] {strides = array<i32>} : memref<128xf32, #tpu.memory_space<vmem>>, vector<16xf32>,
      tpu.vector_store %arg16[%swap3A_173], %exp3A_172 {strides = array<i32>} : memref<128xf32, #tpu.memory_space<vmem>>, vector<16xf32>,
      %swap3A_175 = arith.constant 80 : index
      %swap3A_176 = tpu.vector_load %arg14[%swap3A_175] {strides = array<i32>} : memref<128xi32, #tpu.memory_space<vmem>>, vector<16xi32>,
      tpu.vector_store %arg14[%swap3A_175], %get3A_161 {strides = array<i32>} : memref<128xi32, #tpu.memory_space<vmem>>, vector<16xi32>,
      %get3A_177 = arith.constant 96 : index
      %get3A_178 = tpu.vector_load %arg10[%get3A_177] {strides = array<i32>} : memref<128xi32, #tpu.memory_space<vmem>>, vector<16xi32>,
      %get3A_179 = arith.constant 96 : index
      %get3A_180 = tpu.vector_load %arg12[%get3A_179] {strides = array<i32>} : memref<128xi32, #tpu.memory_space<vmem>>, vector<16xi32>,
      %gather3A_181 = tpu.vector_load_idx %arg8[%get3A_178] : memref<10240xf32, #tpu.memory_space<vmem>>[vector<16xi32>], vector<16xf32>,
      %gather3A_182 = tpu.vector_load_idx %arg9[%get3A_180] : memref<10240xf32, #tpu.memory_space<vmem>>[vector<16xi32>], vector<16xf32>,
      %add3A_183 = arith.addf %gather3A_181, %gather3A_182 : vector<16xf32>
      %ge3A_184 = arith.constant 0.000000e+00 : f32
      %ge3A_185 = vector.broadcast %ge3A_184 : f32 to vector<16xf32>
      %ge3A_186 = arith.cmpf oge, %add3A_183, %ge3A_185 : vector<16xf32>
      %mul3A_187 = arith.constant 2.000000e-01 : f32
      %mul3A_188 = vector.broadcast %mul3A_187 : f32 to vector<16xf32>
      %mul3A_189 = arith.mulf %add3A_183, %mul3A_188 : vector<16xf32>
      %select_n3A_190 = arith.select %ge3A_186, %add3A_183, %mul3A_189 : vector<16xi1>, vector<16xf32>
      %exp3A_191 = math.exp %select_n3A_190 : vector<16xf32>
      %swap3A_192 = arith.constant 96 : index
      %swap3A_193 = tpu.vector_load %arg16[%swap3A_192] {strides = array<i32>} : memref<128xf32, #tpu.memory_space<vmem>>, vector<16xf32>,
      tpu.vector_store %arg16[%swap3A_192], %exp3A_191 {strides = array<i32>} : memref<128xf32, #tpu.memory_space<vmem>>, vector<16xf32>,
      %swap3A_194 = arith.constant 96 : index
      %swap3A_195 = tpu.vector_load %arg14[%swap3A_194] {strides = array<i32>} : memref<128xi32, #tpu.memory_space<vmem>>, vector<16xi32>,
      tpu.vector_store %arg14[%swap3A_194], %get3A_180 {strides = array<i32>} : memref<128xi32, #tpu.memory_space<vmem>>, vector<16xi32>,
      %get3A_196 = arith.constant 112 : index
      %get3A_197 = tpu.vector_load %arg10[%get3A_196] {strides = array<i32>} : memref<128xi32, #tpu.memory_space<vmem>>, vector<16xi32>,
      %get3A_198 = arith.constant 112 : index
      %get3A_199 = tpu.vector_load %arg12[%get3A_198] {strides = array<i32>} : memref<128xi32, #tpu.memory_space<vmem>>, vector<16xi32>,
      %gather3A_200 = tpu.vector_load_idx %arg8[%get3A_197] : memref<10240xf32, #tpu.memory_space<vmem>>[vector<16xi32>], vector<16xf32>,
      %gather3A_201 = tpu.vector_load_idx %arg9[%get3A_199] : memref<10240xf32, #tpu.memory_space<vmem>>[vector<16xi32>], vector<16xf32>,
      %add3A_202 = arith.addf %gather3A_200, %gather3A_201 : vector<16xf32>
      %ge3A_203 = arith.constant 0.000000e+00 : f32
      %ge3A_204 = vector.broadcast %ge3A_203 : f32 to vector<16xf32>
      %ge3A_205 = arith.cmpf oge, %add3A_202, %ge3A_204 : vector<16xf32>
      %mul3A_206 = arith.constant 2.000000e-01 : f32
      %mul3A_207 = vector.broadcast %mul3A_206 : f32 to vector<16xf32>
      %mul3A_208 = arith.mulf %add3A_202, %mul3A_207 : vector<16xf32>
      %select_n3A_209 = arith.select %ge3A_205, %add3A_202, %mul3A_208 : vector<16xi1>, vector<16xf32>
      %exp3A_210 = math.exp %select_n3A_209 : vector<16xf32>
      %swap3A_211 = arith.constant 112 : index
      %swap3A_212 = tpu.vector_load %arg16[%swap3A_211] {strides = array<i32>} : memref<128xf32, #tpu.memory_space<vmem>>, vector<16xf32>,
      tpu.vector_store %arg16[%swap3A_211], %exp3A_210 {strides = array<i32>} : memref<128xf32, #tpu.memory_space<vmem>>, vector<16xf32>,
      %swap3A_213 = arith.constant 112 : index
      %swap3A_214 = tpu.vector_load %arg14[%swap3A_213] {strides = array<i32>} : memref<128xi32, #tpu.memory_space<vmem>>, vector<16xi32>,
      tpu.vector_store %arg14[%swap3A_213], %get3A_199 {strides = array<i32>} : memref<128xi32, #tpu.memory_space<vmem>>, vector<16xi32>,
      %mul3A_215 = arith.constant 10496 : i32
      %mul3A_216 = arith.muli %add3A, %mul3A_215 : i32
      %mul3A_217 = arith.constant 128 : i32
      %mul3A_218 = arith.muli %add3A_56, %mul3A_217 : i32
      %add3A_219 = arith.addi %mul3A_216, %mul3A_218 : i32
      %dma_start3A_220 = tpu.memref_slice %arg6[%add3A_219] : memref<335872xf32, #tpu.memory_space<hbm>> -> memref<128xf32, #tpu.memory_space<hbm>>
      %dma_start3A_221 = tpu.memref_slice %arg6[%add3A_219] : memref<335872xf32, #tpu.memory_space<hbm>> -> memref<128xf32, #tpu.memory_space<hbm>>
      tpu.enqueue_dma source(%arg16 : memref<128xf32, #tpu.memory_space<vmem>>) target(%dma_start3A_221 : memref<128xf32, #tpu.memory_space<hbm>>) target_semaphore(%arg22 : memref<!tpu.dma_semaphore, #tpu.memory_space<semaphore_mem>>)
      %dma_start3A_222 = arith.constant 0 : i32
      %dma_start3A_223 = tpu.memref_slice %arg19[%dma_start3A_222] : memref<10240xf32, #tpu.memory_space<vmem_shared>> -> memref<10240xf32, #tpu.memory_space<vmem_shared>>
      tpu.enqueue_indirect_dma source(%arg16 : memref<128xf32, #tpu.memory_space<vmem>>) target(%dma_start3A_223 : memref<10240xf32, #tpu.memory_space<vmem_shared>>) offsets(%arg14 : memref<128xi32, #tpu.memory_space<vmem>>) semaphore(%arg24 : memref<!tpu.dma_semaphore, #tpu.memory_space<semaphore_mem>>) {add = true}
      %lt3A = arith.constant 40 : i32
      %lt3A_224 = arith.cmpi slt, %scan3A_51, %lt3A : i32
      %convert_element_type3A_225 = arith.extui %lt3A_224 : i1 to i32
      %cond3A_226 = arith.constant 0 : i32
      %cond3A_227 = arith.cmpi ne, %convert_element_type3A_225, %cond3A_226 : i32
      scf.if %cond3A_227 {
        %add3A_413 = arith.constant 2 : i32
        %add3A_414 = arith.addi %add3A_56, %add3A_413 : i32
        %mul3A_415 = arith.constant 10496 : i32
        %mul3A_416 = arith.muli %add3A, %mul3A_415 : i32
        %mul3A_417 = arith.constant 128 : i32
        %mul3A_418 = arith.muli %add3A_414, %mul3A_417 : i32
        %add3A_419 = arith.addi %mul3A_416, %mul3A_418 : i32
        %dma_start3A_420 = tpu.memref_slice %arg2[%add3A_419] : memref<335872xi32, #tpu.memory_space<hbm>> -> memref<128xi32, #tpu.memory_space<hbm>>
        %dma_start3A_421 = tpu.memref_slice %arg2[%add3A_419] : memref<335872xi32, #tpu.memory_space<hbm>> -> memref<128xi32, #tpu.memory_space<hbm>>
        tpu.enqueue_dma source(%dma_start3A_421 : memref<128xi32, #tpu.memory_space<hbm>>) target(%arg10 : memref<128xi32, #tpu.memory_space<vmem>>) target_semaphore(%arg20 : memref<!tpu.dma_semaphore, #tpu.memory_space<semaphore_mem>>)
        %dma_start3A_422 = tpu.memref_slice %arg3[%add3A_419] : memref<335872xi32, #tpu.memory_space<hbm>> -> memref<128xi32, #tpu.memory_space<hbm>>
        %dma_start3A_423 = tpu.memref_slice %arg3[%add3A_419] : memref<335872xi32, #tpu.memory_space<hbm>> -> memref<128xi32, #tpu.memory_space<hbm>>
        tpu.enqueue_dma source(%dma_start3A_423 : memref<128xi32, #tpu.memory_space<hbm>>) target(%arg12 : memref<128xi32, #tpu.memory_space<vmem>>) target_semaphore(%arg20 : memref<!tpu.dma_semaphore, #tpu.memory_space<semaphore_mem>>)
      } else {
      }
      %mul3A_228 = arith.constant 2 : i32
      %mul3A_229 = arith.muli %mul3A_228, %scan3A_51 : i32
      %add3A_230 = arith.constant 1 : i32
      %add3A_231 = arith.addi %mul3A_229, %add3A_230 : i32
      %mul3A_232 = arith.constant 10496 : i32
      %mul3A_233 = arith.muli %add3A, %mul3A_232 : i32
      %mul3A_234 = arith.constant 128 : i32
      %mul3A_235 = arith.muli %add3A_231, %mul3A_234 : i32
      %add3A_236 = arith.addi %mul3A_233, %mul3A_235 : i32
      %dma_wait3A_237 = tpu.memref_slice %arg2[%add3A_236] : memref<335872xi32, #tpu.memory_space<hbm>> -> memref<128xi32, #tpu.memory_space<hbm>>
      %dma_wait3A_238 = tpu.memref_slice %arg2[%add3A_236] : memref<335872xi32, #tpu.memory_space<hbm>> -> memref<128xi32, #tpu.memory_space<hbm>>
      tpu.wait_dma2 semaphore(%arg21 : memref<!tpu.dma_semaphore, #tpu.memory_space<semaphore_mem>>) src(%dma_wait3A_238 : memref<128xi32, #tpu.memory_space<hbm>>) dst(%arg11 : memref<128xi32, #tpu.memory_space<vmem>>)
      %dma_wait3A_239 = tpu.memref_slice %arg3[%add3A_236] : memref<335872xi32, #tpu.memory_space<hbm>> -> memref<128xi32, #tpu.memory_space<hbm>>
      %dma_wait3A_240 = tpu.memref_slice %arg3[%add3A_236] : memref<335872xi32, #tpu.memory_space<hbm>> -> memref<128xi32, #tpu.memory_space<hbm>>
      tpu.wait_dma2 semaphore(%arg21 : memref<!tpu.dma_semaphore, #tpu.memory_space<semaphore_mem>>) src(%dma_wait3A_240 : memref<128xi32, #tpu.memory_space<hbm>>) dst(%arg13 : memref<128xi32, #tpu.memory_space<vmem>>)
      %ge3A_241 = arith.constant 1 : i32
      %ge3A_242 = arith.cmpi sge, %scan3A_51, %ge3A_241 : i32
      %convert_element_type3A_243 = arith.extui %ge3A_242 : i1 to i32
      %cond3A_244 = arith.constant 0 : i32
      %cond3A_245 = arith.cmpi ne, %convert_element_type3A_243, %cond3A_244 : i32
      scf.if %cond3A_245 {
        %sub3A = arith.constant 2 : i32
        %sub3A_413 = arith.subi %add3A_231, %sub3A : i32
        %mul3A_414 = arith.constant 10496 : i32
        %mul3A_415 = arith.muli %add3A, %mul3A_414 : i32
        %mul3A_416 = arith.constant 128 : i32
        %mul3A_417 = arith.muli %sub3A_413, %mul3A_416 : i32
        %add3A_418 = arith.addi %mul3A_415, %mul3A_417 : i32
        %dma_wait3A_419 = tpu.memref_slice %arg6[%add3A_418] : memref<335872xf32, #tpu.memory_space<hbm>> -> memref<128xf32, #tpu.memory_space<hbm>>
        %dma_wait3A_420 = tpu.memref_slice %arg6[%add3A_418] : memref<335872xf32, #tpu.memory_space<hbm>> -> memref<128xf32, #tpu.memory_space<hbm>>
        tpu.wait_dma2 semaphore(%arg23 : memref<!tpu.dma_semaphore, #tpu.memory_space<semaphore_mem>>) src(%arg17 : memref<128xf32, #tpu.memory_space<vmem>>) dst(%dma_wait3A_420 : memref<128xf32, #tpu.memory_space<hbm>>)
        %dma_wait3A_421 = arith.constant 0 : i32
        %dma_wait3A_422 = tpu.memref_slice %arg19[%dma_wait3A_421] : memref<10240xf32, #tpu.memory_space<vmem_shared>> -> memref<10240xf32, #tpu.memory_space<vmem_shared>>
        tpu.wait_indirect_dma semaphore(%arg25 : memref<!tpu.dma_semaphore, #tpu.memory_space<semaphore_mem>>) src(%arg17 : memref<128xf32, #tpu.memory_space<vmem>>) dst(%dma_wait3A_422 : memref<10240xf32, #tpu.memory_space<vmem_shared>>)
      } else {
      }
      %get3A_246 = arith.constant 0 : index
      %get3A_247 = tpu.vector_load %arg11[%get3A_246] {strides = array<i32>} : memref<128xi32, #tpu.memory_space<vmem>>, vector<16xi32>,
      %get3A_248 = arith.constant 0 : index
      %get3A_249 = tpu.vector_load %arg13[%get3A_248] {strides = array<i32>} : memref<128xi32, #tpu.memory_space<vmem>>, vector<16xi32>,
      %gather3A_250 = tpu.vector_load_idx %arg8[%get3A_247] : memref<10240xf32, #tpu.memory_space<vmem>>[vector<16xi32>], vector<16xf32>,
      %gather3A_251 = tpu.vector_load_idx %arg9[%get3A_249] : memref<10240xf32, #tpu.memory_space<vmem>>[vector<16xi32>], vector<16xf32>,
      %add3A_252 = arith.addf %gather3A_250, %gather3A_251 : vector<16xf32>
      %ge3A_253 = arith.constant 0.000000e+00 : f32
      %ge3A_254 = vector.broadcast %ge3A_253 : f32 to vector<16xf32>
      %ge3A_255 = arith.cmpf oge, %add3A_252, %ge3A_254 : vector<16xf32>
      %mul3A_256 = arith.constant 2.000000e-01 : f32
      %mul3A_257 = vector.broadcast %mul3A_256 : f32 to vector<16xf32>
      %mul3A_258 = arith.mulf %add3A_252, %mul3A_257 : vector<16xf32>
      %select_n3A_259 = arith.select %ge3A_255, %add3A_252, %mul3A_258 : vector<16xi1>, vector<16xf32>
      %exp3A_260 = math.exp %select_n3A_259 : vector<16xf32>
      %swap3A_261 = arith.constant 0 : index
      %swap3A_262 = tpu.vector_load %arg17[%swap3A_261] {strides = array<i32>} : memref<128xf32, #tpu.memory_space<vmem>>, vector<16xf32>,
      tpu.vector_store %arg17[%swap3A_261], %exp3A_260 {strides = array<i32>} : memref<128xf32, #tpu.memory_space<vmem>>, vector<16xf32>,
      %swap3A_263 = arith.constant 0 : index
      %swap3A_264 = tpu.vector_load %arg15[%swap3A_263] {strides = array<i32>} : memref<128xi32, #tpu.memory_space<vmem>>, vector<16xi32>,
      tpu.vector_store %arg15[%swap3A_263], %get3A_249 {strides = array<i32>} : memref<128xi32, #tpu.memory_space<vmem>>, vector<16xi32>,
      %get3A_265 = arith.constant 16 : index
      %get3A_266 = tpu.vector_load %arg11[%get3A_265] {strides = array<i32>} : memref<128xi32, #tpu.memory_space<vmem>>, vector<16xi32>,
      %get3A_267 = arith.constant 16 : index
      %get3A_268 = tpu.vector_load %arg13[%get3A_267] {strides = array<i32>} : memref<128xi32, #tpu.memory_space<vmem>>, vector<16xi32>,
      %gather3A_269 = tpu.vector_load_idx %arg8[%get3A_266] : memref<10240xf32, #tpu.memory_space<vmem>>[vector<16xi32>], vector<16xf32>,
      %gather3A_270 = tpu.vector_load_idx %arg9[%get3A_268] : memref<10240xf32, #tpu.memory_space<vmem>>[vector<16xi32>], vector<16xf32>,
      %add3A_271 = arith.addf %gather3A_269, %gather3A_270 : vector<16xf32>
      %ge3A_272 = arith.constant 0.000000e+00 : f32
      %ge3A_273 = vector.broadcast %ge3A_272 : f32 to vector<16xf32>
      %ge3A_274 = arith.cmpf oge, %add3A_271, %ge3A_273 : vector<16xf32>
      %mul3A_275 = arith.constant 2.000000e-01 : f32
      %mul3A_276 = vector.broadcast %mul3A_275 : f32 to vector<16xf32>
      %mul3A_277 = arith.mulf %add3A_271, %mul3A_276 : vector<16xf32>
      %select_n3A_278 = arith.select %ge3A_274, %add3A_271, %mul3A_277 : vector<16xi1>, vector<16xf32>
      %exp3A_279 = math.exp %select_n3A_278 : vector<16xf32>
      %swap3A_280 = arith.constant 16 : index
      %swap3A_281 = tpu.vector_load %arg17[%swap3A_280] {strides = array<i32>} : memref<128xf32, #tpu.memory_space<vmem>>, vector<16xf32>,
      tpu.vector_store %arg17[%swap3A_280], %exp3A_279 {strides = array<i32>} : memref<128xf32, #tpu.memory_space<vmem>>, vector<16xf32>,
      %swap3A_282 = arith.constant 16 : index
      %swap3A_283 = tpu.vector_load %arg15[%swap3A_282] {strides = array<i32>} : memref<128xi32, #tpu.memory_space<vmem>>, vector<16xi32>,
      tpu.vector_store %arg15[%swap3A_282], %get3A_268 {strides = array<i32>} : memref<128xi32, #tpu.memory_space<vmem>>, vector<16xi32>,
      %get3A_284 = arith.constant 32 : index
      %get3A_285 = tpu.vector_load %arg11[%get3A_284] {strides = array<i32>} : memref<128xi32, #tpu.memory_space<vmem>>, vector<16xi32>,
      %get3A_286 = arith.constant 32 : index
      %get3A_287 = tpu.vector_load %arg13[%get3A_286] {strides = array<i32>} : memref<128xi32, #tpu.memory_space<vmem>>, vector<16xi32>,
      %gather3A_288 = tpu.vector_load_idx %arg8[%get3A_285] : memref<10240xf32, #tpu.memory_space<vmem>>[vector<16xi32>], vector<16xf32>,
      %gather3A_289 = tpu.vector_load_idx %arg9[%get3A_287] : memref<10240xf32, #tpu.memory_space<vmem>>[vector<16xi32>], vector<16xf32>,
      %add3A_290 = arith.addf %gather3A_288, %gather3A_289 : vector<16xf32>
      %ge3A_291 = arith.constant 0.000000e+00 : f32
      %ge3A_292 = vector.broadcast %ge3A_291 : f32 to vector<16xf32>
      %ge3A_293 = arith.cmpf oge, %add3A_290, %ge3A_292 : vector<16xf32>
      %mul3A_294 = arith.constant 2.000000e-01 : f32
      %mul3A_295 = vector.broadcast %mul3A_294 : f32 to vector<16xf32>
      %mul3A_296 = arith.mulf %add3A_290, %mul3A_295 : vector<16xf32>
      %select_n3A_297 = arith.select %ge3A_293, %add3A_290, %mul3A_296 : vector<16xi1>, vector<16xf32>
      %exp3A_298 = math.exp %select_n3A_297 : vector<16xf32>
      %swap3A_299 = arith.constant 32 : index
      %swap3A_300 = tpu.vector_load %arg17[%swap3A_299] {strides = array<i32>} : memref<128xf32, #tpu.memory_space<vmem>>, vector<16xf32>,
      tpu.vector_store %arg17[%swap3A_299], %exp3A_298 {strides = array<i32>} : memref<128xf32, #tpu.memory_space<vmem>>, vector<16xf32>,
      %swap3A_301 = arith.constant 32 : index
      %swap3A_302 = tpu.vector_load %arg15[%swap3A_301] {strides = array<i32>} : memref<128xi32, #tpu.memory_space<vmem>>, vector<16xi32>,
      tpu.vector_store %arg15[%swap3A_301], %get3A_287 {strides = array<i32>} : memref<128xi32, #tpu.memory_space<vmem>>, vector<16xi32>,
      %get3A_303 = arith.constant 48 : index
      %get3A_304 = tpu.vector_load %arg11[%get3A_303] {strides = array<i32>} : memref<128xi32, #tpu.memory_space<vmem>>, vector<16xi32>,
      %get3A_305 = arith.constant 48 : index
      %get3A_306 = tpu.vector_load %arg13[%get3A_305] {strides = array<i32>} : memref<128xi32, #tpu.memory_space<vmem>>, vector<16xi32>,
      %gather3A_307 = tpu.vector_load_idx %arg8[%get3A_304] : memref<10240xf32, #tpu.memory_space<vmem>>[vector<16xi32>], vector<16xf32>,
      %gather3A_308 = tpu.vector_load_idx %arg9[%get3A_306] : memref<10240xf32, #tpu.memory_space<vmem>>[vector<16xi32>], vector<16xf32>,
      %add3A_309 = arith.addf %gather3A_307, %gather3A_308 : vector<16xf32>
      %ge3A_310 = arith.constant 0.000000e+00 : f32
      %ge3A_311 = vector.broadcast %ge3A_310 : f32 to vector<16xf32>
      %ge3A_312 = arith.cmpf oge, %add3A_309, %ge3A_311 : vector<16xf32>
      %mul3A_313 = arith.constant 2.000000e-01 : f32
      %mul3A_314 = vector.broadcast %mul3A_313 : f32 to vector<16xf32>
      %mul3A_315 = arith.mulf %add3A_309, %mul3A_314 : vector<16xf32>
      %select_n3A_316 = arith.select %ge3A_312, %add3A_309, %mul3A_315 : vector<16xi1>, vector<16xf32>
      %exp3A_317 = math.exp %select_n3A_316 : vector<16xf32>
      %swap3A_318 = arith.constant 48 : index
      %swap3A_319 = tpu.vector_load %arg17[%swap3A_318] {strides = array<i32>} : memref<128xf32, #tpu.memory_space<vmem>>, vector<16xf32>,
      tpu.vector_store %arg17[%swap3A_318], %exp3A_317 {strides = array<i32>} : memref<128xf32, #tpu.memory_space<vmem>>, vector<16xf32>,
      %swap3A_320 = arith.constant 48 : index
      %swap3A_321 = tpu.vector_load %arg15[%swap3A_320] {strides = array<i32>} : memref<128xi32, #tpu.memory_space<vmem>>, vector<16xi32>,
      tpu.vector_store %arg15[%swap3A_320], %get3A_306 {strides = array<i32>} : memref<128xi32, #tpu.memory_space<vmem>>, vector<16xi32>,
      %get3A_322 = arith.constant 64 : index
      %get3A_323 = tpu.vector_load %arg11[%get3A_322] {strides = array<i32>} : memref<128xi32, #tpu.memory_space<vmem>>, vector<16xi32>,
      %get3A_324 = arith.constant 64 : index
      %get3A_325 = tpu.vector_load %arg13[%get3A_324] {strides = array<i32>} : memref<128xi32, #tpu.memory_space<vmem>>, vector<16xi32>,
      %gather3A_326 = tpu.vector_load_idx %arg8[%get3A_323] : memref<10240xf32, #tpu.memory_space<vmem>>[vector<16xi32>], vector<16xf32>,
      %gather3A_327 = tpu.vector_load_idx %arg9[%get3A_325] : memref<10240xf32, #tpu.memory_space<vmem>>[vector<16xi32>], vector<16xf32>,
      %add3A_328 = arith.addf %gather3A_326, %gather3A_327 : vector<16xf32>
      %ge3A_329 = arith.constant 0.000000e+00 : f32
      %ge3A_330 = vector.broadcast %ge3A_329 : f32 to vector<16xf32>
      %ge3A_331 = arith.cmpf oge, %add3A_328, %ge3A_330 : vector<16xf32>
      %mul3A_332 = arith.constant 2.000000e-01 : f32
      %mul3A_333 = vector.broadcast %mul3A_332 : f32 to vector<16xf32>
      %mul3A_334 = arith.mulf %add3A_328, %mul3A_333 : vector<16xf32>
      %select_n3A_335 = arith.select %ge3A_331, %add3A_328, %mul3A_334 : vector<16xi1>, vector<16xf32>
      %exp3A_336 = math.exp %select_n3A_335 : vector<16xf32>
      %swap3A_337 = arith.constant 64 : index
      %swap3A_338 = tpu.vector_load %arg17[%swap3A_337] {strides = array<i32>} : memref<128xf32, #tpu.memory_space<vmem>>, vector<16xf32>,
      tpu.vector_store %arg17[%swap3A_337], %exp3A_336 {strides = array<i32>} : memref<128xf32, #tpu.memory_space<vmem>>, vector<16xf32>,
      %swap3A_339 = arith.constant 64 : index
      %swap3A_340 = tpu.vector_load %arg15[%swap3A_339] {strides = array<i32>} : memref<128xi32, #tpu.memory_space<vmem>>, vector<16xi32>,
      tpu.vector_store %arg15[%swap3A_339], %get3A_325 {strides = array<i32>} : memref<128xi32, #tpu.memory_space<vmem>>, vector<16xi32>,
      %get3A_341 = arith.constant 80 : index
      %get3A_342 = tpu.vector_load %arg11[%get3A_341] {strides = array<i32>} : memref<128xi32, #tpu.memory_space<vmem>>, vector<16xi32>,
      %get3A_343 = arith.constant 80 : index
      %get3A_344 = tpu.vector_load %arg13[%get3A_343] {strides = array<i32>} : memref<128xi32, #tpu.memory_space<vmem>>, vector<16xi32>,
      %gather3A_345 = tpu.vector_load_idx %arg8[%get3A_342] : memref<10240xf32, #tpu.memory_space<vmem>>[vector<16xi32>], vector<16xf32>,
      %gather3A_346 = tpu.vector_load_idx %arg9[%get3A_344] : memref<10240xf32, #tpu.memory_space<vmem>>[vector<16xi32>], vector<16xf32>,
      %add3A_347 = arith.addf %gather3A_345, %gather3A_346 : vector<16xf32>
      %ge3A_348 = arith.constant 0.000000e+00 : f32
      %ge3A_349 = vector.broadcast %ge3A_348 : f32 to vector<16xf32>
      %ge3A_350 = arith.cmpf oge, %add3A_347, %ge3A_349 : vector<16xf32>
      %mul3A_351 = arith.constant 2.000000e-01 : f32
      %mul3A_352 = vector.broadcast %mul3A_351 : f32 to vector<16xf32>
      %mul3A_353 = arith.mulf %add3A_347, %mul3A_352 : vector<16xf32>
      %select_n3A_354 = arith.select %ge3A_350, %add3A_347, %mul3A_353 : vector<16xi1>, vector<16xf32>
      %exp3A_355 = math.exp %select_n3A_354 : vector<16xf32>
      %swap3A_356 = arith.constant 80 : index
      %swap3A_357 = tpu.vector_load %arg17[%swap3A_356] {strides = array<i32>} : memref<128xf32, #tpu.memory_space<vmem>>, vector<16xf32>,
      tpu.vector_store %arg17[%swap3A_356], %exp3A_355 {strides = array<i32>} : memref<128xf32, #tpu.memory_space<vmem>>, vector<16xf32>,
      %swap3A_358 = arith.constant 80 : index
      %swap3A_359 = tpu.vector_load %arg15[%swap3A_358] {strides = array<i32>} : memref<128xi32, #tpu.memory_space<vmem>>, vector<16xi32>,
      tpu.vector_store %arg15[%swap3A_358], %get3A_344 {strides = array<i32>} : memref<128xi32, #tpu.memory_space<vmem>>, vector<16xi32>,
      %get3A_360 = arith.constant 96 : index
      %get3A_361 = tpu.vector_load %arg11[%get3A_360] {strides = array<i32>} : memref<128xi32, #tpu.memory_space<vmem>>, vector<16xi32>,
      %get3A_362 = arith.constant 96 : index
      %get3A_363 = tpu.vector_load %arg13[%get3A_362] {strides = array<i32>} : memref<128xi32, #tpu.memory_space<vmem>>, vector<16xi32>,
      %gather3A_364 = tpu.vector_load_idx %arg8[%get3A_361] : memref<10240xf32, #tpu.memory_space<vmem>>[vector<16xi32>], vector<16xf32>,
      %gather3A_365 = tpu.vector_load_idx %arg9[%get3A_363] : memref<10240xf32, #tpu.memory_space<vmem>>[vector<16xi32>], vector<16xf32>,
      %add3A_366 = arith.addf %gather3A_364, %gather3A_365 : vector<16xf32>
      %ge3A_367 = arith.constant 0.000000e+00 : f32
      %ge3A_368 = vector.broadcast %ge3A_367 : f32 to vector<16xf32>
      %ge3A_369 = arith.cmpf oge, %add3A_366, %ge3A_368 : vector<16xf32>
      %mul3A_370 = arith.constant 2.000000e-01 : f32
      %mul3A_371 = vector.broadcast %mul3A_370 : f32 to vector<16xf32>
      %mul3A_372 = arith.mulf %add3A_366, %mul3A_371 : vector<16xf32>
      %select_n3A_373 = arith.select %ge3A_369, %add3A_366, %mul3A_372 : vector<16xi1>, vector<16xf32>
      %exp3A_374 = math.exp %select_n3A_373 : vector<16xf32>
      %swap3A_375 = arith.constant 96 : index
      %swap3A_376 = tpu.vector_load %arg17[%swap3A_375] {strides = array<i32>} : memref<128xf32, #tpu.memory_space<vmem>>, vector<16xf32>,
      tpu.vector_store %arg17[%swap3A_375], %exp3A_374 {strides = array<i32>} : memref<128xf32, #tpu.memory_space<vmem>>, vector<16xf32>,
      %swap3A_377 = arith.constant 96 : index
      %swap3A_378 = tpu.vector_load %arg15[%swap3A_377] {strides = array<i32>} : memref<128xi32, #tpu.memory_space<vmem>>, vector<16xi32>,
      tpu.vector_store %arg15[%swap3A_377], %get3A_363 {strides = array<i32>} : memref<128xi32, #tpu.memory_space<vmem>>, vector<16xi32>,
      %get3A_379 = arith.constant 112 : index
      %get3A_380 = tpu.vector_load %arg11[%get3A_379] {strides = array<i32>} : memref<128xi32, #tpu.memory_space<vmem>>, vector<16xi32>,
      %get3A_381 = arith.constant 112 : index
      %get3A_382 = tpu.vector_load %arg13[%get3A_381] {strides = array<i32>} : memref<128xi32, #tpu.memory_space<vmem>>, vector<16xi32>,
      %gather3A_383 = tpu.vector_load_idx %arg8[%get3A_380] : memref<10240xf32, #tpu.memory_space<vmem>>[vector<16xi32>], vector<16xf32>,
      %gather3A_384 = tpu.vector_load_idx %arg9[%get3A_382] : memref<10240xf32, #tpu.memory_space<vmem>>[vector<16xi32>], vector<16xf32>,
      %add3A_385 = arith.addf %gather3A_383, %gather3A_384 : vector<16xf32>
      %ge3A_386 = arith.constant 0.000000e+00 : f32
      %ge3A_387 = vector.broadcast %ge3A_386 : f32 to vector<16xf32>
      %ge3A_388 = arith.cmpf oge, %add3A_385, %ge3A_387 : vector<16xf32>
      %mul3A_389 = arith.constant 2.000000e-01 : f32
      %mul3A_390 = vector.broadcast %mul3A_389 : f32 to vector<16xf32>
      %mul3A_391 = arith.mulf %add3A_385, %mul3A_390 : vector<16xf32>
      %select_n3A_392 = arith.select %ge3A_388, %add3A_385, %mul3A_391 : vector<16xi1>, vector<16xf32>
      %exp3A_393 = math.exp %select_n3A_392 : vector<16xf32>
      %swap3A_394 = arith.constant 112 : index
      %swap3A_395 = tpu.vector_load %arg17[%swap3A_394] {strides = array<i32>} : memref<128xf32, #tpu.memory_space<vmem>>, vector<16xf32>,
      tpu.vector_store %arg17[%swap3A_394], %exp3A_393 {strides = array<i32>} : memref<128xf32, #tpu.memory_space<vmem>>, vector<16xf32>,
      %swap3A_396 = arith.constant 112 : index
      %swap3A_397 = tpu.vector_load %arg15[%swap3A_396] {strides = array<i32>} : memref<128xi32, #tpu.memory_space<vmem>>, vector<16xi32>,
      tpu.vector_store %arg15[%swap3A_396], %get3A_382 {strides = array<i32>} : memref<128xi32, #tpu.memory_space<vmem>>, vector<16xi32>,
      %mul3A_398 = arith.constant 10496 : i32
      %mul3A_399 = arith.muli %add3A, %mul3A_398 : i32
      %mul3A_400 = arith.constant 128 : i32
      %mul3A_401 = arith.muli %add3A_231, %mul3A_400 : i32
      %add3A_402 = arith.addi %mul3A_399, %mul3A_401 : i32
      %dma_start3A_403 = tpu.memref_slice %arg6[%add3A_402] : memref<335872xf32, #tpu.memory_space<hbm>> -> memref<128xf32, #tpu.memory_space<hbm>>
      %dma_start3A_404 = tpu.memref_slice %arg6[%add3A_402] : memref<335872xf32, #tpu.memory_space<hbm>> -> memref<128xf32, #tpu.memory_space<hbm>>
      tpu.enqueue_dma source(%arg17 : memref<128xf32, #tpu.memory_space<vmem>>) target(%dma_start3A_404 : memref<128xf32, #tpu.memory_space<hbm>>) target_semaphore(%arg23 : memref<!tpu.dma_semaphore, #tpu.memory_space<semaphore_mem>>)
      %dma_start3A_405 = arith.constant 0 : i32
      %dma_start3A_406 = tpu.memref_slice %arg19[%dma_start3A_405] : memref<10240xf32, #tpu.memory_space<vmem_shared>> -> memref<10240xf32, #tpu.memory_space<vmem_shared>>
      tpu.enqueue_indirect_dma source(%arg17 : memref<128xf32, #tpu.memory_space<vmem>>) target(%dma_start3A_406 : memref<10240xf32, #tpu.memory_space<vmem_shared>>) offsets(%arg15 : memref<128xi32, #tpu.memory_space<vmem>>) semaphore(%arg25 : memref<!tpu.dma_semaphore, #tpu.memory_space<semaphore_mem>>) {add = true}
      %lt3A_407 = arith.constant 40 : i32
      %lt3A_408 = arith.cmpi slt, %scan3A_51, %lt3A_407 : i32
      %convert_element_type3A_409 = arith.extui %lt3A_408 : i1 to i32
      %cond3A_410 = arith.constant 0 : i32
      %cond3A_411 = arith.cmpi ne, %convert_element_type3A_409, %cond3A_410 : i32
      scf.if %cond3A_411 {
        %add3A_413 = arith.constant 2 : i32
        %add3A_414 = arith.addi %add3A_231, %add3A_413 : i32
        %mul3A_415 = arith.constant 10496 : i32
        %mul3A_416 = arith.muli %add3A, %mul3A_415 : i32
        %mul3A_417 = arith.constant 128 : i32
        %mul3A_418 = arith.muli %add3A_414, %mul3A_417 : i32
        %add3A_419 = arith.addi %mul3A_416, %mul3A_418 : i32
        %dma_start3A_420 = tpu.memref_slice %arg2[%add3A_419] : memref<335872xi32, #tpu.memory_space<hbm>> -> memref<128xi32, #tpu.memory_space<hbm>>
        %dma_start3A_421 = tpu.memref_slice %arg2[%add3A_419] : memref<335872xi32, #tpu.memory_space<hbm>> -> memref<128xi32, #tpu.memory_space<hbm>>
        tpu.enqueue_dma source(%dma_start3A_421 : memref<128xi32, #tpu.memory_space<hbm>>) target(%arg11 : memref<128xi32, #tpu.memory_space<vmem>>) target_semaphore(%arg21 : memref<!tpu.dma_semaphore, #tpu.memory_space<semaphore_mem>>)
        %dma_start3A_422 = tpu.memref_slice %arg3[%add3A_419] : memref<335872xi32, #tpu.memory_space<hbm>> -> memref<128xi32, #tpu.memory_space<hbm>>
        %dma_start3A_423 = tpu.memref_slice %arg3[%add3A_419] : memref<335872xi32, #tpu.memory_space<hbm>> -> memref<128xi32, #tpu.memory_space<hbm>>
        tpu.enqueue_dma source(%dma_start3A_423 : memref<128xi32, #tpu.memory_space<hbm>>) target(%arg13 : memref<128xi32, #tpu.memory_space<vmem>>) target_semaphore(%arg21 : memref<!tpu.dma_semaphore, #tpu.memory_space<semaphore_mem>>)
      } else {
      }
      %scan3A_412 = arith.constant 0 : i32
      scf.yield %scan3A_412 : i32
    }
    %scan3A_30 = arith.constant 41 : i32
    %mul3A_31 = arith.constant 10496 : i32
    %mul3A_32 = arith.muli %add3A, %mul3A_31 : i32
    %add3A_33 = arith.constant 10240 : i32
    %add3A_34 = arith.addi %mul3A_32, %add3A_33 : i32
    %dma_wait3A = tpu.memref_slice %arg6[%add3A_34] : memref<335872xf32, #tpu.memory_space<hbm>> -> memref<128xf32, #tpu.memory_space<hbm>>
    %dma_wait3A_35 = tpu.memref_slice %arg6[%add3A_34] : memref<335872xf32, #tpu.memory_space<hbm>> -> memref<128xf32, #tpu.memory_space<hbm>>
    tpu.wait_dma2 semaphore(%arg22 : memref<!tpu.dma_semaphore, #tpu.memory_space<semaphore_mem>>) src(%arg16 : memref<128xf32, #tpu.memory_space<vmem>>) dst(%dma_wait3A_35 : memref<128xf32, #tpu.memory_space<hbm>>)
    %dma_wait3A_36 = arith.constant 0 : i32
    %dma_wait3A_37 = tpu.memref_slice %arg19[%dma_wait3A_36] : memref<10240xf32, #tpu.memory_space<vmem_shared>> -> memref<10240xf32, #tpu.memory_space<vmem_shared>>
    tpu.wait_indirect_dma semaphore(%arg24 : memref<!tpu.dma_semaphore, #tpu.memory_space<semaphore_mem>>) src(%arg16 : memref<128xf32, #tpu.memory_space<vmem>>) dst(%dma_wait3A_37 : memref<10240xf32, #tpu.memory_space<vmem_shared>>)
    %mul3A_38 = arith.constant 10496 : i32
    %mul3A_39 = arith.muli %add3A, %mul3A_38 : i32
    %add3A_40 = arith.constant 10368 : i32
    %add3A_41 = arith.addi %mul3A_39, %add3A_40 : i32
    %dma_wait3A_42 = tpu.memref_slice %arg6[%add3A_41] : memref<335872xf32, #tpu.memory_space<hbm>> -> memref<128xf32, #tpu.memory_space<hbm>>
    %dma_wait3A_43 = tpu.memref_slice %arg6[%add3A_41] : memref<335872xf32, #tpu.memory_space<hbm>> -> memref<128xf32, #tpu.memory_space<hbm>>
    tpu.wait_dma2 semaphore(%arg23 : memref<!tpu.dma_semaphore, #tpu.memory_space<semaphore_mem>>) src(%arg17 : memref<128xf32, #tpu.memory_space<vmem>>) dst(%dma_wait3A_43 : memref<128xf32, #tpu.memory_space<hbm>>)
    %dma_wait3A_44 = arith.constant 0 : i32
    %dma_wait3A_45 = tpu.memref_slice %arg19[%dma_wait3A_44] : memref<10240xf32, #tpu.memory_space<vmem_shared>> -> memref<10240xf32, #tpu.memory_space<vmem_shared>>
    tpu.wait_indirect_dma semaphore(%arg25 : memref<!tpu.dma_semaphore, #tpu.memory_space<semaphore_mem>>) src(%arg17 : memref<128xf32, #tpu.memory_space<vmem>>) dst(%dma_wait3A_45 : memref<10240xf32, #tpu.memory_space<vmem_shared>>)
    %barrier3A_46 = arith.constant 0 : index
    tpu.barrier barrier_id(%barrier3A_46)
    %mul3A_47 = arith.constant 640 : i32
    %mul3A_48 = arith.muli %arg1, %mul3A_47 : i32
    %mul3A_49 = arith.constant 640 : i32
    %mul3A_50 = arith.muli %arg1, %mul3A_49 : i32
    "tpu.region"() ({
      %run_scoped3A = tpu.sem_alloc : memref<!tpu.dma_semaphore, #tpu.memory_space<semaphore_mem>>
      %dma_start3A_51 = tpu.memref_slice %arg7[%arg0, %mul3A_50] : memref<2x10240xf32, #tpu.memory_space<hbm>> -> memref<1x640xf32, #tpu.memory_space<hbm>>
      %dma_start3A_52 = tpu.memref_squeeze %dma_start3A_51 : memref<1x640xf32, #tpu.memory_space<hbm>> -> memref<640xf32, #tpu.memory_space<hbm>>
      %dma_start3A_53 = tpu.memref_slice %arg19[%mul3A_48] : memref<10240xf32, #tpu.memory_space<vmem_shared>> -> memref<640xf32, #tpu.memory_space<vmem_shared>>
      tpu.enqueue_dma source(%dma_start3A_53 : memref<640xf32, #tpu.memory_space<vmem_shared>>) target(%dma_start3A_52 : memref<640xf32, #tpu.memory_space<hbm>>) target_semaphore(%run_scoped3A : memref<!tpu.dma_semaphore, #tpu.memory_space<semaphore_mem>>)
      %dma_wait3A_54 = tpu.memref_slice %arg7[%arg0, %mul3A_50] : memref<2x10240xf32, #tpu.memory_space<hbm>> -> memref<1x640xf32, #tpu.memory_space<hbm>>
      %dma_wait3A_55 = tpu.memref_squeeze %dma_wait3A_54 : memref<1x640xf32, #tpu.memory_space<hbm>> -> memref<640xf32, #tpu.memory_space<hbm>>
      %dma_wait3A_56 = tpu.memref_slice %arg19[%mul3A_48] : memref<10240xf32, #tpu.memory_space<vmem_shared>> -> memref<640xf32, #tpu.memory_space<vmem_shared>>
      tpu.wait_dma2 semaphore(%run_scoped3A : memref<!tpu.dma_semaphore, #tpu.memory_space<semaphore_mem>>) src(%dma_wait3A_56 : memref<640xf32, #tpu.memory_space<vmem_shared>>) dst(%dma_wait3A_55 : memref<640xf32, #tpu.memory_space<hbm>>)
      tpu.yield
    }) : () -> ()
    return
  }
}

#map = affine_map<(d0, d1) -> (0)>
#map1 = affine_map<(d0, d1) -> (0, 0)>
#map2 = affine_map<(d0, d1) -> (0, 0, 0)>
module attributes {stable_mosaic.version = 14 : i64} {
  func.func @k(%arg0: i32, %arg1: i32, %arg2: memref<335872xi32, #tpu.memory_space<hbm>>, %arg3: memref<335872xi32, #tpu.memory_space<hbm>>, %arg4: memref<335872xf32, #tpu.memory_space<hbm>>, %arg5: memref<10240x128xf32, #tpu.memory_space<hbm>>, %arg6: memref<2x10240x128xf32, #tpu.memory_space<hbm>>, %arg7: memref<128xi32, #tpu.memory_space<vmem>>, %arg8: memref<128xi32, #tpu.memory_space<vmem>>, %arg9: memref<128xi32, #tpu.memory_space<vmem>>, %arg10: memref<128xi32, #tpu.memory_space<vmem>>, %arg11: memref<128xi32, #tpu.memory_space<vmem>>, %arg12: memref<128xi32, #tpu.memory_space<vmem>>, %arg13: memref<128xf32, #tpu.memory_space<vmem>>, %arg14: memref<128xf32, #tpu.memory_space<vmem>>, %arg15: memref<128x128xf32, #tpu.memory_space<vmem>>, %arg16: memref<128x128xf32, #tpu.memory_space<vmem>>, %arg17: memref<10240x128xf32, #tpu.memory_space<vmem_shared>>, %arg18: memref<!tpu.dma_semaphore, #tpu.memory_space<semaphore_mem>>, %arg19: memref<!tpu.dma_semaphore, #tpu.memory_space<semaphore_mem>>, %arg20: memref<!tpu.dma_semaphore, #tpu.memory_space<semaphore_mem>>, %arg21: memref<!tpu.dma_semaphore, #tpu.memory_space<semaphore_mem>>, %arg22: memref<!tpu.dma_semaphore, #tpu.memory_space<semaphore_mem>>, %arg23: memref<!tpu.dma_semaphore, #tpu.memory_space<semaphore_mem>>) attributes {dimension_semantics = [#tpu.dimension_semantics<core_parallel>, #tpu.dimension_semantics<subcore_parallel>], iteration_bounds = array<i64: 2, 16>, scalar_prefetch = 0 : i64, scratch_operands = 17 : i64, tpu.core_type = #tpu.core_type<sc_vector_subcore>, window_params = [{transform_indices = #map}, {transform_indices = #map}, {transform_indices = #map}, {transform_indices = #map1}, {transform_indices = #map2}]} {
    %mul3A = arith.constant 16 : i32
    %mul3A_0 = arith.muli %arg0, %mul3A : i32
    %add3A = arith.addi %mul3A_0, %arg1 : i32
    %scan3A = arith.constant 0 : i32
    %scan3A_1 = arith.constant 0 : i32
    %scan3A_2 = arith.constant 128 : i32
    %scan3A_3 = arith.addi %scan3A_1, %scan3A_2 : i32
    %scan3A_4 = arith.constant 1 : i32
    %scan3A_5 = scf.for %scan3A_66 = %scan3A_1 to %scan3A_3 step %scan3A_4 iter_args(%scan3A_67 = %scan3A) -> (i32)  : i32 {
      %broadcast_in_dim3A = arith.constant 0.000000e+00 : f32
      %broadcast_in_dim3A_68 = vector.broadcast %broadcast_in_dim3A : f32 to vector<16xf32>
      %swap3A = arith.index_cast %scan3A_66 : i32 to index
      %swap3A_69 = arith.constant 0 : index
      %swap3A_70 = tpu.vector_load %arg15[%swap3A, %swap3A_69] {strides = array<i32>} : memref<128x128xf32, #tpu.memory_space<vmem>>, vector<16xf32>,
      tpu.vector_store %arg15[%swap3A, %swap3A_69], %broadcast_in_dim3A_68 {strides = array<i32>} : memref<128x128xf32, #tpu.memory_space<vmem>>, vector<16xf32>,
      %broadcast_in_dim3A_71 = arith.constant 0.000000e+00 : f32
      %broadcast_in_dim3A_72 = vector.broadcast %broadcast_in_dim3A_71 : f32 to vector<16xf32>
      %swap3A_73 = arith.index_cast %scan3A_66 : i32 to index
      %swap3A_74 = arith.constant 16 : index
      %swap3A_75 = tpu.vector_load %arg15[%swap3A_73, %swap3A_74] {strides = array<i32>} : memref<128x128xf32, #tpu.memory_space<vmem>>, vector<16xf32>,
      tpu.vector_store %arg15[%swap3A_73, %swap3A_74], %broadcast_in_dim3A_72 {strides = array<i32>} : memref<128x128xf32, #tpu.memory_space<vmem>>, vector<16xf32>,
      %broadcast_in_dim3A_76 = arith.constant 0.000000e+00 : f32
      %broadcast_in_dim3A_77 = vector.broadcast %broadcast_in_dim3A_76 : f32 to vector<16xf32>
      %swap3A_78 = arith.index_cast %scan3A_66 : i32 to index
      %swap3A_79 = arith.constant 32 : index
      %swap3A_80 = tpu.vector_load %arg15[%swap3A_78, %swap3A_79] {strides = array<i32>} : memref<128x128xf32, #tpu.memory_space<vmem>>, vector<16xf32>,
      tpu.vector_store %arg15[%swap3A_78, %swap3A_79], %broadcast_in_dim3A_77 {strides = array<i32>} : memref<128x128xf32, #tpu.memory_space<vmem>>, vector<16xf32>,
      %broadcast_in_dim3A_81 = arith.constant 0.000000e+00 : f32
      %broadcast_in_dim3A_82 = vector.broadcast %broadcast_in_dim3A_81 : f32 to vector<16xf32>
      %swap3A_83 = arith.index_cast %scan3A_66 : i32 to index
      %swap3A_84 = arith.constant 48 : index
      %swap3A_85 = tpu.vector_load %arg15[%swap3A_83, %swap3A_84] {strides = array<i32>} : memref<128x128xf32, #tpu.memory_space<vmem>>, vector<16xf32>,
      tpu.vector_store %arg15[%swap3A_83, %swap3A_84], %broadcast_in_dim3A_82 {strides = array<i32>} : memref<128x128xf32, #tpu.memory_space<vmem>>, vector<16xf32>,
      %broadcast_in_dim3A_86 = arith.constant 0.000000e+00 : f32
      %broadcast_in_dim3A_87 = vector.broadcast %broadcast_in_dim3A_86 : f32 to vector<16xf32>
      %swap3A_88 = arith.index_cast %scan3A_66 : i32 to index
      %swap3A_89 = arith.constant 64 : index
      %swap3A_90 = tpu.vector_load %arg15[%swap3A_88, %swap3A_89] {strides = array<i32>} : memref<128x128xf32, #tpu.memory_space<vmem>>, vector<16xf32>,
      tpu.vector_store %arg15[%swap3A_88, %swap3A_89], %broadcast_in_dim3A_87 {strides = array<i32>} : memref<128x128xf32, #tpu.memory_space<vmem>>, vector<16xf32>,
      %broadcast_in_dim3A_91 = arith.constant 0.000000e+00 : f32
      %broadcast_in_dim3A_92 = vector.broadcast %broadcast_in_dim3A_91 : f32 to vector<16xf32>
      %swap3A_93 = arith.index_cast %scan3A_66 : i32 to index
      %swap3A_94 = arith.constant 80 : index
      %swap3A_95 = tpu.vector_load %arg15[%swap3A_93, %swap3A_94] {strides = array<i32>} : memref<128x128xf32, #tpu.memory_space<vmem>>, vector<16xf32>,
      tpu.vector_store %arg15[%swap3A_93, %swap3A_94], %broadcast_in_dim3A_92 {strides = array<i32>} : memref<128x128xf32, #tpu.memory_space<vmem>>, vector<16xf32>,
      %broadcast_in_dim3A_96 = arith.constant 0.000000e+00 : f32
      %broadcast_in_dim3A_97 = vector.broadcast %broadcast_in_dim3A_96 : f32 to vector<16xf32>
      %swap3A_98 = arith.index_cast %scan3A_66 : i32 to index
      %swap3A_99 = arith.constant 96 : index
      %swap3A_100 = tpu.vector_load %arg15[%swap3A_98, %swap3A_99] {strides = array<i32>} : memref<128x128xf32, #tpu.memory_space<vmem>>, vector<16xf32>,
      tpu.vector_store %arg15[%swap3A_98, %swap3A_99], %broadcast_in_dim3A_97 {strides = array<i32>} : memref<128x128xf32, #tpu.memory_space<vmem>>, vector<16xf32>,
      %broadcast_in_dim3A_101 = arith.constant 0.000000e+00 : f32
      %broadcast_in_dim3A_102 = vector.broadcast %broadcast_in_dim3A_101 : f32 to vector<16xf32>
      %swap3A_103 = arith.index_cast %scan3A_66 : i32 to index
      %swap3A_104 = arith.constant 112 : index
      %swap3A_105 = tpu.vector_load %arg15[%swap3A_103, %swap3A_104] {strides = array<i32>} : memref<128x128xf32, #tpu.memory_space<vmem>>, vector<16xf32>,
      tpu.vector_store %arg15[%swap3A_103, %swap3A_104], %broadcast_in_dim3A_102 {strides = array<i32>} : memref<128x128xf32, #tpu.memory_space<vmem>>, vector<16xf32>,
      %scan3A_106 = arith.constant 0 : i32
      scf.yield %scan3A_106 : i32
    }
    %scan3A_6 = arith.constant 128 : i32
    %scan3A_7 = arith.constant 0 : i32
    %scan3A_8 = arith.constant 0 : i32
    %scan3A_9 = arith.constant 5 : i32
    %scan3A_10 = arith.addi %scan3A_8, %scan3A_9 : i32
    %scan3A_11 = arith.constant 1 : i32
    %scan3A_12 = scf.for %scan3A_66 = %scan3A_8 to %scan3A_10 step %scan3A_11 iter_args(%scan3A_67 = %scan3A_7) -> (i32)  : i32 {
      %mul3A_68 = arith.constant 640 : i32
      %mul3A_69 = arith.muli %arg1, %mul3A_68 : i32
      %mul3A_70 = arith.constant 128 : i32
      %mul3A_71 = arith.muli %scan3A_66, %mul3A_70 : i32
      %add3A_72 = arith.addi %mul3A_69, %mul3A_71 : i32
      "tpu.region"() ({
        %run_scoped3A = tpu.sem_alloc : memref<!tpu.dma_semaphore, #tpu.memory_space<semaphore_mem>>
        %dma_start3A_74 = arith.constant 0 : i32
        %dma_start3A_75 = tpu.memref_slice %arg17[%add3A_72, %dma_start3A_74] : memref<10240x128xf32, #tpu.memory_space<vmem_shared>> -> memref<128x128xf32, #tpu.memory_space<vmem_shared>>
        %dma_start3A_76 = arith.constant 0 : i32
        %dma_start3A_77 = tpu.memref_slice %arg17[%add3A_72, %dma_start3A_76] : memref<10240x128xf32, #tpu.memory_space<vmem_shared>> -> memref<128x128xf32, #tpu.memory_space<vmem_shared>>
        tpu.enqueue_dma source(%arg15 : memref<128x128xf32, #tpu.memory_space<vmem>>) target(%dma_start3A_77 : memref<128x128xf32, #tpu.memory_space<vmem_shared>>) target_semaphore(%run_scoped3A : memref<!tpu.dma_semaphore, #tpu.memory_space<semaphore_mem>>)
        %dma_wait3A_78 = arith.constant 0 : i32
        %dma_wait3A_79 = tpu.memref_slice %arg17[%add3A_72, %dma_wait3A_78] : memref<10240x128xf32, #tpu.memory_space<vmem_shared>> -> memref<128x128xf32, #tpu.memory_space<vmem_shared>>
        %dma_wait3A_80 = arith.constant 0 : i32
        %dma_wait3A_81 = tpu.memref_slice %arg17[%add3A_72, %dma_wait3A_80] : memref<10240x128xf32, #tpu.memory_space<vmem_shared>> -> memref<128x128xf32, #tpu.memory_space<vmem_shared>>
        tpu.wait_dma2 semaphore(%run_scoped3A : memref<!tpu.dma_semaphore, #tpu.memory_space<semaphore_mem>>) src(%arg15 : memref<128x128xf32, #tpu.memory_space<vmem>>) dst(%dma_wait3A_81 : memref<128x128xf32, #tpu.memory_space<vmem_shared>>)
        tpu.yield
      }) : () -> ()
      %scan3A_73 = arith.constant 0 : i32
      scf.yield %scan3A_73 : i32
    }
    %scan3A_13 = arith.constant 5 : i32
    %mul3A_14 = arith.constant 10496 : i32
    %mul3A_15 = arith.muli %add3A, %mul3A_14 : i32
    %add3A_16 = arith.constant 0 : i32
    %add3A_17 = arith.addi %mul3A_15, %add3A_16 : i32
    %dma_start3A = tpu.memref_slice %arg2[%add3A_17] : memref<335872xi32, #tpu.memory_space<hbm>> -> memref<128xi32, #tpu.memory_space<hbm>>
    %dma_start3A_18 = tpu.memref_slice %arg2[%add3A_17] : memref<335872xi32, #tpu.memory_space<hbm>> -> memref<128xi32, #tpu.memory_space<hbm>>
    tpu.enqueue_dma source(%dma_start3A_18 : memref<128xi32, #tpu.memory_space<hbm>>) target(%arg7 : memref<128xi32, #tpu.memory_space<vmem>>) target_semaphore(%arg18 : memref<!tpu.dma_semaphore, #tpu.memory_space<semaphore_mem>>)
    %dma_start3A_19 = tpu.memref_slice %arg3[%add3A_17] : memref<335872xi32, #tpu.memory_space<hbm>> -> memref<128xi32, #tpu.memory_space<hbm>>
    %dma_start3A_20 = tpu.memref_slice %arg3[%add3A_17] : memref<335872xi32, #tpu.memory_space<hbm>> -> memref<128xi32, #tpu.memory_space<hbm>>
    tpu.enqueue_dma source(%dma_start3A_20 : memref<128xi32, #tpu.memory_space<hbm>>) target(%arg9 : memref<128xi32, #tpu.memory_space<vmem>>) target_semaphore(%arg18 : memref<!tpu.dma_semaphore, #tpu.memory_space<semaphore_mem>>)
    %dma_start3A_21 = tpu.memref_slice %arg4[%add3A_17] : memref<335872xf32, #tpu.memory_space<hbm>> -> memref<128xf32, #tpu.memory_space<hbm>>
    %dma_start3A_22 = tpu.memref_slice %arg4[%add3A_17] : memref<335872xf32, #tpu.memory_space<hbm>> -> memref<128xf32, #tpu.memory_space<hbm>>
    tpu.enqueue_dma source(%dma_start3A_22 : memref<128xf32, #tpu.memory_space<hbm>>) target(%arg13 : memref<128xf32, #tpu.memory_space<vmem>>) target_semaphore(%arg18 : memref<!tpu.dma_semaphore, #tpu.memory_space<semaphore_mem>>)
    %mul3A_23 = arith.constant 10496 : i32
    %mul3A_24 = arith.muli %add3A, %mul3A_23 : i32
    %add3A_25 = arith.constant 128 : i32
    %add3A_26 = arith.addi %mul3A_24, %add3A_25 : i32
    %dma_start3A_27 = tpu.memref_slice %arg2[%add3A_26] : memref<335872xi32, #tpu.memory_space<hbm>> -> memref<128xi32, #tpu.memory_space<hbm>>
    %dma_start3A_28 = tpu.memref_slice %arg2[%add3A_26] : memref<335872xi32, #tpu.memory_space<hbm>> -> memref<128xi32, #tpu.memory_space<hbm>>
    tpu.enqueue_dma source(%dma_start3A_28 : memref<128xi32, #tpu.memory_space<hbm>>) target(%arg8 : memref<128xi32, #tpu.memory_space<vmem>>) target_semaphore(%arg19 : memref<!tpu.dma_semaphore, #tpu.memory_space<semaphore_mem>>)
    %dma_start3A_29 = tpu.memref_slice %arg3[%add3A_26] : memref<335872xi32, #tpu.memory_space<hbm>> -> memref<128xi32, #tpu.memory_space<hbm>>
    %dma_start3A_30 = tpu.memref_slice %arg3[%add3A_26] : memref<335872xi32, #tpu.memory_space<hbm>> -> memref<128xi32, #tpu.memory_space<hbm>>
    tpu.enqueue_dma source(%dma_start3A_30 : memref<128xi32, #tpu.memory_space<hbm>>) target(%arg10 : memref<128xi32, #tpu.memory_space<vmem>>) target_semaphore(%arg19 : memref<!tpu.dma_semaphore, #tpu.memory_space<semaphore_mem>>)
    %dma_start3A_31 = tpu.memref_slice %arg4[%add3A_26] : memref<335872xf32, #tpu.memory_space<hbm>> -> memref<128xf32, #tpu.memory_space<hbm>>
    %dma_start3A_32 = tpu.memref_slice %arg4[%add3A_26] : memref<335872xf32, #tpu.memory_space<hbm>> -> memref<128xf32, #tpu.memory_space<hbm>>
    tpu.enqueue_dma source(%dma_start3A_32 : memref<128xf32, #tpu.memory_space<hbm>>) target(%arg14 : memref<128xf32, #tpu.memory_space<vmem>>) target_semaphore(%arg19 : memref<!tpu.dma_semaphore, #tpu.memory_space<semaphore_mem>>)
    %barrier3A = arith.constant 0 : index
    tpu.barrier barrier_id(%barrier3A)
    %mul3A_33 = arith.constant 10496 : i32
    %mul3A_34 = arith.muli %add3A, %mul3A_33 : i32
    %add3A_35 = arith.constant 0 : i32
    %add3A_36 = arith.addi %mul3A_34, %add3A_35 : i32
    %dma_wait3A = tpu.memref_slice %arg2[%add3A_36] : memref<335872xi32, #tpu.memory_space<hbm>> -> memref<128xi32, #tpu.memory_space<hbm>>
    %dma_wait3A_37 = tpu.memref_slice %arg2[%add3A_36] : memref<335872xi32, #tpu.memory_space<hbm>> -> memref<128xi32, #tpu.memory_space<hbm>>
    tpu.wait_dma2 semaphore(%arg18 : memref<!tpu.dma_semaphore, #tpu.memory_space<semaphore_mem>>) src(%dma_wait3A_37 : memref<128xi32, #tpu.memory_space<hbm>>) dst(%arg7 : memref<128xi32, #tpu.memory_space<vmem>>)
    %dma_wait3A_38 = tpu.memref_slice %arg3[%add3A_36] : memref<335872xi32, #tpu.memory_space<hbm>> -> memref<128xi32, #tpu.memory_space<hbm>>
    %dma_wait3A_39 = tpu.memref_slice %arg3[%add3A_36] : memref<335872xi32, #tpu.memory_space<hbm>> -> memref<128xi32, #tpu.memory_space<hbm>>
    tpu.wait_dma2 semaphore(%arg18 : memref<!tpu.dma_semaphore, #tpu.memory_space<semaphore_mem>>) src(%dma_wait3A_39 : memref<128xi32, #tpu.memory_space<hbm>>) dst(%arg9 : memref<128xi32, #tpu.memory_space<vmem>>)
    %dma_wait3A_40 = tpu.memref_slice %arg4[%add3A_36] : memref<335872xf32, #tpu.memory_space<hbm>> -> memref<128xf32, #tpu.memory_space<hbm>>
    %dma_wait3A_41 = tpu.memref_slice %arg4[%add3A_36] : memref<335872xf32, #tpu.memory_space<hbm>> -> memref<128xf32, #tpu.memory_space<hbm>>
    tpu.wait_dma2 semaphore(%arg18 : memref<!tpu.dma_semaphore, #tpu.memory_space<semaphore_mem>>) src(%dma_wait3A_41 : memref<128xf32, #tpu.memory_space<hbm>>) dst(%arg13 : memref<128xf32, #tpu.memory_space<vmem>>)
    %dma_start3A_42 = arith.constant 0 : i32
    %dma_start3A_43 = arith.constant 0 : i32
    %dma_start3A_44 = tpu.memref_slice %arg5[%dma_start3A_42, %dma_start3A_43] : memref<10240x128xf32, #tpu.memory_space<hbm>> -> memref<10240x128xf32, #tpu.memory_space<hbm>>
    tpu.enqueue_indirect_dma source(%dma_start3A_44 : memref<10240x128xf32, #tpu.memory_space<hbm>>) target(%arg15 : memref<128x128xf32, #tpu.memory_space<vmem>>) offsets(%arg7 : memref<128xi32, #tpu.memory_space<vmem>>) semaphore(%arg20 : memref<!tpu.dma_semaphore, #tpu.memory_space<semaphore_mem>>)
    %scan3A_45 = arith.constant 0 : i32
    %scan3A_46 = arith.constant 0 : i32
    %scan3A_47 = arith.constant 41 : i32
    %scan3A_48 = arith.addi %scan3A_46, %scan3A_47 : i32
    %scan3A_49 = arith.constant 1 : i32
    %scan3A_50 = scf.for %scan3A_66 = %scan3A_46 to %scan3A_48 step %scan3A_49 iter_args(%scan3A_67 = %scan3A_45) -> (i32)  : i32 {
      %mul3A_68 = arith.constant 2 : i32
      %mul3A_69 = arith.muli %mul3A_68, %scan3A_66 : i32
      %add3A_70 = arith.constant 0 : i32
      %add3A_71 = arith.addi %mul3A_69, %add3A_70 : i32
      %get3A = arith.constant 0 : index
      %get3A_72 = tpu.vector_load %arg9[%get3A] {strides = array<i32>} : memref<128xi32, #tpu.memory_space<vmem>>, vector<16xi32>,
      %swap3A = arith.constant 0 : index
      %swap3A_73 = tpu.vector_load %arg11[%swap3A] {strides = array<i32>} : memref<128xi32, #tpu.memory_space<vmem>>, vector<16xi32>,
      tpu.vector_store %arg11[%swap3A], %get3A_72 {strides = array<i32>} : memref<128xi32, #tpu.memory_space<vmem>>, vector<16xi32>,
      %get3A_74 = arith.constant 16 : index
      %get3A_75 = tpu.vector_load %arg9[%get3A_74] {strides = array<i32>} : memref<128xi32, #tpu.memory_space<vmem>>, vector<16xi32>,
      %swap3A_76 = arith.constant 16 : index
      %swap3A_77 = tpu.vector_load %arg11[%swap3A_76] {strides = array<i32>} : memref<128xi32, #tpu.memory_space<vmem>>, vector<16xi32>,
      tpu.vector_store %arg11[%swap3A_76], %get3A_75 {strides = array<i32>} : memref<128xi32, #tpu.memory_space<vmem>>, vector<16xi32>,
      %get3A_78 = arith.constant 32 : index
      %get3A_79 = tpu.vector_load %arg9[%get3A_78] {strides = array<i32>} : memref<128xi32, #tpu.memory_space<vmem>>, vector<16xi32>,
      %swap3A_80 = arith.constant 32 : index
      %swap3A_81 = tpu.vector_load %arg11[%swap3A_80] {strides = array<i32>} : memref<128xi32, #tpu.memory_space<vmem>>, vector<16xi32>,
      tpu.vector_store %arg11[%swap3A_80], %get3A_79 {strides = array<i32>} : memref<128xi32, #tpu.memory_space<vmem>>, vector<16xi32>,
      %get3A_82 = arith.constant 48 : index
      %get3A_83 = tpu.vector_load %arg9[%get3A_82] {strides = array<i32>} : memref<128xi32, #tpu.memory_space<vmem>>, vector<16xi32>,
      %swap3A_84 = arith.constant 48 : index
      %swap3A_85 = tpu.vector_load %arg11[%swap3A_84] {strides = array<i32>} : memref<128xi32, #tpu.memory_space<vmem>>, vector<16xi32>,
      tpu.vector_store %arg11[%swap3A_84], %get3A_83 {strides = array<i32>} : memref<128xi32, #tpu.memory_space<vmem>>, vector<16xi32>,
      %get3A_86 = arith.constant 64 : index
      %get3A_87 = tpu.vector_load %arg9[%get3A_86] {strides = array<i32>} : memref<128xi32, #tpu.memory_space<vmem>>, vector<16xi32>,
      %swap3A_88 = arith.constant 64 : index
      %swap3A_89 = tpu.vector_load %arg11[%swap3A_88] {strides = array<i32>} : memref<128xi32, #tpu.memory_space<vmem>>, vector<16xi32>,
      tpu.vector_store %arg11[%swap3A_88], %get3A_87 {strides = array<i32>} : memref<128xi32, #tpu.memory_space<vmem>>, vector<16xi32>,
      %get3A_90 = arith.constant 80 : index
      %get3A_91 = tpu.vector_load %arg9[%get3A_90] {strides = array<i32>} : memref<128xi32, #tpu.memory_space<vmem>>, vector<16xi32>,
      %swap3A_92 = arith.constant 80 : index
      %swap3A_93 = tpu.vector_load %arg11[%swap3A_92] {strides = array<i32>} : memref<128xi32, #tpu.memory_space<vmem>>, vector<16xi32>,
      tpu.vector_store %arg11[%swap3A_92], %get3A_91 {strides = array<i32>} : memref<128xi32, #tpu.memory_space<vmem>>, vector<16xi32>,
      %get3A_94 = arith.constant 96 : index
      %get3A_95 = tpu.vector_load %arg9[%get3A_94] {strides = array<i32>} : memref<128xi32, #tpu.memory_space<vmem>>, vector<16xi32>,
      %swap3A_96 = arith.constant 96 : index
      %swap3A_97 = tpu.vector_load %arg11[%swap3A_96] {strides = array<i32>} : memref<128xi32, #tpu.memory_space<vmem>>, vector<16xi32>,
      tpu.vector_store %arg11[%swap3A_96], %get3A_95 {strides = array<i32>} : memref<128xi32, #tpu.memory_space<vmem>>, vector<16xi32>,
      %get3A_98 = arith.constant 112 : index
      %get3A_99 = tpu.vector_load %arg9[%get3A_98] {strides = array<i32>} : memref<128xi32, #tpu.memory_space<vmem>>, vector<16xi32>,
      %swap3A_100 = arith.constant 112 : index
      %swap3A_101 = tpu.vector_load %arg11[%swap3A_100] {strides = array<i32>} : memref<128xi32, #tpu.memory_space<vmem>>, vector<16xi32>,
      tpu.vector_store %arg11[%swap3A_100], %get3A_99 {strides = array<i32>} : memref<128xi32, #tpu.memory_space<vmem>>, vector<16xi32>,
      %dma_wait3A_102 = arith.constant 0 : i32
      %dma_wait3A_103 = arith.constant 0 : i32
      %dma_wait3A_104 = tpu.memref_slice %arg5[%dma_wait3A_102, %dma_wait3A_103] : memref<10240x128xf32, #tpu.memory_space<hbm>> -> memref<10240x128xf32, #tpu.memory_space<hbm>>
      tpu.wait_indirect_dma semaphore(%arg20 : memref<!tpu.dma_semaphore, #tpu.memory_space<semaphore_mem>>) src(%dma_wait3A_104 : memref<10240x128xf32, #tpu.memory_space<hbm>>) dst(%arg15 : memref<128x128xf32, #tpu.memory_space<vmem>>)
      %add3A_105 = arith.constant 1 : i32
      %add3A_106 = arith.addi %add3A_71, %add3A_105 : i32
      %lt3A = arith.constant 82 : i32
      %lt3A_107 = arith.cmpi slt, %add3A_106, %lt3A : i32
      %convert_element_type3A = arith.extui %lt3A_107 : i1 to i32
      %cond3A = arith.constant 0 : i32
      %cond3A_108 = arith.cmpi ne, %convert_element_type3A, %cond3A : i32
      scf.if %cond3A_108 {
        %ge3A = arith.constant 1 : i32
        %ge3A_190 = arith.cmpi sge, %add3A_71, %ge3A : i32
        %convert_element_type3A_191 = arith.extui %ge3A_190 : i1 to i32
        %cond3A_192 = arith.constant 0 : i32
        %cond3A_193 = arith.cmpi ne, %convert_element_type3A_191, %cond3A_192 : i32
        scf.if %cond3A_193 {
          %dma_wait3A_210 = arith.constant 0 : i32
          %dma_wait3A_211 = arith.constant 0 : i32
          %dma_wait3A_212 = tpu.memref_slice %arg17[%dma_wait3A_210, %dma_wait3A_211] : memref<10240x128xf32, #tpu.memory_space<vmem_shared>> -> memref<10240x128xf32, #tpu.memory_space<vmem_shared>>
          tpu.wait_indirect_dma semaphore(%arg23 : memref<!tpu.dma_semaphore, #tpu.memory_space<semaphore_mem>>) src(%arg16 : memref<128x128xf32, #tpu.memory_space<vmem>>) dst(%dma_wait3A_212 : memref<10240x128xf32, #tpu.memory_space<vmem_shared>>)
        } else {
        }
        %add3A_194 = arith.constant 1 : i32
        %add3A_195 = arith.addi %add3A_71, %add3A_194 : i32
        %mul3A_196 = arith.constant 10496 : i32
        %mul3A_197 = arith.muli %add3A, %mul3A_196 : i32
        %mul3A_198 = arith.constant 128 : i32
        %mul3A_199 = arith.muli %add3A_195, %mul3A_198 : i32
        %add3A_200 = arith.addi %mul3A_197, %mul3A_199 : i32
        %dma_wait3A_201 = tpu.memref_slice %arg2[%add3A_200] : memref<335872xi32, #tpu.memory_space<hbm>> -> memref<128xi32, #tpu.memory_space<hbm>>
        %dma_wait3A_202 = tpu.memref_slice %arg2[%add3A_200] : memref<335872xi32, #tpu.memory_space<hbm>> -> memref<128xi32, #tpu.memory_space<hbm>>
        tpu.wait_dma2 semaphore(%arg19 : memref<!tpu.dma_semaphore, #tpu.memory_space<semaphore_mem>>) src(%dma_wait3A_202 : memref<128xi32, #tpu.memory_space<hbm>>) dst(%arg8 : memref<128xi32, #tpu.memory_space<vmem>>)
        %dma_wait3A_203 = tpu.memref_slice %arg3[%add3A_200] : memref<335872xi32, #tpu.memory_space<hbm>> -> memref<128xi32, #tpu.memory_space<hbm>>
        %dma_wait3A_204 = tpu.memref_slice %arg3[%add3A_200] : memref<335872xi32, #tpu.memory_space<hbm>> -> memref<128xi32, #tpu.memory_space<hbm>>
        tpu.wait_dma2 semaphore(%arg19 : memref<!tpu.dma_semaphore, #tpu.memory_space<semaphore_mem>>) src(%dma_wait3A_204 : memref<128xi32, #tpu.memory_space<hbm>>) dst(%arg10 : memref<128xi32, #tpu.memory_space<vmem>>)
        %dma_wait3A_205 = tpu.memref_slice %arg4[%add3A_200] : memref<335872xf32, #tpu.memory_space<hbm>> -> memref<128xf32, #tpu.memory_space<hbm>>
        %dma_wait3A_206 = tpu.memref_slice %arg4[%add3A_200] : memref<335872xf32, #tpu.memory_space<hbm>> -> memref<128xf32, #tpu.memory_space<hbm>>
        tpu.wait_dma2 semaphore(%arg19 : memref<!tpu.dma_semaphore, #tpu.memory_space<semaphore_mem>>) src(%dma_wait3A_206 : memref<128xf32, #tpu.memory_space<hbm>>) dst(%arg14 : memref<128xf32, #tpu.memory_space<vmem>>)
        %dma_start3A_207 = arith.constant 0 : i32
        %dma_start3A_208 = arith.constant 0 : i32
        %dma_start3A_209 = tpu.memref_slice %arg5[%dma_start3A_207, %dma_start3A_208] : memref<10240x128xf32, #tpu.memory_space<hbm>> -> memref<10240x128xf32, #tpu.memory_space<hbm>>
        tpu.enqueue_indirect_dma source(%dma_start3A_209 : memref<10240x128xf32, #tpu.memory_space<hbm>>) target(%arg16 : memref<128x128xf32, #tpu.memory_space<vmem>>) offsets(%arg8 : memref<128xi32, #tpu.memory_space<vmem>>) semaphore(%arg21 : memref<!tpu.dma_semaphore, #tpu.memory_space<semaphore_mem>>)
      } else {
      }
      %scan3A_109 = arith.constant 0 : i32
      %scan3A_110 = arith.constant 0 : i32
      %scan3A_111 = arith.constant 32 : i32
      %scan3A_112 = arith.addi %scan3A_110, %scan3A_111 : i32
      %scan3A_113 = arith.constant 1 : i32
      %scan3A_114 = scf.for %scan3A_190 = %scan3A_110 to %scan3A_112 step %scan3A_113 iter_args(%scan3A_191 = %scan3A_109) -> (i32)  : i32 {
        %mul3A_192 = arith.constant 4 : i32
        %mul3A_193 = arith.muli %scan3A_190, %mul3A_192 : i32
        %add3A_194 = arith.constant 0 : i32
        %add3A_195 = arith.addi %mul3A_193, %add3A_194 : i32
        %broadcast_in_dim3A = vector.broadcast %add3A_195 : i32 to vector<16xi32>
        %gather3A = tpu.vector_load_idx %arg13[%broadcast_in_dim3A] : memref<128xf32, #tpu.memory_space<vmem>>[vector<16xi32>], vector<16xf32>,
        %get3A_196 = arith.index_cast %add3A_195 : i32 to index
        %get3A_197 = arith.constant 0 : index
        %get3A_198 = tpu.vector_load %arg15[%get3A_196, %get3A_197] {strides = array<i32>} : memref<128x128xf32, #tpu.memory_space<vmem>>, vector<16xf32>,
        %mul3A_199 = arith.mulf %get3A_198, %gather3A : vector<16xf32>
        %swap3A_200 = arith.index_cast %add3A_195 : i32 to index
        %swap3A_201 = arith.constant 0 : index
        %swap3A_202 = tpu.vector_load %arg15[%swap3A_200, %swap3A_201] {strides = array<i32>} : memref<128x128xf32, #tpu.memory_space<vmem>>, vector<16xf32>,
        tpu.vector_store %arg15[%swap3A_200, %swap3A_201], %mul3A_199 {strides = array<i32>} : memref<128x128xf32, #tpu.memory_space<vmem>>, vector<16xf32>,
        %get3A_203 = arith.index_cast %add3A_195 : i32 to index
        %get3A_204 = arith.constant 16 : index
        %get3A_205 = tpu.vector_load %arg15[%get3A_203, %get3A_204] {strides = array<i32>} : memref<128x128xf32, #tpu.memory_space<vmem>>, vector<16xf32>,
        %mul3A_206 = arith.mulf %get3A_205, %gather3A : vector<16xf32>
        %swap3A_207 = arith.index_cast %add3A_195 : i32 to index
        %swap3A_208 = arith.constant 16 : index
        %swap3A_209 = tpu.vector_load %arg15[%swap3A_207, %swap3A_208] {strides = array<i32>} : memref<128x128xf32, #tpu.memory_space<vmem>>, vector<16xf32>,
        tpu.vector_store %arg15[%swap3A_207, %swap3A_208], %mul3A_206 {strides = array<i32>} : memref<128x128xf32, #tpu.memory_space<vmem>>, vector<16xf32>,
        %get3A_210 = arith.index_cast %add3A_195 : i32 to index
        %get3A_211 = arith.constant 32 : index
        %get3A_212 = tpu.vector_load %arg15[%get3A_210, %get3A_211] {strides = array<i32>} : memref<128x128xf32, #tpu.memory_space<vmem>>, vector<16xf32>,
        %mul3A_213 = arith.mulf %get3A_212, %gather3A : vector<16xf32>
        %swap3A_214 = arith.index_cast %add3A_195 : i32 to index
        %swap3A_215 = arith.constant 32 : index
        %swap3A_216 = tpu.vector_load %arg15[%swap3A_214, %swap3A_215] {strides = array<i32>} : memref<128x128xf32, #tpu.memory_space<vmem>>, vector<16xf32>,
        tpu.vector_store %arg15[%swap3A_214, %swap3A_215], %mul3A_213 {strides = array<i32>} : memref<128x128xf32, #tpu.memory_space<vmem>>, vector<16xf32>,
        %get3A_217 = arith.index_cast %add3A_195 : i32 to index
        %get3A_218 = arith.constant 48 : index
        %get3A_219 = tpu.vector_load %arg15[%get3A_217, %get3A_218] {strides = array<i32>} : memref<128x128xf32, #tpu.memory_space<vmem>>, vector<16xf32>,
        %mul3A_220 = arith.mulf %get3A_219, %gather3A : vector<16xf32>
        %swap3A_221 = arith.index_cast %add3A_195 : i32 to index
        %swap3A_222 = arith.constant 48 : index
        %swap3A_223 = tpu.vector_load %arg15[%swap3A_221, %swap3A_222] {strides = array<i32>} : memref<128x128xf32, #tpu.memory_space<vmem>>, vector<16xf32>,
        tpu.vector_store %arg15[%swap3A_221, %swap3A_222], %mul3A_220 {strides = array<i32>} : memref<128x128xf32, #tpu.memory_space<vmem>>, vector<16xf32>,
        %get3A_224 = arith.index_cast %add3A_195 : i32 to index
        %get3A_225 = arith.constant 64 : index
        %get3A_226 = tpu.vector_load %arg15[%get3A_224, %get3A_225] {strides = array<i32>} : memref<128x128xf32, #tpu.memory_space<vmem>>, vector<16xf32>,
        %mul3A_227 = arith.mulf %get3A_226, %gather3A : vector<16xf32>
        %swap3A_228 = arith.index_cast %add3A_195 : i32 to index
        %swap3A_229 = arith.constant 64 : index
        %swap3A_230 = tpu.vector_load %arg15[%swap3A_228, %swap3A_229] {strides = array<i32>} : memref<128x128xf32, #tpu.memory_space<vmem>>, vector<16xf32>,
        tpu.vector_store %arg15[%swap3A_228, %swap3A_229], %mul3A_227 {strides = array<i32>} : memref<128x128xf32, #tpu.memory_space<vmem>>, vector<16xf32>,
        %get3A_231 = arith.index_cast %add3A_195 : i32 to index
        %get3A_232 = arith.constant 80 : index
        %get3A_233 = tpu.vector_load %arg15[%get3A_231, %get3A_232] {strides = array<i32>} : memref<128x128xf32, #tpu.memory_space<vmem>>, vector<16xf32>,
        %mul3A_234 = arith.mulf %get3A_233, %gather3A : vector<16xf32>
        %swap3A_235 = arith.index_cast %add3A_195 : i32 to index
        %swap3A_236 = arith.constant 80 : index
        %swap3A_237 = tpu.vector_load %arg15[%swap3A_235, %swap3A_236] {strides = array<i32>} : memref<128x128xf32, #tpu.memory_space<vmem>>, vector<16xf32>,
        tpu.vector_store %arg15[%swap3A_235, %swap3A_236], %mul3A_234 {strides = array<i32>} : memref<128x128xf32, #tpu.memory_space<vmem>>, vector<16xf32>,
        %get3A_238 = arith.index_cast %add3A_195 : i32 to index
        %get3A_239 = arith.constant 96 : index
        %get3A_240 = tpu.vector_load %arg15[%get3A_238, %get3A_239] {strides = array<i32>} : memref<128x128xf32, #tpu.memory_space<vmem>>, vector<16xf32>,
        %mul3A_241 = arith.mulf %get3A_240, %gather3A : vector<16xf32>
        %swap3A_242 = arith.index_cast %add3A_195 : i32 to index
        %swap3A_243 = arith.constant 96 : index
        %swap3A_244 = tpu.vector_load %arg15[%swap3A_242, %swap3A_243] {strides = array<i32>} : memref<128x128xf32, #tpu.memory_space<vmem>>, vector<16xf32>,
        tpu.vector_store %arg15[%swap3A_242, %swap3A_243], %mul3A_241 {strides = array<i32>} : memref<128x128xf32, #tpu.memory_space<vmem>>, vector<16xf32>,
        %get3A_245 = arith.index_cast %add3A_195 : i32 to index
        %get3A_246 = arith.constant 112 : index
        %get3A_247 = tpu.vector_load %arg15[%get3A_245, %get3A_246] {strides = array<i32>} : memref<128x128xf32, #tpu.memory_space<vmem>>, vector<16xf32>,
        %mul3A_248 = arith.mulf %get3A_247, %gather3A : vector<16xf32>
        %swap3A_249 = arith.index_cast %add3A_195 : i32 to index
        %swap3A_250 = arith.constant 112 : index
        %swap3A_251 = tpu.vector_load %arg15[%swap3A_249, %swap3A_250] {strides = array<i32>} : memref<128x128xf32, #tpu.memory_space<vmem>>, vector<16xf32>,
        tpu.vector_store %arg15[%swap3A_249, %swap3A_250], %mul3A_248 {strides = array<i32>} : memref<128x128xf32, #tpu.memory_space<vmem>>, vector<16xf32>,
        %mul3A_252 = arith.constant 4 : i32
        %mul3A_253 = arith.muli %scan3A_190, %mul3A_252 : i32
        %add3A_254 = arith.constant 1 : i32
        %add3A_255 = arith.addi %mul3A_253, %add3A_254 : i32
        %broadcast_in_dim3A_256 = vector.broadcast %add3A_255 : i32 to vector<16xi32>
        %gather3A_257 = tpu.vector_load_idx %arg13[%broadcast_in_dim3A_256] : memref<128xf32, #tpu.memory_space<vmem>>[vector<16xi32>], vector<16xf32>,
        %get3A_258 = arith.index_cast %add3A_255 : i32 to index
        %get3A_259 = arith.constant 0 : index
        %get3A_260 = tpu.vector_load %arg15[%get3A_258, %get3A_259] {strides = array<i32>} : memref<128x128xf32, #tpu.memory_space<vmem>>, vector<16xf32>,
        %mul3A_261 = arith.mulf %get3A_260, %gather3A_257 : vector<16xf32>
        %swap3A_262 = arith.index_cast %add3A_255 : i32 to index
        %swap3A_263 = arith.constant 0 : index
        %swap3A_264 = tpu.vector_load %arg15[%swap3A_262, %swap3A_263] {strides = array<i32>} : memref<128x128xf32, #tpu.memory_space<vmem>>, vector<16xf32>,
        tpu.vector_store %arg15[%swap3A_262, %swap3A_263], %mul3A_261 {strides = array<i32>} : memref<128x128xf32, #tpu.memory_space<vmem>>, vector<16xf32>,
        %get3A_265 = arith.index_cast %add3A_255 : i32 to index
        %get3A_266 = arith.constant 16 : index
        %get3A_267 = tpu.vector_load %arg15[%get3A_265, %get3A_266] {strides = array<i32>} : memref<128x128xf32, #tpu.memory_space<vmem>>, vector<16xf32>,
        %mul3A_268 = arith.mulf %get3A_267, %gather3A_257 : vector<16xf32>
        %swap3A_269 = arith.index_cast %add3A_255 : i32 to index
        %swap3A_270 = arith.constant 16 : index
        %swap3A_271 = tpu.vector_load %arg15[%swap3A_269, %swap3A_270] {strides = array<i32>} : memref<128x128xf32, #tpu.memory_space<vmem>>, vector<16xf32>,
        tpu.vector_store %arg15[%swap3A_269, %swap3A_270], %mul3A_268 {strides = array<i32>} : memref<128x128xf32, #tpu.memory_space<vmem>>, vector<16xf32>,
        %get3A_272 = arith.index_cast %add3A_255 : i32 to index
        %get3A_273 = arith.constant 32 : index
        %get3A_274 = tpu.vector_load %arg15[%get3A_272, %get3A_273] {strides = array<i32>} : memref<128x128xf32, #tpu.memory_space<vmem>>, vector<16xf32>,
        %mul3A_275 = arith.mulf %get3A_274, %gather3A_257 : vector<16xf32>
        %swap3A_276 = arith.index_cast %add3A_255 : i32 to index
        %swap3A_277 = arith.constant 32 : index
        %swap3A_278 = tpu.vector_load %arg15[%swap3A_276, %swap3A_277] {strides = array<i32>} : memref<128x128xf32, #tpu.memory_space<vmem>>, vector<16xf32>,
        tpu.vector_store %arg15[%swap3A_276, %swap3A_277], %mul3A_275 {strides = array<i32>} : memref<128x128xf32, #tpu.memory_space<vmem>>, vector<16xf32>,
        %get3A_279 = arith.index_cast %add3A_255 : i32 to index
        %get3A_280 = arith.constant 48 : index
        %get3A_281 = tpu.vector_load %arg15[%get3A_279, %get3A_280] {strides = array<i32>} : memref<128x128xf32, #tpu.memory_space<vmem>>, vector<16xf32>,
        %mul3A_282 = arith.mulf %get3A_281, %gather3A_257 : vector<16xf32>
        %swap3A_283 = arith.index_cast %add3A_255 : i32 to index
        %swap3A_284 = arith.constant 48 : index
        %swap3A_285 = tpu.vector_load %arg15[%swap3A_283, %swap3A_284] {strides = array<i32>} : memref<128x128xf32, #tpu.memory_space<vmem>>, vector<16xf32>,
        tpu.vector_store %arg15[%swap3A_283, %swap3A_284], %mul3A_282 {strides = array<i32>} : memref<128x128xf32, #tpu.memory_space<vmem>>, vector<16xf32>,
        %get3A_286 = arith.index_cast %add3A_255 : i32 to index
        %get3A_287 = arith.constant 64 : index
        %get3A_288 = tpu.vector_load %arg15[%get3A_286, %get3A_287] {strides = array<i32>} : memref<128x128xf32, #tpu.memory_space<vmem>>, vector<16xf32>,
        %mul3A_289 = arith.mulf %get3A_288, %gather3A_257 : vector<16xf32>
        %swap3A_290 = arith.index_cast %add3A_255 : i32 to index
        %swap3A_291 = arith.constant 64 : index
        %swap3A_292 = tpu.vector_load %arg15[%swap3A_290, %swap3A_291] {strides = array<i32>} : memref<128x128xf32, #tpu.memory_space<vmem>>, vector<16xf32>,
        tpu.vector_store %arg15[%swap3A_290, %swap3A_291], %mul3A_289 {strides = array<i32>} : memref<128x128xf32, #tpu.memory_space<vmem>>, vector<16xf32>,
        %get3A_293 = arith.index_cast %add3A_255 : i32 to index
        %get3A_294 = arith.constant 80 : index
        %get3A_295 = tpu.vector_load %arg15[%get3A_293, %get3A_294] {strides = array<i32>} : memref<128x128xf32, #tpu.memory_space<vmem>>, vector<16xf32>,
        %mul3A_296 = arith.mulf %get3A_295, %gather3A_257 : vector<16xf32>
        %swap3A_297 = arith.index_cast %add3A_255 : i32 to index
        %swap3A_298 = arith.constant 80 : index
        %swap3A_299 = tpu.vector_load %arg15[%swap3A_297, %swap3A_298] {strides = array<i32>} : memref<128x128xf32, #tpu.memory_space<vmem>>, vector<16xf32>,
        tpu.vector_store %arg15[%swap3A_297, %swap3A_298], %mul3A_296 {strides = array<i32>} : memref<128x128xf32, #tpu.memory_space<vmem>>, vector<16xf32>,
        %get3A_300 = arith.index_cast %add3A_255 : i32 to index
        %get3A_301 = arith.constant 96 : index
        %get3A_302 = tpu.vector_load %arg15[%get3A_300, %get3A_301] {strides = array<i32>} : memref<128x128xf32, #tpu.memory_space<vmem>>, vector<16xf32>,
        %mul3A_303 = arith.mulf %get3A_302, %gather3A_257 : vector<16xf32>
        %swap3A_304 = arith.index_cast %add3A_255 : i32 to index
        %swap3A_305 = arith.constant 96 : index
        %swap3A_306 = tpu.vector_load %arg15[%swap3A_304, %swap3A_305] {strides = array<i32>} : memref<128x128xf32, #tpu.memory_space<vmem>>, vector<16xf32>,
        tpu.vector_store %arg15[%swap3A_304, %swap3A_305], %mul3A_303 {strides = array<i32>} : memref<128x128xf32, #tpu.memory_space<vmem>>, vector<16xf32>,
        %get3A_307 = arith.index_cast %add3A_255 : i32 to index
        %get3A_308 = arith.constant 112 : index
        %get3A_309 = tpu.vector_load %arg15[%get3A_307, %get3A_308] {strides = array<i32>} : memref<128x128xf32, #tpu.memory_space<vmem>>, vector<16xf32>,
        %mul3A_310 = arith.mulf %get3A_309, %gather3A_257 : vector<16xf32>
        %swap3A_311 = arith.index_cast %add3A_255 : i32 to index
        %swap3A_312 = arith.constant 112 : index
        %swap3A_313 = tpu.vector_load %arg15[%swap3A_311, %swap3A_312] {strides = array<i32>} : memref<128x128xf32, #tpu.memory_space<vmem>>, vector<16xf32>,
        tpu.vector_store %arg15[%swap3A_311, %swap3A_312], %mul3A_310 {strides = array<i32>} : memref<128x128xf32, #tpu.memory_space<vmem>>, vector<16xf32>,
        %mul3A_314 = arith.constant 4 : i32
        %mul3A_315 = arith.muli %scan3A_190, %mul3A_314 : i32
        %add3A_316 = arith.constant 2 : i32
        %add3A_317 = arith.addi %mul3A_315, %add3A_316 : i32
        %broadcast_in_dim3A_318 = vector.broadcast %add3A_317 : i32 to vector<16xi32>
        %gather3A_319 = tpu.vector_load_idx %arg13[%broadcast_in_dim3A_318] : memref<128xf32, #tpu.memory_space<vmem>>[vector<16xi32>], vector<16xf32>,
        %get3A_320 = arith.index_cast %add3A_317 : i32 to index
        %get3A_321 = arith.constant 0 : index
        %get3A_322 = tpu.vector_load %arg15[%get3A_320, %get3A_321] {strides = array<i32>} : memref<128x128xf32, #tpu.memory_space<vmem>>, vector<16xf32>,
        %mul3A_323 = arith.mulf %get3A_322, %gather3A_319 : vector<16xf32>
        %swap3A_324 = arith.index_cast %add3A_317 : i32 to index
        %swap3A_325 = arith.constant 0 : index
        %swap3A_326 = tpu.vector_load %arg15[%swap3A_324, %swap3A_325] {strides = array<i32>} : memref<128x128xf32, #tpu.memory_space<vmem>>, vector<16xf32>,
        tpu.vector_store %arg15[%swap3A_324, %swap3A_325], %mul3A_323 {strides = array<i32>} : memref<128x128xf32, #tpu.memory_space<vmem>>, vector<16xf32>,
        %get3A_327 = arith.index_cast %add3A_317 : i32 to index
        %get3A_328 = arith.constant 16 : index
        %get3A_329 = tpu.vector_load %arg15[%get3A_327, %get3A_328] {strides = array<i32>} : memref<128x128xf32, #tpu.memory_space<vmem>>, vector<16xf32>,
        %mul3A_330 = arith.mulf %get3A_329, %gather3A_319 : vector<16xf32>
        %swap3A_331 = arith.index_cast %add3A_317 : i32 to index
        %swap3A_332 = arith.constant 16 : index
        %swap3A_333 = tpu.vector_load %arg15[%swap3A_331, %swap3A_332] {strides = array<i32>} : memref<128x128xf32, #tpu.memory_space<vmem>>, vector<16xf32>,
        tpu.vector_store %arg15[%swap3A_331, %swap3A_332], %mul3A_330 {strides = array<i32>} : memref<128x128xf32, #tpu.memory_space<vmem>>, vector<16xf32>,
        %get3A_334 = arith.index_cast %add3A_317 : i32 to index
        %get3A_335 = arith.constant 32 : index
        %get3A_336 = tpu.vector_load %arg15[%get3A_334, %get3A_335] {strides = array<i32>} : memref<128x128xf32, #tpu.memory_space<vmem>>, vector<16xf32>,
        %mul3A_337 = arith.mulf %get3A_336, %gather3A_319 : vector<16xf32>
        %swap3A_338 = arith.index_cast %add3A_317 : i32 to index
        %swap3A_339 = arith.constant 32 : index
        %swap3A_340 = tpu.vector_load %arg15[%swap3A_338, %swap3A_339] {strides = array<i32>} : memref<128x128xf32, #tpu.memory_space<vmem>>, vector<16xf32>,
        tpu.vector_store %arg15[%swap3A_338, %swap3A_339], %mul3A_337 {strides = array<i32>} : memref<128x128xf32, #tpu.memory_space<vmem>>, vector<16xf32>,
        %get3A_341 = arith.index_cast %add3A_317 : i32 to index
        %get3A_342 = arith.constant 48 : index
        %get3A_343 = tpu.vector_load %arg15[%get3A_341, %get3A_342] {strides = array<i32>} : memref<128x128xf32, #tpu.memory_space<vmem>>, vector<16xf32>,
        %mul3A_344 = arith.mulf %get3A_343, %gather3A_319 : vector<16xf32>
        %swap3A_345 = arith.index_cast %add3A_317 : i32 to index
        %swap3A_346 = arith.constant 48 : index
        %swap3A_347 = tpu.vector_load %arg15[%swap3A_345, %swap3A_346] {strides = array<i32>} : memref<128x128xf32, #tpu.memory_space<vmem>>, vector<16xf32>,
        tpu.vector_store %arg15[%swap3A_345, %swap3A_346], %mul3A_344 {strides = array<i32>} : memref<128x128xf32, #tpu.memory_space<vmem>>, vector<16xf32>,
        %get3A_348 = arith.index_cast %add3A_317 : i32 to index
        %get3A_349 = arith.constant 64 : index
        %get3A_350 = tpu.vector_load %arg15[%get3A_348, %get3A_349] {strides = array<i32>} : memref<128x128xf32, #tpu.memory_space<vmem>>, vector<16xf32>,
        %mul3A_351 = arith.mulf %get3A_350, %gather3A_319 : vector<16xf32>
        %swap3A_352 = arith.index_cast %add3A_317 : i32 to index
        %swap3A_353 = arith.constant 64 : index
        %swap3A_354 = tpu.vector_load %arg15[%swap3A_352, %swap3A_353] {strides = array<i32>} : memref<128x128xf32, #tpu.memory_space<vmem>>, vector<16xf32>,
        tpu.vector_store %arg15[%swap3A_352, %swap3A_353], %mul3A_351 {strides = array<i32>} : memref<128x128xf32, #tpu.memory_space<vmem>>, vector<16xf32>,
        %get3A_355 = arith.index_cast %add3A_317 : i32 to index
        %get3A_356 = arith.constant 80 : index
        %get3A_357 = tpu.vector_load %arg15[%get3A_355, %get3A_356] {strides = array<i32>} : memref<128x128xf32, #tpu.memory_space<vmem>>, vector<16xf32>,
        %mul3A_358 = arith.mulf %get3A_357, %gather3A_319 : vector<16xf32>
        %swap3A_359 = arith.index_cast %add3A_317 : i32 to index
        %swap3A_360 = arith.constant 80 : index
        %swap3A_361 = tpu.vector_load %arg15[%swap3A_359, %swap3A_360] {strides = array<i32>} : memref<128x128xf32, #tpu.memory_space<vmem>>, vector<16xf32>,
        tpu.vector_store %arg15[%swap3A_359, %swap3A_360], %mul3A_358 {strides = array<i32>} : memref<128x128xf32, #tpu.memory_space<vmem>>, vector<16xf32>,
        %get3A_362 = arith.index_cast %add3A_317 : i32 to index
        %get3A_363 = arith.constant 96 : index
        %get3A_364 = tpu.vector_load %arg15[%get3A_362, %get3A_363] {strides = array<i32>} : memref<128x128xf32, #tpu.memory_space<vmem>>, vector<16xf32>,
        %mul3A_365 = arith.mulf %get3A_364, %gather3A_319 : vector<16xf32>
        %swap3A_366 = arith.index_cast %add3A_317 : i32 to index
        %swap3A_367 = arith.constant 96 : index
        %swap3A_368 = tpu.vector_load %arg15[%swap3A_366, %swap3A_367] {strides = array<i32>} : memref<128x128xf32, #tpu.memory_space<vmem>>, vector<16xf32>,
        tpu.vector_store %arg15[%swap3A_366, %swap3A_367], %mul3A_365 {strides = array<i32>} : memref<128x128xf32, #tpu.memory_space<vmem>>, vector<16xf32>,
        %get3A_369 = arith.index_cast %add3A_317 : i32 to index
        %get3A_370 = arith.constant 112 : index
        %get3A_371 = tpu.vector_load %arg15[%get3A_369, %get3A_370] {strides = array<i32>} : memref<128x128xf32, #tpu.memory_space<vmem>>, vector<16xf32>,
        %mul3A_372 = arith.mulf %get3A_371, %gather3A_319 : vector<16xf32>
        %swap3A_373 = arith.index_cast %add3A_317 : i32 to index
        %swap3A_374 = arith.constant 112 : index
        %swap3A_375 = tpu.vector_load %arg15[%swap3A_373, %swap3A_374] {strides = array<i32>} : memref<128x128xf32, #tpu.memory_space<vmem>>, vector<16xf32>,
        tpu.vector_store %arg15[%swap3A_373, %swap3A_374], %mul3A_372 {strides = array<i32>} : memref<128x128xf32, #tpu.memory_space<vmem>>, vector<16xf32>,
        %mul3A_376 = arith.constant 4 : i32
        %mul3A_377 = arith.muli %scan3A_190, %mul3A_376 : i32
        %add3A_378 = arith.constant 3 : i32
        %add3A_379 = arith.addi %mul3A_377, %add3A_378 : i32
        %broadcast_in_dim3A_380 = vector.broadcast %add3A_379 : i32 to vector<16xi32>
        %gather3A_381 = tpu.vector_load_idx %arg13[%broadcast_in_dim3A_380] : memref<128xf32, #tpu.memory_space<vmem>>[vector<16xi32>], vector<16xf32>,
        %get3A_382 = arith.index_cast %add3A_379 : i32 to index
        %get3A_383 = arith.constant 0 : index
        %get3A_384 = tpu.vector_load %arg15[%get3A_382, %get3A_383] {strides = array<i32>} : memref<128x128xf32, #tpu.memory_space<vmem>>, vector<16xf32>,
        %mul3A_385 = arith.mulf %get3A_384, %gather3A_381 : vector<16xf32>
        %swap3A_386 = arith.index_cast %add3A_379 : i32 to index
        %swap3A_387 = arith.constant 0 : index
        %swap3A_388 = tpu.vector_load %arg15[%swap3A_386, %swap3A_387] {strides = array<i32>} : memref<128x128xf32, #tpu.memory_space<vmem>>, vector<16xf32>,
        tpu.vector_store %arg15[%swap3A_386, %swap3A_387], %mul3A_385 {strides = array<i32>} : memref<128x128xf32, #tpu.memory_space<vmem>>, vector<16xf32>,
        %get3A_389 = arith.index_cast %add3A_379 : i32 to index
        %get3A_390 = arith.constant 16 : index
        %get3A_391 = tpu.vector_load %arg15[%get3A_389, %get3A_390] {strides = array<i32>} : memref<128x128xf32, #tpu.memory_space<vmem>>, vector<16xf32>,
        %mul3A_392 = arith.mulf %get3A_391, %gather3A_381 : vector<16xf32>
        %swap3A_393 = arith.index_cast %add3A_379 : i32 to index
        %swap3A_394 = arith.constant 16 : index
        %swap3A_395 = tpu.vector_load %arg15[%swap3A_393, %swap3A_394] {strides = array<i32>} : memref<128x128xf32, #tpu.memory_space<vmem>>, vector<16xf32>,
        tpu.vector_store %arg15[%swap3A_393, %swap3A_394], %mul3A_392 {strides = array<i32>} : memref<128x128xf32, #tpu.memory_space<vmem>>, vector<16xf32>,
        %get3A_396 = arith.index_cast %add3A_379 : i32 to index
        %get3A_397 = arith.constant 32 : index
        %get3A_398 = tpu.vector_load %arg15[%get3A_396, %get3A_397] {strides = array<i32>} : memref<128x128xf32, #tpu.memory_space<vmem>>, vector<16xf32>,
        %mul3A_399 = arith.mulf %get3A_398, %gather3A_381 : vector<16xf32>
        %swap3A_400 = arith.index_cast %add3A_379 : i32 to index
        %swap3A_401 = arith.constant 32 : index
        %swap3A_402 = tpu.vector_load %arg15[%swap3A_400, %swap3A_401] {strides = array<i32>} : memref<128x128xf32, #tpu.memory_space<vmem>>, vector<16xf32>,
        tpu.vector_store %arg15[%swap3A_400, %swap3A_401], %mul3A_399 {strides = array<i32>} : memref<128x128xf32, #tpu.memory_space<vmem>>, vector<16xf32>,
        %get3A_403 = arith.index_cast %add3A_379 : i32 to index
        %get3A_404 = arith.constant 48 : index
        %get3A_405 = tpu.vector_load %arg15[%get3A_403, %get3A_404] {strides = array<i32>} : memref<128x128xf32, #tpu.memory_space<vmem>>, vector<16xf32>,
        %mul3A_406 = arith.mulf %get3A_405, %gather3A_381 : vector<16xf32>
        %swap3A_407 = arith.index_cast %add3A_379 : i32 to index
        %swap3A_408 = arith.constant 48 : index
        %swap3A_409 = tpu.vector_load %arg15[%swap3A_407, %swap3A_408] {strides = array<i32>} : memref<128x128xf32, #tpu.memory_space<vmem>>, vector<16xf32>,
        tpu.vector_store %arg15[%swap3A_407, %swap3A_408], %mul3A_406 {strides = array<i32>} : memref<128x128xf32, #tpu.memory_space<vmem>>, vector<16xf32>,
        %get3A_410 = arith.index_cast %add3A_379 : i32 to index
        %get3A_411 = arith.constant 64 : index
        %get3A_412 = tpu.vector_load %arg15[%get3A_410, %get3A_411] {strides = array<i32>} : memref<128x128xf32, #tpu.memory_space<vmem>>, vector<16xf32>,
        %mul3A_413 = arith.mulf %get3A_412, %gather3A_381 : vector<16xf32>
        %swap3A_414 = arith.index_cast %add3A_379 : i32 to index
        %swap3A_415 = arith.constant 64 : index
        %swap3A_416 = tpu.vector_load %arg15[%swap3A_414, %swap3A_415] {strides = array<i32>} : memref<128x128xf32, #tpu.memory_space<vmem>>, vector<16xf32>,
        tpu.vector_store %arg15[%swap3A_414, %swap3A_415], %mul3A_413 {strides = array<i32>} : memref<128x128xf32, #tpu.memory_space<vmem>>, vector<16xf32>,
        %get3A_417 = arith.index_cast %add3A_379 : i32 to index
        %get3A_418 = arith.constant 80 : index
        %get3A_419 = tpu.vector_load %arg15[%get3A_417, %get3A_418] {strides = array<i32>} : memref<128x128xf32, #tpu.memory_space<vmem>>, vector<16xf32>,
        %mul3A_420 = arith.mulf %get3A_419, %gather3A_381 : vector<16xf32>
        %swap3A_421 = arith.index_cast %add3A_379 : i32 to index
        %swap3A_422 = arith.constant 80 : index
        %swap3A_423 = tpu.vector_load %arg15[%swap3A_421, %swap3A_422] {strides = array<i32>} : memref<128x128xf32, #tpu.memory_space<vmem>>, vector<16xf32>,
        tpu.vector_store %arg15[%swap3A_421, %swap3A_422], %mul3A_420 {strides = array<i32>} : memref<128x128xf32, #tpu.memory_space<vmem>>, vector<16xf32>,
        %get3A_424 = arith.index_cast %add3A_379 : i32 to index
        %get3A_425 = arith.constant 96 : index
        %get3A_426 = tpu.vector_load %arg15[%get3A_424, %get3A_425] {strides = array<i32>} : memref<128x128xf32, #tpu.memory_space<vmem>>, vector<16xf32>,
        %mul3A_427 = arith.mulf %get3A_426, %gather3A_381 : vector<16xf32>
        %swap3A_428 = arith.index_cast %add3A_379 : i32 to index
        %swap3A_429 = arith.constant 96 : index
        %swap3A_430 = tpu.vector_load %arg15[%swap3A_428, %swap3A_429] {strides = array<i32>} : memref<128x128xf32, #tpu.memory_space<vmem>>, vector<16xf32>,
        tpu.vector_store %arg15[%swap3A_428, %swap3A_429], %mul3A_427 {strides = array<i32>} : memref<128x128xf32, #tpu.memory_space<vmem>>, vector<16xf32>,
        %get3A_431 = arith.index_cast %add3A_379 : i32 to index
        %get3A_432 = arith.constant 112 : index
        %get3A_433 = tpu.vector_load %arg15[%get3A_431, %get3A_432] {strides = array<i32>} : memref<128x128xf32, #tpu.memory_space<vmem>>, vector<16xf32>,
        %mul3A_434 = arith.mulf %get3A_433, %gather3A_381 : vector<16xf32>
        %swap3A_435 = arith.index_cast %add3A_379 : i32 to index
        %swap3A_436 = arith.constant 112 : index
        %swap3A_437 = tpu.vector_load %arg15[%swap3A_435, %swap3A_436] {strides = array<i32>} : memref<128x128xf32, #tpu.memory_space<vmem>>, vector<16xf32>,
        tpu.vector_store %arg15[%swap3A_435, %swap3A_436], %mul3A_434 {strides = array<i32>} : memref<128x128xf32, #tpu.memory_space<vmem>>, vector<16xf32>,
        %scan3A_438 = arith.constant 0 : i32
        scf.yield %scan3A_438 : i32
      }
      %scan3A_115 = arith.constant 32 : i32
      %dma_start3A_116 = arith.constant 0 : i32
      %dma_start3A_117 = arith.constant 0 : i32
      %dma_start3A_118 = tpu.memref_slice %arg17[%dma_start3A_116, %dma_start3A_117] : memref<10240x128xf32, #tpu.memory_space<vmem_shared>> -> memref<10240x128xf32, #tpu.memory_space<vmem_shared>>
      tpu.enqueue_indirect_dma source(%arg15 : memref<128x128xf32, #tpu.memory_space<vmem>>) target(%dma_start3A_118 : memref<10240x128xf32, #tpu.memory_space<vmem_shared>>) offsets(%arg11 : memref<128xi32, #tpu.memory_space<vmem>>) semaphore(%arg22 : memref<!tpu.dma_semaphore, #tpu.memory_space<semaphore_mem>>) {add = true}
      %add3A_119 = arith.constant 2 : i32
      %add3A_120 = arith.addi %add3A_71, %add3A_119 : i32
      %lt3A_121 = arith.constant 82 : i32
      %lt3A_122 = arith.cmpi slt, %add3A_120, %lt3A_121 : i32
      %convert_element_type3A_123 = arith.extui %lt3A_122 : i1 to i32
      %cond3A_124 = arith.constant 0 : i32
      %cond3A_125 = arith.cmpi ne, %convert_element_type3A_123, %cond3A_124 : i32
      scf.if %cond3A_125 {
        %add3A_190 = arith.constant 2 : i32
        %add3A_191 = arith.addi %add3A_71, %add3A_190 : i32
        %mul3A_192 = arith.constant 10496 : i32
        %mul3A_193 = arith.muli %add3A, %mul3A_192 : i32
        %mul3A_194 = arith.constant 128 : i32
        %mul3A_195 = arith.muli %add3A_191, %mul3A_194 : i32
        %add3A_196 = arith.addi %mul3A_193, %mul3A_195 : i32
        %dma_start3A_197 = tpu.memref_slice %arg2[%add3A_196] : memref<335872xi32, #tpu.memory_space<hbm>> -> memref<128xi32, #tpu.memory_space<hbm>>
        %dma_start3A_198 = tpu.memref_slice %arg2[%add3A_196] : memref<335872xi32, #tpu.memory_space<hbm>> -> memref<128xi32, #tpu.memory_space<hbm>>
        tpu.enqueue_dma source(%dma_start3A_198 : memref<128xi32, #tpu.memory_space<hbm>>) target(%arg7 : memref<128xi32, #tpu.memory_space<vmem>>) target_semaphore(%arg18 : memref<!tpu.dma_semaphore, #tpu.memory_space<semaphore_mem>>)
        %dma_start3A_199 = tpu.memref_slice %arg3[%add3A_196] : memref<335872xi32, #tpu.memory_space<hbm>> -> memref<128xi32, #tpu.memory_space<hbm>>
        %dma_start3A_200 = tpu.memref_slice %arg3[%add3A_196] : memref<335872xi32, #tpu.memory_space<hbm>> -> memref<128xi32, #tpu.memory_space<hbm>>
        tpu.enqueue_dma source(%dma_start3A_200 : memref<128xi32, #tpu.memory_space<hbm>>) target(%arg9 : memref<128xi32, #tpu.memory_space<vmem>>) target_semaphore(%arg18 : memref<!tpu.dma_semaphore, #tpu.memory_space<semaphore_mem>>)
        %dma_start3A_201 = tpu.memref_slice %arg4[%add3A_196] : memref<335872xf32, #tpu.memory_space<hbm>> -> memref<128xf32, #tpu.memory_space<hbm>>
        %dma_start3A_202 = tpu.memref_slice %arg4[%add3A_196] : memref<335872xf32, #tpu.memory_space<hbm>> -> memref<128xf32, #tpu.memory_space<hbm>>
        tpu.enqueue_dma source(%dma_start3A_202 : memref<128xf32, #tpu.memory_space<hbm>>) target(%arg13 : memref<128xf32, #tpu.memory_space<vmem>>) target_semaphore(%arg18 : memref<!tpu.dma_semaphore, #tpu.memory_space<semaphore_mem>>)
      } else {
      }
      %mul3A_126 = arith.constant 2 : i32
      %mul3A_127 = arith.muli %mul3A_126, %scan3A_66 : i32
      %add3A_128 = arith.constant 1 : i32
      %add3A_129 = arith.addi %mul3A_127, %add3A_128 : i32
      %get3A_130 = arith.constant 0 : index
      %get3A_131 = tpu.vector_load %arg10[%get3A_130] {strides = array<i32>} : memref<128xi32, #tpu.memory_space<vmem>>, vector<16xi32>,
      %swap3A_132 = arith.constant 0 : index
      %swap3A_133 = tpu.vector_load %arg12[%swap3A_132] {strides = array<i32>} : memref<128xi32, #tpu.memory_space<vmem>>, vector<16xi32>,
      tpu.vector_store %arg12[%swap3A_132], %get3A_131 {strides = array<i32>} : memref<128xi32, #tpu.memory_space<vmem>>, vector<16xi32>,
      %get3A_134 = arith.constant 16 : index
      %get3A_135 = tpu.vector_load %arg10[%get3A_134] {strides = array<i32>} : memref<128xi32, #tpu.memory_space<vmem>>, vector<16xi32>,
      %swap3A_136 = arith.constant 16 : index
      %swap3A_137 = tpu.vector_load %arg12[%swap3A_136] {strides = array<i32>} : memref<128xi32, #tpu.memory_space<vmem>>, vector<16xi32>,
      tpu.vector_store %arg12[%swap3A_136], %get3A_135 {strides = array<i32>} : memref<128xi32, #tpu.memory_space<vmem>>, vector<16xi32>,
      %get3A_138 = arith.constant 32 : index
      %get3A_139 = tpu.vector_load %arg10[%get3A_138] {strides = array<i32>} : memref<128xi32, #tpu.memory_space<vmem>>, vector<16xi32>,
      %swap3A_140 = arith.constant 32 : index
      %swap3A_141 = tpu.vector_load %arg12[%swap3A_140] {strides = array<i32>} : memref<128xi32, #tpu.memory_space<vmem>>, vector<16xi32>,
      tpu.vector_store %arg12[%swap3A_140], %get3A_139 {strides = array<i32>} : memref<128xi32, #tpu.memory_space<vmem>>, vector<16xi32>,
      %get3A_142 = arith.constant 48 : index
      %get3A_143 = tpu.vector_load %arg10[%get3A_142] {strides = array<i32>} : memref<128xi32, #tpu.memory_space<vmem>>, vector<16xi32>,
      %swap3A_144 = arith.constant 48 : index
      %swap3A_145 = tpu.vector_load %arg12[%swap3A_144] {strides = array<i32>} : memref<128xi32, #tpu.memory_space<vmem>>, vector<16xi32>,
      tpu.vector_store %arg12[%swap3A_144], %get3A_143 {strides = array<i32>} : memref<128xi32, #tpu.memory_space<vmem>>, vector<16xi32>,
      %get3A_146 = arith.constant 64 : index
      %get3A_147 = tpu.vector_load %arg10[%get3A_146] {strides = array<i32>} : memref<128xi32, #tpu.memory_space<vmem>>, vector<16xi32>,
      %swap3A_148 = arith.constant 64 : index
      %swap3A_149 = tpu.vector_load %arg12[%swap3A_148] {strides = array<i32>} : memref<128xi32, #tpu.memory_space<vmem>>, vector<16xi32>,
      tpu.vector_store %arg12[%swap3A_148], %get3A_147 {strides = array<i32>} : memref<128xi32, #tpu.memory_space<vmem>>, vector<16xi32>,
      %get3A_150 = arith.constant 80 : index
      %get3A_151 = tpu.vector_load %arg10[%get3A_150] {strides = array<i32>} : memref<128xi32, #tpu.memory_space<vmem>>, vector<16xi32>,
      %swap3A_152 = arith.constant 80 : index
      %swap3A_153 = tpu.vector_load %arg12[%swap3A_152] {strides = array<i32>} : memref<128xi32, #tpu.memory_space<vmem>>, vector<16xi32>,
      tpu.vector_store %arg12[%swap3A_152], %get3A_151 {strides = array<i32>} : memref<128xi32, #tpu.memory_space<vmem>>, vector<16xi32>,
      %get3A_154 = arith.constant 96 : index
      %get3A_155 = tpu.vector_load %arg10[%get3A_154] {strides = array<i32>} : memref<128xi32, #tpu.memory_space<vmem>>, vector<16xi32>,
      %swap3A_156 = arith.constant 96 : index
      %swap3A_157 = tpu.vector_load %arg12[%swap3A_156] {strides = array<i32>} : memref<128xi32, #tpu.memory_space<vmem>>, vector<16xi32>,
      tpu.vector_store %arg12[%swap3A_156], %get3A_155 {strides = array<i32>} : memref<128xi32, #tpu.memory_space<vmem>>, vector<16xi32>,
      %get3A_158 = arith.constant 112 : index
      %get3A_159 = tpu.vector_load %arg10[%get3A_158] {strides = array<i32>} : memref<128xi32, #tpu.memory_space<vmem>>, vector<16xi32>,
      %swap3A_160 = arith.constant 112 : index
      %swap3A_161 = tpu.vector_load %arg12[%swap3A_160] {strides = array<i32>} : memref<128xi32, #tpu.memory_space<vmem>>, vector<16xi32>,
      tpu.vector_store %arg12[%swap3A_160], %get3A_159 {strides = array<i32>} : memref<128xi32, #tpu.memory_space<vmem>>, vector<16xi32>,
      %dma_wait3A_162 = arith.constant 0 : i32
      %dma_wait3A_163 = arith.constant 0 : i32
      %dma_wait3A_164 = tpu.memref_slice %arg5[%dma_wait3A_162, %dma_wait3A_163] : memref<10240x128xf32, #tpu.memory_space<hbm>> -> memref<10240x128xf32, #tpu.memory_space<hbm>>
      tpu.wait_indirect_dma semaphore(%arg21 : memref<!tpu.dma_semaphore, #tpu.memory_space<semaphore_mem>>) src(%dma_wait3A_164 : memref<10240x128xf32, #tpu.memory_space<hbm>>) dst(%arg16 : memref<128x128xf32, #tpu.memory_space<vmem>>)
      %add3A_165 = arith.constant 1 : i32
      %add3A_166 = arith.addi %add3A_129, %add3A_165 : i32
      %lt3A_167 = arith.constant 82 : i32
      %lt3A_168 = arith.cmpi slt, %add3A_166, %lt3A_167 : i32
      %convert_element_type3A_169 = arith.extui %lt3A_168 : i1 to i32
      %cond3A_170 = arith.constant 0 : i32
      %cond3A_171 = arith.cmpi ne, %convert_element_type3A_169, %cond3A_170 : i32
      scf.if %cond3A_171 {
        %ge3A = arith.constant 1 : i32
        %ge3A_190 = arith.cmpi sge, %add3A_129, %ge3A : i32
        %convert_element_type3A_191 = arith.extui %ge3A_190 : i1 to i32
        %cond3A_192 = arith.constant 0 : i32
        %cond3A_193 = arith.cmpi ne, %convert_element_type3A_191, %cond3A_192 : i32
        scf.if %cond3A_193 {
          %dma_wait3A_210 = arith.constant 0 : i32
          %dma_wait3A_211 = arith.constant 0 : i32
          %dma_wait3A_212 = tpu.memref_slice %arg17[%dma_wait3A_210, %dma_wait3A_211] : memref<10240x128xf32, #tpu.memory_space<vmem_shared>> -> memref<10240x128xf32, #tpu.memory_space<vmem_shared>>
          tpu.wait_indirect_dma semaphore(%arg22 : memref<!tpu.dma_semaphore, #tpu.memory_space<semaphore_mem>>) src(%arg15 : memref<128x128xf32, #tpu.memory_space<vmem>>) dst(%dma_wait3A_212 : memref<10240x128xf32, #tpu.memory_space<vmem_shared>>)
        } else {
        }
        %add3A_194 = arith.constant 1 : i32
        %add3A_195 = arith.addi %add3A_129, %add3A_194 : i32
        %mul3A_196 = arith.constant 10496 : i32
        %mul3A_197 = arith.muli %add3A, %mul3A_196 : i32
        %mul3A_198 = arith.constant 128 : i32
        %mul3A_199 = arith.muli %add3A_195, %mul3A_198 : i32
        %add3A_200 = arith.addi %mul3A_197, %mul3A_199 : i32
        %dma_wait3A_201 = tpu.memref_slice %arg2[%add3A_200] : memref<335872xi32, #tpu.memory_space<hbm>> -> memref<128xi32, #tpu.memory_space<hbm>>
        %dma_wait3A_202 = tpu.memref_slice %arg2[%add3A_200] : memref<335872xi32, #tpu.memory_space<hbm>> -> memref<128xi32, #tpu.memory_space<hbm>>
        tpu.wait_dma2 semaphore(%arg18 : memref<!tpu.dma_semaphore, #tpu.memory_space<semaphore_mem>>) src(%dma_wait3A_202 : memref<128xi32, #tpu.memory_space<hbm>>) dst(%arg7 : memref<128xi32, #tpu.memory_space<vmem>>)
        %dma_wait3A_203 = tpu.memref_slice %arg3[%add3A_200] : memref<335872xi32, #tpu.memory_space<hbm>> -> memref<128xi32, #tpu.memory_space<hbm>>
        %dma_wait3A_204 = tpu.memref_slice %arg3[%add3A_200] : memref<335872xi32, #tpu.memory_space<hbm>> -> memref<128xi32, #tpu.memory_space<hbm>>
        tpu.wait_dma2 semaphore(%arg18 : memref<!tpu.dma_semaphore, #tpu.memory_space<semaphore_mem>>) src(%dma_wait3A_204 : memref<128xi32, #tpu.memory_space<hbm>>) dst(%arg9 : memref<128xi32, #tpu.memory_space<vmem>>)
        %dma_wait3A_205 = tpu.memref_slice %arg4[%add3A_200] : memref<335872xf32, #tpu.memory_space<hbm>> -> memref<128xf32, #tpu.memory_space<hbm>>
        %dma_wait3A_206 = tpu.memref_slice %arg4[%add3A_200] : memref<335872xf32, #tpu.memory_space<hbm>> -> memref<128xf32, #tpu.memory_space<hbm>>
        tpu.wait_dma2 semaphore(%arg18 : memref<!tpu.dma_semaphore, #tpu.memory_space<semaphore_mem>>) src(%dma_wait3A_206 : memref<128xf32, #tpu.memory_space<hbm>>) dst(%arg13 : memref<128xf32, #tpu.memory_space<vmem>>)
        %dma_start3A_207 = arith.constant 0 : i32
        %dma_start3A_208 = arith.constant 0 : i32
        %dma_start3A_209 = tpu.memref_slice %arg5[%dma_start3A_207, %dma_start3A_208] : memref<10240x128xf32, #tpu.memory_space<hbm>> -> memref<10240x128xf32, #tpu.memory_space<hbm>>
        tpu.enqueue_indirect_dma source(%dma_start3A_209 : memref<10240x128xf32, #tpu.memory_space<hbm>>) target(%arg15 : memref<128x128xf32, #tpu.memory_space<vmem>>) offsets(%arg7 : memref<128xi32, #tpu.memory_space<vmem>>) semaphore(%arg20 : memref<!tpu.dma_semaphore, #tpu.memory_space<semaphore_mem>>)
      } else {
      }
      %scan3A_172 = arith.constant 0 : i32
      %scan3A_173 = arith.constant 0 : i32
      %scan3A_174 = arith.constant 32 : i32
      %scan3A_175 = arith.addi %scan3A_173, %scan3A_174 : i32
      %scan3A_176 = arith.constant 1 : i32
      %scan3A_177 = scf.for %scan3A_190 = %scan3A_173 to %scan3A_175 step %scan3A_176 iter_args(%scan3A_191 = %scan3A_172) -> (i32)  : i32 {
        %mul3A_192 = arith.constant 4 : i32
        %mul3A_193 = arith.muli %scan3A_190, %mul3A_192 : i32
        %add3A_194 = arith.constant 0 : i32
        %add3A_195 = arith.addi %mul3A_193, %add3A_194 : i32
        %broadcast_in_dim3A = vector.broadcast %add3A_195 : i32 to vector<16xi32>
        %gather3A = tpu.vector_load_idx %arg14[%broadcast_in_dim3A] : memref<128xf32, #tpu.memory_space<vmem>>[vector<16xi32>], vector<16xf32>,
        %get3A_196 = arith.index_cast %add3A_195 : i32 to index
        %get3A_197 = arith.constant 0 : index
        %get3A_198 = tpu.vector_load %arg16[%get3A_196, %get3A_197] {strides = array<i32>} : memref<128x128xf32, #tpu.memory_space<vmem>>, vector<16xf32>,
        %mul3A_199 = arith.mulf %get3A_198, %gather3A : vector<16xf32>
        %swap3A_200 = arith.index_cast %add3A_195 : i32 to index
        %swap3A_201 = arith.constant 0 : index
        %swap3A_202 = tpu.vector_load %arg16[%swap3A_200, %swap3A_201] {strides = array<i32>} : memref<128x128xf32, #tpu.memory_space<vmem>>, vector<16xf32>,
        tpu.vector_store %arg16[%swap3A_200, %swap3A_201], %mul3A_199 {strides = array<i32>} : memref<128x128xf32, #tpu.memory_space<vmem>>, vector<16xf32>,
        %get3A_203 = arith.index_cast %add3A_195 : i32 to index
        %get3A_204 = arith.constant 16 : index
        %get3A_205 = tpu.vector_load %arg16[%get3A_203, %get3A_204] {strides = array<i32>} : memref<128x128xf32, #tpu.memory_space<vmem>>, vector<16xf32>,
        %mul3A_206 = arith.mulf %get3A_205, %gather3A : vector<16xf32>
        %swap3A_207 = arith.index_cast %add3A_195 : i32 to index
        %swap3A_208 = arith.constant 16 : index
        %swap3A_209 = tpu.vector_load %arg16[%swap3A_207, %swap3A_208] {strides = array<i32>} : memref<128x128xf32, #tpu.memory_space<vmem>>, vector<16xf32>,
        tpu.vector_store %arg16[%swap3A_207, %swap3A_208], %mul3A_206 {strides = array<i32>} : memref<128x128xf32, #tpu.memory_space<vmem>>, vector<16xf32>,
        %get3A_210 = arith.index_cast %add3A_195 : i32 to index
        %get3A_211 = arith.constant 32 : index
        %get3A_212 = tpu.vector_load %arg16[%get3A_210, %get3A_211] {strides = array<i32>} : memref<128x128xf32, #tpu.memory_space<vmem>>, vector<16xf32>,
        %mul3A_213 = arith.mulf %get3A_212, %gather3A : vector<16xf32>
        %swap3A_214 = arith.index_cast %add3A_195 : i32 to index
        %swap3A_215 = arith.constant 32 : index
        %swap3A_216 = tpu.vector_load %arg16[%swap3A_214, %swap3A_215] {strides = array<i32>} : memref<128x128xf32, #tpu.memory_space<vmem>>, vector<16xf32>,
        tpu.vector_store %arg16[%swap3A_214, %swap3A_215], %mul3A_213 {strides = array<i32>} : memref<128x128xf32, #tpu.memory_space<vmem>>, vector<16xf32>,
        %get3A_217 = arith.index_cast %add3A_195 : i32 to index
        %get3A_218 = arith.constant 48 : index
        %get3A_219 = tpu.vector_load %arg16[%get3A_217, %get3A_218] {strides = array<i32>} : memref<128x128xf32, #tpu.memory_space<vmem>>, vector<16xf32>,
        %mul3A_220 = arith.mulf %get3A_219, %gather3A : vector<16xf32>
        %swap3A_221 = arith.index_cast %add3A_195 : i32 to index
        %swap3A_222 = arith.constant 48 : index
        %swap3A_223 = tpu.vector_load %arg16[%swap3A_221, %swap3A_222] {strides = array<i32>} : memref<128x128xf32, #tpu.memory_space<vmem>>, vector<16xf32>,
        tpu.vector_store %arg16[%swap3A_221, %swap3A_222], %mul3A_220 {strides = array<i32>} : memref<128x128xf32, #tpu.memory_space<vmem>>, vector<16xf32>,
        %get3A_224 = arith.index_cast %add3A_195 : i32 to index
        %get3A_225 = arith.constant 64 : index
        %get3A_226 = tpu.vector_load %arg16[%get3A_224, %get3A_225] {strides = array<i32>} : memref<128x128xf32, #tpu.memory_space<vmem>>, vector<16xf32>,
        %mul3A_227 = arith.mulf %get3A_226, %gather3A : vector<16xf32>
        %swap3A_228 = arith.index_cast %add3A_195 : i32 to index
        %swap3A_229 = arith.constant 64 : index
        %swap3A_230 = tpu.vector_load %arg16[%swap3A_228, %swap3A_229] {strides = array<i32>} : memref<128x128xf32, #tpu.memory_space<vmem>>, vector<16xf32>,
        tpu.vector_store %arg16[%swap3A_228, %swap3A_229], %mul3A_227 {strides = array<i32>} : memref<128x128xf32, #tpu.memory_space<vmem>>, vector<16xf32>,
        %get3A_231 = arith.index_cast %add3A_195 : i32 to index
        %get3A_232 = arith.constant 80 : index
        %get3A_233 = tpu.vector_load %arg16[%get3A_231, %get3A_232] {strides = array<i32>} : memref<128x128xf32, #tpu.memory_space<vmem>>, vector<16xf32>,
        %mul3A_234 = arith.mulf %get3A_233, %gather3A : vector<16xf32>
        %swap3A_235 = arith.index_cast %add3A_195 : i32 to index
        %swap3A_236 = arith.constant 80 : index
        %swap3A_237 = tpu.vector_load %arg16[%swap3A_235, %swap3A_236] {strides = array<i32>} : memref<128x128xf32, #tpu.memory_space<vmem>>, vector<16xf32>,
        tpu.vector_store %arg16[%swap3A_235, %swap3A_236], %mul3A_234 {strides = array<i32>} : memref<128x128xf32, #tpu.memory_space<vmem>>, vector<16xf32>,
        %get3A_238 = arith.index_cast %add3A_195 : i32 to index
        %get3A_239 = arith.constant 96 : index
        %get3A_240 = tpu.vector_load %arg16[%get3A_238, %get3A_239] {strides = array<i32>} : memref<128x128xf32, #tpu.memory_space<vmem>>, vector<16xf32>,
        %mul3A_241 = arith.mulf %get3A_240, %gather3A : vector<16xf32>
        %swap3A_242 = arith.index_cast %add3A_195 : i32 to index
        %swap3A_243 = arith.constant 96 : index
        %swap3A_244 = tpu.vector_load %arg16[%swap3A_242, %swap3A_243] {strides = array<i32>} : memref<128x128xf32, #tpu.memory_space<vmem>>, vector<16xf32>,
        tpu.vector_store %arg16[%swap3A_242, %swap3A_243], %mul3A_241 {strides = array<i32>} : memref<128x128xf32, #tpu.memory_space<vmem>>, vector<16xf32>,
        %get3A_245 = arith.index_cast %add3A_195 : i32 to index
        %get3A_246 = arith.constant 112 : index
        %get3A_247 = tpu.vector_load %arg16[%get3A_245, %get3A_246] {strides = array<i32>} : memref<128x128xf32, #tpu.memory_space<vmem>>, vector<16xf32>,
        %mul3A_248 = arith.mulf %get3A_247, %gather3A : vector<16xf32>
        %swap3A_249 = arith.index_cast %add3A_195 : i32 to index
        %swap3A_250 = arith.constant 112 : index
        %swap3A_251 = tpu.vector_load %arg16[%swap3A_249, %swap3A_250] {strides = array<i32>} : memref<128x128xf32, #tpu.memory_space<vmem>>, vector<16xf32>,
        tpu.vector_store %arg16[%swap3A_249, %swap3A_250], %mul3A_248 {strides = array<i32>} : memref<128x128xf32, #tpu.memory_space<vmem>>, vector<16xf32>,
        %mul3A_252 = arith.constant 4 : i32
        %mul3A_253 = arith.muli %scan3A_190, %mul3A_252 : i32
        %add3A_254 = arith.constant 1 : i32
        %add3A_255 = arith.addi %mul3A_253, %add3A_254 : i32
        %broadcast_in_dim3A_256 = vector.broadcast %add3A_255 : i32 to vector<16xi32>
        %gather3A_257 = tpu.vector_load_idx %arg14[%broadcast_in_dim3A_256] : memref<128xf32, #tpu.memory_space<vmem>>[vector<16xi32>], vector<16xf32>,
        %get3A_258 = arith.index_cast %add3A_255 : i32 to index
        %get3A_259 = arith.constant 0 : index
        %get3A_260 = tpu.vector_load %arg16[%get3A_258, %get3A_259] {strides = array<i32>} : memref<128x128xf32, #tpu.memory_space<vmem>>, vector<16xf32>,
        %mul3A_261 = arith.mulf %get3A_260, %gather3A_257 : vector<16xf32>
        %swap3A_262 = arith.index_cast %add3A_255 : i32 to index
        %swap3A_263 = arith.constant 0 : index
        %swap3A_264 = tpu.vector_load %arg16[%swap3A_262, %swap3A_263] {strides = array<i32>} : memref<128x128xf32, #tpu.memory_space<vmem>>, vector<16xf32>,
        tpu.vector_store %arg16[%swap3A_262, %swap3A_263], %mul3A_261 {strides = array<i32>} : memref<128x128xf32, #tpu.memory_space<vmem>>, vector<16xf32>,
        %get3A_265 = arith.index_cast %add3A_255 : i32 to index
        %get3A_266 = arith.constant 16 : index
        %get3A_267 = tpu.vector_load %arg16[%get3A_265, %get3A_266] {strides = array<i32>} : memref<128x128xf32, #tpu.memory_space<vmem>>, vector<16xf32>,
        %mul3A_268 = arith.mulf %get3A_267, %gather3A_257 : vector<16xf32>
        %swap3A_269 = arith.index_cast %add3A_255 : i32 to index
        %swap3A_270 = arith.constant 16 : index
        %swap3A_271 = tpu.vector_load %arg16[%swap3A_269, %swap3A_270] {strides = array<i32>} : memref<128x128xf32, #tpu.memory_space<vmem>>, vector<16xf32>,
        tpu.vector_store %arg16[%swap3A_269, %swap3A_270], %mul3A_268 {strides = array<i32>} : memref<128x128xf32, #tpu.memory_space<vmem>>, vector<16xf32>,
        %get3A_272 = arith.index_cast %add3A_255 : i32 to index
        %get3A_273 = arith.constant 32 : index
        %get3A_274 = tpu.vector_load %arg16[%get3A_272, %get3A_273] {strides = array<i32>} : memref<128x128xf32, #tpu.memory_space<vmem>>, vector<16xf32>,
        %mul3A_275 = arith.mulf %get3A_274, %gather3A_257 : vector<16xf32>
        %swap3A_276 = arith.index_cast %add3A_255 : i32 to index
        %swap3A_277 = arith.constant 32 : index
        %swap3A_278 = tpu.vector_load %arg16[%swap3A_276, %swap3A_277] {strides = array<i32>} : memref<128x128xf32, #tpu.memory_space<vmem>>, vector<16xf32>,
        tpu.vector_store %arg16[%swap3A_276, %swap3A_277], %mul3A_275 {strides = array<i32>} : memref<128x128xf32, #tpu.memory_space<vmem>>, vector<16xf32>,
        %get3A_279 = arith.index_cast %add3A_255 : i32 to index
        %get3A_280 = arith.constant 48 : index
        %get3A_281 = tpu.vector_load %arg16[%get3A_279, %get3A_280] {strides = array<i32>} : memref<128x128xf32, #tpu.memory_space<vmem>>, vector<16xf32>,
        %mul3A_282 = arith.mulf %get3A_281, %gather3A_257 : vector<16xf32>
        %swap3A_283 = arith.index_cast %add3A_255 : i32 to index
        %swap3A_284 = arith.constant 48 : index
        %swap3A_285 = tpu.vector_load %arg16[%swap3A_283, %swap3A_284] {strides = array<i32>} : memref<128x128xf32, #tpu.memory_space<vmem>>, vector<16xf32>,
        tpu.vector_store %arg16[%swap3A_283, %swap3A_284], %mul3A_282 {strides = array<i32>} : memref<128x128xf32, #tpu.memory_space<vmem>>, vector<16xf32>,
        %get3A_286 = arith.index_cast %add3A_255 : i32 to index
        %get3A_287 = arith.constant 64 : index
        %get3A_288 = tpu.vector_load %arg16[%get3A_286, %get3A_287] {strides = array<i32>} : memref<128x128xf32, #tpu.memory_space<vmem>>, vector<16xf32>,
        %mul3A_289 = arith.mulf %get3A_288, %gather3A_257 : vector<16xf32>
        %swap3A_290 = arith.index_cast %add3A_255 : i32 to index
        %swap3A_291 = arith.constant 64 : index
        %swap3A_292 = tpu.vector_load %arg16[%swap3A_290, %swap3A_291] {strides = array<i32>} : memref<128x128xf32, #tpu.memory_space<vmem>>, vector<16xf32>,
        tpu.vector_store %arg16[%swap3A_290, %swap3A_291], %mul3A_289 {strides = array<i32>} : memref<128x128xf32, #tpu.memory_space<vmem>>, vector<16xf32>,
        %get3A_293 = arith.index_cast %add3A_255 : i32 to index
        %get3A_294 = arith.constant 80 : index
        %get3A_295 = tpu.vector_load %arg16[%get3A_293, %get3A_294] {strides = array<i32>} : memref<128x128xf32, #tpu.memory_space<vmem>>, vector<16xf32>,
        %mul3A_296 = arith.mulf %get3A_295, %gather3A_257 : vector<16xf32>
        %swap3A_297 = arith.index_cast %add3A_255 : i32 to index
        %swap3A_298 = arith.constant 80 : index
        %swap3A_299 = tpu.vector_load %arg16[%swap3A_297, %swap3A_298] {strides = array<i32>} : memref<128x128xf32, #tpu.memory_space<vmem>>, vector<16xf32>,
        tpu.vector_store %arg16[%swap3A_297, %swap3A_298], %mul3A_296 {strides = array<i32>} : memref<128x128xf32, #tpu.memory_space<vmem>>, vector<16xf32>,
        %get3A_300 = arith.index_cast %add3A_255 : i32 to index
        %get3A_301 = arith.constant 96 : index
        %get3A_302 = tpu.vector_load %arg16[%get3A_300, %get3A_301] {strides = array<i32>} : memref<128x128xf32, #tpu.memory_space<vmem>>, vector<16xf32>,
        %mul3A_303 = arith.mulf %get3A_302, %gather3A_257 : vector<16xf32>
        %swap3A_304 = arith.index_cast %add3A_255 : i32 to index
        %swap3A_305 = arith.constant 96 : index
        %swap3A_306 = tpu.vector_load %arg16[%swap3A_304, %swap3A_305] {strides = array<i32>} : memref<128x128xf32, #tpu.memory_space<vmem>>, vector<16xf32>,
        tpu.vector_store %arg16[%swap3A_304, %swap3A_305], %mul3A_303 {strides = array<i32>} : memref<128x128xf32, #tpu.memory_space<vmem>>, vector<16xf32>,
        %get3A_307 = arith.index_cast %add3A_255 : i32 to index
        %get3A_308 = arith.constant 112 : index
        %get3A_309 = tpu.vector_load %arg16[%get3A_307, %get3A_308] {strides = array<i32>} : memref<128x128xf32, #tpu.memory_space<vmem>>, vector<16xf32>,
        %mul3A_310 = arith.mulf %get3A_309, %gather3A_257 : vector<16xf32>
        %swap3A_311 = arith.index_cast %add3A_255 : i32 to index
        %swap3A_312 = arith.constant 112 : index
        %swap3A_313 = tpu.vector_load %arg16[%swap3A_311, %swap3A_312] {strides = array<i32>} : memref<128x128xf32, #tpu.memory_space<vmem>>, vector<16xf32>,
        tpu.vector_store %arg16[%swap3A_311, %swap3A_312], %mul3A_310 {strides = array<i32>} : memref<128x128xf32, #tpu.memory_space<vmem>>, vector<16xf32>,
        %mul3A_314 = arith.constant 4 : i32
        %mul3A_315 = arith.muli %scan3A_190, %mul3A_314 : i32
        %add3A_316 = arith.constant 2 : i32
        %add3A_317 = arith.addi %mul3A_315, %add3A_316 : i32
        %broadcast_in_dim3A_318 = vector.broadcast %add3A_317 : i32 to vector<16xi32>
        %gather3A_319 = tpu.vector_load_idx %arg14[%broadcast_in_dim3A_318] : memref<128xf32, #tpu.memory_space<vmem>>[vector<16xi32>], vector<16xf32>,
        %get3A_320 = arith.index_cast %add3A_317 : i32 to index
        %get3A_321 = arith.constant 0 : index
        %get3A_322 = tpu.vector_load %arg16[%get3A_320, %get3A_321] {strides = array<i32>} : memref<128x128xf32, #tpu.memory_space<vmem>>, vector<16xf32>,
        %mul3A_323 = arith.mulf %get3A_322, %gather3A_319 : vector<16xf32>
        %swap3A_324 = arith.index_cast %add3A_317 : i32 to index
        %swap3A_325 = arith.constant 0 : index
        %swap3A_326 = tpu.vector_load %arg16[%swap3A_324, %swap3A_325] {strides = array<i32>} : memref<128x128xf32, #tpu.memory_space<vmem>>, vector<16xf32>,
        tpu.vector_store %arg16[%swap3A_324, %swap3A_325], %mul3A_323 {strides = array<i32>} : memref<128x128xf32, #tpu.memory_space<vmem>>, vector<16xf32>,
        %get3A_327 = arith.index_cast %add3A_317 : i32 to index
        %get3A_328 = arith.constant 16 : index
        %get3A_329 = tpu.vector_load %arg16[%get3A_327, %get3A_328] {strides = array<i32>} : memref<128x128xf32, #tpu.memory_space<vmem>>, vector<16xf32>,
        %mul3A_330 = arith.mulf %get3A_329, %gather3A_319 : vector<16xf32>
        %swap3A_331 = arith.index_cast %add3A_317 : i32 to index
        %swap3A_332 = arith.constant 16 : index
        %swap3A_333 = tpu.vector_load %arg16[%swap3A_331, %swap3A_332] {strides = array<i32>} : memref<128x128xf32, #tpu.memory_space<vmem>>, vector<16xf32>,
        tpu.vector_store %arg16[%swap3A_331, %swap3A_332], %mul3A_330 {strides = array<i32>} : memref<128x128xf32, #tpu.memory_space<vmem>>, vector<16xf32>,
        %get3A_334 = arith.index_cast %add3A_317 : i32 to index
        %get3A_335 = arith.constant 32 : index
        %get3A_336 = tpu.vector_load %arg16[%get3A_334, %get3A_335] {strides = array<i32>} : memref<128x128xf32, #tpu.memory_space<vmem>>, vector<16xf32>,
        %mul3A_337 = arith.mulf %get3A_336, %gather3A_319 : vector<16xf32>
        %swap3A_338 = arith.index_cast %add3A_317 : i32 to index
        %swap3A_339 = arith.constant 32 : index
        %swap3A_340 = tpu.vector_load %arg16[%swap3A_338, %swap3A_339] {strides = array<i32>} : memref<128x128xf32, #tpu.memory_space<vmem>>, vector<16xf32>,
        tpu.vector_store %arg16[%swap3A_338, %swap3A_339], %mul3A_337 {strides = array<i32>} : memref<128x128xf32, #tpu.memory_space<vmem>>, vector<16xf32>,
        %get3A_341 = arith.index_cast %add3A_317 : i32 to index
        %get3A_342 = arith.constant 48 : index
        %get3A_343 = tpu.vector_load %arg16[%get3A_341, %get3A_342] {strides = array<i32>} : memref<128x128xf32, #tpu.memory_space<vmem>>, vector<16xf32>,
        %mul3A_344 = arith.mulf %get3A_343, %gather3A_319 : vector<16xf32>
        %swap3A_345 = arith.index_cast %add3A_317 : i32 to index
        %swap3A_346 = arith.constant 48 : index
        %swap3A_347 = tpu.vector_load %arg16[%swap3A_345, %swap3A_346] {strides = array<i32>} : memref<128x128xf32, #tpu.memory_space<vmem>>, vector<16xf32>,
        tpu.vector_store %arg16[%swap3A_345, %swap3A_346], %mul3A_344 {strides = array<i32>} : memref<128x128xf32, #tpu.memory_space<vmem>>, vector<16xf32>,
        %get3A_348 = arith.index_cast %add3A_317 : i32 to index
        %get3A_349 = arith.constant 64 : index
        %get3A_350 = tpu.vector_load %arg16[%get3A_348, %get3A_349] {strides = array<i32>} : memref<128x128xf32, #tpu.memory_space<vmem>>, vector<16xf32>,
        %mul3A_351 = arith.mulf %get3A_350, %gather3A_319 : vector<16xf32>
        %swap3A_352 = arith.index_cast %add3A_317 : i32 to index
        %swap3A_353 = arith.constant 64 : index
        %swap3A_354 = tpu.vector_load %arg16[%swap3A_352, %swap3A_353] {strides = array<i32>} : memref<128x128xf32, #tpu.memory_space<vmem>>, vector<16xf32>,
        tpu.vector_store %arg16[%swap3A_352, %swap3A_353], %mul3A_351 {strides = array<i32>} : memref<128x128xf32, #tpu.memory_space<vmem>>, vector<16xf32>,
        %get3A_355 = arith.index_cast %add3A_317 : i32 to index
        %get3A_356 = arith.constant 80 : index
        %get3A_357 = tpu.vector_load %arg16[%get3A_355, %get3A_356] {strides = array<i32>} : memref<128x128xf32, #tpu.memory_space<vmem>>, vector<16xf32>,
        %mul3A_358 = arith.mulf %get3A_357, %gather3A_319 : vector<16xf32>
        %swap3A_359 = arith.index_cast %add3A_317 : i32 to index
        %swap3A_360 = arith.constant 80 : index
        %swap3A_361 = tpu.vector_load %arg16[%swap3A_359, %swap3A_360] {strides = array<i32>} : memref<128x128xf32, #tpu.memory_space<vmem>>, vector<16xf32>,
        tpu.vector_store %arg16[%swap3A_359, %swap3A_360], %mul3A_358 {strides = array<i32>} : memref<128x128xf32, #tpu.memory_space<vmem>>, vector<16xf32>,
        %get3A_362 = arith.index_cast %add3A_317 : i32 to index
        %get3A_363 = arith.constant 96 : index
        %get3A_364 = tpu.vector_load %arg16[%get3A_362, %get3A_363] {strides = array<i32>} : memref<128x128xf32, #tpu.memory_space<vmem>>, vector<16xf32>,
        %mul3A_365 = arith.mulf %get3A_364, %gather3A_319 : vector<16xf32>
        %swap3A_366 = arith.index_cast %add3A_317 : i32 to index
        %swap3A_367 = arith.constant 96 : index
        %swap3A_368 = tpu.vector_load %arg16[%swap3A_366, %swap3A_367] {strides = array<i32>} : memref<128x128xf32, #tpu.memory_space<vmem>>, vector<16xf32>,
        tpu.vector_store %arg16[%swap3A_366, %swap3A_367], %mul3A_365 {strides = array<i32>} : memref<128x128xf32, #tpu.memory_space<vmem>>, vector<16xf32>,
        %get3A_369 = arith.index_cast %add3A_317 : i32 to index
        %get3A_370 = arith.constant 112 : index
        %get3A_371 = tpu.vector_load %arg16[%get3A_369, %get3A_370] {strides = array<i32>} : memref<128x128xf32, #tpu.memory_space<vmem>>, vector<16xf32>,
        %mul3A_372 = arith.mulf %get3A_371, %gather3A_319 : vector<16xf32>
        %swap3A_373 = arith.index_cast %add3A_317 : i32 to index
        %swap3A_374 = arith.constant 112 : index
        %swap3A_375 = tpu.vector_load %arg16[%swap3A_373, %swap3A_374] {strides = array<i32>} : memref<128x128xf32, #tpu.memory_space<vmem>>, vector<16xf32>,
        tpu.vector_store %arg16[%swap3A_373, %swap3A_374], %mul3A_372 {strides = array<i32>} : memref<128x128xf32, #tpu.memory_space<vmem>>, vector<16xf32>,
        %mul3A_376 = arith.constant 4 : i32
        %mul3A_377 = arith.muli %scan3A_190, %mul3A_376 : i32
        %add3A_378 = arith.constant 3 : i32
        %add3A_379 = arith.addi %mul3A_377, %add3A_378 : i32
        %broadcast_in_dim3A_380 = vector.broadcast %add3A_379 : i32 to vector<16xi32>
        %gather3A_381 = tpu.vector_load_idx %arg14[%broadcast_in_dim3A_380] : memref<128xf32, #tpu.memory_space<vmem>>[vector<16xi32>], vector<16xf32>,
        %get3A_382 = arith.index_cast %add3A_379 : i32 to index
        %get3A_383 = arith.constant 0 : index
        %get3A_384 = tpu.vector_load %arg16[%get3A_382, %get3A_383] {strides = array<i32>} : memref<128x128xf32, #tpu.memory_space<vmem>>, vector<16xf32>,
        %mul3A_385 = arith.mulf %get3A_384, %gather3A_381 : vector<16xf32>
        %swap3A_386 = arith.index_cast %add3A_379 : i32 to index
        %swap3A_387 = arith.constant 0 : index
        %swap3A_388 = tpu.vector_load %arg16[%swap3A_386, %swap3A_387] {strides = array<i32>} : memref<128x128xf32, #tpu.memory_space<vmem>>, vector<16xf32>,
        tpu.vector_store %arg16[%swap3A_386, %swap3A_387], %mul3A_385 {strides = array<i32>} : memref<128x128xf32, #tpu.memory_space<vmem>>, vector<16xf32>,
        %get3A_389 = arith.index_cast %add3A_379 : i32 to index
        %get3A_390 = arith.constant 16 : index
        %get3A_391 = tpu.vector_load %arg16[%get3A_389, %get3A_390] {strides = array<i32>} : memref<128x128xf32, #tpu.memory_space<vmem>>, vector<16xf32>,
        %mul3A_392 = arith.mulf %get3A_391, %gather3A_381 : vector<16xf32>
        %swap3A_393 = arith.index_cast %add3A_379 : i32 to index
        %swap3A_394 = arith.constant 16 : index
        %swap3A_395 = tpu.vector_load %arg16[%swap3A_393, %swap3A_394] {strides = array<i32>} : memref<128x128xf32, #tpu.memory_space<vmem>>, vector<16xf32>,
        tpu.vector_store %arg16[%swap3A_393, %swap3A_394], %mul3A_392 {strides = array<i32>} : memref<128x128xf32, #tpu.memory_space<vmem>>, vector<16xf32>,
        %get3A_396 = arith.index_cast %add3A_379 : i32 to index
        %get3A_397 = arith.constant 32 : index
        %get3A_398 = tpu.vector_load %arg16[%get3A_396, %get3A_397] {strides = array<i32>} : memref<128x128xf32, #tpu.memory_space<vmem>>, vector<16xf32>,
        %mul3A_399 = arith.mulf %get3A_398, %gather3A_381 : vector<16xf32>
        %swap3A_400 = arith.index_cast %add3A_379 : i32 to index
        %swap3A_401 = arith.constant 32 : index
        %swap3A_402 = tpu.vector_load %arg16[%swap3A_400, %swap3A_401] {strides = array<i32>} : memref<128x128xf32, #tpu.memory_space<vmem>>, vector<16xf32>,
        tpu.vector_store %arg16[%swap3A_400, %swap3A_401], %mul3A_399 {strides = array<i32>} : memref<128x128xf32, #tpu.memory_space<vmem>>, vector<16xf32>,
        %get3A_403 = arith.index_cast %add3A_379 : i32 to index
        %get3A_404 = arith.constant 48 : index
        %get3A_405 = tpu.vector_load %arg16[%get3A_403, %get3A_404] {strides = array<i32>} : memref<128x128xf32, #tpu.memory_space<vmem>>, vector<16xf32>,
        %mul3A_406 = arith.mulf %get3A_405, %gather3A_381 : vector<16xf32>
        %swap3A_407 = arith.index_cast %add3A_379 : i32 to index
        %swap3A_408 = arith.constant 48 : index
        %swap3A_409 = tpu.vector_load %arg16[%swap3A_407, %swap3A_408] {strides = array<i32>} : memref<128x128xf32, #tpu.memory_space<vmem>>, vector<16xf32>,
        tpu.vector_store %arg16[%swap3A_407, %swap3A_408], %mul3A_406 {strides = array<i32>} : memref<128x128xf32, #tpu.memory_space<vmem>>, vector<16xf32>,
        %get3A_410 = arith.index_cast %add3A_379 : i32 to index
        %get3A_411 = arith.constant 64 : index
        %get3A_412 = tpu.vector_load %arg16[%get3A_410, %get3A_411] {strides = array<i32>} : memref<128x128xf32, #tpu.memory_space<vmem>>, vector<16xf32>,
        %mul3A_413 = arith.mulf %get3A_412, %gather3A_381 : vector<16xf32>
        %swap3A_414 = arith.index_cast %add3A_379 : i32 to index
        %swap3A_415 = arith.constant 64 : index
        %swap3A_416 = tpu.vector_load %arg16[%swap3A_414, %swap3A_415] {strides = array<i32>} : memref<128x128xf32, #tpu.memory_space<vmem>>, vector<16xf32>,
        tpu.vector_store %arg16[%swap3A_414, %swap3A_415], %mul3A_413 {strides = array<i32>} : memref<128x128xf32, #tpu.memory_space<vmem>>, vector<16xf32>,
        %get3A_417 = arith.index_cast %add3A_379 : i32 to index
        %get3A_418 = arith.constant 80 : index
        %get3A_419 = tpu.vector_load %arg16[%get3A_417, %get3A_418] {strides = array<i32>} : memref<128x128xf32, #tpu.memory_space<vmem>>, vector<16xf32>,
        %mul3A_420 = arith.mulf %get3A_419, %gather3A_381 : vector<16xf32>
        %swap3A_421 = arith.index_cast %add3A_379 : i32 to index
        %swap3A_422 = arith.constant 80 : index
        %swap3A_423 = tpu.vector_load %arg16[%swap3A_421, %swap3A_422] {strides = array<i32>} : memref<128x128xf32, #tpu.memory_space<vmem>>, vector<16xf32>,
        tpu.vector_store %arg16[%swap3A_421, %swap3A_422], %mul3A_420 {strides = array<i32>} : memref<128x128xf32, #tpu.memory_space<vmem>>, vector<16xf32>,
        %get3A_424 = arith.index_cast %add3A_379 : i32 to index
        %get3A_425 = arith.constant 96 : index
        %get3A_426 = tpu.vector_load %arg16[%get3A_424, %get3A_425] {strides = array<i32>} : memref<128x128xf32, #tpu.memory_space<vmem>>, vector<16xf32>,
        %mul3A_427 = arith.mulf %get3A_426, %gather3A_381 : vector<16xf32>
        %swap3A_428 = arith.index_cast %add3A_379 : i32 to index
        %swap3A_429 = arith.constant 96 : index
        %swap3A_430 = tpu.vector_load %arg16[%swap3A_428, %swap3A_429] {strides = array<i32>} : memref<128x128xf32, #tpu.memory_space<vmem>>, vector<16xf32>,
        tpu.vector_store %arg16[%swap3A_428, %swap3A_429], %mul3A_427 {strides = array<i32>} : memref<128x128xf32, #tpu.memory_space<vmem>>, vector<16xf32>,
        %get3A_431 = arith.index_cast %add3A_379 : i32 to index
        %get3A_432 = arith.constant 112 : index
        %get3A_433 = tpu.vector_load %arg16[%get3A_431, %get3A_432] {strides = array<i32>} : memref<128x128xf32, #tpu.memory_space<vmem>>, vector<16xf32>,
        %mul3A_434 = arith.mulf %get3A_433, %gather3A_381 : vector<16xf32>
        %swap3A_435 = arith.index_cast %add3A_379 : i32 to index
        %swap3A_436 = arith.constant 112 : index
        %swap3A_437 = tpu.vector_load %arg16[%swap3A_435, %swap3A_436] {strides = array<i32>} : memref<128x128xf32, #tpu.memory_space<vmem>>, vector<16xf32>,
        tpu.vector_store %arg16[%swap3A_435, %swap3A_436], %mul3A_434 {strides = array<i32>} : memref<128x128xf32, #tpu.memory_space<vmem>>, vector<16xf32>,
        %scan3A_438 = arith.constant 0 : i32
        scf.yield %scan3A_438 : i32
      }
      %scan3A_178 = arith.constant 32 : i32
      %dma_start3A_179 = arith.constant 0 : i32
      %dma_start3A_180 = arith.constant 0 : i32
      %dma_start3A_181 = tpu.memref_slice %arg17[%dma_start3A_179, %dma_start3A_180] : memref<10240x128xf32, #tpu.memory_space<vmem_shared>> -> memref<10240x128xf32, #tpu.memory_space<vmem_shared>>
      tpu.enqueue_indirect_dma source(%arg16 : memref<128x128xf32, #tpu.memory_space<vmem>>) target(%dma_start3A_181 : memref<10240x128xf32, #tpu.memory_space<vmem_shared>>) offsets(%arg12 : memref<128xi32, #tpu.memory_space<vmem>>) semaphore(%arg23 : memref<!tpu.dma_semaphore, #tpu.memory_space<semaphore_mem>>) {add = true}
      %add3A_182 = arith.constant 2 : i32
      %add3A_183 = arith.addi %add3A_129, %add3A_182 : i32
      %lt3A_184 = arith.constant 82 : i32
      %lt3A_185 = arith.cmpi slt, %add3A_183, %lt3A_184 : i32
      %convert_element_type3A_186 = arith.extui %lt3A_185 : i1 to i32
      %cond3A_187 = arith.constant 0 : i32
      %cond3A_188 = arith.cmpi ne, %convert_element_type3A_186, %cond3A_187 : i32
      scf.if %cond3A_188 {
        %add3A_190 = arith.constant 2 : i32
        %add3A_191 = arith.addi %add3A_129, %add3A_190 : i32
        %mul3A_192 = arith.constant 10496 : i32
        %mul3A_193 = arith.muli %add3A, %mul3A_192 : i32
        %mul3A_194 = arith.constant 128 : i32
        %mul3A_195 = arith.muli %add3A_191, %mul3A_194 : i32
        %add3A_196 = arith.addi %mul3A_193, %mul3A_195 : i32
        %dma_start3A_197 = tpu.memref_slice %arg2[%add3A_196] : memref<335872xi32, #tpu.memory_space<hbm>> -> memref<128xi32, #tpu.memory_space<hbm>>
        %dma_start3A_198 = tpu.memref_slice %arg2[%add3A_196] : memref<335872xi32, #tpu.memory_space<hbm>> -> memref<128xi32, #tpu.memory_space<hbm>>
        tpu.enqueue_dma source(%dma_start3A_198 : memref<128xi32, #tpu.memory_space<hbm>>) target(%arg8 : memref<128xi32, #tpu.memory_space<vmem>>) target_semaphore(%arg19 : memref<!tpu.dma_semaphore, #tpu.memory_space<semaphore_mem>>)
        %dma_start3A_199 = tpu.memref_slice %arg3[%add3A_196] : memref<335872xi32, #tpu.memory_space<hbm>> -> memref<128xi32, #tpu.memory_space<hbm>>
        %dma_start3A_200 = tpu.memref_slice %arg3[%add3A_196] : memref<335872xi32, #tpu.memory_space<hbm>> -> memref<128xi32, #tpu.memory_space<hbm>>
        tpu.enqueue_dma source(%dma_start3A_200 : memref<128xi32, #tpu.memory_space<hbm>>) target(%arg10 : memref<128xi32, #tpu.memory_space<vmem>>) target_semaphore(%arg19 : memref<!tpu.dma_semaphore, #tpu.memory_space<semaphore_mem>>)
        %dma_start3A_201 = tpu.memref_slice %arg4[%add3A_196] : memref<335872xf32, #tpu.memory_space<hbm>> -> memref<128xf32, #tpu.memory_space<hbm>>
        %dma_start3A_202 = tpu.memref_slice %arg4[%add3A_196] : memref<335872xf32, #tpu.memory_space<hbm>> -> memref<128xf32, #tpu.memory_space<hbm>>
        tpu.enqueue_dma source(%dma_start3A_202 : memref<128xf32, #tpu.memory_space<hbm>>) target(%arg14 : memref<128xf32, #tpu.memory_space<vmem>>) target_semaphore(%arg19 : memref<!tpu.dma_semaphore, #tpu.memory_space<semaphore_mem>>)
      } else {
      }
      %scan3A_189 = arith.constant 0 : i32
      scf.yield %scan3A_189 : i32
    }
    %scan3A_51 = arith.constant 41 : i32
    %dma_wait3A_52 = arith.constant 0 : i32
    %dma_wait3A_53 = arith.constant 0 : i32
    %dma_wait3A_54 = tpu.memref_slice %arg17[%dma_wait3A_52, %dma_wait3A_53] : memref<10240x128xf32, #tpu.memory_space<vmem_shared>> -> memref<10240x128xf32, #tpu.memory_space<vmem_shared>>
    tpu.wait_indirect_dma semaphore(%arg22 : memref<!tpu.dma_semaphore, #tpu.memory_space<semaphore_mem>>) src(%arg15 : memref<128x128xf32, #tpu.memory_space<vmem>>) dst(%dma_wait3A_54 : memref<10240x128xf32, #tpu.memory_space<vmem_shared>>)
    %dma_wait3A_55 = arith.constant 0 : i32
    %dma_wait3A_56 = arith.constant 0 : i32
    %dma_wait3A_57 = tpu.memref_slice %arg17[%dma_wait3A_55, %dma_wait3A_56] : memref<10240x128xf32, #tpu.memory_space<vmem_shared>> -> memref<10240x128xf32, #tpu.memory_space<vmem_shared>>
    tpu.wait_indirect_dma semaphore(%arg23 : memref<!tpu.dma_semaphore, #tpu.memory_space<semaphore_mem>>) src(%arg16 : memref<128x128xf32, #tpu.memory_space<vmem>>) dst(%dma_wait3A_57 : memref<10240x128xf32, #tpu.memory_space<vmem_shared>>)
    %barrier3A_58 = arith.constant 0 : index
    tpu.barrier barrier_id(%barrier3A_58)
    %scan3A_59 = arith.constant 0 : i32
    %scan3A_60 = arith.constant 0 : i32
    %scan3A_61 = arith.constant 5 : i32
    %scan3A_62 = arith.addi %scan3A_60, %scan3A_61 : i32
    %scan3A_63 = arith.constant 1 : i32
    %scan3A_64 = scf.for %scan3A_66 = %scan3A_60 to %scan3A_62 step %scan3A_63 iter_args(%scan3A_67 = %scan3A_59) -> (i32)  : i32 {
      %mul3A_68 = arith.constant 640 : i32
      %mul3A_69 = arith.muli %arg1, %mul3A_68 : i32
      %mul3A_70 = arith.constant 128 : i32
      %mul3A_71 = arith.muli %scan3A_66, %mul3A_70 : i32
      %add3A_72 = arith.addi %mul3A_69, %mul3A_71 : i32
      "tpu.region"() ({
        %run_scoped3A = tpu.sem_alloc : memref<!tpu.dma_semaphore, #tpu.memory_space<semaphore_mem>>
        %dma_start3A_74 = arith.constant 0 : i32
        %dma_start3A_75 = tpu.memref_slice %arg17[%add3A_72, %dma_start3A_74] : memref<10240x128xf32, #tpu.memory_space<vmem_shared>> -> memref<128x128xf32, #tpu.memory_space<vmem_shared>>
        %dma_start3A_76 = arith.constant 0 : i32
        %dma_start3A_77 = tpu.memref_slice %arg17[%add3A_72, %dma_start3A_76] : memref<10240x128xf32, #tpu.memory_space<vmem_shared>> -> memref<128x128xf32, #tpu.memory_space<vmem_shared>>
        tpu.enqueue_dma source(%dma_start3A_77 : memref<128x128xf32, #tpu.memory_space<vmem_shared>>) target(%arg15 : memref<128x128xf32, #tpu.memory_space<vmem>>) target_semaphore(%run_scoped3A : memref<!tpu.dma_semaphore, #tpu.memory_space<semaphore_mem>>)
        %dma_wait3A_78 = arith.constant 0 : i32
        %dma_wait3A_79 = tpu.memref_slice %arg17[%add3A_72, %dma_wait3A_78] : memref<10240x128xf32, #tpu.memory_space<vmem_shared>> -> memref<128x128xf32, #tpu.memory_space<vmem_shared>>
        %dma_wait3A_80 = arith.constant 0 : i32
        %dma_wait3A_81 = tpu.memref_slice %arg17[%add3A_72, %dma_wait3A_80] : memref<10240x128xf32, #tpu.memory_space<vmem_shared>> -> memref<128x128xf32, #tpu.memory_space<vmem_shared>>
        tpu.wait_dma2 semaphore(%run_scoped3A : memref<!tpu.dma_semaphore, #tpu.memory_space<semaphore_mem>>) src(%dma_wait3A_81 : memref<128x128xf32, #tpu.memory_space<vmem_shared>>) dst(%arg15 : memref<128x128xf32, #tpu.memory_space<vmem>>)
        tpu.yield
      }) : () -> ()
      "tpu.region"() ({
        %run_scoped3A = tpu.sem_alloc : memref<!tpu.dma_semaphore, #tpu.memory_space<semaphore_mem>>
        %dma_start3A_74 = arith.constant 0 : i32
        %dma_start3A_75 = tpu.memref_slice %arg6[%arg0, %add3A_72, %dma_start3A_74] : memref<2x10240x128xf32, #tpu.memory_space<hbm>> -> memref<1x128x128xf32, #tpu.memory_space<hbm>>
        %dma_start3A_76 = tpu.memref_squeeze %dma_start3A_75 : memref<1x128x128xf32, #tpu.memory_space<hbm>> -> memref<128x128xf32, #tpu.memory_space<hbm>>
        %dma_start3A_77 = arith.constant 0 : i32
        %dma_start3A_78 = tpu.memref_slice %arg6[%arg0, %add3A_72, %dma_start3A_77] : memref<2x10240x128xf32, #tpu.memory_space<hbm>> -> memref<1x128x128xf32, #tpu.memory_space<hbm>>
        %dma_start3A_79 = tpu.memref_squeeze %dma_start3A_78 : memref<1x128x128xf32, #tpu.memory_space<hbm>> -> memref<128x128xf32, #tpu.memory_space<hbm>>
        tpu.enqueue_dma source(%arg15 : memref<128x128xf32, #tpu.memory_space<vmem>>) target(%dma_start3A_79 : memref<128x128xf32, #tpu.memory_space<hbm>>) target_semaphore(%run_scoped3A : memref<!tpu.dma_semaphore, #tpu.memory_space<semaphore_mem>>)
        %dma_wait3A_80 = arith.constant 0 : i32
        %dma_wait3A_81 = tpu.memref_slice %arg6[%arg0, %add3A_72, %dma_wait3A_80] : memref<2x10240x128xf32, #tpu.memory_space<hbm>> -> memref<1x128x128xf32, #tpu.memory_space<hbm>>
        %dma_wait3A_82 = tpu.memref_squeeze %dma_wait3A_81 : memref<1x128x128xf32, #tpu.memory_space<hbm>> -> memref<128x128xf32, #tpu.memory_space<hbm>>
        %dma_wait3A_83 = arith.constant 0 : i32
        %dma_wait3A_84 = tpu.memref_slice %arg6[%arg0, %add3A_72, %dma_wait3A_83] : memref<2x10240x128xf32, #tpu.memory_space<hbm>> -> memref<1x128x128xf32, #tpu.memory_space<hbm>>
        %dma_wait3A_85 = tpu.memref_squeeze %dma_wait3A_84 : memref<1x128x128xf32, #tpu.memory_space<hbm>> -> memref<128x128xf32, #tpu.memory_space<hbm>>
        tpu.wait_dma2 semaphore(%run_scoped3A : memref<!tpu.dma_semaphore, #tpu.memory_space<semaphore_mem>>) src(%arg15 : memref<128x128xf32, #tpu.memory_space<vmem>>) dst(%dma_wait3A_85 : memref<128x128xf32, #tpu.memory_space<hbm>>)
        tpu.yield
      }) : () -> ()
      %scan3A_73 = arith.constant 0 : i32
      scf.yield %scan3A_73 : i32
    }
    %scan3A_65 = arith.constant 5 : i32
    return
  }
}

module attributes {stable_mosaic.version = 14 : i64} {
  func.func @_pre_body(%arg0: i32, %arg1: memref<1024x128xf32, #tpu.memory_space<vmem>>, %arg2: memref<128x128xf32, #tpu.memory_space<vmem>>, %arg3: memref<128x128xf32, #tpu.memory_space<vmem>>, %arg4: memref<1024x128xf32, #tpu.memory_space<vmem>>, %arg5: memref<1024x128xf32, #tpu.memory_space<vmem>>) attributes {dimension_semantics = [#tpu.dimension_semantics<arbitrary>], iteration_bounds = array<i64: 10>, scalar_prefetch = 0 : i64, scratch_operands = 0 : i64, tpu.core_type = #tpu.core_type<tc>, window_params = [{transform_indices = @transform_0, window_bounds = array<i64: 1024, 128>}, {pipeline_mode = #tpu.pipeline_mode<synchronous>, transform_indices = @transform_1, window_bounds = array<i64: 128, 128>}, {pipeline_mode = #tpu.pipeline_mode<synchronous>, transform_indices = @transform_2, window_bounds = array<i64: 128, 128>}, {transform_indices = @transform_3, window_bounds = array<i64: 1024, 128>}, {transform_indices = @transform_4, window_bounds = array<i64: 1024, 128>}]} {
    %get3A = arith.constant 0 : index
    %get3A_0 = arith.constant 0 : index
    %get3A_1 = vector.load %arg1[%get3A, %get3A_0] : memref<1024x128xf32, #tpu.memory_space<vmem>>, vector<1024x128xf32>
    %get3A_2 = arith.constant 0 : index
    %get3A_3 = arith.constant 0 : index
    %get3A_4 = vector.load %arg2[%get3A_2, %get3A_3] : memref<128x128xf32, #tpu.memory_space<vmem>>, vector<128x128xf32>
    %dot_general3A = arith.constant dense<0.000000e+00> : vector<1024x128xf32>
    %dot_general3A_5 = tpu.matmul %get3A_1, %get3A_4, %dot_general3A {dimension_numbers = #tpu.dot_dimension_numbers<[1], [0], [0], [1], [0, 0, 1, 1], [], []>, transpose_lhs_hint = false} : vector<1024x128xf32>, vector<128x128xf32>, vector<1024x128xf32> -> vector<1024x128xf32>
    %swap3A = arith.constant 0 : index
    %swap3A_6 = arith.constant 0 : index
    %swap3A_7 = vector.load %arg4[%swap3A, %swap3A_6] : memref<1024x128xf32, #tpu.memory_space<vmem>>, vector<1024x128xf32>
    tpu.vector_store %arg4[%swap3A, %swap3A_6], %dot_general3A_5 {strides = array<i32>} : memref<1024x128xf32, #tpu.memory_space<vmem>>, vector<1024x128xf32>,
    %get3A_8 = arith.constant 0 : index
    %get3A_9 = arith.constant 0 : index
    %get3A_10 = vector.load %arg3[%get3A_8, %get3A_9] : memref<128x128xf32, #tpu.memory_space<vmem>>, vector<128x128xf32>
    %dot_general3A_11 = arith.constant dense<0.000000e+00> : vector<1024x128xf32>
    %dot_general3A_12 = tpu.matmul %dot_general3A_5, %get3A_10, %dot_general3A_11 {dimension_numbers = #tpu.dot_dimension_numbers<[1], [0], [0], [1], [0, 0, 1, 1], [], []>, transpose_lhs_hint = false} : vector<1024x128xf32>, vector<128x128xf32>, vector<1024x128xf32> -> vector<1024x128xf32>
    %swap3A_13 = arith.constant 0 : index
    %swap3A_14 = arith.constant 0 : index
    %swap3A_15 = vector.load %arg5[%swap3A_13, %swap3A_14] : memref<1024x128xf32, #tpu.memory_space<vmem>>, vector<1024x128xf32>
    tpu.vector_store %arg5[%swap3A_13, %swap3A_14], %dot_general3A_12 {strides = array<i32>} : memref<1024x128xf32, #tpu.memory_space<vmem>>, vector<1024x128xf32>,
    return
  }
  func.func @transform_0(%arg0: i32) -> (i32, i32) {
    %c0_i32 = arith.constant 0 : i32
    %c0_i32_0 = arith.constant 0 : i32
    return %arg0, %c0_i32 : i32, i32
  }
  func.func @transform_1(%arg0: i32) -> (i32, i32) {
    %c0_i32 = arith.constant 0 : i32
    %c0_i32_0 = arith.constant 0 : i32
    %c0_i32_1 = arith.constant 0 : i32
    return %c0_i32, %c0_i32_0 : i32, i32
  }
  func.func @transform_2(%arg0: i32) -> (i32, i32) {
    %c0_i32 = arith.constant 0 : i32
    %c0_i32_0 = arith.constant 0 : i32
    %c0_i32_1 = arith.constant 0 : i32
    return %c0_i32, %c0_i32_0 : i32, i32
  }
  func.func @transform_3(%arg0: i32) -> (i32, i32) {
    %c0_i32 = arith.constant 0 : i32
    %c0_i32_0 = arith.constant 0 : i32
    return %arg0, %c0_i32 : i32, i32
  }
  func.func @transform_4(%arg0: i32) -> (i32, i32) {
    %c0_i32 = arith.constant 0 : i32
    %c0_i32_0 = arith.constant 0 : i32
    return %arg0, %c0_i32 : i32, i32
  }
}

module attributes {stable_mosaic.version = 14 : i64} {
  func.func @_mid_body(%arg0: i32, %arg1: memref<2x1024x128xf32, #tpu.memory_space<vmem>>, %arg2: memref<2x1024x1xf32, #tpu.memory_space<vmem>>, %arg3: memref<1x128xf32, #tpu.memory_space<vmem>>, %arg4: memref<128x128xf32, #tpu.memory_space<vmem>>, %arg5: memref<128x128xf32, #tpu.memory_space<vmem>>, %arg6: memref<1024x128xf32, #tpu.memory_space<vmem>>, %arg7: memref<1024x128xf32, #tpu.memory_space<vmem>>) attributes {dimension_semantics = [#tpu.dimension_semantics<arbitrary>], iteration_bounds = array<i64: 10>, scalar_prefetch = 0 : i64, scratch_operands = 0 : i64, tpu.core_type = #tpu.core_type<tc>, window_params = [{transform_indices = @transform_0, window_bounds = array<i64: 2, 1024, 128>}, {transform_indices = @transform_1, window_bounds = array<i64: 2, 1024, 1>}, {pipeline_mode = #tpu.pipeline_mode<synchronous>, transform_indices = @transform_2, window_bounds = array<i64: 1, 128>}, {pipeline_mode = #tpu.pipeline_mode<synchronous>, transform_indices = @transform_3, window_bounds = array<i64: 128, 128>}, {pipeline_mode = #tpu.pipeline_mode<synchronous>, transform_indices = @transform_4, window_bounds = array<i64: 128, 128>}, {transform_indices = @transform_5, window_bounds = array<i64: 1024, 128>}, {transform_indices = @transform_6, window_bounds = array<i64: 1024, 128>}]} {
    %get3A = arith.constant 0 : index
    %get3A_0 = arith.constant 0 : index
    %get3A_1 = arith.constant 0 : index
    %get3A_2 = vector.load %arg2[%get3A, %get3A_0, %get3A_1] : memref<2x1024x1xf32, #tpu.memory_space<vmem>>, vector<1x1024x1xf32>
    %get3A_3 = vector.shape_cast %get3A_2 : vector<1x1024x1xf32> to vector<1024x1xf32>
    %get3A_4 = arith.constant 1 : index
    %get3A_5 = arith.constant 0 : index
    %get3A_6 = arith.constant 0 : index
    %get3A_7 = vector.load %arg2[%get3A_4, %get3A_5, %get3A_6] : memref<2x1024x1xf32, #tpu.memory_space<vmem>>, vector<1x1024x1xf32>
    %get3A_8 = vector.shape_cast %get3A_7 : vector<1x1024x1xf32> to vector<1024x1xf32>
    %add3A = arith.addf %get3A_3, %get3A_8 : vector<1024x1xf32>
    %add3A_9 = arith.constant 1.000000e-16 : f32
    %add3A_10 = vector.broadcast %add3A_9 : f32 to vector<1024x1xf32>
    %add3A_11 = arith.addf %add3A, %add3A_10 : vector<1024x1xf32>
    %div3A = arith.constant 1.000000e+00 : f32
    %div3A_12 = vector.broadcast %div3A : f32 to vector<1024x1xf32>
    %div3A_13 = arith.divf %div3A_12, %add3A_11 : vector<1024x1xf32>
    %get3A_14 = arith.constant 0 : index
    %get3A_15 = arith.constant 0 : index
    %get3A_16 = arith.constant 0 : index
    %get3A_17 = vector.load %arg1[%get3A_14, %get3A_15, %get3A_16] : memref<2x1024x128xf32, #tpu.memory_space<vmem>>, vector<1x1024x128xf32>
    %get3A_18 = vector.shape_cast %get3A_17 : vector<1x1024x128xf32> to vector<1024x128xf32>
    %get3A_19 = arith.constant 1 : index
    %get3A_20 = arith.constant 0 : index
    %get3A_21 = arith.constant 0 : index
    %get3A_22 = vector.load %arg1[%get3A_19, %get3A_20, %get3A_21] : memref<2x1024x128xf32, #tpu.memory_space<vmem>>, vector<1x1024x128xf32>
    %get3A_23 = vector.shape_cast %get3A_22 : vector<1x1024x128xf32> to vector<1024x128xf32>
    %add3A_24 = arith.addf %get3A_18, %get3A_23 : vector<1024x128xf32>
    %mul3A = vector.broadcast %div3A_13 : vector<1024x1xf32> to vector<1024x128xf32>
    %mul3A_25 = arith.mulf %add3A_24, %mul3A : vector<1024x128xf32>
    %get3A_26 = arith.constant 0 : index
    %get3A_27 = arith.constant 0 : index
    %get3A_28 = vector.load %arg3[%get3A_26, %get3A_27] : memref<1x128xf32, #tpu.memory_space<vmem>>, vector<1x128xf32>
    %add3A_29 = vector.broadcast %get3A_28 : vector<1x128xf32> to vector<1024x128xf32>
    %add3A_30 = arith.addf %mul3A_25, %add3A_29 : vector<1024x128xf32>
    %max3A = arith.constant 0.000000e+00 : f32
    %max3A_31 = vector.broadcast %max3A : f32 to vector<1024x128xf32>
    %max3A_32 = arith.maximumf %add3A_30, %max3A_31 : vector<1024x128xf32>
    %get3A_33 = arith.constant 0 : index
    %get3A_34 = arith.constant 0 : index
    %get3A_35 = vector.load %arg4[%get3A_33, %get3A_34] : memref<128x128xf32, #tpu.memory_space<vmem>>, vector<128x128xf32>
    %dot_general3A = arith.constant dense<0.000000e+00> : vector<1024x128xf32>
    %dot_general3A_36 = tpu.matmul %max3A_32, %get3A_35, %dot_general3A {dimension_numbers = #tpu.dot_dimension_numbers<[1], [0], [0], [1], [0, 0, 1, 1], [], []>, transpose_lhs_hint = false} : vector<1024x128xf32>, vector<128x128xf32>, vector<1024x128xf32> -> vector<1024x128xf32>
    %swap3A = arith.constant 0 : index
    %swap3A_37 = arith.constant 0 : index
    %swap3A_38 = vector.load %arg6[%swap3A, %swap3A_37] : memref<1024x128xf32, #tpu.memory_space<vmem>>, vector<1024x128xf32>
    tpu.vector_store %arg6[%swap3A, %swap3A_37], %dot_general3A_36 {strides = array<i32>} : memref<1024x128xf32, #tpu.memory_space<vmem>>, vector<1024x128xf32>,
    %get3A_39 = arith.constant 0 : index
    %get3A_40 = arith.constant 0 : index
    %get3A_41 = vector.load %arg5[%get3A_39, %get3A_40] : memref<128x128xf32, #tpu.memory_space<vmem>>, vector<128x128xf32>
    %dot_general3A_42 = arith.constant dense<0.000000e+00> : vector<1024x128xf32>
    %dot_general3A_43 = tpu.matmul %dot_general3A_36, %get3A_41, %dot_general3A_42 {dimension_numbers = #tpu.dot_dimension_numbers<[1], [0], [0], [1], [0, 0, 1, 1], [], []>, transpose_lhs_hint = false} : vector<1024x128xf32>, vector<128x128xf32>, vector<1024x128xf32> -> vector<1024x128xf32>
    %swap3A_44 = arith.constant 0 : index
    %swap3A_45 = arith.constant 0 : index
    %swap3A_46 = vector.load %arg7[%swap3A_44, %swap3A_45] : memref<1024x128xf32, #tpu.memory_space<vmem>>, vector<1024x128xf32>
    tpu.vector_store %arg7[%swap3A_44, %swap3A_45], %dot_general3A_43 {strides = array<i32>} : memref<1024x128xf32, #tpu.memory_space<vmem>>, vector<1024x128xf32>,
    return
  }
  func.func @transform_0(%arg0: i32) -> (i32, i32, i32) {
    %c0_i32 = arith.constant 0 : i32
    %c0_i32_0 = arith.constant 0 : i32
    %c0_i32_1 = arith.constant 0 : i32
    return %c0_i32, %arg0, %c0_i32_0 : i32, i32, i32
  }
  func.func @transform_1(%arg0: i32) -> (i32, i32, i32) {
    %c0_i32 = arith.constant 0 : i32
    %c0_i32_0 = arith.constant 0 : i32
    %c0_i32_1 = arith.constant 0 : i32
    return %c0_i32, %arg0, %c0_i32_0 : i32, i32, i32
  }
  func.func @transform_2(%arg0: i32) -> (i32, i32) {
    %c0_i32 = arith.constant 0 : i32
    %c0_i32_0 = arith.constant 0 : i32
    %c0_i32_1 = arith.constant 0 : i32
    return %c0_i32, %c0_i32_0 : i32, i32
  }
  func.func @transform_3(%arg0: i32) -> (i32, i32) {
    %c0_i32 = arith.constant 0 : i32
    %c0_i32_0 = arith.constant 0 : i32
    %c0_i32_1 = arith.constant 0 : i32
    return %c0_i32, %c0_i32_0 : i32, i32
  }
  func.func @transform_4(%arg0: i32) -> (i32, i32) {
    %c0_i32 = arith.constant 0 : i32
    %c0_i32_0 = arith.constant 0 : i32
    %c0_i32_1 = arith.constant 0 : i32
    return %c0_i32, %c0_i32_0 : i32, i32
  }
  func.func @transform_5(%arg0: i32) -> (i32, i32) {
    %c0_i32 = arith.constant 0 : i32
    %c0_i32_0 = arith.constant 0 : i32
    return %arg0, %c0_i32 : i32, i32
  }
  func.func @transform_6(%arg0: i32) -> (i32, i32) {
    %c0_i32 = arith.constant 0 : i32
    %c0_i32_0 = arith.constant 0 : i32
    return %arg0, %c0_i32 : i32, i32
  }
}

module attributes {stable_mosaic.version = 14 : i64} {
  func.func @_post_body(%arg0: i32, %arg1: memref<2x1024x128xf32, #tpu.memory_space<vmem>>, %arg2: memref<2x1024x1xf32, #tpu.memory_space<vmem>>, %arg3: memref<1x128xf32, #tpu.memory_space<vmem>>, %arg4: memref<1024x128xf32, #tpu.memory_space<vmem>>) attributes {dimension_semantics = [#tpu.dimension_semantics<arbitrary>], iteration_bounds = array<i64: 10>, scalar_prefetch = 0 : i64, scratch_operands = 0 : i64, tpu.core_type = #tpu.core_type<tc>, window_params = [{transform_indices = @transform_0, window_bounds = array<i64: 2, 1024, 128>}, {transform_indices = @transform_1, window_bounds = array<i64: 2, 1024, 1>}, {pipeline_mode = #tpu.pipeline_mode<synchronous>, transform_indices = @transform_2, window_bounds = array<i64: 1, 128>}, {transform_indices = @transform_3, window_bounds = array<i64: 1024, 128>}]} {
    %get3A = arith.constant 0 : index
    %get3A_0 = arith.constant 0 : index
    %get3A_1 = arith.constant 0 : index
    %get3A_2 = vector.load %arg2[%get3A, %get3A_0, %get3A_1] : memref<2x1024x1xf32, #tpu.memory_space<vmem>>, vector<1x1024x1xf32>
    %get3A_3 = vector.shape_cast %get3A_2 : vector<1x1024x1xf32> to vector<1024x1xf32>
    %get3A_4 = arith.constant 1 : index
    %get3A_5 = arith.constant 0 : index
    %get3A_6 = arith.constant 0 : index
    %get3A_7 = vector.load %arg2[%get3A_4, %get3A_5, %get3A_6] : memref<2x1024x1xf32, #tpu.memory_space<vmem>>, vector<1x1024x1xf32>
    %get3A_8 = vector.shape_cast %get3A_7 : vector<1x1024x1xf32> to vector<1024x1xf32>
    %add3A = arith.addf %get3A_3, %get3A_8 : vector<1024x1xf32>
    %add3A_9 = arith.constant 1.000000e-16 : f32
    %add3A_10 = vector.broadcast %add3A_9 : f32 to vector<1024x1xf32>
    %add3A_11 = arith.addf %add3A, %add3A_10 : vector<1024x1xf32>
    %div3A = arith.constant 1.000000e+00 : f32
    %div3A_12 = vector.broadcast %div3A : f32 to vector<1024x1xf32>
    %div3A_13 = arith.divf %div3A_12, %add3A_11 : vector<1024x1xf32>
    %get3A_14 = arith.constant 0 : index
    %get3A_15 = arith.constant 0 : index
    %get3A_16 = arith.constant 0 : index
    %get3A_17 = vector.load %arg1[%get3A_14, %get3A_15, %get3A_16] : memref<2x1024x128xf32, #tpu.memory_space<vmem>>, vector<1x1024x128xf32>
    %get3A_18 = vector.shape_cast %get3A_17 : vector<1x1024x128xf32> to vector<1024x128xf32>
    %get3A_19 = arith.constant 1 : index
    %get3A_20 = arith.constant 0 : index
    %get3A_21 = arith.constant 0 : index
    %get3A_22 = vector.load %arg1[%get3A_19, %get3A_20, %get3A_21] : memref<2x1024x128xf32, #tpu.memory_space<vmem>>, vector<1x1024x128xf32>
    %get3A_23 = vector.shape_cast %get3A_22 : vector<1x1024x128xf32> to vector<1024x128xf32>
    %add3A_24 = arith.addf %get3A_18, %get3A_23 : vector<1024x128xf32>
    %mul3A = vector.broadcast %div3A_13 : vector<1024x1xf32> to vector<1024x128xf32>
    %mul3A_25 = arith.mulf %add3A_24, %mul3A : vector<1024x128xf32>
    %get3A_26 = arith.constant 0 : index
    %get3A_27 = arith.constant 0 : index
    %get3A_28 = vector.load %arg3[%get3A_26, %get3A_27] : memref<1x128xf32, #tpu.memory_space<vmem>>, vector<1x128xf32>
    %add3A_29 = vector.broadcast %get3A_28 : vector<1x128xf32> to vector<1024x128xf32>
    %add3A_30 = arith.addf %mul3A_25, %add3A_29 : vector<1024x128xf32>
    %reduce_max3A = arith.constant dense<0xFF800000> : vector<1024xf32>
    %reduce_max3A_31 = vector.multi_reduction <maximumf>, %add3A_30, %reduce_max3A [1] : vector<1024x128xf32> to vector<1024xf32>
    %broadcast_in_dim3A = vector.shape_cast %reduce_max3A_31 : vector<1024xf32> to vector<1024x1xf32>
    %sub3A = vector.broadcast %broadcast_in_dim3A : vector<1024x1xf32> to vector<1024x128xf32>
    %sub3A_32 = arith.subf %add3A_30, %sub3A : vector<1024x128xf32>
    %exp3A = math.exp %sub3A_32 : vector<1024x128xf32>
    %reduce_sum3A = arith.constant dense<0.000000e+00> : vector<1024xf32>
    %reduce_sum3A_33 = vector.multi_reduction <add>, %exp3A, %reduce_sum3A [1] : vector<1024x128xf32> to vector<1024xf32>
    %broadcast_in_dim3A_34 = vector.shape_cast %reduce_sum3A_33 : vector<1024xf32> to vector<1024x1xf32>
    %log3A = math.log %broadcast_in_dim3A_34 : vector<1024x1xf32>
    %sub3A_35 = vector.broadcast %log3A : vector<1024x1xf32> to vector<1024x128xf32>
    %sub3A_36 = arith.subf %sub3A_32, %sub3A_35 : vector<1024x128xf32>
    %swap3A = arith.constant 0 : index
    %swap3A_37 = arith.constant 0 : index
    %swap3A_38 = vector.load %arg4[%swap3A, %swap3A_37] : memref<1024x128xf32, #tpu.memory_space<vmem>>, vector<1024x128xf32>
    tpu.vector_store %arg4[%swap3A, %swap3A_37], %sub3A_36 {strides = array<i32>} : memref<1024x128xf32, #tpu.memory_space<vmem>>, vector<1024x128xf32>,
    return
  }
  func.func @transform_0(%arg0: i32) -> (i32, i32, i32) {
    %c0_i32 = arith.constant 0 : i32
    %c0_i32_0 = arith.constant 0 : i32
    %c0_i32_1 = arith.constant 0 : i32
    return %c0_i32, %arg0, %c0_i32_0 : i32, i32, i32
  }
  func.func @transform_1(%arg0: i32) -> (i32, i32, i32) {
    %c0_i32 = arith.constant 0 : i32
    %c0_i32_0 = arith.constant 0 : i32
    %c0_i32_1 = arith.constant 0 : i32
    return %c0_i32, %arg0, %c0_i32_0 : i32, i32, i32
  }
  func.func @transform_2(%arg0: i32) -> (i32, i32) {
    %c0_i32 = arith.constant 0 : i32
    %c0_i32_0 = arith.constant 0 : i32
    %c0_i32_1 = arith.constant 0 : i32
    return %c0_i32, %c0_i32_0 : i32, i32
  }
  func.func @transform_3(%arg0: i32) -> (i32, i32) {
    %c0_i32 = arith.constant 0 : i32
    %c0_i32_0 = arith.constant 0 : i32
    return %arg0, %c0_i32 : i32, i32
  }
}

</mosaic_0001>

<sc_bundles>
// kernel: kernel.12.cloned.1.call-start
scs
__scs_entry_jumppad:
0x0: {  	(pc) =	sbr.rel $0x88, $3  }
0x1: {  	(tag) =	ssettag $0x0;
	lr =	simm.s32 $0x1  }
0x2: {  	[smem:$0x3F97] =	sst lr;
	_ =	strace $0xD0000000  }
0x3: {  	_ = 	snop  }
0x4: {  	_ = 	snop  }
0x5: {  	_ = 	snop  }
0x6: {  	_ = 	snop  }
0x7: {  	_ = 	snop  }
__scs_overlays_trampoline_lowered:
0x8: {  	[smem:$0x3FA6] =	sst s0  }
0x9: {  	[smem:$0x3FA7] =	sst s1  }
0xa: {  	[smem:$0x3FA8] =	sst s2  }
0xb: {  	[smem:$0x3FA9] =	sst s3  }
0xc: {  	[smem:$0x3FAA] =	sst s4  }
0xd: {  	[smem:$0x3FAB] =	sst s5  }
0xe: {  	[smem:$0x3FAC] =	sst s6  }
0xf: {  	[smem:$0x3FAD] =	sst s7  }
0x10: {  	[smem:$0x3FAE] =	sst s8  }
0x11: {  	[smem:$0x3FAF] =	sst s9;
	s0 =	simm.s32 @!p0 $0x0  }
0x12: {  	s1 =	sld [smem:$0x3F95];
	s0 =	simm.s32 @p0 $0x1  }
0x13: {  	[smem:$0x3FB0] =	sst s0;
	s0 =	simm.s32 @!p1 $0x0  }
0x14: {  	s2 =	sld [smem:$0x3F94];
	s0 =	simm.s32 @p1 $0x1  }
0x15: {  	[smem:$0x3FB1] =	sst s0;
	s0 =	simm.s32 @!p2 $0x0  }
0x16: {  	s3 =	sld [smem:$0x3FDB];
	s0 =	simm.s32 @p2 $0x1  }
0x17: {  	s4 =	simm.s32 $0x1BF5;
	[smem:$0x3FB3] =	sst s0  }
0x18: {  	s0 =	sld [smem:$0x3F96];
	_ =	swait.ge [sflag:s4], $0x0  }
0x19: {  	s7 =	sld [smem:$0x3F97]  }
0x1a: {  	s8 =	sadd.s32 $0xFFFFE003, lr  }
0x1b: {  	s9 =	sadd.s32 $0xFFFFFEF7, lr;
	s5 =	simm.s32 $0xFFFFFFFF;
	p2 =	slt.u32 s8, $0xFFFFF086  }
0x1c: {  	p1 =	slt.u32 s9, $0xF7A;
	s5 =	simm.s32 @!p2 $0x0  }
0x1d: {  	s5 =	simm.s32 @p1 $0x1;
	p0 =	seq.s32 s7, s2  }
0x1e: {  	s7 =	smul.u32 @!p0 $0xF7A, s2;
	p2 =	seq.s32 @!p0 s5, $0x0  }
0x1f: {  	s9 =	smul.u32 $0xF7A, s1;
	s8 =	simm.s32 @!p0 $0x1BF5;
	p2 =	por !p2, p0  }
0x20: {  	[sflag:s8] =	ssyncset.s32 @!p0 $0xFFFFF086;
	s6 =	sadd.s32 @!p0 s3, s7;
	s7 =	simm.s32 @!p0 $0x108  }
0x21: {  	s3 =	sadd.s32 s3, s9;
	s6 =	sadd.s32 @!p0 $0x88, s6;
	s7 =	simm.s32 @p2 $0x1082  }
0x22: {  	[simem:s7], [sflag:s8] =	dma.local @!p0 [hbm:s6], $0xF7A  }
0x23: {  	s9 =	sor.u32 $0xD0000000, s2;
	s6 =	simm.s32 $0x108;
	_ =	swait.ge @!p0 [sflag:s8], $0x0  }
0x24: {  	s3 =	sadd.s32 $0x88, s3;
	s6 =	simm.s32 @!p1 $0x1082;
	[sflag:s4] =	ssyncset.s32 $0xFFFFF086  }
0x25: {  	[simem:s6], [sflag:s4] =	dma.local [hbm:s3], $0xF7A  }
0x26: {  	[smem:$0x3F97] =	sst s1;
	(tag) =	ssettag s2;
	_ =	strace s9  }
0x27: {  	s1 =	sld [smem:$0x3FA7]  }
0x28: {  	s2 =	sld [smem:$0x3FA8]  }
0x29: {  	s4 =	sld [smem:$0x3FAA]  }
0x2a: {  	p0 =	seq.s32 s5, $0x0;
	s5 =	sld [smem:$0x3FAB]  }
0x2b: {  	s6 =	sld [smem:$0x3FAC]  }
0x2c: {  	s7 =	sld [smem:$0x3FAD]  }
0x2d: {  	s3 =	simm.s32 $0x108;
	s8 =	sld [smem:$0x3FAE]  }
0x2e: {  	s3 =	simm.s32 @!p0 $0x1082;
	s9 =	sld [smem:$0x3FAF]  }
0x2f: {  	lr =	sadd.s32 s0, s3;
	s0 =	sld [smem:$0x3FA6]  }
0x30: {  	s3 =	sld [smem:$0x3FA9]  }
0x31: {  	[smem:$0x3FB2] =	sst s10  }
0x32: {  	s10 =	sld [smem:$0x3FB0];
	_ =	sdelay $0x3  }
0x33: {  	p0 =	seq.s32 s10, $0x1;
	s10 =	sld [smem:$0x3FB2];
	_ =	sdelay $0x3  }
0x34: {  	[smem:$0x3FB2] =	sst s10  }
0x35: {  	s10 =	sld [smem:$0x3FB1];
	_ =	sdelay $0x3  }
0x36: {  	p1 =	seq.s32 s10, $0x1;
	s10 =	sld [smem:$0x3FB2];
	_ =	sdelay $0x3  }
0x37: {  	[smem:$0x3FB2] =	sst s10  }
0x38: {  	s10 =	sld [smem:$0x3FB3]  }
0x39: {  	_ = 	snop;
	(pc) =	sbr.ind lr, $3  }
0x3a: {  	_ = 	snop  }
0x3b: {  	_ = 	snop  }
0x3c: {  	p2 =	seq.s32 s10, $0x1;
	s10 =	sld [smem:$0x3FB2]  }
0x3d: {  	_ =	shalt  }
0x3e: {  	_ =	shalt  }
0x3f: {  	_ =	shalt  }
0x40: {  	_ =	shalt  }
0x41: {  	_ =	shalt  }
0x42: {  	_ =	shalt  }
0x43: {  	_ =	shalt  }
0x44: {  	_ =	shalt  }
0x45: {  	_ =	shalt  }
0x46: {  	_ =	shalt  }
0x47: {  	_ =	shalt  }
0x48: {  	_ =	shalt  }
0x49: {  	_ =	shalt  }
0x4a: {  	_ =	shalt  }
0x4b: {  	_ =	shalt  }
0x4c: {  	_ =	shalt  }
0x4d: {  	_ =	shalt  }
0x4e: {  	_ =	shalt  }
0x4f: {  	_ =	shalt  }
0x50: {  	_ =	shalt  }
0x51: {  	_ =	shalt  }
0x52: {  	_ =	shalt  }
0x53: {  	_ =	shalt  }
0x54: {  	_ =	shalt  }
0x55: {  	_ =	shalt  }
0x56: {  	_ =	shalt  }
0x57: {  	_ =	shalt  }
0x58: {  	_ =	shalt  }
0x59: {  	_ =	shalt  }
0x5a: {  	_ =	shalt  }
0x5b: {  	_ =	shalt  }
0x5c: {  	_ =	shalt  }
0x5d: {  	_ =	shalt  }
0x5e: {  	_ =	shalt  }
0x5f: {  	_ =	shalt  }
0x60: {  	_ =	shalt  }
0x61: {  	_ =	shalt  }
0x62: {  	_ =	shalt  }
0x63: {  	_ =	shalt  }
0x64: {  	_ =	shalt  }
0x65: {  	_ =	shalt  }
0x66: {  	_ =	shalt  }
0x67: {  	_ =	shalt  }
0x68: {  	_ =	shalt  }
0x69: {  	_ =	shalt  }
0x6a: {  	_ =	shalt  }
0x6b: {  	_ =	shalt  }
0x6c: {  	_ =	shalt  }
0x6d: {  	_ =	shalt  }
0x6e: {  	_ =	shalt  }
0x6f: {  	_ =	shalt  }
0x70: {  	_ =	shalt  }
0x71: {  	_ =	shalt  }
0x72: {  	_ =	shalt  }
0x73: {  	_ =	shalt  }
0x74: {  	_ =	shalt  }
0x75: {  	_ =	shalt  }
0x76: {  	_ =	shalt  }
0x77: {  	_ =	shalt  }
0x78: {  	_ =	shalt  }
0x79: {  	_ =	shalt  }
0x7a: {  	_ =	shalt  }
0x7b: {  	_ =	shalt  }
0x7c: {  	_ =	shalt  }
0x7d: {  	_ =	shalt  }
0x7e: {  	_ =	shalt  }
0x7f: {  	_ =	shalt  }
0x80: {  	_ =	shalt  }
0x81: {  	_ =	shalt  }
0x82: {  	_ =	shalt  }
0x83: {  	_ =	shalt  }
0x84: {  	_ =	shalt  }
0x85: {  	_ =	shalt  }
0x86: {  	_ =	shalt  }
0x87: {  	_ =	shalt  }
.Lfunc_end0:
.L_simem_size_0:
called_computation.1_lowered:
.L_overlay_start_0:
0x88: {  	s2 =	sld [smem:$0x3FD9]  }
0x89: {  	s3 =	sld [smem:$0x3FFE];
	_ =	sdelay $0x1  }
0x8a: {  	s1 =	srdreg.scid  }
0x8b: {  	s0 =	sand.u32 $0x1, s1  }
0x8c: {  	s17 =	sshll.u32 s0, $0xA;
	s2 =	sadd.s32 s3, s2  }
0x8d: {  	s2 =	sadd.s32 s2, s17  }
0x8e: {  	[smem:$0x3FBE] =	sst s2  }
0x8f: {  	_ = 	snop  }
0x90: {  	s2 =	sld [smem:$0x3FD0];
	(tm) =	ssettm $0x1  }
0x91: {  	s18 =	sld [smem:$0x3FFB];
	_ =	sdelay $0x3  }
0x92: {  	_ =	strace s18  }
0x93: {  	s3 =	sld [smem:$0x3FFC];
	_ =	sdelay $0x3  }
0x94: {  	_ =	strace s3  }
0x95: {  	s3 =	sld [smem:$0x3FFD];
	_ =	sdelay $0x3  }
0x96: {  	_ =	strace s3  }
0x97: {  	_ =	strace $0x8FFFFFFF  }
0x98: {  	s19 =	sld [smem:$0x3FDB];
	_ =	sdelay $0x1  }
0x99: {  	s4 =	simm.s32 $_scs_section_size  }
0x9a: {  	s5 =	simm.s32 $_size__tile_overlayer_lowered;
	s6 =	simm.s32 $_tile_overlayer_lowered  }
0x9b: {  	s22 =	simm.s32 $0x1BFF;
	s21 =	sshll.u32 s6, $0x1;
	s3 =	sadd.s32 s4, s19  }
0x9c: {  	s7 =	simm.s32 $0x0;
	s20 =	sshll.u32 s5, $0x1;
	s5 =	sadd.s32 s21, s3  }
0x9d: {  	[timem:s7], [sflag:s22] =	dma.local [hbm:s5], s20  }
0x9e: {  	_ =	swait.ge [sflag:s22], s20  }
0x9f: {  	s4 =	ssub.s32 $0x0, s20;
	[sflag:s22] =	ssyncset.done $0x0  }
0xa0: {  	[sflag:s22] =	ssyncadd.s32 s4;
	_ =	sdelay $0x1  }
0xa1: {  	s23 =	simm.s32 $0x1B8B  }
0xa2: {  	_ =	swait.ge [sflag:s23], $0x1  }
0xa3: {  	[sflag:s23] =	ssyncset.done $0x0  }
0xa4: {  	s25 =	simm.s32 $0x1B8E;
	s24 =	sld [smem:$0x3FFE];
	[sflag:s23] =	ssyncadd.s32 $0xFFFFFFFF  }
0xa5: {  	s26 =	simm.s32 $execute0_lowered;
	[smem:$0x3FD2] =	sst s25  }
0xa6: {  	s5 =	sshll.u32 s26, $0x1;
	_ =	strace $0x80000049;
	[dreg:$0x1] =	wrdreg $0xFFFFFFFF  }
0xa7: {  	s28 =	simm.s32 $_size_execute0_lowered;
	s3 =	sadd.s32 s3, s5;
	[dreg:$0x0] =	wrdreg $0x0  }
0xa8: {  	s5 =	sshll.u32 s28, $0x1;
	[dreg:$0x2] =	wrdreg s3  }
0xa9: {  	[dreg:$0x3] =	wrdreg s5  }
0xaa: {  	[dreg:$0x4] =	wrdreg $0xC0  }
0xab: {  	_ =	task [dreg:s7], $0x5FFFF  }
0xac: {  	[dreg:$0x1] =	wrdreg $0xFFFFFFFF  }
0xad: {  	[dreg:$0x0] =	wrdreg $0x60  }
0xae: {  	[dreg:$0x2] =	wrdreg s2  }
0xaf: {  	[dreg:$0x3] =	wrdreg s24  }
0xb0: {  	[dreg:$0x4] =	wrdreg $0x84000  }
0xb1: {  	[dreg:$0x5] =	wrdreg $0x9  }
0xb2: {  	_ =	task.clear_ibuf [dreg:s7], $0x6FFFF;
	_ =	strace $0x90000049  }
0xb3: {  	s29 =	simm.s32 $0x9;
	_ =	strace $0x8000004B  }
0xb4: {  	_ =	swait.ge [sflag:s29], $0x1  }
0xb5: {  	[sflag:s29] =	ssyncadd.s32 $0xFFFFFFFF  }
0xb6: {  	_ =	strace $0x9000004B  }
0xb7: {  	_ =	sfence  }
0xb8: {  	s30 =	sld [smem:$0x0];
	_ =	sdelay $0x2  }
0xb9: {  	s31 =	sshll.u32 s1, $0xD;
	s1 =	sshrl.u32 s1, $0x2  }
0xba: {  	s3 =	sand.u32 $0x4000, s31;
	s1 =	sadd.s32 s1, s30  }
0xbb: {  	s0 =	sor.u32 s3, s0;
	s1 =	sshll.u32 s1, $0x11  }
0xbc: {  	s0 =	sor.u32 s1, s0  }
0xbd: {  	s0 =	sadd.s32 $0x8F2B, s0  }
0xbe: {  	[sflag:s0] =	ssyncadd.remote.s32 $0x1  }
0xbf: {  	_ =	sfence.sel $0xFFFF  }
0xc0: {  	[dreg:$0x0] =	wrdreg $0xFFFFFFFF;
	(pc) =	sbr.abs _section_cstart, $3  }
0xc1: {  	[dreg:$0x1] =	wrdreg $0xFFFFFFFF  }
0xc2: {  	_ =	task.clear_ibuf [dreg:s7], $0x2FFFF;
	_ =	strace $0x9FFFFFFF  }
0xc3: {  	(tm) =	ssettm $0x7FFFFFFF  }
tec
execute0_lowered:
.L_overlay_start_1:
0x0: {  	(tag) =	ssettag $0x1  }
0x1: {  	s1 =	rddreg [dreg:$0x0]  }
0x2: {  	s0 =	rddreg [dreg:$0x1]  }
0x3: {  	s2 =	rddreg [dreg:$0x2];
	s3 =	simm.s32 $0x0;
	s4 =	srdreg.scid  }
0x4: {  	s13 =	stileid.u32;
	[smem:$0x7FF] =	sst s3;
	s5 =	sadd.s32 $0x1600, s0  }
0x5: {  	s6 =	sadd.s32 $0x35000, s0;
	s4 =	sand.u32 $0x1, s4;
	s10 =	smul.u32 $0x50000, s13  }
0x6: {  	s7 =	sadd.s32 $0xBA00, s0;
	s0 =	sadd.s32 $0x3F400, s0;
	s22 =	smul.u32 $0x14000, s13  }
0x7: {  	_ =	strace $0x8000004A;
	s8 =	sshll.u32 s4, $0x4;
	s9 =	ssub.s32 $0x2, s4  }
0x8: {  	s4 =	smul.u32 $0x140000, s4;
	s8 =	sor.u32 s13, s8;
	s11 =	sshrl.u32 s9, $0x1  }
0x9: {  	s21 =	sshrl.u32 s10, $0x2;
	s26 =	sadd.s32 $0x4000, s22;
	s30 =	sadd.s32 $0x8000, s22  }
0xa: {  	s31 =	sadd.s32 $0xC000, s22;
	s10 =	sadd.s32 $0x10000, s22;
	s13 =	simm.s32 $0x1  }
0xb: {  	s12 =	smul.u32 $0x2900, s8;
	s9 =	ssub.s32 s9, s11;
	s8 =	sadd.s32 s21, s2  }
0xc: {  	s28 =	sadd.s32 s4, s22;
	s15 =	sadd.s32 s4, s26;
	s17 =	sadd.s32 s4, s31  }
0xd: {  	s15 =	sshrl.u32 s15, $0x3;
	s22 =	smax.u32 s9, $0x1;
	[dreg:$0x4] =	wrdreg s8  }
0xe: {  	s17 =	sshrl.u32 s17, $0x3;
	s29 =	sadd.s32 s0, s15;
	[dreg:$0x10] =	wrdreg s22  }
0xf: {  	s23 =	sshrl.u32 s12, $0x3;
	s19 =	sadd.s32 s0, s17;
	[dreg:$0xa] =	wrdreg s29  }
0x10: {  	s18 =	sadd.s32 s4, s30;
	s24 =	sadd.s32 s1, s23;
	[dreg:$0xc] =	wrdreg s19  }
0x11: {  	s4 =	sadd.s32 s4, s10;
	s25 =	sadd.s32 s5, s23;
	[dreg:$0x5] =	wrdreg s24  }
0x12: {  	s4 =	sshrl.u32 s4, $0x3;
	s14 =	sadd.s32 s6, s23;
	[dreg:$0x6] =	wrdreg s25  }
0x13: {  	s11 =	sor.u32 $0x10, s23;
	s23 =	sadd.s32 s26, s2;
	[dreg:$0x7] =	wrdreg s14  }
0x14: {  	s9 =	simm.s32 $0x300;
	s26 =	sadd.s32 s10, s2;
	[dreg:$0x11] =	wrdreg s23  }
0x15: {  	s15 =	simm.s32 $0x2;
	s29 =	sadd.s32 $0x8000, s8;
	[dreg:$0x14] =	wrdreg s26  }
0x16: {  	s17 =	simm.s32 $0x200;
	s16 =	sadd.s32 s1, s11;
	[dreg:$0x16] =	wrdreg s29  }
0x17: {  	s10 =	simm.s32 $0x80;
	s20 =	sadd.s32 s5, s11;
	[dreg:$0x8] =	wrdreg s16  }
0x18: {  	s19 =	simm.s32 $0x280;
	s21 =	sadd.s32 s6, s11;
	[dreg:$0xe] =	wrdreg s20  }
0x19: {  	s14 =	sshrl.u32 s28, $0x3;
	s24 =	sadd.s32 s30, s2;
	[dreg:$0xf] =	wrdreg s21  }
0x1a: {  	s25 =	sadd.s32 s31, s2;
	s28 =	sadd.s32 $0x4000, s8;
	[dreg:$0x12] =	wrdreg s24  }
0x1b: {  	s30 =	sadd.s32 $0xC000, s8;
	s31 =	sadd.s32 $0x10000, s8;
	[dreg:$0x13] =	wrdreg s25  }
0x1c: {  	s11 =	simm.s32 $0x180;
	s14 =	sadd.s32 s0, s14;
	[dreg:$0x15] =	wrdreg s28  }
0x1d: {  	s16 =	sshrl.u32 s18, $0x3;
	s20 =	sadd.s32 $0x100, s12;
	[dreg:$0x17] =	wrdreg s30  }
.Ltmp0:
0x1e: {  	s21 =	sadd.s32 $0x180, s12;
	[dreg:$0x18] =	wrdreg s31;
	(pc) =	sbr.rel .LBB2_1-.Ltmp0, $4  }
0x1f: {  	s12 =	simm.s32 $0x380;
	s18 =	simm.s32 $0x4;
	s24 =	simm.s32 $0x0  }
0x20: {  	[dreg:$0x9] =	wrdreg s14;
	s16 =	sadd.s32 s0, s16;
	s0 =	sadd.s32 s0, s4  }
0x21: {  	s4 =	simm.s32 $0x7;
	s14 =	simm.s32 $0x3;
	[dreg:$0xb] =	wrdreg s16  }
0x22: {  	v0 =	vimm.f32 $0.0e+00;
	[dreg:$0xd] =	wrdreg s0;
	s0 =	simm.s32 $0x400;
	s16 =	simm.s32 $0x4400  }
.LBB2_10:
0x23: {  	s8 =	simm.s32 $0x5  }
0x24: {  	_ =	swait.ge [sflag:s8], $0x4000  }
0x25: {  	[sflag:s8] =	ssyncset.done $0x0  }
0x26: {  	s29 =	simm.s32 $0x6;
	[sflag:s8] =	ssyncadd.s32 $0xFFFFC000  }
0x27: {  	_ =	swait.ge [sflag:s29], $0x4000  }
0x28: {  	[sflag:s29] =	ssyncset.done $0x0  }
0x29: {  	[sflag:s29] =	ssyncadd.s32 $0xFFFFC000  }
0x2a: {  	[bflag:$0x0] =	sbarrier.arrive $0xFFFF  }
0x2b: {  	s8 =	rddreg [dreg:$0x4]  }
0x2c: {  	[tilespmem:s0], [sflag:$0x7] =	stream.linear.gather [spmem:s8], $0x4000, $0x38;
	[tilespmem:$0x1C400] =	vst v63  }
0x2d: {  	_ =	swait.ge [sflag:s4], $0x4000  }
0x2e: {  	[sflag:s4] =	ssyncset.done $0x0  }
0x2f: {  	s22 =	rddreg [dreg:$0x9];
	[sflag:s4] =	ssyncadd.s32 $0xFFFFC000  }
0x30: {  	[hbm4b:s22+s3] =	stream.linear.scatter [tilespmem:s0], [sflag:$0x7], $0x4000, $0x38;
	[tilespmem:$0x1C400] =	vst v63  }
0x31: {  	_ =	swait.ge [sflag:s4], $0x4000  }
0x32: {  	[sflag:s4] =	ssyncset.done $0x0  }
0x33: {  	s30 =	rddreg [dreg:$0x11];
	[sflag:s4] =	ssyncadd.s32 $0xFFFFC000  }
0x34: {  	[tilespmem:s0], [sflag:$0x7] =	stream.linear.gather [spmem:s30], $0x4000, $0x38;
	[tilespmem:$0x1C400] =	vst v63  }
0x35: {  	_ =	swait.ge [sflag:s4], $0x4000  }
0x36: {  	[sflag:s4] =	ssyncset.done $0x0  }
0x37: {  	s31 =	rddreg [dreg:$0xa];
	[sflag:s4] =	ssyncadd.s32 $0xFFFFC000  }
0x38: {  	[hbm4b:s31+s3] =	stream.linear.scatter [tilespmem:s0], [sflag:$0x7], $0x4000, $0x38;
	[tilespmem:$0x1C400] =	vst v63  }
0x39: {  	_ =	swait.ge [sflag:s4], $0x4000  }
0x3a: {  	[sflag:s4] =	ssyncset.done $0x0  }
0x3b: {  	s23 =	rddreg [dreg:$0x12];
	[sflag:s4] =	ssyncadd.s32 $0xFFFFC000  }
0x3c: {  	[tilespmem:s0], [sflag:$0x7] =	stream.linear.gather [spmem:s23], $0x4000, $0x38;
	[tilespmem:$0x1C400] =	vst v63  }
0x3d: {  	_ =	swait.ge [sflag:s4], $0x4000  }
0x3e: {  	[sflag:s4] =	ssyncset.done $0x0  }
0x3f: {  	s25 =	rddreg [dreg:$0xb];
	[sflag:s4] =	ssyncadd.s32 $0xFFFFC000  }
0x40: {  	[hbm4b:s25+s3] =	stream.linear.scatter [tilespmem:s0], [sflag:$0x7], $0x4000, $0x38;
	[tilespmem:$0x1C400] =	vst v63  }
0x41: {  	_ =	swait.ge [sflag:s4], $0x4000  }
0x42: {  	[sflag:s4] =	ssyncset.done $0x0  }
0x43: {  	s26 =	rddreg [dreg:$0x13];
	[sflag:s4] =	ssyncadd.s32 $0xFFFFC000  }
0x44: {  	[tilespmem:s0], [sflag:$0x7] =	stream.linear.gather [spmem:s26], $0x4000, $0x38;
	[tilespmem:$0x1C400] =	vst v63  }
0x45: {  	_ =	swait.ge [sflag:s4], $0x4000  }
0x46: {  	[sflag:s4] =	ssyncset.done $0x0  }
0x47: {  	s28 =	rddreg [dreg:$0xc];
	[sflag:s4] =	ssyncadd.s32 $0xFFFFC000  }
0x48: {  	[hbm4b:s28+s3] =	stream.linear.scatter [tilespmem:s0], [sflag:$0x7], $0x4000, $0x38;
	[tilespmem:$0x1C400] =	vst v63  }
0x49: {  	_ =	swait.ge [sflag:s4], $0x4000  }
0x4a: {  	[sflag:s4] =	ssyncset.done $0x0  }
0x4b: {  	s29 =	rddreg [dreg:$0x14];
	[sflag:s4] =	ssyncadd.s32 $0xFFFFC000  }
0x4c: {  	[tilespmem:s0], [sflag:$0x7] =	stream.linear.gather [spmem:s29], $0x4000, $0x38;
	[tilespmem:$0x1C400] =	vst v63  }
0x4d: {  	_ =	swait.ge [sflag:s4], $0x4000  }
0x4e: {  	[sflag:s4] =	ssyncset.done $0x0  }
0x4f: {  	s30 =	rddreg [dreg:$0xd];
	[sflag:s4] =	ssyncadd.s32 $0xFFFFC000  }
0x50: {  	[hbm4b:s30+s3] =	stream.linear.scatter [tilespmem:s0], [sflag:$0x7], $0x4000, $0x38;
	[tilespmem:$0x1C400] =	vst v63  }
0x51: {  	_ =	swait.ge [sflag:s4], $0x4000  }
0x52: {  	s24 =	sadd.s32 $0x1, s24;
	s31 =	rddreg [dreg:$0x10]  }
0x53: {  	p0 =	sne.s32 s24, s31  }
.Ltmp1:
0x54: {  	_ = 	snop;
	(pc) =	sbr.rel @!p0 .LBB2_11-.Ltmp1, $3  }
0x55: {  	_ =	sdelay $0x1  }
0x56: {  	[sflag:s4] =	ssyncset.done $0x0  }
0x57: {  	[sflag:s4] =	ssyncadd.s32 $0xFFFFC000  }
.LBB2_1:
0x58: {  	s22 =	simm.s32 $0x0;
	s25 =	simm.s32 $0x200  }
.LBB2_2:
0x59: {  	p0 =	sne.s32 s25, $0xFE00;
	[tilespmem:s22+$0x470] =	vst v0  }
0x5a: {  	[tilespmem:s22+$0x400] =	vst v0  }
0x5b: {  	[tilespmem:s22+$0x410] =	vst v0  }
.Ltmp2:
0x5c: {  	[tilespmem:s22+$0x420] =	vst v0;
	(pc) =	sbr.rel @p0 .LBB2_2-.Ltmp2, $4  }
0x5d: {  	[tilespmem:s22+$0x430] =	vst v0  }
0x5e: {  	[tilespmem:s22+$0x440] =	vst v0  }
0x5f: {  	[tilespmem:s22+$0x450] =	vst v0  }
0x60: {  	[tilespmem:s22+$0x460] =	vst v0;
	s22 =	sshra.s32 s25, $0x2;
	s25 =	sadd.s32 $0x200, s25  }
0x61: {  	[tilespmem:s22+$0x470] =	vst v0  }
0x62: {  	[tilespmem:s22+$0x400] =	vst v0  }
0x63: {  	[tilespmem:s22+$0x410] =	vst v0  }
0x64: {  	[tilespmem:s22+$0x420] =	vst v0  }
0x65: {  	[tilespmem:s22+$0x430] =	vst v0  }
0x66: {  	[tilespmem:s22+$0x440] =	vst v0  }
0x67: {  	[tilespmem:s22+$0x450] =	vst v0  }
0x68: {  	[tilespmem:s22+$0x460] =	vst v0  }
0x69: {  	[spmem:s8] =	stream.linear.scatter [tilespmem:s0], [sflag:$0x7], $0x4000, $0x38;
	[tilespmem:$0x1C400] =	vst v63  }
0x6a: {  	_ =	swait.ge [sflag:s4], $0x4000  }
0x6b: {  	[sflag:s4] =	ssyncset.done $0x0  }
0x6c: {  	s28 =	rddreg [dreg:$0x15];
	[sflag:s4] =	ssyncadd.s32 $0xFFFFC000  }
0x6d: {  	[spmem:s28] =	stream.linear.scatter [tilespmem:s0], [sflag:$0x7], $0x4000, $0x38;
	[tilespmem:$0x1C400] =	vst v63  }
0x6e: {  	_ =	swait.ge [sflag:s4], $0x4000  }
0x6f: {  	[sflag:s4] =	ssyncset.done $0x0  }
0x70: {  	s29 =	rddreg [dreg:$0x16];
	[sflag:s4] =	ssyncadd.s32 $0xFFFFC000  }
0x71: {  	[spmem:s29] =	stream.linear.scatter [tilespmem:s0], [sflag:$0x7], $0x4000, $0x38;
	[tilespmem:$0x1C400] =	vst v63  }
0x72: {  	_ =	swait.ge [sflag:s4], $0x4000  }
0x73: {  	[sflag:s4] =	ssyncset.done $0x0  }
0x74: {  	s30 =	rddreg [dreg:$0x17];
	[sflag:s4] =	ssyncadd.s32 $0xFFFFC000  }
0x75: {  	[spmem:s30] =	stream.linear.scatter [tilespmem:s0], [sflag:$0x7], $0x4000, $0x38;
	[tilespmem:$0x1C400] =	vst v63  }
0x76: {  	_ =	swait.ge [sflag:s4], $0x4000  }
0x77: {  	[sflag:s4] =	ssyncset.done $0x0  }
0x78: {  	s31 =	rddreg [dreg:$0x18];
	[sflag:s4] =	ssyncadd.s32 $0xFFFFC000  }
0x79: {  	[spmem:s31] =	stream.linear.scatter [tilespmem:s0], [sflag:$0x7], $0x4000, $0x38;
	[tilespmem:$0x1C400] =	vst v63  }
0x7a: {  	_ =	swait.ge [sflag:s4], $0x4000  }
0x7b: {  	[sflag:s4] =	ssyncset.done $0x0  }
0x7c: {  	s25 =	simm.s32 $0x0;
	s22 =	rddreg [dreg:$0x5];
	[sflag:s4] =	ssyncadd.s32 $0xFFFFC000  }
0x7d: {  	[tilespmem:s25], [sflag:$0x1] =	stream.linear.gather [hbm4b:s22+s25], $0x80, $0x38;
	[tilespmem:$0x1C400] =	vst v63  }
0x7e: {  	s26 =	simm.s32 $0x100;
	s23 =	rddreg [dreg:$0x6]  }
0x7f: {  	[tilespmem:s26], [sflag:$0x1] =	stream.linear.gather [hbm4b:s23+s25], $0x80, $0x38;
	[tilespmem:$0x1C400] =	vst v63  }
0x80: {  	s28 =	rddreg [dreg:$0x7]  }
0x81: {  	[tilespmem:s9], [sflag:$0x1] =	stream.linear.gather [hbm4b:s28+s25], $0x80, $0x38;
	[tilespmem:$0x1C400] =	vst v63  }
0x82: {  	s29 =	rddreg [dreg:$0x8]  }
0x83: {  	[tilespmem:s10], [sflag:$0x2] =	stream.linear.gather [hbm4b:s29+s25], $0x80, $0x38;
	[tilespmem:$0x1C400] =	vst v63  }
0x84: {  	s30 =	rddreg [dreg:$0xe]  }
0x85: {  	[tilespmem:s11], [sflag:$0x2] =	stream.linear.gather [hbm4b:s30+s25], $0x80, $0x38;
	[tilespmem:$0x1C400] =	vst v63  }
0x86: {  	s31 =	rddreg [dreg:$0xf]  }
0x87: {  	[tilespmem:s12], [sflag:$0x2] =	stream.linear.gather [hbm4b:s31+s25], $0x80, $0x38;
	[tilespmem:$0x1C400] =	vst v63  }
0x88: {  	[bflag:$0x0] =	sbarrier.arrive $0xFFFF  }
0x89: {  	_ =	swait.ge [sflag:s13], $0x80  }
0x8a: {  	[sflag:s13] =	ssyncset.done $0x0  }
0x8b: {  	[sflag:s13] =	ssyncadd.s32 $0xFFFFFF80  }
0x8c: {  	_ =	swait.ge [sflag:s13], $0x80  }
0x8d: {  	[sflag:s13] =	ssyncset.done $0x0  }
0x8e: {  	[sflag:s13] =	ssyncadd.s32 $0xFFFFFF80  }
0x8f: {  	_ =	swait.ge [sflag:s13], $0x80  }
0x90: {  	[sflag:s13] =	ssyncset.done $0x0  }
0x91: {  	s26 =	simm.s32 $0x0;
	[sflag:s13] =	ssyncadd.s32 $0xFFFFFF80  }
0x92: {  	[tilespmem:s0], [sflag:$0x3] =	stream.indirect.gather [hbm4b:s7+s10], $0x80, s25, s10, $0xb8;
	[tilespmem:$0x1C400] =	vst v63  }
.LBB2_4:
0x93: {  	v1 =	vld [tilespmem:$0x100]  }
0x94: {  	v2 =	vld [tilespmem:$0x110]  }
0x95: {  	v3 =	vld [tilespmem:$0x120]  }
0x96: {  	v4 =	vld [tilespmem:$0x130]  }
0x97: {  	v5 =	vld [tilespmem:$0x140]  }
0x98: {  	[tilespmem:$0x200] =	vst v1;
	v1 =	vld [tilespmem:$0x150]  }
0x99: {  	[tilespmem:$0x210] =	vst v2;
	v2 =	vld [tilespmem:$0x160]  }
0x9a: {  	[tilespmem:$0x220] =	vst v3;
	v3 =	vld [tilespmem:$0x170]  }
0x9b: {  	[tilespmem:$0x230] =	vst v4  }
0x9c: {  	[tilespmem:$0x240] =	vst v5  }
0x9d: {  	[tilespmem:$0x250] =	vst v1  }
0x9e: {  	[tilespmem:$0x260] =	vst v2  }
0x9f: {  	[tilespmem:$0x270] =	vst v3  }
0xa0: {  	_ =	swait.ge [sflag:s14], $0x4000  }
0xa1: {  	p0 =	seq.s32 s26, $0x0;
	[sflag:s14] =	ssyncset.done $0x0  }
0xa2: {  	s22 =	simm.s32 @!p0 $0x6;
	[sflag:s14] =	ssyncadd.s32 $0xFFFFC000  }
0xa3: {  	_ =	swait.ge @!p0 [sflag:s22], $0x4000  }
0xa4: {  	[sflag:s22] =	ssyncset.done @!p0 $0x0  }
0xa5: {  	[sflag:s22] =	ssyncadd.s32 @!p0 $0xFFFFC000  }
0xa6: {  	_ =	swait.ge [sflag:s15], $0x80  }
0xa7: {  	[sflag:s15] =	ssyncset.done $0x0  }
0xa8: {  	[sflag:s15] =	ssyncadd.s32 $0xFFFFFF80  }
0xa9: {  	v1 =	vmov s25;
	_ =	swait.ge [sflag:s15], $0x80  }
0xaa: {  	v1 =	vand.u32 $0xFFFFFFFC, v1;
	[sflag:s15] =	ssyncset.done $0x0  }
0xab: {  	v1 =	vbroadcast v1, $0x0;
	[sflag:s15] =	ssyncadd.s32 $0xFFFFFF80  }
0xac: {  	_ =	swait.ge [sflag:s15], $0x80  }
0xad: {  	[sflag:s15] =	ssyncset.done $0x0  }
0xae: {  	s29 =	simm.s32 $0x500;
	[sflag:s15] =	ssyncadd.s32 $0xFFFFFF80  }
0xaf: {  	[tilespmem:s16], [sflag:$0x4] =	stream.indirect.gather [hbm4b:s7+s10], $0x80, s10, s10, $0xb8;
	[tilespmem:$0x1C400] =	vst v63  }
0xb0: {  	v2 =	vld [tilespmem:s29+$0xFFFFFF70]  }
0xb1: {  	v1 =	vld.idx.msk [tilespmem:v1+s9+$0x0], $0xffff  }
0xb2: {  	v3 =	vld [tilespmem:s29+$0xFFFFFF00]  }
0xb3: {  	v4 =	vld [tilespmem:s29+$0xFFFFFF20]  }
0xb4: {  	v5 =	vld [tilespmem:s29+$0xFFFFFF50]  }
0xb5: {  	v6 =	vld [tilespmem:s29+$0xFFFFFF40]  }
0xb6: {  	v7 =	vld [tilespmem:s29+$0xFFFFFF60];
	v2 =	vmul.f32 v2, v1  }
0xb7: {  	s8 =	simm.s32 $0x1;
	v8 =	vld [tilespmem:s29+$0xFFFFFF30];
	v3 =	vmul.f32 v3, v1  }
0xb8: {  	v9 =	vld [tilespmem:s29+$0xFFFFFF10];
	v4 =	vmul.f32 v4, v1;
	[tilespmem:s29+$0xFFFFFF70] =	vst v2;
	v2 =	vmov s8  }
0xb9: {  	v5 =	vmul.f32 v5, v1;
	[tilespmem:s29+$0xFFFFFF00] =	vst v3;
	v2 =	vand.u32 $0xFFFFFFFD, v2  }
0xba: {  	v3 =	vmul.f32 v6, v1;
	[tilespmem:s29+$0xFFFFFF20] =	vst v4;
	v2 =	vbroadcast v2, $0x0  }
0xbb: {  	v4 =	vmul.f32 v7, v1;
	[tilespmem:s29+$0xFFFFFF50] =	vst v5  }
0xbc: {  	v5 =	vmul.f32 v8, v1;
	[tilespmem:s29+$0xFFFFFF40] =	vst v3  }
0xbd: {  	v1 =	vmul.f32 v9, v1;
	[tilespmem:s29+$0xFFFFFF60] =	vst v4  }
0xbe: {  	[tilespmem:s29+$0xFFFFFF30] =	vst v5  }
0xbf: {  	[tilespmem:s29+$0xFFFFFF10] =	vst v1;
	v1 =	vld [tilespmem:s29+$0xFFFFFF90]  }
0xc0: {  	v3 =	vld.idx.msk [tilespmem:v2+s9+$0x0], $0xffff  }
0xc1: {  	v2 =	vld [tilespmem:s29+$0xFFFFFFA0]  }
0xc2: {  	v4 =	vld [tilespmem:s29+$0xFFFFFF80]  }
0xc3: {  	v5 =	vld [tilespmem:s29+$0xFFFFFFB0]  }
0xc4: {  	v6 =	vld [tilespmem:s29+$0xFFFFFFC0]  }
0xc5: {  	v7 =	vld [tilespmem:s29+$0xFFFFFFD0];
	v1 =	vmul.f32 v1, v3  }
0xc6: {  	s23 =	simm.s32 $0x2;
	v8 =	vld [tilespmem:s29+$0xFFFFFFF0];
	v2 =	vmul.f32 v2, v3  }
0xc7: {  	v63 =	vld [tilespmem:s29+$0xFFFFFFE0];
	v4 =	vmul.f32 v4, v3;
	[tilespmem:s29+$0xFFFFFF90] =	vst v1;
	v1 =	vmov s23  }
0xc8: {  	v5 =	vmul.f32 v5, v3;
	[tilespmem:s29+$0xFFFFFFA0] =	vst v2;
	v1 =	vand.u32 $0xFFFFFFFE, v1  }
0xc9: {  	v2 =	vmul.f32 v6, v3;
	[tilespmem:s29+$0xFFFFFF80] =	vst v4;
	v6 =	vld [tilespmem:s29+$0x60];
	v10 =	vbroadcast v1, $0x0  }
0xca: {  	v4 =	vmul.f32 v7, v3;
	[tilespmem:s29+$0xFFFFFFB0] =	vst v5;
	v7 =	vld [tilespmem:s29+$0x0]  }
0xcb: {  	v5 =	vmul.f32 v8, v3;
	v1 =	vld [tilespmem:s29+$0x20];
	[tilespmem:s29+$0xFFFFFFC0] =	vst v2  }
0xcc: {  	v3 =	vmul.f32 v63, v3;
	v2 =	vld [tilespmem:s29+$0x30];
	[tilespmem:s29+$0xFFFFFFD0] =	vst v4  }
0xcd: {  	[tilespmem:s29+$0xFFFFFFF0] =	vst v5;
	v4 =	vld [tilespmem:s29+$0x40]  }
0xce: {  	s28 =	sshll.u32 s26, $0x8;
	[tilespmem:s29+$0xFFFFFFE0] =	vst v3;
	v5 =	vld [tilespmem:s29+$0x10]  }
0xcf: {  	s31 =	simm.s32 $0x4;
	s30 =	simm.s32 $0x0;
	s22 =	simm.s32 $0x500;
	v3 =	vld.idx.msk [tilespmem:v10+s9+$0x0], $0xffff  }
.LBB2_5:
0xd0: {  	p0 =	sne.s32 s31, $0x7C  }
0xd1: {  	v8 =	vld [tilespmem:s29+$0x50];
	s22 =	sadd.s32 $0x200, s22;
	s23 =	smov.u32 s31;
	s31 =	sadd.s32 $0x4, s31  }
0xd2: {  	v9 =	vld [tilespmem:s29+$0x70];
	_ =	sdelay $0x1  }
0xd3: {  	v6 =	vmul.f32 v6, v3;
	v7 =	vmul.f32 v7, v3  }
0xd4: {  	v4 =	vmul.f32 v4, v3;
	v5 =	vmul.f32 v5, v3  }
0xd5: {  	v1 =	vmul.f32 v1, v3;
	v2 =	vmul.f32 v2, v3;
	[tilespmem:s29+$0x60] =	vst v6  }
0xd6: {  	[tilespmem:s29+$0x40] =	vst v4;
	v4 =	vmul.f32 v8, v3;
	v3 =	vmul.f32 v9, v3  }
0xd7: {  	s8 =	sadd.s32 $0x3, s30;
	s30 =	smov.u32 s23;
	[tilespmem:s29+$0x20] =	vst v1;
	v6 =	vld [tilespmem:s29+$0x80]  }
0xd8: {  	v1 =	vld [tilespmem:s22+$0x20];
	[tilespmem:s29+$0x0] =	vst v7;
	v7 =	vmov s8  }
0xd9: {  	[tilespmem:s29+$0x50] =	vst v4;
	v4 =	vld [tilespmem:s29+$0xE0]  }
0xda: {  	[tilespmem:s29+$0x30] =	vst v2;
	v8 =	vld [tilespmem:s29+$0xC0]  }
0xdb: {  	v2 =	vld [tilespmem:s22+$0x30];
	[tilespmem:s29+$0x10] =	vst v5  }
0xdc: {  	[tilespmem:s29+$0x70] =	vst v3;
	v3 =	vld [tilespmem:s29+$0xA0]  }
0xdd: {  	v5 =	vld.idx.msk [tilespmem:v7+s9+$0x0], $0xffff  }
0xde: {  	v7 =	vld [tilespmem:s29+$0x90]  }
0xdf: {  	v9 =	vld [tilespmem:s29+$0xB0]  }
0xe0: {  	v10 =	vld [tilespmem:s29+$0xD0]  }
0xe1: {  	v11 =	vld [tilespmem:s29+$0xF0];
	_ =	sdelay $0x1  }
0xe2: {  	v6 =	vmul.f32 v6, v5;
	v7 =	vmul.f32 v7, v5  }
0xe3: {  	v3 =	vmul.f32 v3, v5;
	v9 =	vmul.f32 v9, v5  }
0xe4: {  	v12 =	vmov s30;
	[tilespmem:s29+$0x80] =	vst v6;
	v6 =	vmul.f32 v8, v5;
	v8 =	vmul.f32 v10, v5  }
0xe5: {  	v10 =	vand.u32 $0xFFFFFFFC, v12;
	[tilespmem:s29+$0xA0] =	vst v3;
	v3 =	vmul.f32 v4, v5;
	v4 =	vmul.f32 v11, v5  }
0xe6: {  	v5 =	vbroadcast v10, $0x0;
	[tilespmem:s29+$0xC0] =	vst v6  }
0xe7: {  	[tilespmem:s29+$0xF0] =	vst v4  }
0xe8: {  	v4 =	vld [tilespmem:s22+$0xFFFFFF40];
	[tilespmem:s29+$0xE0] =	vst v3  }
0xe9: {  	v3 =	vld [tilespmem:s22+$0xFFFFFF50];
	[tilespmem:s29+$0x90] =	vst v7  }
0xea: {  	v6 =	vld [tilespmem:s22+$0xFFFFFF60];
	[tilespmem:s29+$0xB0] =	vst v9  }
0xeb: {  	v7 =	vld [tilespmem:s22+$0xFFFFFF70];
	[tilespmem:s29+$0xD0] =	vst v8;
	s29 =	smov.u32 s22  }
0xec: {  	v5 =	vld.idx.msk [tilespmem:v5+s9+$0x0], $0xffff  }
0xed: {  	v8 =	vld [tilespmem:s22+$0xFFFFFF00]  }
0xee: {  	v9 =	vld [tilespmem:s22+$0xFFFFFF20]  }
0xef: {  	v10 =	vld [tilespmem:s22+$0xFFFFFF10]  }
0xf0: {  	v11 =	vld [tilespmem:s22+$0xFFFFFF30];
	_ =	sdelay $0x1  }
0xf1: {  	v7 =	vmul.f32 v7, v5;
	v8 =	vmul.f32 v8, v5  }
0xf2: {  	s8 =	sadd.s32 $0x1, s30;
	v6 =	vmul.f32 v6, v5;
	v9 =	vmul.f32 v9, v5  }
0xf3: {  	v3 =	vmul.f32 v3, v5;
	v10 =	vmul.f32 v10, v5;
	[tilespmem:s22+$0xFFFFFF70] =	vst v7;
	v7 =	vmov s8  }
0xf4: {  	v4 =	vmul.f32 v4, v5;
	[tilespmem:s22+$0xFFFFFF00] =	vst v8;
	v8 =	vmul.f32 v11, v5;
	v5 =	vand.u32 $0xFFFFFFFD, v7  }
0xf5: {  	[tilespmem:s22+$0xFFFFFF20] =	vst v9;
	v5 =	vbroadcast v5, $0x0  }
0xf6: {  	[tilespmem:s22+$0xFFFFFF50] =	vst v3  }
0xf7: {  	[tilespmem:s22+$0xFFFFFF40] =	vst v4;
	v3 =	vld [tilespmem:s22+$0xFFFFFFF0]  }
0xf8: {  	[tilespmem:s22+$0xFFFFFF60] =	vst v6;
	v4 =	vld [tilespmem:s22+$0xFFFFFFC0]  }
0xf9: {  	[tilespmem:s22+$0xFFFFFF30] =	vst v8;
	v6 =	vld [tilespmem:s22+$0xFFFFFFD0]  }
0xfa: {  	[tilespmem:s22+$0xFFFFFF10] =	vst v10;
	v7 =	vld [tilespmem:s22+$0xFFFFFF90]  }
0xfb: {  	v5 =	vld.idx.msk [tilespmem:v5+s9+$0x0], $0xffff  }
0xfc: {  	v8 =	vld [tilespmem:s22+$0xFFFFFF80]  }
0xfd: {  	v9 =	vld [tilespmem:s22+$0xFFFFFFA0]  }
0xfe: {  	v10 =	vld [tilespmem:s22+$0xFFFFFFB0]  }
0xff: {  	v11 =	vld [tilespmem:s22+$0xFFFFFFE0];
	_ =	sdelay $0x1  }
0x100: {  	v7 =	vmul.f32 v7, v5;
	v8 =	vmul.f32 v8, v5  }
0x101: {  	s8 =	sadd.s32 $0x2, s30;
	v6 =	vmul.f32 v6, v5;
	v9 =	vmul.f32 v9, v5  }
0x102: {  	v4 =	vmul.f32 v4, v5;
	[tilespmem:s22+$0xFFFFFF90] =	vst v7;
	v7 =	vmul.f32 v10, v5;
	v10 =	vmov s8  }
0x103: {  	v3 =	vmul.f32 v3, v5;
	[tilespmem:s22+$0xFFFFFFA0] =	vst v9;
	v9 =	vmul.f32 v11, v5;
	v5 =	vand.u32 $0xFFFFFFFE, v10  }
0x104: {  	[tilespmem:s22+$0xFFFFFF80] =	vst v8;
	v5 =	vbroadcast v5, $0x0  }
0x105: {  	[tilespmem:s22+$0xFFFFFFB0] =	vst v7  }
0x106: {  	[tilespmem:s22+$0xFFFFFFC0] =	vst v4  }
0x107: {  	[tilespmem:s22+$0xFFFFFFD0] =	vst v6  }
.Ltmp3:
0x108: {  	[tilespmem:s22+$0xFFFFFFF0] =	vst v3;
	v4 =	vld [tilespmem:s22+$0x40];
	(pc) =	sbr.rel @p0 .LBB2_5-.Ltmp3, $4  }
0x109: {  	[tilespmem:s22+$0xFFFFFFE0] =	vst v9;
	v6 =	vld [tilespmem:s22+$0x60]  }
0x10a: {  	v3 =	vld.idx.msk [tilespmem:v5+s9+$0x0], $0xffff  }
0x10b: {  	v7 =	vld [tilespmem:s22+$0x0]  }
0x10c: {  	v5 =	vld [tilespmem:s22+$0x10]  }
0x10d: {  	_ =	sdelay $0x1  }
0x10e: {  	v6 =	vmul.f32 v6, v3  }
0x10f: {  	v8 =	vld [tilespmem:s29+$0x50];
	v4 =	vmul.f32 v4, v3  }
0x110: {  	v9 =	vld [tilespmem:s29+$0x70];
	v1 =	vmul.f32 v1, v3;
	[tilespmem:s29+$0x60] =	vst v6  }
0x111: {  	v6 =	vmul.f32 v7, v3;
	[tilespmem:s29+$0x40] =	vst v4  }
0x112: {  	s8 =	sadd.s32 $0x3, s30;
	[tilespmem:s29+$0x20] =	vst v1;
	v1 =	vmul.f32 v2, v3  }
0x113: {  	v5 =	vmul.f32 v5, v3;
	[tilespmem:s29+$0x0] =	vst v6;
	v6 =	vmov s8  }
0x114: {  	v4 =	vmul.f32 v8, v3;
	[tilespmem:s29+$0x30] =	vst v1  }
0x115: {  	v3 =	vmul.f32 v9, v3;
	[tilespmem:s29+$0x10] =	vst v5  }
0x116: {  	[tilespmem:s29+$0x50] =	vst v4  }
0x117: {  	v2 =	vld [tilespmem:s29+$0x80];
	[tilespmem:s29+$0x70] =	vst v3  }
0x118: {  	v1 =	vld.idx.msk [tilespmem:v6+s9+$0x0], $0xffff  }
0x119: {  	v3 =	vld [tilespmem:s29+$0xA0]  }
0x11a: {  	v4 =	vld [tilespmem:s29+$0xC0]  }
0x11b: {  	v5 =	vld [tilespmem:s29+$0xF0]  }
0x11c: {  	v6 =	vld [tilespmem:s29+$0xE0]  }
0x11d: {  	v7 =	vld [tilespmem:s29+$0x90];
	v2 =	vmul.f32 v2, v1  }
0x11e: {  	v8 =	vld [tilespmem:s29+$0xB0];
	v3 =	vmul.f32 v3, v1  }
0x11f: {  	v61 =	vld [tilespmem:s29+$0xD0];
	[tilespmem:s29+$0x80] =	vst v2;
	v2 =	vmul.f32 v4, v1  }
0x120: {  	[tilespmem:s29+$0xA0] =	vst v3;
	v3 =	vmul.f32 v5, v1  }
0x121: {  	v4 =	vmul.f32 v6, v1;
	[tilespmem:s29+$0xC0] =	vst v2  }
0x122: {  	v2 =	vmul.f32 v7, v1;
	[tilespmem:s29+$0xF0] =	vst v3  }
0x123: {  	v3 =	vmul.f32 v8, v1;
	[tilespmem:s29+$0xE0] =	vst v4  }
0x124: {  	p0 =	seq.s32 s26, $0x28;
	v1 =	vmul.f32 v61, v1;
	[tilespmem:s29+$0x90] =	vst v2  }
0x125: {  	s8 =	sadd.s32 @!p0 s28, s20;
	[tilespmem:s29+$0xB0] =	vst v3  }
0x126: {  	s8 =	sshrl.u32 @!p0 s8, $0x3;
	[tilespmem:s29+$0xD0] =	vst v1  }
0x127: {  	[spmem:s2] =	stream.indirect.scatter.add.f32 [tilespmem:s0], [sflag:$0x5], $0x80, s17, s10, $0xb8;
	[tilespmem:$0x1C400] =	vst v63  }
0x128: {  	s23 =	simm.s32 @!p0 $0x0;
	s22 =	sadd.s32 @!p0 s1, s8  }
0x129: {  	[tilespmem:s23], [sflag:$0x1] =	stream.linear.gather @!p0 [hbm4b:s22+s23], $0x80, $0x38;
	[tilespmem:$0x1C400] =	vst v63  }
0x12a: {  	s29 =	simm.s32 @!p0 $0x100;
	s22 =	sadd.s32 @!p0 s5, s8  }
0x12b: {  	[tilespmem:s29], [sflag:$0x1] =	stream.linear.gather @!p0 [hbm4b:s22+s23], $0x80, $0x38;
	[tilespmem:$0x1C400] =	vst v63  }
0x12c: {  	s8 =	sadd.s32 @!p0 s6, s8;
	s22 =	simm.s32 @!p0 $0x300  }
0x12d: {  	[tilespmem:s22], [sflag:$0x1] =	stream.linear.gather @!p0 [hbm4b:s8+s23], $0x80, $0x38;
	[tilespmem:$0x1C400] =	vst v63  }
0x12e: {  	v1 =	vld [tilespmem:$0x180]  }
0x12f: {  	v2 =	vld [tilespmem:$0x190]  }
0x130: {  	v3 =	vld [tilespmem:$0x1A0]  }
0x131: {  	v4 =	vld [tilespmem:$0x1B0]  }
0x132: {  	v5 =	vld [tilespmem:$0x1C0]  }
0x133: {  	[tilespmem:$0x280] =	vst v1;
	v1 =	vld [tilespmem:$0x1D0]  }
0x134: {  	[tilespmem:$0x290] =	vst v2;
	v2 =	vld [tilespmem:$0x1E0]  }
0x135: {  	[tilespmem:$0x2A0] =	vst v3;
	v3 =	vld [tilespmem:$0x1F0]  }
0x136: {  	[tilespmem:$0x2B0] =	vst v4  }
0x137: {  	[tilespmem:$0x2C0] =	vst v5  }
0x138: {  	[tilespmem:$0x2D0] =	vst v1  }
0x139: {  	[tilespmem:$0x2E0] =	vst v2  }
0x13a: {  	[tilespmem:$0x2F0] =	vst v3  }
0x13b: {  	_ =	swait.ge [sflag:s18], $0x4000  }
0x13c: {  	[sflag:s18] =	ssyncset.done $0x0  }
0x13d: {  	s8 =	simm.s32 @!p0 $0x5;
	[sflag:s18] =	ssyncadd.s32 $0xFFFFC000  }
0x13e: {  	_ =	swait.ge @!p0 [sflag:s8], $0x4000  }
0x13f: {  	[sflag:s8] =	ssyncset.done @!p0 $0x0  }
0x140: {  	[sflag:s8] =	ssyncadd.s32 @!p0 $0xFFFFC000;
	s8 =	simm.s32 @!p0 $0x1  }
0x141: {  	_ =	swait.ge @!p0 [sflag:s8], $0x80  }
0x142: {  	[sflag:s8] =	ssyncset.done @!p0 $0x0  }
0x143: {  	s30 =	simm.s32 $0x0;
	[sflag:s8] =	ssyncadd.s32 @!p0 $0xFFFFFF80  }
0x144: {  	v1 =	vmov s30;
	_ =	swait.ge @!p0 [sflag:s8], $0x80  }
0x145: {  	v1 =	vand.u32 $0xFFFFFFFC, v1;
	[sflag:s8] =	ssyncset.done @!p0 $0x0  }
0x146: {  	v1 =	vbroadcast v1, $0x0;
	[sflag:s8] =	ssyncadd.s32 @!p0 $0xFFFFFF80  }
0x147: {  	_ =	swait.ge @!p0 [sflag:s8], $0x80  }
0x148: {  	s29 =	simm.s32 $0x4500;
	[sflag:s8] =	ssyncset.done @!p0 $0x0  }
0x149: {  	s22 =	simm.s32 @!p0 $0x400;
	[sflag:s8] =	ssyncadd.s32 @!p0 $0xFFFFFF80;
	s8 =	simm.s32 @!p0 $0x80  }
0x14a: {  	[tilespmem:s22], [sflag:$0x3] =	stream.indirect.gather @!p0 [hbm4b:s7+s8], $0x80, s23, s8, $0xb8;
	[tilespmem:$0x1C400] =	vst v63  }
0x14b: {  	v2 =	vld [tilespmem:s29+$0xFFFFFF70]  }
0x14c: {  	v1 =	vld.idx.msk [tilespmem:v1+s12+$0x0], $0xffff  }
0x14d: {  	v3 =	vld [tilespmem:s29+$0xFFFFFF00]  }
0x14e: {  	v4 =	vld [tilespmem:s29+$0xFFFFFF20]  }
0x14f: {  	v5 =	vld [tilespmem:s29+$0xFFFFFF50]  }
0x150: {  	v6 =	vld [tilespmem:s29+$0xFFFFFF40]  }
0x151: {  	v7 =	vld [tilespmem:s29+$0xFFFFFF60];
	v2 =	vmul.f32 v2, v1  }
0x152: {  	s22 =	simm.s32 $0x1;
	v8 =	vld [tilespmem:s29+$0xFFFFFF30];
	v3 =	vmul.f32 v3, v1  }
0x153: {  	v62 =	vld [tilespmem:s29+$0xFFFFFF10];
	v4 =	vmul.f32 v4, v1;
	[tilespmem:s29+$0xFFFFFF70] =	vst v2;
	v2 =	vmov s22  }
0x154: {  	v5 =	vmul.f32 v5, v1;
	[tilespmem:s29+$0xFFFFFF00] =	vst v3;
	v2 =	vand.u32 $0xFFFFFFFD, v2  }
0x155: {  	v3 =	vmul.f32 v6, v1;
	[tilespmem:s29+$0xFFFFFF20] =	vst v4;
	v2 =	vbroadcast v2, $0x0  }
0x156: {  	v4 =	vmul.f32 v7, v1;
	[tilespmem:s29+$0xFFFFFF50] =	vst v5  }
0x157: {  	v5 =	vmul.f32 v8, v1;
	[tilespmem:s29+$0xFFFFFF40] =	vst v3  }
0x158: {  	v1 =	vmul.f32 v62, v1;
	[tilespmem:s29+$0xFFFFFF60] =	vst v4  }
0x159: {  	[tilespmem:s29+$0xFFFFFF30] =	vst v5  }
0x15a: {  	[tilespmem:s29+$0xFFFFFF10] =	vst v1;
	v1 =	vld [tilespmem:s29+$0xFFFFFF90]  }
0x15b: {  	v3 =	vld.idx.msk [tilespmem:v2+s12+$0x0], $0xffff  }
0x15c: {  	v2 =	vld [tilespmem:s29+$0xFFFFFFA0]  }
0x15d: {  	v4 =	vld [tilespmem:s29+$0xFFFFFF80]  }
0x15e: {  	v5 =	vld [tilespmem:s29+$0xFFFFFFB0]  }
0x15f: {  	v6 =	vld [tilespmem:s29+$0xFFFFFFC0]  }
0x160: {  	v7 =	vld [tilespmem:s29+$0xFFFFFFD0];
	v1 =	vmul.f32 v1, v3  }
0x161: {  	s23 =	simm.s32 $0x2;
	v8 =	vld [tilespmem:s29+$0xFFFFFFF0];
	v2 =	vmul.f32 v2, v3  }
0x162: {  	v63 =	vld [tilespmem:s29+$0xFFFFFFE0];
	v4 =	vmul.f32 v4, v3;
	[tilespmem:s29+$0xFFFFFF90] =	vst v1;
	v1 =	vmov s23  }
0x163: {  	v5 =	vmul.f32 v5, v3;
	[tilespmem:s29+$0xFFFFFFA0] =	vst v2;
	v1 =	vand.u32 $0xFFFFFFFE, v1  }
0x164: {  	v2 =	vmul.f32 v6, v3;
	[tilespmem:s29+$0xFFFFFF80] =	vst v4;
	v6 =	vld [tilespmem:s29+$0x60];
	v10 =	vbroadcast v1, $0x0  }
0x165: {  	v4 =	vmul.f32 v7, v3;
	[tilespmem:s29+$0xFFFFFFB0] =	vst v5;
	v7 =	vld [tilespmem:s29+$0x0]  }
0x166: {  	v5 =	vmul.f32 v8, v3;
	v1 =	vld [tilespmem:s29+$0x20];
	[tilespmem:s29+$0xFFFFFFC0] =	vst v2  }
0x167: {  	v3 =	vmul.f32 v63, v3;
	v2 =	vld [tilespmem:s29+$0x30];
	[tilespmem:s29+$0xFFFFFFD0] =	vst v4  }
0x168: {  	[tilespmem:s29+$0xFFFFFFF0] =	vst v5;
	v4 =	vld [tilespmem:s29+$0x40]  }
0x169: {  	[tilespmem:s29+$0xFFFFFFE0] =	vst v3;
	v5 =	vld [tilespmem:s29+$0x10]  }
0x16a: {  	s31 =	simm.s32 $0x4;
	s22 =	simm.s32 $0x4500;
	v3 =	vld.idx.msk [tilespmem:v10+s12+$0x0], $0xffff  }
.LBB2_7:
0x16b: {  	p1 =	sne.s32 s31, $0x7C  }
0x16c: {  	v8 =	vld [tilespmem:s29+$0x50];
	s22 =	sadd.s32 $0x200, s22;
	s8 =	smov.u32 s31;
	s31 =	sadd.s32 $0x4, s31  }
0x16d: {  	v9 =	vld [tilespmem:s29+$0x70];
	_ =	sdelay $0x1  }
0x16e: {  	v6 =	vmul.f32 v6, v3;
	v7 =	vmul.f32 v7, v3  }
0x16f: {  	v4 =	vmul.f32 v4, v3;
	v5 =	vmul.f32 v5, v3  }
0x170: {  	v1 =	vmul.f32 v1, v3;
	v2 =	vmul.f32 v2, v3;
	[tilespmem:s29+$0x60] =	vst v6  }
0x171: {  	[tilespmem:s29+$0x40] =	vst v4;
	v4 =	vmul.f32 v8, v3;
	v3 =	vmul.f32 v9, v3  }
0x172: {  	s23 =	sadd.s32 $0x3, s30;
	s30 =	smov.u32 s8;
	[tilespmem:s29+$0x20] =	vst v1;
	v6 =	vld [tilespmem:s29+$0x80]  }
0x173: {  	v1 =	vld [tilespmem:s22+$0x20];
	[tilespmem:s29+$0x0] =	vst v7;
	v7 =	vmov s23  }
0x174: {  	[tilespmem:s29+$0x50] =	vst v4;
	v4 =	vld [tilespmem:s29+$0xE0]  }
0x175: {  	[tilespmem:s29+$0x30] =	vst v2;
	v8 =	vld [tilespmem:s29+$0xC0]  }
0x176: {  	v2 =	vld [tilespmem:s22+$0x30];
	[tilespmem:s29+$0x10] =	vst v5  }
0x177: {  	[tilespmem:s29+$0x70] =	vst v3;
	v3 =	vld [tilespmem:s29+$0xA0]  }
0x178: {  	v5 =	vld.idx.msk [tilespmem:v7+s12+$0x0], $0xffff  }
0x179: {  	v7 =	vld [tilespmem:s29+$0x90]  }
0x17a: {  	v9 =	vld [tilespmem:s29+$0xB0]  }
0x17b: {  	v10 =	vld [tilespmem:s29+$0xD0]  }
0x17c: {  	v11 =	vld [tilespmem:s29+$0xF0];
	_ =	sdelay $0x1  }
0x17d: {  	v6 =	vmul.f32 v6, v5;
	v7 =	vmul.f32 v7, v5  }
0x17e: {  	v3 =	vmul.f32 v3, v5;
	v9 =	vmul.f32 v9, v5  }
0x17f: {  	v12 =	vmov s30;
	[tilespmem:s29+$0x80] =	vst v6;
	v6 =	vmul.f32 v8, v5;
	v8 =	vmul.f32 v10, v5  }
0x180: {  	v10 =	vand.u32 $0xFFFFFFFC, v12;
	[tilespmem:s29+$0xA0] =	vst v3;
	v3 =	vmul.f32 v4, v5;
	v4 =	vmul.f32 v11, v5  }
0x181: {  	v5 =	vbroadcast v10, $0x0;
	[tilespmem:s29+$0xC0] =	vst v6  }
0x182: {  	[tilespmem:s29+$0xF0] =	vst v4  }
0x183: {  	v4 =	vld [tilespmem:s22+$0xFFFFFF40];
	[tilespmem:s29+$0xE0] =	vst v3  }
0x184: {  	v3 =	vld [tilespmem:s22+$0xFFFFFF50];
	[tilespmem:s29+$0x90] =	vst v7  }
0x185: {  	v6 =	vld [tilespmem:s22+$0xFFFFFF60];
	[tilespmem:s29+$0xB0] =	vst v9  }
0x186: {  	v7 =	vld [tilespmem:s22+$0xFFFFFF70];
	[tilespmem:s29+$0xD0] =	vst v8;
	s29 =	smov.u32 s22  }
0x187: {  	v5 =	vld.idx.msk [tilespmem:v5+s12+$0x0], $0xffff  }
0x188: {  	v8 =	vld [tilespmem:s22+$0xFFFFFF00]  }
0x189: {  	v9 =	vld [tilespmem:s22+$0xFFFFFF20]  }
0x18a: {  	v10 =	vld [tilespmem:s22+$0xFFFFFF10]  }
0x18b: {  	v11 =	vld [tilespmem:s22+$0xFFFFFF30];
	_ =	sdelay $0x1  }
0x18c: {  	v7 =	vmul.f32 v7, v5;
	v8 =	vmul.f32 v8, v5  }
0x18d: {  	s8 =	sadd.s32 $0x1, s30;
	v6 =	vmul.f32 v6, v5;
	v9 =	vmul.f32 v9, v5  }
0x18e: {  	v3 =	vmul.f32 v3, v5;
	v10 =	vmul.f32 v10, v5;
	[tilespmem:s22+$0xFFFFFF70] =	vst v7;
	v7 =	vmov s8  }
0x18f: {  	v4 =	vmul.f32 v4, v5;
	[tilespmem:s22+$0xFFFFFF00] =	vst v8;
	v8 =	vmul.f32 v11, v5;
	v5 =	vand.u32 $0xFFFFFFFD, v7  }
0x190: {  	[tilespmem:s22+$0xFFFFFF20] =	vst v9;
	v5 =	vbroadcast v5, $0x0  }
0x191: {  	[tilespmem:s22+$0xFFFFFF50] =	vst v3  }
0x192: {  	[tilespmem:s22+$0xFFFFFF40] =	vst v4;
	v3 =	vld [tilespmem:s22+$0xFFFFFFF0]  }
0x193: {  	[tilespmem:s22+$0xFFFFFF60] =	vst v6;
	v4 =	vld [tilespmem:s22+$0xFFFFFFC0]  }
0x194: {  	[tilespmem:s22+$0xFFFFFF30] =	vst v8;
	v6 =	vld [tilespmem:s22+$0xFFFFFFD0]  }
0x195: {  	[tilespmem:s22+$0xFFFFFF10] =	vst v10;
	v7 =	vld [tilespmem:s22+$0xFFFFFF90]  }
0x196: {  	v5 =	vld.idx.msk [tilespmem:v5+s12+$0x0], $0xffff  }
0x197: {  	v8 =	vld [tilespmem:s22+$0xFFFFFF80]  }
0x198: {  	v9 =	vld [tilespmem:s22+$0xFFFFFFA0]  }
0x199: {  	v10 =	vld [tilespmem:s22+$0xFFFFFFB0]  }
0x19a: {  	v11 =	vld [tilespmem:s22+$0xFFFFFFE0];
	_ =	sdelay $0x1  }
0x19b: {  	v7 =	vmul.f32 v7, v5;
	v8 =	vmul.f32 v8, v5  }
0x19c: {  	s8 =	sadd.s32 $0x2, s30;
	v6 =	vmul.f32 v6, v5;
	v9 =	vmul.f32 v9, v5  }
0x19d: {  	v4 =	vmul.f32 v4, v5;
	[tilespmem:s22+$0xFFFFFF90] =	vst v7;
	v7 =	vmul.f32 v10, v5;
	v10 =	vmov s8  }
0x19e: {  	v3 =	vmul.f32 v3, v5;
	[tilespmem:s22+$0xFFFFFFA0] =	vst v9;
	v9 =	vmul.f32 v11, v5;
	v5 =	vand.u32 $0xFFFFFFFE, v10  }
0x19f: {  	[tilespmem:s22+$0xFFFFFF80] =	vst v8;
	v5 =	vbroadcast v5, $0x0  }
0x1a0: {  	[tilespmem:s22+$0xFFFFFFB0] =	vst v7  }
0x1a1: {  	[tilespmem:s22+$0xFFFFFFC0] =	vst v4  }
0x1a2: {  	[tilespmem:s22+$0xFFFFFFD0] =	vst v6  }
.Ltmp4:
0x1a3: {  	[tilespmem:s22+$0xFFFFFFF0] =	vst v3;
	v4 =	vld [tilespmem:s22+$0x40];
	(pc) =	sbr.rel @p1 .LBB2_7-.Ltmp4, $4  }
0x1a4: {  	[tilespmem:s22+$0xFFFFFFE0] =	vst v9;
	v6 =	vld [tilespmem:s22+$0x60]  }
0x1a5: {  	v3 =	vld.idx.msk [tilespmem:v5+s12+$0x0], $0xffff  }
0x1a6: {  	v7 =	vld [tilespmem:s22+$0x0]  }
0x1a7: {  	v5 =	vld [tilespmem:s22+$0x10]  }
0x1a8: {  	_ =	sdelay $0x1  }
0x1a9: {  	v6 =	vmul.f32 v6, v3  }
0x1aa: {  	v8 =	vld [tilespmem:s29+$0x50];
	v4 =	vmul.f32 v4, v3  }
0x1ab: {  	v9 =	vld [tilespmem:s29+$0x70];
	v1 =	vmul.f32 v1, v3;
	[tilespmem:s29+$0x60] =	vst v6  }
0x1ac: {  	v54 =	vmul.f32 v7, v3;
	[tilespmem:s29+$0x40] =	vst v4  }
0x1ad: {  	s8 =	sadd.s32 $0x3, s30;
	[tilespmem:s29+$0x20] =	vst v1;
	v1 =	vmul.f32 v2, v3  }
0x1ae: {  	v56 =	vmov s8;
	v5 =	vmul.f32 v5, v3;
	[tilespmem:s29+$0x0] =	vst v54  }
0x1af: {  	v55 =	vmul.f32 v8, v3;
	[tilespmem:s29+$0x30] =	vst v1  }
0x1b0: {  	v3 =	vmul.f32 v9, v3;
	[tilespmem:s29+$0x10] =	vst v5  }
0x1b1: {  	[tilespmem:s29+$0x50] =	vst v55  }
0x1b2: {  	v2 =	vld [tilespmem:s29+$0x80];
	[tilespmem:s29+$0x70] =	vst v3  }
0x1b3: {  	v1 =	vld.idx.msk [tilespmem:v56+s12+$0x0], $0xffff  }
0x1b4: {  	v3 =	vld [tilespmem:s29+$0xA0]  }
0x1b5: {  	v59 =	vld [tilespmem:s29+$0xE0]  }
0x1b6: {  	v57 =	vld [tilespmem:s29+$0xC0]  }
0x1b7: {  	v58 =	vld [tilespmem:s29+$0xF0]  }
0x1b8: {  	v60 =	vld [tilespmem:s29+$0x90];
	v2 =	vmul.f32 v2, v1  }
0x1b9: {  	v61 =	vld [tilespmem:s29+$0xB0];
	v3 =	vmul.f32 v3, v1  }
0x1ba: {  	v62 =	vld [tilespmem:s29+$0xD0];
	v63 =	vmul.f32 v59, v1;
	[tilespmem:s29+$0x80] =	vst v2  }
0x1bb: {  	v2 =	vmul.f32 v57, v1;
	[tilespmem:s29+$0xA0] =	vst v3  }
0x1bc: {  	v3 =	vmul.f32 v58, v1;
	[tilespmem:s29+$0xE0] =	vst v63  }
0x1bd: {  	[tilespmem:s29+$0xC0] =	vst v2;
	v2 =	vmul.f32 v60, v1  }
.Ltmp5:
0x1be: {  	[tilespmem:s29+$0xF0] =	vst v3;
	v3 =	vmul.f32 v61, v1;
	(pc) =	sbr.rel @p0 .LBB2_10-.Ltmp5, $4  }
0x1bf: {  	v1 =	vmul.f32 v62, v1;
	[tilespmem:s29+$0x90] =	vst v2  }
0x1c0: {  	[tilespmem:s29+$0xB0] =	vst v3  }
0x1c1: {  	[tilespmem:s29+$0xD0] =	vst v1  }
0x1c2: {  	[spmem:s2] =	stream.indirect.scatter.add.f32 [tilespmem:s16], [sflag:$0x6], $0x80, s19, s10, $0xb8;
	[tilespmem:$0x1C400] =	vst v63  }
0x1c3: {  	s8 =	sadd.s32 s28, s21  }
0x1c4: {  	s8 =	sshrl.u32 s8, $0x3  }
0x1c5: {  	s22 =	sadd.s32 s1, s8  }
0x1c6: {  	[tilespmem:s10], [sflag:$0x2] =	stream.linear.gather [hbm4b:s22+s3], $0x80, $0x38;
	[tilespmem:$0x1C400] =	vst v63  }
.Ltmp6:
0x1c7: {  	_ = 	snop;
	(pc) =	sbr.rel .LBB2_4-.Ltmp6, $4  }
0x1c8: {  	s31 =	sadd.s32 s5, s8  }
0x1c9: {  	[tilespmem:s11], [sflag:$0x2] =	stream.linear.gather [hbm4b:s31+s3], $0x80, $0x38;
	[tilespmem:$0x1C400] =	vst v63  }
0x1ca: {  	s26 =	sadd.s32 $0x1, s26;
	s8 =	sadd.s32 s6, s8  }
0x1cb: {  	[tilespmem:s12], [sflag:$0x2] =	stream.linear.gather [hbm4b:s8+s3], $0x80, $0x38;
	[tilespmem:$0x1C400] =	vst v63  }
.LBB2_11:
0x1cc: {  	_ =	sfence.sel $0x180000  }
0x1cd: {  	[bflag:$0x0] =	sbarrier.arrive $0xFFFF  }
0x1ce: {  	_ =	strace $0x9000004A  }
0x1cf: {  	s0 =	stileid.u32;
	[bflag:$0x2] =	sbarrier.arrive $0xFFFF  }
0x1d0: {  	p0 =	sne.s32 s0, $0x0;
	s0 =	rddreg [dreg:$0x3]  }
0x1d1: {  	s0 =	sadd.s32 @!p0 $0x100000, s0  }
0x1d2: {  	[sflag:s0] =	ssyncadd.tile.s32 @!p0 $0x1;
	_ =	shalt  }
.Lfunc_end2:
_tile_overlayer_lowered:
.L_overlay_start_2:
0x1d3: {  	(tag) =	ssettag $0x2  }
0x1d4: {  	s0 =	rddreg [dreg:$0x0];
	s2 =	stileid.u32  }
0x1d5: {  	s1 =	rddreg [dreg:$0x1];
	p0 =	sne.s32 s2, $0x0  }
0x1d6: {  	s3 =	rddreg [dreg:$0x2];
	[bflag:$0x3] =	sbarrier.arrive $0xFFFF;
	s2 =	simm.s32 @!p0 $0x1C07  }
0x1d7: {  	[timem:s3], [sflag:s2] =	dma.local @!p0 [hbm:s0], s1  }
0x1d8: {  	s0 =	simm.s32 @!p0 $0x7  }
0x1d9: {  	_ =	swait.ge @!p0 [sflag:s0], s1  }
0x1da: {  	s1 =	ssub.s32 @!p0 $0x0, s1;
	[sflag:s0] =	ssyncset.done @!p0 $0x0  }
0x1db: {  	[sflag:s0] =	ssyncadd.s32 @!p0 s1  }
0x1dc: {  	[bflag:$0x3] =	sbarrier.arrive $0xFFFF  }
0x1dd: {  	_ =	shalt  }

// kernel: kernel.15.cloned.1.call-start
scs
__scs_entry_jumppad:
0x0: {  	(pc) =	sbr.rel $0x88, $3  }
0x1: {  	(tag) =	ssettag $0x0;
	lr =	simm.s32 $0x1  }
0x2: {  	[smem:$0x3F97] =	sst lr;
	_ =	strace $0xD0000000  }
0x3: {  	_ = 	snop  }
0x4: {  	_ = 	snop  }
0x5: {  	_ = 	snop  }
0x6: {  	_ = 	snop  }
0x7: {  	_ = 	snop  }
__scs_overlays_trampoline_lowered:
0x8: {  	[smem:$0x3FA6] =	sst s0  }
0x9: {  	[smem:$0x3FA7] =	sst s1  }
0xa: {  	[smem:$0x3FA8] =	sst s2  }
0xb: {  	[smem:$0x3FA9] =	sst s3  }
0xc: {  	[smem:$0x3FAA] =	sst s4  }
0xd: {  	[smem:$0x3FAB] =	sst s5  }
0xe: {  	[smem:$0x3FAC] =	sst s6  }
0xf: {  	[smem:$0x3FAD] =	sst s7  }
0x10: {  	[smem:$0x3FAE] =	sst s8  }
0x11: {  	[smem:$0x3FAF] =	sst s9;
	s0 =	simm.s32 @!p0 $0x0  }
0x12: {  	s1 =	sld [smem:$0x3F95];
	s0 =	simm.s32 @p0 $0x1  }
0x13: {  	[smem:$0x3FB0] =	sst s0;
	s0 =	simm.s32 @!p1 $0x0  }
0x14: {  	s2 =	sld [smem:$0x3F94];
	s0 =	simm.s32 @p1 $0x1  }
0x15: {  	[smem:$0x3FB1] =	sst s0;
	s0 =	simm.s32 @!p2 $0x0  }
0x16: {  	s3 =	sld [smem:$0x3FDB];
	s0 =	simm.s32 @p2 $0x1  }
0x17: {  	s4 =	simm.s32 $0x1BF5;
	[smem:$0x3FB3] =	sst s0  }
0x18: {  	s0 =	sld [smem:$0x3F96];
	_ =	swait.ge [sflag:s4], $0x0  }
0x19: {  	s7 =	sld [smem:$0x3F97]  }
0x1a: {  	s8 =	sadd.s32 $0xFFFFE003, lr  }
0x1b: {  	s9 =	sadd.s32 $0xFFFFFEF7, lr;
	s5 =	simm.s32 $0xFFFFFFFF;
	p2 =	slt.u32 s8, $0xFFFFF086  }
0x1c: {  	p1 =	slt.u32 s9, $0xF7A;
	s5 =	simm.s32 @!p2 $0x0  }
0x1d: {  	s5 =	simm.s32 @p1 $0x1;
	p0 =	seq.s32 s7, s2  }
0x1e: {  	s7 =	smul.u32 @!p0 $0xF7A, s2;
	p2 =	seq.s32 @!p0 s5, $0x0  }
0x1f: {  	s9 =	smul.u32 $0xF7A, s1;
	s8 =	simm.s32 @!p0 $0x1BF5;
	p2 =	por !p2, p0  }
0x20: {  	[sflag:s8] =	ssyncset.s32 @!p0 $0xFFFFF086;
	s6 =	sadd.s32 @!p0 s3, s7;
	s7 =	simm.s32 @!p0 $0x108  }
0x21: {  	s3 =	sadd.s32 s3, s9;
	s6 =	sadd.s32 @!p0 $0x88, s6;
	s7 =	simm.s32 @p2 $0x1082  }
0x22: {  	[simem:s7], [sflag:s8] =	dma.local @!p0 [hbm:s6], $0xF7A  }
0x23: {  	s9 =	sor.u32 $0xD0000000, s2;
	s6 =	simm.s32 $0x108;
	_ =	swait.ge @!p0 [sflag:s8], $0x0  }
0x24: {  	s3 =	sadd.s32 $0x88, s3;
	s6 =	simm.s32 @!p1 $0x1082;
	[sflag:s4] =	ssyncset.s32 $0xFFFFF086  }
0x25: {  	[simem:s6], [sflag:s4] =	dma.local [hbm:s3], $0xF7A  }
0x26: {  	[smem:$0x3F97] =	sst s1;
	(tag) =	ssettag s2;
	_ =	strace s9  }
0x27: {  	s1 =	sld [smem:$0x3FA7]  }
0x28: {  	s2 =	sld [smem:$0x3FA8]  }
0x29: {  	s4 =	sld [smem:$0x3FAA]  }
0x2a: {  	p0 =	seq.s32 s5, $0x0;
	s5 =	sld [smem:$0x3FAB]  }
0x2b: {  	s6 =	sld [smem:$0x3FAC]  }
0x2c: {  	s7 =	sld [smem:$0x3FAD]  }
0x2d: {  	s3 =	simm.s32 $0x108;
	s8 =	sld [smem:$0x3FAE]  }
0x2e: {  	s3 =	simm.s32 @!p0 $0x1082;
	s9 =	sld [smem:$0x3FAF]  }
0x2f: {  	lr =	sadd.s32 s0, s3;
	s0 =	sld [smem:$0x3FA6]  }
0x30: {  	s3 =	sld [smem:$0x3FA9]  }
0x31: {  	[smem:$0x3FB2] =	sst s10  }
0x32: {  	s10 =	sld [smem:$0x3FB0];
	_ =	sdelay $0x3  }
0x33: {  	p0 =	seq.s32 s10, $0x1;
	s10 =	sld [smem:$0x3FB2];
	_ =	sdelay $0x3  }
0x34: {  	[smem:$0x3FB2] =	sst s10  }
0x35: {  	s10 =	sld [smem:$0x3FB1];
	_ =	sdelay $0x3  }
0x36: {  	p1 =	seq.s32 s10, $0x1;
	s10 =	sld [smem:$0x3FB2];
	_ =	sdelay $0x3  }
0x37: {  	[smem:$0x3FB2] =	sst s10  }
0x38: {  	s10 =	sld [smem:$0x3FB3]  }
0x39: {  	_ = 	snop;
	(pc) =	sbr.ind lr, $3  }
0x3a: {  	_ = 	snop  }
0x3b: {  	_ = 	snop  }
0x3c: {  	p2 =	seq.s32 s10, $0x1;
	s10 =	sld [smem:$0x3FB2]  }
0x3d: {  	_ =	shalt  }
0x3e: {  	_ =	shalt  }
0x3f: {  	_ =	shalt  }
0x40: {  	_ =	shalt  }
0x41: {  	_ =	shalt  }
0x42: {  	_ =	shalt  }
0x43: {  	_ =	shalt  }
0x44: {  	_ =	shalt  }
0x45: {  	_ =	shalt  }
0x46: {  	_ =	shalt  }
0x47: {  	_ =	shalt  }
0x48: {  	_ =	shalt  }
0x49: {  	_ =	shalt  }
0x4a: {  	_ =	shalt  }
0x4b: {  	_ =	shalt  }
0x4c: {  	_ =	shalt  }
0x4d: {  	_ =	shalt  }
0x4e: {  	_ =	shalt  }
0x4f: {  	_ =	shalt  }
0x50: {  	_ =	shalt  }
0x51: {  	_ =	shalt  }
0x52: {  	_ =	shalt  }
0x53: {  	_ =	shalt  }
0x54: {  	_ =	shalt  }
0x55: {  	_ =	shalt  }
0x56: {  	_ =	shalt  }
0x57: {  	_ =	shalt  }
0x58: {  	_ =	shalt  }
0x59: {  	_ =	shalt  }
0x5a: {  	_ =	shalt  }
0x5b: {  	_ =	shalt  }
0x5c: {  	_ =	shalt  }
0x5d: {  	_ =	shalt  }
0x5e: {  	_ =	shalt  }
0x5f: {  	_ =	shalt  }
0x60: {  	_ =	shalt  }
0x61: {  	_ =	shalt  }
0x62: {  	_ =	shalt  }
0x63: {  	_ =	shalt  }
0x64: {  	_ =	shalt  }
0x65: {  	_ =	shalt  }
0x66: {  	_ =	shalt  }
0x67: {  	_ =	shalt  }
0x68: {  	_ =	shalt  }
0x69: {  	_ =	shalt  }
0x6a: {  	_ =	shalt  }
0x6b: {  	_ =	shalt  }
0x6c: {  	_ =	shalt  }
0x6d: {  	_ =	shalt  }
0x6e: {  	_ =	shalt  }
0x6f: {  	_ =	shalt  }
0x70: {  	_ =	shalt  }
0x71: {  	_ =	shalt  }
0x72: {  	_ =	shalt  }
0x73: {  	_ =	shalt  }
0x74: {  	_ =	shalt  }
0x75: {  	_ =	shalt  }
0x76: {  	_ =	shalt  }
0x77: {  	_ =	shalt  }
0x78: {  	_ =	shalt  }
0x79: {  	_ =	shalt  }
0x7a: {  	_ =	shalt  }
0x7b: {  	_ =	shalt  }
0x7c: {  	_ =	shalt  }
0x7d: {  	_ =	shalt  }
0x7e: {  	_ =	shalt  }
0x7f: {  	_ =	shalt  }
0x80: {  	_ =	shalt  }
0x81: {  	_ =	shalt  }
0x82: {  	_ =	shalt  }
0x83: {  	_ =	shalt  }
0x84: {  	_ =	shalt  }
0x85: {  	_ =	shalt  }
0x86: {  	_ =	shalt  }
0x87: {  	_ =	shalt  }
.Lfunc_end0:
.L_simem_size_0:
called_computation.2_lowered:
.L_overlay_start_0:
0x88: {  	s2 =	sld [smem:$0x3FD9]  }
0x89: {  	s3 =	sld [smem:$0x3FFE];
	_ =	sdelay $0x1  }
0x8a: {  	s1 =	srdreg.scid  }
0x8b: {  	s0 =	sand.u32 $0x1, s1  }
0x8c: {  	s17 =	sshll.u32 s0, $0xA;
	s2 =	sadd.s32 s3, s2  }
0x8d: {  	s2 =	sadd.s32 s2, s17  }
0x8e: {  	[smem:$0x3FBE] =	sst s2  }
0x8f: {  	_ = 	snop  }
0x90: {  	s2 =	sld [smem:$0x3FD0];
	(tm) =	ssettm $0x1  }
0x91: {  	s18 =	sld [smem:$0x3FFB];
	_ =	sdelay $0x3  }
0x92: {  	_ =	strace s18  }
0x93: {  	s3 =	sld [smem:$0x3FFC];
	_ =	sdelay $0x3  }
0x94: {  	_ =	strace s3  }
0x95: {  	s3 =	sld [smem:$0x3FFD];
	_ =	sdelay $0x3  }
0x96: {  	_ =	strace s3  }
0x97: {  	_ =	strace $0x8FFFFFFF  }
0x98: {  	s19 =	sld [smem:$0x3FDB];
	_ =	sdelay $0x1  }
0x99: {  	s4 =	simm.s32 $_scs_section_size  }
0x9a: {  	s5 =	simm.s32 $_size__tile_overlayer_lowered;
	s6 =	simm.s32 $_tile_overlayer_lowered  }
0x9b: {  	s22 =	simm.s32 $0x1BFF;
	s21 =	sshll.u32 s6, $0x1;
	s3 =	sadd.s32 s4, s19  }
0x9c: {  	s7 =	simm.s32 $0x0;
	s20 =	sshll.u32 s5, $0x1;
	s5 =	sadd.s32 s21, s3  }
0x9d: {  	[timem:s7], [sflag:s22] =	dma.local [hbm:s5], s20  }
0x9e: {  	_ =	swait.ge [sflag:s22], s20  }
0x9f: {  	s4 =	ssub.s32 $0x0, s20;
	[sflag:s22] =	ssyncset.done $0x0  }
0xa0: {  	[sflag:s22] =	ssyncadd.s32 s4;
	_ =	sdelay $0x1  }
0xa1: {  	s23 =	simm.s32 $0x1B8B  }
0xa2: {  	_ =	swait.ge [sflag:s23], $0x1  }
0xa3: {  	[sflag:s23] =	ssyncset.done $0x0  }
0xa4: {  	s25 =	simm.s32 $0x1B8E;
	s24 =	sld [smem:$0x3FFE];
	[sflag:s23] =	ssyncadd.s32 $0xFFFFFFFF  }
0xa5: {  	s26 =	simm.s32 $execute0_lowered;
	[smem:$0x3FD2] =	sst s25  }
0xa6: {  	s5 =	sshll.u32 s26, $0x1;
	_ =	strace $0x8000004C;
	[dreg:$0x1] =	wrdreg $0xFFFFFFFF  }
0xa7: {  	s28 =	simm.s32 $_size_execute0_lowered;
	s3 =	sadd.s32 s3, s5;
	[dreg:$0x0] =	wrdreg $0x0  }
0xa8: {  	s5 =	sshll.u32 s28, $0x1;
	[dreg:$0x2] =	wrdreg s3  }
0xa9: {  	[dreg:$0x3] =	wrdreg s5  }
0xaa: {  	[dreg:$0x4] =	wrdreg $0xC0  }
0xab: {  	_ =	task [dreg:s7], $0x5FFFF  }
0xac: {  	[dreg:$0x1] =	wrdreg $0xFFFFFFFF  }
0xad: {  	[dreg:$0x0] =	wrdreg $0x60  }
0xae: {  	[dreg:$0x2] =	wrdreg s2  }
0xaf: {  	[dreg:$0x3] =	wrdreg s24  }
0xb0: {  	[dreg:$0x4] =	wrdreg $0x56800  }
0xb1: {  	[dreg:$0x5] =	wrdreg $0x9  }
0xb2: {  	_ =	task.clear_ibuf [dreg:s7], $0x6FFFF;
	_ =	strace $0x9000004C  }
0xb3: {  	s29 =	simm.s32 $0x9;
	_ =	strace $0x8000004E  }
0xb4: {  	_ =	swait.ge [sflag:s29], $0x1  }
0xb5: {  	[sflag:s29] =	ssyncadd.s32 $0xFFFFFFFF  }
0xb6: {  	_ =	strace $0x9000004E  }
0xb7: {  	_ =	sfence  }
0xb8: {  	s30 =	sld [smem:$0x0];
	_ =	sdelay $0x2  }
0xb9: {  	s31 =	sshll.u32 s1, $0xD;
	s1 =	sshrl.u32 s1, $0x2  }
0xba: {  	s3 =	sand.u32 $0x4000, s31;
	s1 =	sadd.s32 s1, s30  }
0xbb: {  	s0 =	sor.u32 s3, s0;
	s1 =	sshll.u32 s1, $0x11  }
0xbc: {  	s0 =	sor.u32 s1, s0  }
0xbd: {  	s0 =	sadd.s32 $0x8F2B, s0  }
0xbe: {  	[sflag:s0] =	ssyncadd.remote.s32 $0x1  }
0xbf: {  	_ =	sfence.sel $0xFFFF  }
0xc0: {  	[dreg:$0x0] =	wrdreg $0xFFFFFFFF;
	(pc) =	sbr.abs _section_cstart, $3  }
0xc1: {  	[dreg:$0x1] =	wrdreg $0xFFFFFFFF  }
0xc2: {  	_ =	task.clear_ibuf [dreg:s7], $0x2FFFF;
	_ =	strace $0x9FFFFFFF  }
0xc3: {  	(tm) =	ssettm $0x7FFFFFFF  }
tec
execute0_lowered:
.L_overlay_start_1:
0x0: {  	(tag) =	ssettag $0x1  }
0x1: {  	s1 =	rddreg [dreg:$0x0]  }
0x2: {  	s0 =	rddreg [dreg:$0x1]  }
0x3: {  	s2 =	rddreg [dreg:$0x2];
	s3 =	simm.s32 $0x0;
	s4 =	srdreg.scid  }
0x4: {  	s11 =	stileid.u32;
	s28 =	simm.s32 $0x1;
	s29 =	simm.s32 $0x5300  }
0x5: {  	s30 =	simm.s32 $0x80;
	s31 =	simm.s32 $0x5200;
	[smem:$0x7FF] =	sst s3  }
0x6: {  	s5 =	sadd.s32 $0x1600, s0;
	s6 =	sadd.s32 $0x34000, s0;
	s13 =	smul.u32 $0x500, s11  }
0x7: {  	s4 =	sand.u32 $0x1, s4;
	s7 =	sadd.s32 $0x33A00, s0;
	s16 =	smul.u32 $0xA00, s11  }
0x8: {  	s9 =	sadd.s32 $0x35000, s0;
	_ =	strace $0x8000004D;
	[dreg:$0x4] =	wrdreg s6  }
0x9: {  	[dreg:$0x5] =	wrdreg s7;
	s14 =	sshll.u32 s4, $0x7;
	s8 =	sshll.u32 s4, $0x4  }
0xa: {  	s17 =	ssub.s32 $0x2, s4;
	s4 =	smul.u32 $0x29000, s4;
	s6 =	sor.u32 s14, s13  }
0xb: {  	s15 =	sor.u32 s11, s8;
	s10 =	sshrl.u32 s17, $0x1;
	s11 =	smul.u32 $0x2900, s11  }
0xc: {  	s8 =	sshrl.u32 s16, $0x2;
	s6 =	sshrl.u32 s6, $0x3;
	s7 =	smul.u32 $0x2900, s15  }
0xd: {  	s8 =	sadd.s32 s8, s2;
	s0 =	sadd.s32 s6, s0;
	s4 =	sadd.s32 s11, s4  }
0xe: {  	s6 =	ssub.s32 s17, s10;
	s7 =	sshrl.u32 s7, $0x3;
	s21 =	sadd.s32 $0x180, s4  }
0xf: {  	s0 =	sadd.s32 $0x34600, s0;
	s6 =	smax.u32 s6, $0x1;
	s23 =	sor.u32 $0x80, s4  }
0x10: {  	s25 =	sshrl.u32 s4, $0x3;
	s26 =	sadd.s32 $0x100, s4;
	s4 =	simm.s32 $0x5  }
0x11: {  	s18 =	sadd.s32 s1, s7;
	s19 =	sor.u32 $0x10, s7;
	[dreg:$0xa] =	wrdreg s0  }
0x12: {  	s7 =	sadd.s32 s5, s7;
	s22 =	sshrl.u32 s21, $0x3;
	[dreg:$0xb] =	wrdreg s6  }
0x13: {  	s24 =	sshrl.u32 s23, $0x3;
	[dreg:$0xc] =	wrdreg s26;
	s21 =	simm.s32 $0x7  }
0x14: {  	s26 =	simm.s32 $0x5180;
	s0 =	simm.s32 $0x2;
	[dreg:$0x6] =	wrdreg s18  }
0x15: {  	s23 =	simm.s32 $0x5280;
	s6 =	simm.s32 $0x4;
	[dreg:$0x7] =	wrdreg s7  }
.Ltmp0:
0x16: {  	s20 =	sadd.s32 s1, s19;
	s10 =	sadd.s32 s5, s19;
	(pc) =	sbr.rel .LBB2_1-.Ltmp0, $4  }
0x17: {  	s15 =	sadd.s32 s22, s5;
	s16 =	sadd.s32 s22, s1;
	s17 =	sadd.s32 s24, s9  }
0x18: {  	s19 =	sadd.s32 s25, s9;
	s22 =	simm.s32 $0x2800;
	s25 =	simm.s32 $0x5080  }
0x19: {  	s24 =	simm.s32 $0x3;
	s7 =	simm.s32 $0x6;
	[dreg:$0x8] =	wrdreg s20  }
0x1a: {  	v0 =	vimm.f32 $0.0e+00;
	s9 =	simm.s32 $0x0;
	[dreg:$0x9] =	wrdreg s10;
	s20 =	simm.s32 $0x5380  }
.LBB2_4:
0x1b: {  	_ =	swait.ge [sflag:s24], $0x80  }
0x1c: {  	[sflag:s24] =	ssyncset.done $0x0  }
0x1d: {  	[sflag:s24] =	ssyncadd.s32 $0xFFFFFF80  }
0x1e: {  	_ =	swait.ge [sflag:s4], $0x80  }
0x1f: {  	[sflag:s4] =	ssyncset.done $0x0  }
0x20: {  	[sflag:s4] =	ssyncadd.s32 $0xFFFFFF80  }
0x21: {  	_ =	swait.ge [sflag:s6], $0x80  }
0x22: {  	[sflag:s6] =	ssyncset.done $0x0  }
0x23: {  	[sflag:s6] =	ssyncadd.s32 $0xFFFFFF80  }
0x24: {  	_ =	swait.ge [sflag:s7], $0x80  }
0x25: {  	[sflag:s7] =	ssyncset.done $0x0  }
0x26: {  	s10 =	stileid.u32;
	s11 =	sshrl.u32 s8, $0x3;
	[sflag:s7] =	ssyncadd.s32 $0xFFFFFF80  }
0x27: {  	s13 =	simm.s32 $0x20;
	s10 =	sshll.u32 s10, $0x6;
	[bflag:$0x0] =	sbarrier.arrive $0xFFFF  }
0x28: {  	s14 =	simm.s32 $0x10;
	s10 =	sor.u32 $0x1C07, s10;
	s12 =	rddreg [dreg:$0xa]  }
0x29: {  	[hbm:s12@s13], [sflag:s10] =	dma.strided [spmem:s11@s14], $0x50, s28, $0x10   }
0x2a: {  	_ =	swait.ge [sflag:s21], $0x50  }
0x2b: {  	s9 =	sadd.s32 $0x1, s9;
	s18 =	rddreg [dreg:$0xb]  }
0x2c: {  	p0 =	sne.s32 s9, s18  }
.Ltmp1:
0x2d: {  	_ = 	snop;
	(pc) =	sbr.rel @!p0 .LBB2_5-.Ltmp1, $3  }
0x2e: {  	_ =	sdelay $0x1  }
0x2f: {  	[sflag:s21] =	ssyncset.done $0x0  }
0x30: {  	[sflag:s21] =	ssyncadd.s32 $0xFFFFFFB0  }
.LBB2_1:
0x31: {  	[tilespmem:$0x5400] =	vst v0  }
0x32: {  	[tilespmem:$0x5410] =	vst v0  }
0x33: {  	[tilespmem:$0x5420] =	vst v0  }
0x34: {  	[tilespmem:$0x5430] =	vst v0  }
0x35: {  	[tilespmem:$0x5440] =	vst v0  }
0x36: {  	[tilespmem:$0x5450] =	vst v0  }
0x37: {  	[tilespmem:$0x5460] =	vst v0  }
0x38: {  	[tilespmem:$0x5470] =	vst v0  }
0x39: {  	[tilespmem:$0x5480] =	vst v0  }
0x3a: {  	[tilespmem:$0x5490] =	vst v0  }
0x3b: {  	[tilespmem:$0x54A0] =	vst v0  }
0x3c: {  	[tilespmem:$0x54B0] =	vst v0  }
0x3d: {  	[tilespmem:$0x54C0] =	vst v0  }
0x3e: {  	[tilespmem:$0x54D0] =	vst v0  }
0x3f: {  	[tilespmem:$0x54E0] =	vst v0  }
0x40: {  	[tilespmem:$0x54F0] =	vst v0  }
0x41: {  	[tilespmem:$0x5500] =	vst v0  }
0x42: {  	[tilespmem:$0x5510] =	vst v0  }
0x43: {  	[tilespmem:$0x5520] =	vst v0  }
0x44: {  	[tilespmem:$0x5530] =	vst v0  }
0x45: {  	[tilespmem:$0x5540] =	vst v0  }
0x46: {  	[tilespmem:$0x5550] =	vst v0  }
0x47: {  	[tilespmem:$0x5560] =	vst v0  }
0x48: {  	[tilespmem:$0x5570] =	vst v0  }
0x49: {  	[tilespmem:$0x5580] =	vst v0  }
0x4a: {  	[tilespmem:$0x5590] =	vst v0  }
0x4b: {  	[tilespmem:$0x55A0] =	vst v0  }
0x4c: {  	[tilespmem:$0x55B0] =	vst v0  }
0x4d: {  	[tilespmem:$0x55C0] =	vst v0  }
0x4e: {  	[tilespmem:$0x55D0] =	vst v0  }
0x4f: {  	[tilespmem:$0x55E0] =	vst v0  }
0x50: {  	[tilespmem:$0x55F0] =	vst v0  }
0x51: {  	[tilespmem:$0x5600] =	vst v0  }
0x52: {  	[tilespmem:$0x5610] =	vst v0  }
0x53: {  	[tilespmem:$0x5620] =	vst v0  }
0x54: {  	[tilespmem:$0x5630] =	vst v0  }
0x55: {  	[tilespmem:$0x5640] =	vst v0  }
0x56: {  	[tilespmem:$0x5650] =	vst v0  }
0x57: {  	[tilespmem:$0x5660] =	vst v0  }
0x58: {  	[tilespmem:$0x5670] =	vst v0;
	s10 =	simm.s32 $0x5400  }
0x59: {  	[spmem:s8] =	stream.linear.scatter [tilespmem:s10], [sflag:$0x7], $0x280, $0x38;
	[tilespmem:$0x5900] =	vst v63  }
0x5a: {  	_ =	swait.ge [sflag:s21], $0x280  }
0x5b: {  	[sflag:s21] =	ssyncset.done $0x0  }
0x5c: {  	s13 =	rddreg [dreg:$0x4];
	[sflag:s21] =	ssyncadd.s32 $0xFFFFFD80  }
0x5d: {  	[tilespmem:s3], [sflag:$0x7] =	stream.linear.gather [hbm4b:s13+s3], $0x2800, $0x38;
	[tilespmem:$0x5900] =	vst v63  }
0x5e: {  	_ =	swait.ge [sflag:s21], $0x2800  }
0x5f: {  	[sflag:s21] =	ssyncset.done $0x0  }
0x60: {  	s14 =	rddreg [dreg:$0x5];
	[sflag:s21] =	ssyncadd.s32 $0xFFFFD800  }
0x61: {  	[tilespmem:s22], [sflag:$0x7] =	stream.linear.gather [hbm4b:s14+s3], $0x2800, $0x38;
	[tilespmem:$0x5900] =	vst v63  }
0x62: {  	_ =	swait.ge [sflag:s21], $0x2800  }
0x63: {  	[sflag:s21] =	ssyncset.done $0x0  }
0x64: {  	s11 =	simm.s32 $0x5000;
	s18 =	rddreg [dreg:$0x6];
	[sflag:s21] =	ssyncadd.s32 $0xFFFFD800  }
0x65: {  	[tilespmem:s11], [sflag:$0x1] =	stream.linear.gather [hbm4b:s18+s3], $0x80, $0x38;
	[tilespmem:$0x5900] =	vst v63  }
0x66: {  	s13 =	simm.s32 $0x5100;
	s12 =	rddreg [dreg:$0x7]  }
0x67: {  	[tilespmem:s13], [sflag:$0x1] =	stream.linear.gather [hbm4b:s12+s3], $0x80, $0x38;
	[tilespmem:$0x5900] =	vst v63  }
0x68: {  	s14 =	rddreg [dreg:$0x8]  }
0x69: {  	[tilespmem:s25], [sflag:$0x2] =	stream.linear.gather [hbm4b:s14+s3], $0x80, $0x38;
	[tilespmem:$0x5900] =	vst v63  }
0x6a: {  	s18 =	rddreg [dreg:$0x9]  }
0x6b: {  	[tilespmem:s26], [sflag:$0x2] =	stream.linear.gather [hbm4b:s18+s3], $0x80, $0x38;
	[tilespmem:$0x5900] =	vst v63  }
0x6c: {  	[bflag:$0x0] =	sbarrier.arrive $0xFFFF  }
0x6d: {  	s11 =	simm.s32 $0x0;
	s18 =	rddreg [dreg:$0xc]  }
.LBB2_2:
0x6e: {  	_ =	swait.ge [sflag:s28], $0x80  }
0x6f: {  	[sflag:s28] =	ssyncset.done $0x0  }
0x70: {  	[sflag:s28] =	ssyncadd.s32 $0xFFFFFF80  }
0x71: {  	_ =	swait.ge [sflag:s28], $0x80  }
0x72: {  	p0 =	seq.s32 s11, $0x0;
	[sflag:s28] =	ssyncset.done $0x0  }
0x73: {  	s12 =	simm.s32 @!p0 $0x3;
	[sflag:s28] =	ssyncadd.s32 $0xFFFFFF80  }
0x74: {  	_ =	swait.ge @!p0 [sflag:s12], $0x80  }
0x75: {  	[sflag:s12] =	ssyncset.done @!p0 $0x0  }
0x76: {  	[sflag:s12] =	ssyncadd.s32 @!p0 $0xFFFFFF80;
	s12 =	simm.s32 @!p0 $0x5  }
0x77: {  	_ =	swait.ge @!p0 [sflag:s12], $0x80  }
0x78: {  	[sflag:s12] =	ssyncset.done @!p0 $0x0  }
0x79: {  	[sflag:s12] =	ssyncadd.s32 @!p0 $0xFFFFFF80  }
0x7a: {  	v1 =	vld [tilespmem:$0x5000]  }
0x7b: {  	v2 =	vld [tilespmem:$0x5100];
	_ =	sdelay $0x6  }
0x7c: {  	v1 =	vld.idx.msk [tilespmem:v1+s3+$0x0], $0xffff  }
0x7d: {  	v3 =	vld.idx.msk [tilespmem:v2+s22+$0x0], $0xffff;
	_ =	sdelay $0x4  }
0x7e: {  	v1 =	vadd.f32 v3, v1;
	_ =	sdelay $0x1  }
0x7f: {  	v3 =	vmul.f32 $2.000000030e-01, v1  }
0x80: {  	vm0 =	vge.f32 v1, $0.0e+00  }
0x81: {  	v1 =	vsel vm0, v1, v3  }
0x82: {  	v1 =	vmul.f32 $1.442695020e+00, v1;
	_ =	sdelay $0x1  }
0x83: {  	(erf) = vpow2.f32 v1;
	_ =	sdelay $0x2  }
0x84: {  	v1 =	vld [tilespmem:$0x5010]  }
0x85: {  	v3 =	vld [tilespmem:$0x5110];
	_ =	sdelay $0x4  }
0x86: {  	[tilespmem:$0x5200] =	vst v2;
	v4 =	vpop (erf)  }
0x87: {  	[tilespmem:$0x5300] =	vst v4  }
0x88: {  	v1 =	vld.idx.msk [tilespmem:v1+s3+$0x0], $0xffff  }
0x89: {  	v2 =	vld.idx.msk [tilespmem:v3+s22+$0x0], $0xffff;
	_ =	sdelay $0x4  }
0x8a: {  	v1 =	vadd.f32 v2, v1;
	_ =	sdelay $0x1  }
0x8b: {  	v2 =	vmul.f32 $2.000000030e-01, v1  }
0x8c: {  	vm13 =	vge.f32 v1, $0.0e+00  }
0x8d: {  	v1 =	vsel vm13, v1, v2  }
0x8e: {  	v1 =	vmul.f32 $1.442695020e+00, v1;
	_ =	sdelay $0x1  }
0x8f: {  	(erf) = vpow2.f32 v1;
	_ =	sdelay $0x2  }
0x90: {  	v1 =	vld [tilespmem:$0x5020]  }
0x91: {  	v2 =	vld [tilespmem:$0x5120];
	_ =	sdelay $0x4  }
0x92: {  	[tilespmem:$0x5210] =	vst v3;
	v51 =	vpop (erf)  }
0x93: {  	[tilespmem:$0x5310] =	vst v51  }
0x94: {  	v1 =	vld.idx.msk [tilespmem:v1+s3+$0x0], $0xffff  }
0x95: {  	v3 =	vld.idx.msk [tilespmem:v2+s22+$0x0], $0xffff;
	_ =	sdelay $0x4  }
0x96: {  	v1 =	vadd.f32 v3, v1;
	_ =	sdelay $0x1  }
0x97: {  	v3 =	vmul.f32 $2.000000030e-01, v1  }
0x98: {  	vm14 =	vge.f32 v1, $0.0e+00  }
0x99: {  	v1 =	vsel vm14, v1, v3  }
0x9a: {  	v1 =	vmul.f32 $1.442695020e+00, v1;
	_ =	sdelay $0x1  }
0x9b: {  	(erf) = vpow2.f32 v1;
	_ =	sdelay $0x2  }
0x9c: {  	v1 =	vld [tilespmem:$0x5030]  }
0x9d: {  	v3 =	vld [tilespmem:$0x5130];
	_ =	sdelay $0x4  }
0x9e: {  	[tilespmem:$0x5220] =	vst v2;
	v52 =	vpop (erf)  }
0x9f: {  	[tilespmem:$0x5320] =	vst v52  }
0xa0: {  	v1 =	vld.idx.msk [tilespmem:v1+s3+$0x0], $0xffff  }
0xa1: {  	v2 =	vld.idx.msk [tilespmem:v3+s22+$0x0], $0xffff;
	_ =	sdelay $0x4  }
0xa2: {  	v1 =	vadd.f32 v2, v1;
	_ =	sdelay $0x1  }
0xa3: {  	v2 =	vmul.f32 $2.000000030e-01, v1  }
0xa4: {  	vm15 =	vge.f32 v1, $0.0e+00  }
0xa5: {  	v1 =	vsel vm15, v1, v2  }
0xa6: {  	v1 =	vmul.f32 $1.442695020e+00, v1;
	_ =	sdelay $0x1  }
0xa7: {  	(erf) = vpow2.f32 v1;
	_ =	sdelay $0x2  }
0xa8: {  	v1 =	vld [tilespmem:$0x5040]  }
0xa9: {  	v2 =	vld [tilespmem:$0x5140];
	_ =	sdelay $0x4  }
0xaa: {  	[tilespmem:$0x5230] =	vst v3;
	v53 =	vpop (erf)  }
0xab: {  	[tilespmem:$0x5330] =	vst v53  }
0xac: {  	v1 =	vld.idx.msk [tilespmem:v1+s3+$0x0], $0xffff  }
0xad: {  	v3 =	vld.idx.msk [tilespmem:v2+s22+$0x0], $0xffff;
	_ =	sdelay $0x4  }
0xae: {  	v1 =	vadd.f32 v3, v1;
	_ =	sdelay $0x1  }
0xaf: {  	v3 =	vmul.f32 $2.000000030e-01, v1  }
0xb0: {  	vm4 =	vge.f32 v1, $0.0e+00  }
0xb1: {  	v1 =	vsel vm4, v1, v3  }
0xb2: {  	v1 =	vmul.f32 $1.442695020e+00, v1;
	_ =	sdelay $0x1  }
0xb3: {  	(erf) = vpow2.f32 v1;
	_ =	sdelay $0x2  }
0xb4: {  	v1 =	vld [tilespmem:$0x5050]  }
0xb5: {  	v3 =	vld [tilespmem:$0x5150];
	_ =	sdelay $0x4  }
0xb6: {  	[tilespmem:$0x5240] =	vst v2;
	v54 =	vpop (erf)  }
0xb7: {  	[tilespmem:$0x5340] =	vst v54  }
0xb8: {  	v1 =	vld.idx.msk [tilespmem:v1+s3+$0x0], $0xffff  }
0xb9: {  	v2 =	vld.idx.msk [tilespmem:v3+s22+$0x0], $0xffff;
	_ =	sdelay $0x4  }
0xba: {  	v1 =	vadd.f32 v2, v1;
	_ =	sdelay $0x1  }
0xbb: {  	v2 =	vmul.f32 $2.000000030e-01, v1  }
0xbc: {  	vm5 =	vge.f32 v1, $0.0e+00  }
0xbd: {  	v1 =	vsel vm5, v1, v2  }
0xbe: {  	v1 =	vmul.f32 $1.442695020e+00, v1;
	_ =	sdelay $0x1  }
0xbf: {  	(erf) = vpow2.f32 v1;
	_ =	sdelay $0x2  }
0xc0: {  	v1 =	vld [tilespmem:$0x5060]  }
0xc1: {  	v2 =	vld [tilespmem:$0x5160];
	_ =	sdelay $0x4  }
0xc2: {  	[tilespmem:$0x5250] =	vst v3;
	v55 =	vpop (erf)  }
0xc3: {  	[tilespmem:$0x5350] =	vst v55  }
0xc4: {  	v1 =	vld.idx.msk [tilespmem:v1+s3+$0x0], $0xffff  }
0xc5: {  	v3 =	vld.idx.msk [tilespmem:v2+s22+$0x0], $0xffff;
	_ =	sdelay $0x4  }
0xc6: {  	v1 =	vadd.f32 v3, v1;
	_ =	sdelay $0x1  }
0xc7: {  	v3 =	vmul.f32 $2.000000030e-01, v1  }
0xc8: {  	vm6 =	vge.f32 v1, $0.0e+00  }
0xc9: {  	v1 =	vsel vm6, v1, v3  }
0xca: {  	v1 =	vmul.f32 $1.442695020e+00, v1;
	_ =	sdelay $0x1  }
0xcb: {  	(erf) = vpow2.f32 v1;
	_ =	sdelay $0x2  }
0xcc: {  	v1 =	vld [tilespmem:$0x5070]  }
0xcd: {  	v3 =	vld [tilespmem:$0x5170];
	_ =	sdelay $0x4  }
0xce: {  	[tilespmem:$0x5260] =	vst v2;
	v56 =	vpop (erf)  }
0xcf: {  	[tilespmem:$0x5360] =	vst v56  }
0xd0: {  	v1 =	vld.idx.msk [tilespmem:v1+s3+$0x0], $0xffff  }
0xd1: {  	v2 =	vld.idx.msk [tilespmem:v3+s22+$0x0], $0xffff;
	_ =	sdelay $0x4  }
0xd2: {  	v1 =	vadd.f32 v2, v1;
	_ =	sdelay $0x1  }
0xd3: {  	v2 =	vmul.f32 $2.000000030e-01, v1  }
0xd4: {  	vm7 =	vge.f32 v1, $0.0e+00  }
0xd5: {  	v1 =	vsel vm7, v1, v2  }
0xd6: {  	v1 =	vmul.f32 $1.442695020e+00, v1;
	_ =	sdelay $0x1  }
0xd7: {  	(erf) = vpow2.f32 v1;
	_ =	sdelay $0x8  }
0xd8: {  	[tilespmem:$0x5270] =	vst v3;
	v1 =	vpop (erf)  }
0xd9: {  	s13 =	sadd.s32 s11, s19;
	p1 =	seq.s32 s11, $0x500;
	[tilespmem:$0x5370] =	vst v1  }
0xda: {  	[hbm4b:s13+s3] =	stream.linear.scatter [tilespmem:s29], [sflag:$0x3], $0x80, $0x38;
	[tilespmem:$0x5900] =	vst v63  }
0xdb: {  	s12 =	sshrl.u32 @!p1 s18, $0x3  }
0xdc: {  	[spmem:s2] =	stream.indirect.scatter.add.f32 [tilespmem:s29], [sflag:$0x5], $0x1, s31, s30, $0xb8;
	[tilespmem:$0x5900] =	vst v63  }
0xdd: {  	s14 =	simm.s32 @!p1 $0x0;
	s10 =	simm.s32 @!p1 $0x5000;
	s13 =	sadd.s32 @!p1 s1, s12  }
0xde: {  	[tilespmem:s10], [sflag:$0x1] =	stream.linear.gather @!p1 [hbm4b:s13+s14], $0x80, $0x38;
	[tilespmem:$0x5900] =	vst v63  }
0xdf: {  	s10 =	sadd.s32 @!p1 s5, s12;
	s12 =	simm.s32 @!p1 $0x5100  }
0xe0: {  	[tilespmem:s12], [sflag:$0x1] =	stream.linear.gather @!p1 [hbm4b:s10+s14], $0x80, $0x38;
	[tilespmem:$0x5900] =	vst v63  }
0xe1: {  	_ =	swait.ge [sflag:s0], $0x80  }
0xe2: {  	[sflag:s0] =	ssyncset.done $0x0  }
0xe3: {  	[sflag:s0] =	ssyncadd.s32 $0xFFFFFF80  }
0xe4: {  	_ =	swait.ge [sflag:s0], $0x80  }
0xe5: {  	[sflag:s0] =	ssyncset.done $0x0  }
0xe6: {  	s10 =	simm.s32 @!p0 $0x4;
	[sflag:s0] =	ssyncadd.s32 $0xFFFFFF80  }
0xe7: {  	_ =	swait.ge @!p0 [sflag:s10], $0x80  }
0xe8: {  	[sflag:s10] =	ssyncset.done @!p0 $0x0  }
0xe9: {  	[sflag:s10] =	ssyncadd.s32 @!p0 $0xFFFFFF80;
	s10 =	simm.s32 @!p0 $0x6  }
0xea: {  	_ =	swait.ge @!p0 [sflag:s10], $0x80  }
0xeb: {  	[sflag:s10] =	ssyncset.done @!p0 $0x0  }
0xec: {  	[sflag:s10] =	ssyncadd.s32 @!p0 $0xFFFFFF80  }
0xed: {  	v1 =	vld [tilespmem:$0x5080]  }
0xee: {  	v2 =	vld [tilespmem:$0x5180];
	_ =	sdelay $0x6  }
0xef: {  	v1 =	vld.idx.msk [tilespmem:v1+s3+$0x0], $0xffff  }
0xf0: {  	v3 =	vld.idx.msk [tilespmem:v2+s22+$0x0], $0xffff;
	_ =	sdelay $0x4  }
0xf1: {  	v1 =	vadd.f32 v3, v1;
	_ =	sdelay $0x1  }
0xf2: {  	v3 =	vmul.f32 $2.000000030e-01, v1  }
0xf3: {  	vm8 =	vge.f32 v1, $0.0e+00  }
0xf4: {  	v1 =	vsel vm8, v1, v3  }
0xf5: {  	v1 =	vmul.f32 $1.442695020e+00, v1;
	_ =	sdelay $0x1  }
0xf6: {  	(erf) = vpow2.f32 v1;
	_ =	sdelay $0x2  }
0xf7: {  	v1 =	vld [tilespmem:$0x5090]  }
0xf8: {  	v3 =	vld [tilespmem:$0x5190];
	_ =	sdelay $0x4  }
0xf9: {  	[tilespmem:$0x5280] =	vst v2;
	v57 =	vpop (erf)  }
0xfa: {  	[tilespmem:$0x5380] =	vst v57  }
0xfb: {  	v1 =	vld.idx.msk [tilespmem:v1+s3+$0x0], $0xffff  }
0xfc: {  	v2 =	vld.idx.msk [tilespmem:v3+s22+$0x0], $0xffff;
	_ =	sdelay $0x4  }
0xfd: {  	v1 =	vadd.f32 v2, v1;
	_ =	sdelay $0x1  }
0xfe: {  	v2 =	vmul.f32 $2.000000030e-01, v1  }
0xff: {  	vm9 =	vge.f32 v1, $0.0e+00  }
0x100: {  	v1 =	vsel vm9, v1, v2  }
0x101: {  	v1 =	vmul.f32 $1.442695020e+00, v1;
	_ =	sdelay $0x1  }
0x102: {  	(erf) = vpow2.f32 v1;
	_ =	sdelay $0x2  }
0x103: {  	v1 =	vld [tilespmem:$0x50A0]  }
0x104: {  	v2 =	vld [tilespmem:$0x51A0];
	_ =	sdelay $0x4  }
0x105: {  	[tilespmem:$0x5290] =	vst v3;
	v58 =	vpop (erf)  }
0x106: {  	[tilespmem:$0x5390] =	vst v58  }
0x107: {  	v1 =	vld.idx.msk [tilespmem:v1+s3+$0x0], $0xffff  }
0x108: {  	v3 =	vld.idx.msk [tilespmem:v2+s22+$0x0], $0xffff;
	_ =	sdelay $0x4  }
0x109: {  	v1 =	vadd.f32 v3, v1;
	_ =	sdelay $0x1  }
0x10a: {  	v3 =	vmul.f32 $2.000000030e-01, v1  }
0x10b: {  	vm10 =	vge.f32 v1, $0.0e+00  }
0x10c: {  	v1 =	vsel vm10, v1, v3  }
0x10d: {  	v1 =	vmul.f32 $1.442695020e+00, v1;
	_ =	sdelay $0x1  }
0x10e: {  	(erf) = vpow2.f32 v1;
	_ =	sdelay $0x2  }
0x10f: {  	v1 =	vld [tilespmem:$0x50B0]  }
0x110: {  	v3 =	vld [tilespmem:$0x51B0];
	_ =	sdelay $0x4  }
0x111: {  	[tilespmem:$0x52A0] =	vst v2;
	v59 =	vpop (erf)  }
0x112: {  	[tilespmem:$0x53A0] =	vst v59  }
0x113: {  	v1 =	vld.idx.msk [tilespmem:v1+s3+$0x0], $0xffff  }
0x114: {  	v2 =	vld.idx.msk [tilespmem:v3+s22+$0x0], $0xffff;
	_ =	sdelay $0x4  }
0x115: {  	v1 =	vadd.f32 v2, v1;
	_ =	sdelay $0x1  }
0x116: {  	v2 =	vmul.f32 $2.000000030e-01, v1  }
0x117: {  	vm11 =	vge.f32 v1, $0.0e+00  }
0x118: {  	v1 =	vsel vm11, v1, v2  }
0x119: {  	v1 =	vmul.f32 $1.442695020e+00, v1;
	_ =	sdelay $0x1  }
0x11a: {  	(erf) = vpow2.f32 v1;
	_ =	sdelay $0x2  }
0x11b: {  	v1 =	vld [tilespmem:$0x50C0]  }
0x11c: {  	v2 =	vld [tilespmem:$0x51C0];
	_ =	sdelay $0x4  }
0x11d: {  	[tilespmem:$0x52B0] =	vst v3;
	v60 =	vpop (erf)  }
0x11e: {  	[tilespmem:$0x53B0] =	vst v60  }
0x11f: {  	v1 =	vld.idx.msk [tilespmem:v1+s3+$0x0], $0xffff  }
0x120: {  	v3 =	vld.idx.msk [tilespmem:v2+s22+$0x0], $0xffff;
	_ =	sdelay $0x4  }
0x121: {  	v1 =	vadd.f32 v3, v1;
	_ =	sdelay $0x1  }
0x122: {  	v3 =	vmul.f32 $2.000000030e-01, v1  }
0x123: {  	vm12 =	vge.f32 v1, $0.0e+00  }
0x124: {  	v1 =	vsel vm12, v1, v3  }
0x125: {  	v1 =	vmul.f32 $1.442695020e+00, v1;
	_ =	sdelay $0x1  }
0x126: {  	(erf) = vpow2.f32 v1;
	_ =	sdelay $0x2  }
0x127: {  	v1 =	vld [tilespmem:$0x50D0]  }
0x128: {  	v3 =	vld [tilespmem:$0x51D0];
	_ =	sdelay $0x4  }
0x129: {  	[tilespmem:$0x52C0] =	vst v2;
	v61 =	vpop (erf)  }
0x12a: {  	[tilespmem:$0x53C0] =	vst v61  }
0x12b: {  	v1 =	vld.idx.msk [tilespmem:v1+s3+$0x0], $0xffff  }
0x12c: {  	v2 =	vld.idx.msk [tilespmem:v3+s22+$0x0], $0xffff;
	_ =	sdelay $0x4  }
0x12d: {  	v1 =	vadd.f32 v2, v1;
	_ =	sdelay $0x1  }
0x12e: {  	v2 =	vmul.f32 $2.000000030e-01, v1  }
0x12f: {  	vm13 =	vge.f32 v1, $0.0e+00  }
0x130: {  	v1 =	vsel vm13, v1, v2  }
0x131: {  	v1 =	vmul.f32 $1.442695020e+00, v1;
	_ =	sdelay $0x1  }
0x132: {  	(erf) = vpow2.f32 v1;
	_ =	sdelay $0x2  }
0x133: {  	v1 =	vld [tilespmem:$0x50E0]  }
0x134: {  	v2 =	vld [tilespmem:$0x51E0];
	_ =	sdelay $0x4  }
0x135: {  	[tilespmem:$0x52D0] =	vst v3;
	v62 =	vpop (erf)  }
0x136: {  	[tilespmem:$0x53D0] =	vst v62  }
0x137: {  	v1 =	vld.idx.msk [tilespmem:v1+s3+$0x0], $0xffff  }
0x138: {  	v3 =	vld.idx.msk [tilespmem:v2+s22+$0x0], $0xffff;
	_ =	sdelay $0x4  }
0x139: {  	v1 =	vadd.f32 v3, v1;
	_ =	sdelay $0x1  }
0x13a: {  	v3 =	vmul.f32 $2.000000030e-01, v1  }
0x13b: {  	vm14 =	vge.f32 v1, $0.0e+00  }
0x13c: {  	v1 =	vsel vm14, v1, v3  }
0x13d: {  	v1 =	vmul.f32 $1.442695020e+00, v1;
	_ =	sdelay $0x1  }
0x13e: {  	(erf) = vpow2.f32 v1;
	_ =	sdelay $0x2  }
0x13f: {  	v1 =	vld [tilespmem:$0x50F0]  }
0x140: {  	v3 =	vld [tilespmem:$0x51F0];
	_ =	sdelay $0x4  }
0x141: {  	[tilespmem:$0x52E0] =	vst v2;
	v63 =	vpop (erf)  }
0x142: {  	[tilespmem:$0x53E0] =	vst v63  }
0x143: {  	v1 =	vld.idx.msk [tilespmem:v1+s3+$0x0], $0xffff  }
0x144: {  	v2 =	vld.idx.msk [tilespmem:v3+s22+$0x0], $0xffff;
	_ =	sdelay $0x4  }
0x145: {  	v1 =	vadd.f32 v2, v1;
	_ =	sdelay $0x1  }
0x146: {  	v2 =	vmul.f32 $2.000000030e-01, v1  }
0x147: {  	vm15 =	vge.f32 v1, $0.0e+00  }
0x148: {  	v1 =	vsel vm15, v1, v2  }
0x149: {  	v1 =	vmul.f32 $1.442695020e+00, v1;
	_ =	sdelay $0x1  }
0x14a: {  	(erf) = vpow2.f32 v1;
	_ =	sdelay $0x8  }
.Ltmp2:
0x14b: {  	[tilespmem:$0x52F0] =	vst v3;
	v1 =	vpop (erf);
	(pc) =	sbr.rel @p1 .LBB2_4-.Ltmp2, $4  }
0x14c: {  	s14 =	sadd.s32 s11, s17;
	[tilespmem:$0x53F0] =	vst v1  }
0x14d: {  	[hbm4b:s14+s3] =	stream.linear.scatter [tilespmem:s20], [sflag:$0x4], $0x80, $0x38;
	[tilespmem:$0x5900] =	vst v63  }
0x14e: {  	_ = 	snop  }
0x14f: {  	[spmem:s2] =	stream.indirect.scatter.add.f32 [tilespmem:s20], [sflag:$0x6], $0x1, s23, s30, $0xb8;
	[tilespmem:$0x5900] =	vst v63  }
.Ltmp3:
0x150: {  	(pc) =	sbr.rel .LBB2_2-.Ltmp3, $4  }
0x151: {  	s10 =	sadd.s32 s11, s16  }
0x152: {  	[tilespmem:s25], [sflag:$0x2] =	stream.linear.gather [hbm4b:s10+s3], $0x80, $0x38;
	[tilespmem:$0x5900] =	vst v63  }
0x153: {  	s14 =	sadd.s32 s11, s15;
	s11 =	sadd.s32 $0x20, s11;
	s18 =	sadd.s32 $0x100, s18  }
0x154: {  	[tilespmem:s26], [sflag:$0x2] =	stream.linear.gather [hbm4b:s14+s3], $0x80, $0x38;
	[tilespmem:$0x5900] =	vst v63  }
.LBB2_5:
0x155: {  	_ =	sfence.sel $0x180000  }
0x156: {  	[bflag:$0x0] =	sbarrier.arrive $0xFFFF  }
0x157: {  	_ =	strace $0x9000004D  }
0x158: {  	s0 =	stileid.u32;
	[bflag:$0x2] =	sbarrier.arrive $0xFFFF  }
0x159: {  	p0 =	sne.s32 s0, $0x0;
	s0 =	rddreg [dreg:$0x3]  }
0x15a: {  	s0 =	sadd.s32 @!p0 $0x100000, s0  }
0x15b: {  	[sflag:s0] =	ssyncadd.tile.s32 @!p0 $0x1;
	_ =	shalt  }
.Lfunc_end2:
_tile_overlayer_lowered:
.L_overlay_start_2:
0x15c: {  	(tag) =	ssettag $0x2  }
0x15d: {  	s0 =	rddreg [dreg:$0x0];
	s2 =	stileid.u32  }
0x15e: {  	s1 =	rddreg [dreg:$0x1];
	p0 =	sne.s32 s2, $0x0  }
0x15f: {  	s3 =	rddreg [dreg:$0x2];
	[bflag:$0x3] =	sbarrier.arrive $0xFFFF;
	s2 =	simm.s32 @!p0 $0x1C07  }
0x160: {  	[timem:s3], [sflag:s2] =	dma.local @!p0 [hbm:s0], s1  }
0x161: {  	s0 =	simm.s32 @!p0 $0x7  }
0x162: {  	_ =	swait.ge @!p0 [sflag:s0], s1  }
0x163: {  	s1 =	ssub.s32 @!p0 $0x0, s1;
	[sflag:s0] =	ssyncset.done @!p0 $0x0  }
0x164: {  	[sflag:s0] =	ssyncadd.s32 @!p0 s1  }
0x165: {  	[bflag:$0x3] =	sbarrier.arrive $0xFFFF  }
0x166: {  	_ =	shalt  }

// kernel: kernel.18.cloned.1.call-start
scs
__scs_entry_jumppad:
0x0: {  	(pc) =	sbr.rel $0x88, $3  }
0x1: {  	(tag) =	ssettag $0x0;
	lr =	simm.s32 $0x1  }
0x2: {  	[smem:$0x3F97] =	sst lr;
	_ =	strace $0xD0000000  }
0x3: {  	_ = 	snop  }
0x4: {  	_ = 	snop  }
0x5: {  	_ = 	snop  }
0x6: {  	_ = 	snop  }
0x7: {  	_ = 	snop  }
__scs_overlays_trampoline_lowered:
0x8: {  	[smem:$0x3FA6] =	sst s0  }
0x9: {  	[smem:$0x3FA7] =	sst s1  }
0xa: {  	[smem:$0x3FA8] =	sst s2  }
0xb: {  	[smem:$0x3FA9] =	sst s3  }
0xc: {  	[smem:$0x3FAA] =	sst s4  }
0xd: {  	[smem:$0x3FAB] =	sst s5  }
0xe: {  	[smem:$0x3FAC] =	sst s6  }
0xf: {  	[smem:$0x3FAD] =	sst s7  }
0x10: {  	[smem:$0x3FAE] =	sst s8  }
0x11: {  	[smem:$0x3FAF] =	sst s9;
	s0 =	simm.s32 @!p0 $0x0  }
0x12: {  	s1 =	sld [smem:$0x3F95];
	s0 =	simm.s32 @p0 $0x1  }
0x13: {  	[smem:$0x3FB0] =	sst s0;
	s0 =	simm.s32 @!p1 $0x0  }
0x14: {  	s2 =	sld [smem:$0x3F94];
	s0 =	simm.s32 @p1 $0x1  }
0x15: {  	[smem:$0x3FB1] =	sst s0;
	s0 =	simm.s32 @!p2 $0x0  }
0x16: {  	s3 =	sld [smem:$0x3FDB];
	s0 =	simm.s32 @p2 $0x1  }
0x17: {  	s4 =	simm.s32 $0x1BF5;
	[smem:$0x3FB3] =	sst s0  }
0x18: {  	s0 =	sld [smem:$0x3F96];
	_ =	swait.ge [sflag:s4], $0x0  }
0x19: {  	s7 =	sld [smem:$0x3F97]  }
0x1a: {  	s8 =	sadd.s32 $0xFFFFE003, lr  }
0x1b: {  	s9 =	sadd.s32 $0xFFFFFEF7, lr;
	s5 =	simm.s32 $0xFFFFFFFF;
	p2 =	slt.u32 s8, $0xFFFFF086  }
0x1c: {  	p1 =	slt.u32 s9, $0xF7A;
	s5 =	simm.s32 @!p2 $0x0  }
0x1d: {  	s5 =	simm.s32 @p1 $0x1;
	p0 =	seq.s32 s7, s2  }
0x1e: {  	s7 =	smul.u32 @!p0 $0xF7A, s2;
	p2 =	seq.s32 @!p0 s5, $0x0  }
0x1f: {  	s9 =	smul.u32 $0xF7A, s1;
	s8 =	simm.s32 @!p0 $0x1BF5;
	p2 =	por !p2, p0  }
0x20: {  	[sflag:s8] =	ssyncset.s32 @!p0 $0xFFFFF086;
	s6 =	sadd.s32 @!p0 s3, s7;
	s7 =	simm.s32 @!p0 $0x108  }
0x21: {  	s3 =	sadd.s32 s3, s9;
	s6 =	sadd.s32 @!p0 $0x88, s6;
	s7 =	simm.s32 @p2 $0x1082  }
0x22: {  	[simem:s7], [sflag:s8] =	dma.local @!p0 [hbm:s6], $0xF7A  }
0x23: {  	s9 =	sor.u32 $0xD0000000, s2;
	s6 =	simm.s32 $0x108;
	_ =	swait.ge @!p0 [sflag:s8], $0x0  }
0x24: {  	s3 =	sadd.s32 $0x88, s3;
	s6 =	simm.s32 @!p1 $0x1082;
	[sflag:s4] =	ssyncset.s32 $0xFFFFF086  }
0x25: {  	[simem:s6], [sflag:s4] =	dma.local [hbm:s3], $0xF7A  }
0x26: {  	[smem:$0x3F97] =	sst s1;
	(tag) =	ssettag s2;
	_ =	strace s9  }
0x27: {  	s1 =	sld [smem:$0x3FA7]  }
0x28: {  	s2 =	sld [smem:$0x3FA8]  }
0x29: {  	s4 =	sld [smem:$0x3FAA]  }
0x2a: {  	p0 =	seq.s32 s5, $0x0;
	s5 =	sld [smem:$0x3FAB]  }
0x2b: {  	s6 =	sld [smem:$0x3FAC]  }
0x2c: {  	s7 =	sld [smem:$0x3FAD]  }
0x2d: {  	s3 =	simm.s32 $0x108;
	s8 =	sld [smem:$0x3FAE]  }
0x2e: {  	s3 =	simm.s32 @!p0 $0x1082;
	s9 =	sld [smem:$0x3FAF]  }
0x2f: {  	lr =	sadd.s32 s0, s3;
	s0 =	sld [smem:$0x3FA6]  }
0x30: {  	s3 =	sld [smem:$0x3FA9]  }
0x31: {  	[smem:$0x3FB2] =	sst s10  }
0x32: {  	s10 =	sld [smem:$0x3FB0];
	_ =	sdelay $0x3  }
0x33: {  	p0 =	seq.s32 s10, $0x1;
	s10 =	sld [smem:$0x3FB2];
	_ =	sdelay $0x3  }
0x34: {  	[smem:$0x3FB2] =	sst s10  }
0x35: {  	s10 =	sld [smem:$0x3FB1];
	_ =	sdelay $0x3  }
0x36: {  	p1 =	seq.s32 s10, $0x1;
	s10 =	sld [smem:$0x3FB2];
	_ =	sdelay $0x3  }
0x37: {  	[smem:$0x3FB2] =	sst s10  }
0x38: {  	s10 =	sld [smem:$0x3FB3]  }
0x39: {  	_ = 	snop;
	(pc) =	sbr.ind lr, $3  }
0x3a: {  	_ = 	snop  }
0x3b: {  	_ = 	snop  }
0x3c: {  	p2 =	seq.s32 s10, $0x1;
	s10 =	sld [smem:$0x3FB2]  }
0x3d: {  	_ =	shalt  }
0x3e: {  	_ =	shalt  }
0x3f: {  	_ =	shalt  }
0x40: {  	_ =	shalt  }
0x41: {  	_ =	shalt  }
0x42: {  	_ =	shalt  }
0x43: {  	_ =	shalt  }
0x44: {  	_ =	shalt  }
0x45: {  	_ =	shalt  }
0x46: {  	_ =	shalt  }
0x47: {  	_ =	shalt  }
0x48: {  	_ =	shalt  }
0x49: {  	_ =	shalt  }
0x4a: {  	_ =	shalt  }
0x4b: {  	_ =	shalt  }
0x4c: {  	_ =	shalt  }
0x4d: {  	_ =	shalt  }
0x4e: {  	_ =	shalt  }
0x4f: {  	_ =	shalt  }
0x50: {  	_ =	shalt  }
0x51: {  	_ =	shalt  }
0x52: {  	_ =	shalt  }
0x53: {  	_ =	shalt  }
0x54: {  	_ =	shalt  }
0x55: {  	_ =	shalt  }
0x56: {  	_ =	shalt  }
0x57: {  	_ =	shalt  }
0x58: {  	_ =	shalt  }
0x59: {  	_ =	shalt  }
0x5a: {  	_ =	shalt  }
0x5b: {  	_ =	shalt  }
0x5c: {  	_ =	shalt  }
0x5d: {  	_ =	shalt  }
0x5e: {  	_ =	shalt  }
0x5f: {  	_ =	shalt  }
0x60: {  	_ =	shalt  }
0x61: {  	_ =	shalt  }
0x62: {  	_ =	shalt  }
0x63: {  	_ =	shalt  }
0x64: {  	_ =	shalt  }
0x65: {  	_ =	shalt  }
0x66: {  	_ =	shalt  }
0x67: {  	_ =	shalt  }
0x68: {  	_ =	shalt  }
0x69: {  	_ =	shalt  }
0x6a: {  	_ =	shalt  }
0x6b: {  	_ =	shalt  }
0x6c: {  	_ =	shalt  }
0x6d: {  	_ =	shalt  }
0x6e: {  	_ =	shalt  }
0x6f: {  	_ =	shalt  }
0x70: {  	_ =	shalt  }
0x71: {  	_ =	shalt  }
0x72: {  	_ =	shalt  }
0x73: {  	_ =	shalt  }
0x74: {  	_ =	shalt  }
0x75: {  	_ =	shalt  }
0x76: {  	_ =	shalt  }
0x77: {  	_ =	shalt  }
0x78: {  	_ =	shalt  }
0x79: {  	_ =	shalt  }
0x7a: {  	_ =	shalt  }
0x7b: {  	_ =	shalt  }
0x7c: {  	_ =	shalt  }
0x7d: {  	_ =	shalt  }
0x7e: {  	_ =	shalt  }
0x7f: {  	_ =	shalt  }
0x80: {  	_ =	shalt  }
0x81: {  	_ =	shalt  }
0x82: {  	_ =	shalt  }
0x83: {  	_ =	shalt  }
0x84: {  	_ =	shalt  }
0x85: {  	_ =	shalt  }
0x86: {  	_ =	shalt  }
0x87: {  	_ =	shalt  }
.Lfunc_end0:
.L_simem_size_0:
called_computation.3_lowered:
.L_overlay_start_0:
0x88: {  	s2 =	sld [smem:$0x3FD9]  }
0x89: {  	s3 =	sld [smem:$0x3FFE];
	_ =	sdelay $0x1  }
0x8a: {  	s1 =	srdreg.scid  }
0x8b: {  	s0 =	sand.u32 $0x1, s1  }
0x8c: {  	s17 =	sshll.u32 s0, $0xA;
	s2 =	sadd.s32 s3, s2  }
0x8d: {  	s2 =	sadd.s32 s2, s17  }
0x8e: {  	[smem:$0x3FBE] =	sst s2  }
0x8f: {  	_ = 	snop  }
0x90: {  	s2 =	sld [smem:$0x3FD0];
	(tm) =	ssettm $0x1  }
0x91: {  	s18 =	sld [smem:$0x3FFB];
	_ =	sdelay $0x3  }
0x92: {  	_ =	strace s18  }
0x93: {  	s3 =	sld [smem:$0x3FFC];
	_ =	sdelay $0x3  }
0x94: {  	_ =	strace s3  }
0x95: {  	s3 =	sld [smem:$0x3FFD];
	_ =	sdelay $0x3  }
0x96: {  	_ =	strace s3  }
0x97: {  	_ =	strace $0x8FFFFFFF  }
0x98: {  	s19 =	sld [smem:$0x3FDB];
	_ =	sdelay $0x1  }
0x99: {  	s4 =	simm.s32 $_scs_section_size  }
0x9a: {  	s5 =	simm.s32 $_size__tile_overlayer_lowered;
	s6 =	simm.s32 $_tile_overlayer_lowered  }
0x9b: {  	s22 =	simm.s32 $0x1BFF;
	s21 =	sshll.u32 s6, $0x1;
	s3 =	sadd.s32 s4, s19  }
0x9c: {  	s7 =	simm.s32 $0x0;
	s20 =	sshll.u32 s5, $0x1;
	s5 =	sadd.s32 s21, s3  }
0x9d: {  	[timem:s7], [sflag:s22] =	dma.local [hbm:s5], s20  }
0x9e: {  	_ =	swait.ge [sflag:s22], s20  }
0x9f: {  	s4 =	ssub.s32 $0x0, s20;
	[sflag:s22] =	ssyncset.done $0x0  }
0xa0: {  	[sflag:s22] =	ssyncadd.s32 s4;
	_ =	sdelay $0x1  }
0xa1: {  	s23 =	simm.s32 $0x1B8B  }
0xa2: {  	_ =	swait.ge [sflag:s23], $0x1  }
0xa3: {  	[sflag:s23] =	ssyncset.done $0x0  }
0xa4: {  	s25 =	simm.s32 $0x1B8E;
	s24 =	sld [smem:$0x3FFE];
	[sflag:s23] =	ssyncadd.s32 $0xFFFFFFFF  }
0xa5: {  	s26 =	simm.s32 $execute0_lowered;
	[smem:$0x3FD2] =	sst s25  }
0xa6: {  	s5 =	sshll.u32 s26, $0x1;
	_ =	strace $0x8000004F;
	[dreg:$0x1] =	wrdreg $0xFFFFFFFF  }
0xa7: {  	s28 =	simm.s32 $_size_execute0_lowered;
	s3 =	sadd.s32 s3, s5;
	[dreg:$0x0] =	wrdreg $0x0  }
0xa8: {  	s5 =	sshll.u32 s28, $0x1;
	[dreg:$0x2] =	wrdreg s3  }
0xa9: {  	[dreg:$0x3] =	wrdreg s5  }
0xaa: {  	[dreg:$0x4] =	wrdreg $0xC0  }
0xab: {  	_ =	task [dreg:s7], $0x5FFFF  }
0xac: {  	[dreg:$0x1] =	wrdreg $0xFFFFFFFF  }
0xad: {  	[dreg:$0x0] =	wrdreg $0x60  }
0xae: {  	[dreg:$0x2] =	wrdreg s2  }
0xaf: {  	[dreg:$0x3] =	wrdreg s24  }
0xb0: {  	[dreg:$0x4] =	wrdreg $0x84000  }
0xb1: {  	[dreg:$0x5] =	wrdreg $0x9  }
0xb2: {  	_ =	task.clear_ibuf [dreg:s7], $0x6FFFF;
	_ =	strace $0x9000004F  }
0xb3: {  	s29 =	simm.s32 $0x9;
	_ =	strace $0x80000051  }
0xb4: {  	_ =	swait.ge [sflag:s29], $0x1  }
0xb5: {  	[sflag:s29] =	ssyncadd.s32 $0xFFFFFFFF  }
0xb6: {  	_ =	strace $0x90000051  }
0xb7: {  	_ =	sfence  }
0xb8: {  	s30 =	sld [smem:$0x0];
	_ =	sdelay $0x2  }
0xb9: {  	s31 =	sshll.u32 s1, $0xD;
	s1 =	sshrl.u32 s1, $0x2  }
0xba: {  	s3 =	sand.u32 $0x4000, s31;
	s1 =	sadd.s32 s1, s30  }
0xbb: {  	s0 =	sor.u32 s3, s0;
	s1 =	sshll.u32 s1, $0x11  }
0xbc: {  	s0 =	sor.u32 s1, s0  }
0xbd: {  	s0 =	sadd.s32 $0x8F2B, s0  }
0xbe: {  	[sflag:s0] =	ssyncadd.remote.s32 $0x1  }
0xbf: {  	_ =	sfence.sel $0xFFFF  }
0xc0: {  	[dreg:$0x0] =	wrdreg $0xFFFFFFFF;
	(pc) =	sbr.abs _section_cstart, $3  }
0xc1: {  	[dreg:$0x1] =	wrdreg $0xFFFFFFFF  }
0xc2: {  	_ =	task.clear_ibuf [dreg:s7], $0x2FFFF;
	_ =	strace $0x9FFFFFFF  }
0xc3: {  	(tm) =	ssettm $0x7FFFFFFF  }
tec
execute0_lowered:
.L_overlay_start_1:
0x0: {  	(tag) =	ssettag $0x1  }
0x1: {  	s1 =	rddreg [dreg:$0x0]  }
0x2: {  	s0 =	rddreg [dreg:$0x1]  }
0x3: {  	s2 =	rddreg [dreg:$0x2];
	s3 =	simm.s32 $0x0;
	s4 =	srdreg.scid  }
0x4: {  	s13 =	stileid.u32;
	[smem:$0x7FF] =	sst s3;
	s5 =	sadd.s32 $0x1600, s0  }
0x5: {  	s6 =	sadd.s32 $0x35000, s0;
	s4 =	sand.u32 $0x1, s4;
	s10 =	smul.u32 $0x50000, s13  }
0x6: {  	s7 =	sadd.s32 $0xBA00, s0;
	s0 =	sadd.s32 $0x3F400, s0;
	s22 =	smul.u32 $0x14000, s13  }
0x7: {  	_ =	strace $0x80000050;
	s8 =	sshll.u32 s4, $0x4;
	s9 =	ssub.s32 $0x2, s4  }
0x8: {  	s4 =	smul.u32 $0x140000, s4;
	s8 =	sor.u32 s13, s8;
	s11 =	sshrl.u32 s9, $0x1  }
0x9: {  	s21 =	sshrl.u32 s10, $0x2;
	s26 =	sadd.s32 $0x4000, s22;
	s30 =	sadd.s32 $0x8000, s22  }
0xa: {  	s31 =	sadd.s32 $0xC000, s22;
	s10 =	sadd.s32 $0x10000, s22;
	s13 =	simm.s32 $0x1  }
0xb: {  	s12 =	smul.u32 $0x2900, s8;
	s9 =	ssub.s32 s9, s11;
	s8 =	sadd.s32 s21, s2  }
0xc: {  	s28 =	sadd.s32 s4, s22;
	s15 =	sadd.s32 s4, s26;
	s17 =	sadd.s32 s4, s31  }
0xd: {  	s15 =	sshrl.u32 s15, $0x3;
	s22 =	smax.u32 s9, $0x1;
	[dreg:$0x4] =	wrdreg s8  }
0xe: {  	s17 =	sshrl.u32 s17, $0x3;
	s29 =	sadd.s32 s0, s15;
	[dreg:$0x10] =	wrdreg s22  }
0xf: {  	s23 =	sshrl.u32 s12, $0x3;
	s19 =	sadd.s32 s0, s17;
	[dreg:$0xa] =	wrdreg s29  }
0x10: {  	s18 =	sadd.s32 s4, s30;
	s24 =	sadd.s32 s1, s23;
	[dreg:$0xc] =	wrdreg s19  }
0x11: {  	s4 =	sadd.s32 s4, s10;
	s25 =	sadd.s32 s5, s23;
	[dreg:$0x5] =	wrdreg s24  }
0x12: {  	s4 =	sshrl.u32 s4, $0x3;
	s14 =	sadd.s32 s6, s23;
	[dreg:$0x6] =	wrdreg s25  }
0x13: {  	s11 =	sor.u32 $0x10, s23;
	s23 =	sadd.s32 s26, s2;
	[dreg:$0x7] =	wrdreg s14  }
0x14: {  	s9 =	simm.s32 $0x300;
	s26 =	sadd.s32 s10, s2;
	[dreg:$0x11] =	wrdreg s23  }
0x15: {  	s15 =	simm.s32 $0x2;
	s29 =	sadd.s32 $0x8000, s8;
	[dreg:$0x14] =	wrdreg s26  }
0x16: {  	s17 =	simm.s32 $0x200;
	s16 =	sadd.s32 s1, s11;
	[dreg:$0x16] =	wrdreg s29  }
0x17: {  	s10 =	simm.s32 $0x80;
	s20 =	sadd.s32 s5, s11;
	[dreg:$0x8] =	wrdreg s16  }
0x18: {  	s19 =	simm.s32 $0x280;
	s21 =	sadd.s32 s6, s11;
	[dreg:$0xe] =	wrdreg s20  }
0x19: {  	s14 =	sshrl.u32 s28, $0x3;
	s24 =	sadd.s32 s30, s2;
	[dreg:$0xf] =	wrdreg s21  }
0x1a: {  	s25 =	sadd.s32 s31, s2;
	s28 =	sadd.s32 $0x4000, s8;
	[dreg:$0x12] =	wrdreg s24  }
0x1b: {  	s30 =	sadd.s32 $0xC000, s8;
	s31 =	sadd.s32 $0x10000, s8;
	[dreg:$0x13] =	wrdreg s25  }
0x1c: {  	s11 =	simm.s32 $0x180;
	s14 =	sadd.s32 s0, s14;
	[dreg:$0x15] =	wrdreg s28  }
0x1d: {  	s16 =	sshrl.u32 s18, $0x3;
	s20 =	sadd.s32 $0x100, s12;
	[dreg:$0x17] =	wrdreg s30  }
.Ltmp0:
0x1e: {  	s21 =	sadd.s32 $0x180, s12;
	[dreg:$0x18] =	wrdreg s31;
	(pc) =	sbr.rel .LBB2_1-.Ltmp0, $4  }
0x1f: {  	s12 =	simm.s32 $0x380;
	s18 =	simm.s32 $0x4;
	s24 =	simm.s32 $0x0  }
0x20: {  	[dreg:$0x9] =	wrdreg s14;
	s16 =	sadd.s32 s0, s16;
	s0 =	sadd.s32 s0, s4  }
0x21: {  	s4 =	simm.s32 $0x7;
	s14 =	simm.s32 $0x3;
	[dreg:$0xb] =	wrdreg s16  }
0x22: {  	v0 =	vimm.f32 $0.0e+00;
	[dreg:$0xd] =	wrdreg s0;
	s0 =	simm.s32 $0x400;
	s16 =	simm.s32 $0x4400  }
.LBB2_10:
0x23: {  	s8 =	simm.s32 $0x5  }
0x24: {  	_ =	swait.ge [sflag:s8], $0x4000  }
0x25: {  	[sflag:s8] =	ssyncset.done $0x0  }
0x26: {  	s29 =	simm.s32 $0x6;
	[sflag:s8] =	ssyncadd.s32 $0xFFFFC000  }
0x27: {  	_ =	swait.ge [sflag:s29], $0x4000  }
0x28: {  	[sflag:s29] =	ssyncset.done $0x0  }
0x29: {  	[sflag:s29] =	ssyncadd.s32 $0xFFFFC000  }
0x2a: {  	[bflag:$0x0] =	sbarrier.arrive $0xFFFF  }
0x2b: {  	s8 =	rddreg [dreg:$0x4]  }
0x2c: {  	[tilespmem:s0], [sflag:$0x7] =	stream.linear.gather [spmem:s8], $0x4000, $0x38;
	[tilespmem:$0x1C400] =	vst v63  }
0x2d: {  	_ =	swait.ge [sflag:s4], $0x4000  }
0x2e: {  	[sflag:s4] =	ssyncset.done $0x0  }
0x2f: {  	s22 =	rddreg [dreg:$0x9];
	[sflag:s4] =	ssyncadd.s32 $0xFFFFC000  }
0x30: {  	[hbm4b:s22+s3] =	stream.linear.scatter [tilespmem:s0], [sflag:$0x7], $0x4000, $0x38;
	[tilespmem:$0x1C400] =	vst v63  }
0x31: {  	_ =	swait.ge [sflag:s4], $0x4000  }
0x32: {  	[sflag:s4] =	ssyncset.done $0x0  }
0x33: {  	s30 =	rddreg [dreg:$0x11];
	[sflag:s4] =	ssyncadd.s32 $0xFFFFC000  }
0x34: {  	[tilespmem:s0], [sflag:$0x7] =	stream.linear.gather [spmem:s30], $0x4000, $0x38;
	[tilespmem:$0x1C400] =	vst v63  }
0x35: {  	_ =	swait.ge [sflag:s4], $0x4000  }
0x36: {  	[sflag:s4] =	ssyncset.done $0x0  }
0x37: {  	s31 =	rddreg [dreg:$0xa];
	[sflag:s4] =	ssyncadd.s32 $0xFFFFC000  }
0x38: {  	[hbm4b:s31+s3] =	stream.linear.scatter [tilespmem:s0], [sflag:$0x7], $0x4000, $0x38;
	[tilespmem:$0x1C400] =	vst v63  }
0x39: {  	_ =	swait.ge [sflag:s4], $0x4000  }
0x3a: {  	[sflag:s4] =	ssyncset.done $0x0  }
0x3b: {  	s23 =	rddreg [dreg:$0x12];
	[sflag:s4] =	ssyncadd.s32 $0xFFFFC000  }
0x3c: {  	[tilespmem:s0], [sflag:$0x7] =	stream.linear.gather [spmem:s23], $0x4000, $0x38;
	[tilespmem:$0x1C400] =	vst v63  }
0x3d: {  	_ =	swait.ge [sflag:s4], $0x4000  }
0x3e: {  	[sflag:s4] =	ssyncset.done $0x0  }
0x3f: {  	s25 =	rddreg [dreg:$0xb];
	[sflag:s4] =	ssyncadd.s32 $0xFFFFC000  }
0x40: {  	[hbm4b:s25+s3] =	stream.linear.scatter [tilespmem:s0], [sflag:$0x7], $0x4000, $0x38;
	[tilespmem:$0x1C400] =	vst v63  }
0x41: {  	_ =	swait.ge [sflag:s4], $0x4000  }
0x42: {  	[sflag:s4] =	ssyncset.done $0x0  }
0x43: {  	s26 =	rddreg [dreg:$0x13];
	[sflag:s4] =	ssyncadd.s32 $0xFFFFC000  }
0x44: {  	[tilespmem:s0], [sflag:$0x7] =	stream.linear.gather [spmem:s26], $0x4000, $0x38;
	[tilespmem:$0x1C400] =	vst v63  }
0x45: {  	_ =	swait.ge [sflag:s4], $0x4000  }
0x46: {  	[sflag:s4] =	ssyncset.done $0x0  }
0x47: {  	s28 =	rddreg [dreg:$0xc];
	[sflag:s4] =	ssyncadd.s32 $0xFFFFC000  }
0x48: {  	[hbm4b:s28+s3] =	stream.linear.scatter [tilespmem:s0], [sflag:$0x7], $0x4000, $0x38;
	[tilespmem:$0x1C400] =	vst v63  }
0x49: {  	_ =	swait.ge [sflag:s4], $0x4000  }
0x4a: {  	[sflag:s4] =	ssyncset.done $0x0  }
0x4b: {  	s29 =	rddreg [dreg:$0x14];
	[sflag:s4] =	ssyncadd.s32 $0xFFFFC000  }
0x4c: {  	[tilespmem:s0], [sflag:$0x7] =	stream.linear.gather [spmem:s29], $0x4000, $0x38;
	[tilespmem:$0x1C400] =	vst v63  }
0x4d: {  	_ =	swait.ge [sflag:s4], $0x4000  }
0x4e: {  	[sflag:s4] =	ssyncset.done $0x0  }
0x4f: {  	s30 =	rddreg [dreg:$0xd];
	[sflag:s4] =	ssyncadd.s32 $0xFFFFC000  }
0x50: {  	[hbm4b:s30+s3] =	stream.linear.scatter [tilespmem:s0], [sflag:$0x7], $0x4000, $0x38;
	[tilespmem:$0x1C400] =	vst v63  }
0x51: {  	_ =	swait.ge [sflag:s4], $0x4000  }
0x52: {  	s24 =	sadd.s32 $0x1, s24;
	s31 =	rddreg [dreg:$0x10]  }
0x53: {  	p0 =	sne.s32 s24, s31  }
.Ltmp1:
0x54: {  	_ = 	snop;
	(pc) =	sbr.rel @!p0 .LBB2_11-.Ltmp1, $3  }
0x55: {  	_ =	sdelay $0x1  }
0x56: {  	[sflag:s4] =	ssyncset.done $0x0  }
0x57: {  	[sflag:s4] =	ssyncadd.s32 $0xFFFFC000  }
.LBB2_1:
0x58: {  	s22 =	simm.s32 $0x0;
	s25 =	simm.s32 $0x200  }
.LBB2_2:
0x59: {  	p0 =	sne.s32 s25, $0xFE00;
	[tilespmem:s22+$0x470] =	vst v0  }
0x5a: {  	[tilespmem:s22+$0x400] =	vst v0  }
0x5b: {  	[tilespmem:s22+$0x410] =	vst v0  }
.Ltmp2:
0x5c: {  	[tilespmem:s22+$0x420] =	vst v0;
	(pc) =	sbr.rel @p0 .LBB2_2-.Ltmp2, $4  }
0x5d: {  	[tilespmem:s22+$0x430] =	vst v0  }
0x5e: {  	[tilespmem:s22+$0x440] =	vst v0  }
0x5f: {  	[tilespmem:s22+$0x450] =	vst v0  }
0x60: {  	[tilespmem:s22+$0x460] =	vst v0;
	s22 =	sshra.s32 s25, $0x2;
	s25 =	sadd.s32 $0x200, s25  }
0x61: {  	[tilespmem:s22+$0x470] =	vst v0  }
0x62: {  	[tilespmem:s22+$0x400] =	vst v0  }
0x63: {  	[tilespmem:s22+$0x410] =	vst v0  }
0x64: {  	[tilespmem:s22+$0x420] =	vst v0  }
0x65: {  	[tilespmem:s22+$0x430] =	vst v0  }
0x66: {  	[tilespmem:s22+$0x440] =	vst v0  }
0x67: {  	[tilespmem:s22+$0x450] =	vst v0  }
0x68: {  	[tilespmem:s22+$0x460] =	vst v0  }
0x69: {  	[spmem:s8] =	stream.linear.scatter [tilespmem:s0], [sflag:$0x7], $0x4000, $0x38;
	[tilespmem:$0x1C400] =	vst v63  }
0x6a: {  	_ =	swait.ge [sflag:s4], $0x4000  }
0x6b: {  	[sflag:s4] =	ssyncset.done $0x0  }
0x6c: {  	s28 =	rddreg [dreg:$0x15];
	[sflag:s4] =	ssyncadd.s32 $0xFFFFC000  }
0x6d: {  	[spmem:s28] =	stream.linear.scatter [tilespmem:s0], [sflag:$0x7], $0x4000, $0x38;
	[tilespmem:$0x1C400] =	vst v63  }
0x6e: {  	_ =	swait.ge [sflag:s4], $0x4000  }
0x6f: {  	[sflag:s4] =	ssyncset.done $0x0  }
0x70: {  	s29 =	rddreg [dreg:$0x16];
	[sflag:s4] =	ssyncadd.s32 $0xFFFFC000  }
0x71: {  	[spmem:s29] =	stream.linear.scatter [tilespmem:s0], [sflag:$0x7], $0x4000, $0x38;
	[tilespmem:$0x1C400] =	vst v63  }
0x72: {  	_ =	swait.ge [sflag:s4], $0x4000  }
0x73: {  	[sflag:s4] =	ssyncset.done $0x0  }
0x74: {  	s30 =	rddreg [dreg:$0x17];
	[sflag:s4] =	ssyncadd.s32 $0xFFFFC000  }
0x75: {  	[spmem:s30] =	stream.linear.scatter [tilespmem:s0], [sflag:$0x7], $0x4000, $0x38;
	[tilespmem:$0x1C400] =	vst v63  }
0x76: {  	_ =	swait.ge [sflag:s4], $0x4000  }
0x77: {  	[sflag:s4] =	ssyncset.done $0x0  }
0x78: {  	s31 =	rddreg [dreg:$0x18];
	[sflag:s4] =	ssyncadd.s32 $0xFFFFC000  }
0x79: {  	[spmem:s31] =	stream.linear.scatter [tilespmem:s0], [sflag:$0x7], $0x4000, $0x38;
	[tilespmem:$0x1C400] =	vst v63  }
0x7a: {  	_ =	swait.ge [sflag:s4], $0x4000  }
0x7b: {  	[sflag:s4] =	ssyncset.done $0x0  }
0x7c: {  	s25 =	simm.s32 $0x0;
	s22 =	rddreg [dreg:$0x5];
	[sflag:s4] =	ssyncadd.s32 $0xFFFFC000  }
0x7d: {  	[tilespmem:s25], [sflag:$0x1] =	stream.linear.gather [hbm4b:s22+s25], $0x80, $0x38;
	[tilespmem:$0x1C400] =	vst v63  }
0x7e: {  	s26 =	simm.s32 $0x100;
	s23 =	rddreg [dreg:$0x6]  }
0x7f: {  	[tilespmem:s26], [sflag:$0x1] =	stream.linear.gather [hbm4b:s23+s25], $0x80, $0x38;
	[tilespmem:$0x1C400] =	vst v63  }
0x80: {  	s28 =	rddreg [dreg:$0x7]  }
0x81: {  	[tilespmem:s9], [sflag:$0x1] =	stream.linear.gather [hbm4b:s28+s25], $0x80, $0x38;
	[tilespmem:$0x1C400] =	vst v63  }
0x82: {  	s29 =	rddreg [dreg:$0x8]  }
0x83: {  	[tilespmem:s10], [sflag:$0x2] =	stream.linear.gather [hbm4b:s29+s25], $0x80, $0x38;
	[tilespmem:$0x1C400] =	vst v63  }
0x84: {  	s30 =	rddreg [dreg:$0xe]  }
0x85: {  	[tilespmem:s11], [sflag:$0x2] =	stream.linear.gather [hbm4b:s30+s25], $0x80, $0x38;
	[tilespmem:$0x1C400] =	vst v63  }
0x86: {  	s31 =	rddreg [dreg:$0xf]  }
0x87: {  	[tilespmem:s12], [sflag:$0x2] =	stream.linear.gather [hbm4b:s31+s25], $0x80, $0x38;
	[tilespmem:$0x1C400] =	vst v63  }
0x88: {  	[bflag:$0x0] =	sbarrier.arrive $0xFFFF  }
0x89: {  	_ =	swait.ge [sflag:s13], $0x80  }
0x8a: {  	[sflag:s13] =	ssyncset.done $0x0  }
0x8b: {  	[sflag:s13] =	ssyncadd.s32 $0xFFFFFF80  }
0x8c: {  	_ =	swait.ge [sflag:s13], $0x80  }
0x8d: {  	[sflag:s13] =	ssyncset.done $0x0  }
0x8e: {  	[sflag:s13] =	ssyncadd.s32 $0xFFFFFF80  }
0x8f: {  	_ =	swait.ge [sflag:s13], $0x80  }
0x90: {  	[sflag:s13] =	ssyncset.done $0x0  }
0x91: {  	s26 =	simm.s32 $0x0;
	[sflag:s13] =	ssyncadd.s32 $0xFFFFFF80  }
0x92: {  	[tilespmem:s0], [sflag:$0x3] =	stream.indirect.gather [hbm4b:s7+s10], $0x80, s25, s10, $0xb8;
	[tilespmem:$0x1C400] =	vst v63  }
.LBB2_4:
0x93: {  	v1 =	vld [tilespmem:$0x100]  }
0x94: {  	v2 =	vld [tilespmem:$0x110]  }
0x95: {  	v3 =	vld [tilespmem:$0x120]  }
0x96: {  	v4 =	vld [tilespmem:$0x130]  }
0x97: {  	v5 =	vld [tilespmem:$0x140]  }
0x98: {  	[tilespmem:$0x200] =	vst v1;
	v1 =	vld [tilespmem:$0x150]  }
0x99: {  	[tilespmem:$0x210] =	vst v2;
	v2 =	vld [tilespmem:$0x160]  }
0x9a: {  	[tilespmem:$0x220] =	vst v3;
	v3 =	vld [tilespmem:$0x170]  }
0x9b: {  	[tilespmem:$0x230] =	vst v4  }
0x9c: {  	[tilespmem:$0x240] =	vst v5  }
0x9d: {  	[tilespmem:$0x250] =	vst v1  }
0x9e: {  	[tilespmem:$0x260] =	vst v2  }
0x9f: {  	[tilespmem:$0x270] =	vst v3  }
0xa0: {  	_ =	swait.ge [sflag:s14], $0x4000  }
0xa1: {  	p0 =	seq.s32 s26, $0x0;
	[sflag:s14] =	ssyncset.done $0x0  }
0xa2: {  	s22 =	simm.s32 @!p0 $0x6;
	[sflag:s14] =	ssyncadd.s32 $0xFFFFC000  }
0xa3: {  	_ =	swait.ge @!p0 [sflag:s22], $0x4000  }
0xa4: {  	[sflag:s22] =	ssyncset.done @!p0 $0x0  }
0xa5: {  	[sflag:s22] =	ssyncadd.s32 @!p0 $0xFFFFC000  }
0xa6: {  	_ =	swait.ge [sflag:s15], $0x80  }
0xa7: {  	[sflag:s15] =	ssyncset.done $0x0  }
0xa8: {  	[sflag:s15] =	ssyncadd.s32 $0xFFFFFF80  }
0xa9: {  	v1 =	vmov s25;
	_ =	swait.ge [sflag:s15], $0x80  }
0xaa: {  	v1 =	vand.u32 $0xFFFFFFFC, v1;
	[sflag:s15] =	ssyncset.done $0x0  }
0xab: {  	v1 =	vbroadcast v1, $0x0;
	[sflag:s15] =	ssyncadd.s32 $0xFFFFFF80  }
0xac: {  	_ =	swait.ge [sflag:s15], $0x80  }
0xad: {  	[sflag:s15] =	ssyncset.done $0x0  }
0xae: {  	s29 =	simm.s32 $0x500;
	[sflag:s15] =	ssyncadd.s32 $0xFFFFFF80  }
0xaf: {  	[tilespmem:s16], [sflag:$0x4] =	stream.indirect.gather [hbm4b:s7+s10], $0x80, s10, s10, $0xb8;
	[tilespmem:$0x1C400] =	vst v63  }
0xb0: {  	v2 =	vld [tilespmem:s29+$0xFFFFFF70]  }
0xb1: {  	v1 =	vld.idx.msk [tilespmem:v1+s9+$0x0], $0xffff  }
0xb2: {  	v3 =	vld [tilespmem:s29+$0xFFFFFF00]  }
0xb3: {  	v4 =	vld [tilespmem:s29+$0xFFFFFF20]  }
0xb4: {  	v5 =	vld [tilespmem:s29+$0xFFFFFF50]  }
0xb5: {  	v6 =	vld [tilespmem:s29+$0xFFFFFF40]  }
0xb6: {  	v7 =	vld [tilespmem:s29+$0xFFFFFF60];
	v2 =	vmul.f32 v2, v1  }
0xb7: {  	s8 =	simm.s32 $0x1;
	v8 =	vld [tilespmem:s29+$0xFFFFFF30];
	v3 =	vmul.f32 v3, v1  }
0xb8: {  	v9 =	vld [tilespmem:s29+$0xFFFFFF10];
	v4 =	vmul.f32 v4, v1;
	[tilespmem:s29+$0xFFFFFF70] =	vst v2;
	v2 =	vmov s8  }
0xb9: {  	v5 =	vmul.f32 v5, v1;
	[tilespmem:s29+$0xFFFFFF00] =	vst v3;
	v2 =	vand.u32 $0xFFFFFFFD, v2  }
0xba: {  	v3 =	vmul.f32 v6, v1;
	[tilespmem:s29+$0xFFFFFF20] =	vst v4;
	v2 =	vbroadcast v2, $0x0  }
0xbb: {  	v4 =	vmul.f32 v7, v1;
	[tilespmem:s29+$0xFFFFFF50] =	vst v5  }
0xbc: {  	v5 =	vmul.f32 v8, v1;
	[tilespmem:s29+$0xFFFFFF40] =	vst v3  }
0xbd: {  	v1 =	vmul.f32 v9, v1;
	[tilespmem:s29+$0xFFFFFF60] =	vst v4  }
0xbe: {  	[tilespmem:s29+$0xFFFFFF30] =	vst v5  }
0xbf: {  	[tilespmem:s29+$0xFFFFFF10] =	vst v1;
	v1 =	vld [tilespmem:s29+$0xFFFFFF90]  }
0xc0: {  	v3 =	vld.idx.msk [tilespmem:v2+s9+$0x0], $0xffff  }
0xc1: {  	v2 =	vld [tilespmem:s29+$0xFFFFFFA0]  }
0xc2: {  	v4 =	vld [tilespmem:s29+$0xFFFFFF80]  }
0xc3: {  	v5 =	vld [tilespmem:s29+$0xFFFFFFB0]  }
0xc4: {  	v6 =	vld [tilespmem:s29+$0xFFFFFFC0]  }
0xc5: {  	v7 =	vld [tilespmem:s29+$0xFFFFFFD0];
	v1 =	vmul.f32 v1, v3  }
0xc6: {  	s23 =	simm.s32 $0x2;
	v8 =	vld [tilespmem:s29+$0xFFFFFFF0];
	v2 =	vmul.f32 v2, v3  }
0xc7: {  	v63 =	vld [tilespmem:s29+$0xFFFFFFE0];
	v4 =	vmul.f32 v4, v3;
	[tilespmem:s29+$0xFFFFFF90] =	vst v1;
	v1 =	vmov s23  }
0xc8: {  	v5 =	vmul.f32 v5, v3;
	[tilespmem:s29+$0xFFFFFFA0] =	vst v2;
	v1 =	vand.u32 $0xFFFFFFFE, v1  }
0xc9: {  	v2 =	vmul.f32 v6, v3;
	[tilespmem:s29+$0xFFFFFF80] =	vst v4;
	v6 =	vld [tilespmem:s29+$0x60];
	v10 =	vbroadcast v1, $0x0  }
0xca: {  	v4 =	vmul.f32 v7, v3;
	[tilespmem:s29+$0xFFFFFFB0] =	vst v5;
	v7 =	vld [tilespmem:s29+$0x0]  }
0xcb: {  	v5 =	vmul.f32 v8, v3;
	v1 =	vld [tilespmem:s29+$0x20];
	[tilespmem:s29+$0xFFFFFFC0] =	vst v2  }
0xcc: {  	v3 =	vmul.f32 v63, v3;
	v2 =	vld [tilespmem:s29+$0x30];
	[tilespmem:s29+$0xFFFFFFD0] =	vst v4  }
0xcd: {  	[tilespmem:s29+$0xFFFFFFF0] =	vst v5;
	v4 =	vld [tilespmem:s29+$0x40]  }
0xce: {  	s28 =	sshll.u32 s26, $0x8;
	[tilespmem:s29+$0xFFFFFFE0] =	vst v3;
	v5 =	vld [tilespmem:s29+$0x10]  }
0xcf: {  	s31 =	simm.s32 $0x4;
	s30 =	simm.s32 $0x0;
	s22 =	simm.s32 $0x500;
	v3 =	vld.idx.msk [tilespmem:v10+s9+$0x0], $0xffff  }
.LBB2_5:
0xd0: {  	p0 =	sne.s32 s31, $0x7C  }
0xd1: {  	v8 =	vld [tilespmem:s29+$0x50];
	s22 =	sadd.s32 $0x200, s22;
	s23 =	smov.u32 s31;
	s31 =	sadd.s32 $0x4, s31  }
0xd2: {  	v9 =	vld [tilespmem:s29+$0x70];
	_ =	sdelay $0x1  }
0xd3: {  	v6 =	vmul.f32 v6, v3;
	v7 =	vmul.f32 v7, v3  }
0xd4: {  	v4 =	vmul.f32 v4, v3;
	v5 =	vmul.f32 v5, v3  }
0xd5: {  	v1 =	vmul.f32 v1, v3;
	v2 =	vmul.f32 v2, v3;
	[tilespmem:s29+$0x60] =	vst v6  }
0xd6: {  	[tilespmem:s29+$0x40] =	vst v4;
	v4 =	vmul.f32 v8, v3;
	v3 =	vmul.f32 v9, v3  }
0xd7: {  	s8 =	sadd.s32 $0x3, s30;
	s30 =	smov.u32 s23;
	[tilespmem:s29+$0x20] =	vst v1;
	v6 =	vld [tilespmem:s29+$0x80]  }
0xd8: {  	v1 =	vld [tilespmem:s22+$0x20];
	[tilespmem:s29+$0x0] =	vst v7;
	v7 =	vmov s8  }
0xd9: {  	[tilespmem:s29+$0x50] =	vst v4;
	v4 =	vld [tilespmem:s29+$0xE0]  }
0xda: {  	[tilespmem:s29+$0x30] =	vst v2;
	v8 =	vld [tilespmem:s29+$0xC0]  }
0xdb: {  	v2 =	vld [tilespmem:s22+$0x30];
	[tilespmem:s29+$0x10] =	vst v5  }
0xdc: {  	[tilespmem:s29+$0x70] =	vst v3;
	v3 =	vld [tilespmem:s29+$0xA0]  }
0xdd: {  	v5 =	vld.idx.msk [tilespmem:v7+s9+$0x0], $0xffff  }
0xde: {  	v7 =	vld [tilespmem:s29+$0x90]  }
0xdf: {  	v9 =	vld [tilespmem:s29+$0xB0]  }
0xe0: {  	v10 =	vld [tilespmem:s29+$0xD0]  }
0xe1: {  	v11 =	vld [tilespmem:s29+$0xF0];
	_ =	sdelay $0x1  }
0xe2: {  	v6 =	vmul.f32 v6, v5;
	v7 =	vmul.f32 v7, v5  }
0xe3: {  	v3 =	vmul.f32 v3, v5;
	v9 =	vmul.f32 v9, v5  }
0xe4: {  	v12 =	vmov s30;
	[tilespmem:s29+$0x80] =	vst v6;
	v6 =	vmul.f32 v8, v5;
	v8 =	vmul.f32 v10, v5  }
0xe5: {  	v10 =	vand.u32 $0xFFFFFFFC, v12;
	[tilespmem:s29+$0xA0] =	vst v3;
	v3 =	vmul.f32 v4, v5;
	v4 =	vmul.f32 v11, v5  }
0xe6: {  	v5 =	vbroadcast v10, $0x0;
	[tilespmem:s29+$0xC0] =	vst v6  }
0xe7: {  	[tilespmem:s29+$0xF0] =	vst v4  }
0xe8: {  	v4 =	vld [tilespmem:s22+$0xFFFFFF40];
	[tilespmem:s29+$0xE0] =	vst v3  }
0xe9: {  	v3 =	vld [tilespmem:s22+$0xFFFFFF50];
	[tilespmem:s29+$0x90] =	vst v7  }
0xea: {  	v6 =	vld [tilespmem:s22+$0xFFFFFF60];
	[tilespmem:s29+$0xB0] =	vst v9  }
0xeb: {  	v7 =	vld [tilespmem:s22+$0xFFFFFF70];
	[tilespmem:s29+$0xD0] =	vst v8;
	s29 =	smov.u32 s22  }
0xec: {  	v5 =	vld.idx.msk [tilespmem:v5+s9+$0x0], $0xffff  }
0xed: {  	v8 =	vld [tilespmem:s22+$0xFFFFFF00]  }
0xee: {  	v9 =	vld [tilespmem:s22+$0xFFFFFF20]  }
0xef: {  	v10 =	vld [tilespmem:s22+$0xFFFFFF10]  }
0xf0: {  	v11 =	vld [tilespmem:s22+$0xFFFFFF30];
	_ =	sdelay $0x1  }
0xf1: {  	v7 =	vmul.f32 v7, v5;
	v8 =	vmul.f32 v8, v5  }
0xf2: {  	s8 =	sadd.s32 $0x1, s30;
	v6 =	vmul.f32 v6, v5;
	v9 =	vmul.f32 v9, v5  }
0xf3: {  	v3 =	vmul.f32 v3, v5;
	v10 =	vmul.f32 v10, v5;
	[tilespmem:s22+$0xFFFFFF70] =	vst v7;
	v7 =	vmov s8  }
0xf4: {  	v4 =	vmul.f32 v4, v5;
	[tilespmem:s22+$0xFFFFFF00] =	vst v8;
	v8 =	vmul.f32 v11, v5;
	v5 =	vand.u32 $0xFFFFFFFD, v7  }
0xf5: {  	[tilespmem:s22+$0xFFFFFF20] =	vst v9;
	v5 =	vbroadcast v5, $0x0  }
0xf6: {  	[tilespmem:s22+$0xFFFFFF50] =	vst v3  }
0xf7: {  	[tilespmem:s22+$0xFFFFFF40] =	vst v4;
	v3 =	vld [tilespmem:s22+$0xFFFFFFF0]  }
0xf8: {  	[tilespmem:s22+$0xFFFFFF60] =	vst v6;
	v4 =	vld [tilespmem:s22+$0xFFFFFFC0]  }
0xf9: {  	[tilespmem:s22+$0xFFFFFF30] =	vst v8;
	v6 =	vld [tilespmem:s22+$0xFFFFFFD0]  }
0xfa: {  	[tilespmem:s22+$0xFFFFFF10] =	vst v10;
	v7 =	vld [tilespmem:s22+$0xFFFFFF90]  }
0xfb: {  	v5 =	vld.idx.msk [tilespmem:v5+s9+$0x0], $0xffff  }
0xfc: {  	v8 =	vld [tilespmem:s22+$0xFFFFFF80]  }
0xfd: {  	v9 =	vld [tilespmem:s22+$0xFFFFFFA0]  }
0xfe: {  	v10 =	vld [tilespmem:s22+$0xFFFFFFB0]  }
0xff: {  	v11 =	vld [tilespmem:s22+$0xFFFFFFE0];
	_ =	sdelay $0x1  }
0x100: {  	v7 =	vmul.f32 v7, v5;
	v8 =	vmul.f32 v8, v5  }
0x101: {  	s8 =	sadd.s32 $0x2, s30;
	v6 =	vmul.f32 v6, v5;
	v9 =	vmul.f32 v9, v5  }
0x102: {  	v4 =	vmul.f32 v4, v5;
	[tilespmem:s22+$0xFFFFFF90] =	vst v7;
	v7 =	vmul.f32 v10, v5;
	v10 =	vmov s8  }
0x103: {  	v3 =	vmul.f32 v3, v5;
	[tilespmem:s22+$0xFFFFFFA0] =	vst v9;
	v9 =	vmul.f32 v11, v5;
	v5 =	vand.u32 $0xFFFFFFFE, v10  }
0x104: {  	[tilespmem:s22+$0xFFFFFF80] =	vst v8;
	v5 =	vbroadcast v5, $0x0  }
0x105: {  	[tilespmem:s22+$0xFFFFFFB0] =	vst v7  }
0x106: {  	[tilespmem:s22+$0xFFFFFFC0] =	vst v4  }
0x107: {  	[tilespmem:s22+$0xFFFFFFD0] =	vst v6  }
.Ltmp3:
0x108: {  	[tilespmem:s22+$0xFFFFFFF0] =	vst v3;
	v4 =	vld [tilespmem:s22+$0x40];
	(pc) =	sbr.rel @p0 .LBB2_5-.Ltmp3, $4  }
0x109: {  	[tilespmem:s22+$0xFFFFFFE0] =	vst v9;
	v6 =	vld [tilespmem:s22+$0x60]  }
0x10a: {  	v3 =	vld.idx.msk [tilespmem:v5+s9+$0x0], $0xffff  }
0x10b: {  	v7 =	vld [tilespmem:s22+$0x0]  }
0x10c: {  	v5 =	vld [tilespmem:s22+$0x10]  }
0x10d: {  	_ =	sdelay $0x1  }
0x10e: {  	v6 =	vmul.f32 v6, v3  }
0x10f: {  	v8 =	vld [tilespmem:s29+$0x50];
	v4 =	vmul.f32 v4, v3  }
0x110: {  	v9 =	vld [tilespmem:s29+$0x70];
	v1 =	vmul.f32 v1, v3;
	[tilespmem:s29+$0x60] =	vst v6  }
0x111: {  	v6 =	vmul.f32 v7, v3;
	[tilespmem:s29+$0x40] =	vst v4  }
0x112: {  	s8 =	sadd.s32 $0x3, s30;
	[tilespmem:s29+$0x20] =	vst v1;
	v1 =	vmul.f32 v2, v3  }
0x113: {  	v5 =	vmul.f32 v5, v3;
	[tilespmem:s29+$0x0] =	vst v6;
	v6 =	vmov s8  }
0x114: {  	v4 =	vmul.f32 v8, v3;
	[tilespmem:s29+$0x30] =	vst v1  }
0x115: {  	v3 =	vmul.f32 v9, v3;
	[tilespmem:s29+$0x10] =	vst v5  }
0x116: {  	[tilespmem:s29+$0x50] =	vst v4  }
0x117: {  	v2 =	vld [tilespmem:s29+$0x80];
	[tilespmem:s29+$0x70] =	vst v3  }
0x118: {  	v1 =	vld.idx.msk [tilespmem:v6+s9+$0x0], $0xffff  }
0x119: {  	v3 =	vld [tilespmem:s29+$0xA0]  }
0x11a: {  	v4 =	vld [tilespmem:s29+$0xC0]  }
0x11b: {  	v5 =	vld [tilespmem:s29+$0xF0]  }
0x11c: {  	v6 =	vld [tilespmem:s29+$0xE0]  }
0x11d: {  	v7 =	vld [tilespmem:s29+$0x90];
	v2 =	vmul.f32 v2, v1  }
0x11e: {  	v8 =	vld [tilespmem:s29+$0xB0];
	v3 =	vmul.f32 v3, v1  }
0x11f: {  	v61 =	vld [tilespmem:s29+$0xD0];
	[tilespmem:s29+$0x80] =	vst v2;
	v2 =	vmul.f32 v4, v1  }
0x120: {  	[tilespmem:s29+$0xA0] =	vst v3;
	v3 =	vmul.f32 v5, v1  }
0x121: {  	v4 =	vmul.f32 v6, v1;
	[tilespmem:s29+$0xC0] =	vst v2  }
0x122: {  	v2 =	vmul.f32 v7, v1;
	[tilespmem:s29+$0xF0] =	vst v3  }
0x123: {  	v3 =	vmul.f32 v8, v1;
	[tilespmem:s29+$0xE0] =	vst v4  }
0x124: {  	p0 =	seq.s32 s26, $0x28;
	v1 =	vmul.f32 v61, v1;
	[tilespmem:s29+$0x90] =	vst v2  }
0x125: {  	s8 =	sadd.s32 @!p0 s28, s20;
	[tilespmem:s29+$0xB0] =	vst v3  }
0x126: {  	s8 =	sshrl.u32 @!p0 s8, $0x3;
	[tilespmem:s29+$0xD0] =	vst v1  }
0x127: {  	[spmem:s2] =	stream.indirect.scatter.add.f32 [tilespmem:s0], [sflag:$0x5], $0x80, s17, s10, $0xb8;
	[tilespmem:$0x1C400] =	vst v63  }
0x128: {  	s23 =	simm.s32 @!p0 $0x0;
	s22 =	sadd.s32 @!p0 s1, s8  }
0x129: {  	[tilespmem:s23], [sflag:$0x1] =	stream.linear.gather @!p0 [hbm4b:s22+s23], $0x80, $0x38;
	[tilespmem:$0x1C400] =	vst v63  }
0x12a: {  	s29 =	simm.s32 @!p0 $0x100;
	s22 =	sadd.s32 @!p0 s5, s8  }
0x12b: {  	[tilespmem:s29], [sflag:$0x1] =	stream.linear.gather @!p0 [hbm4b:s22+s23], $0x80, $0x38;
	[tilespmem:$0x1C400] =	vst v63  }
0x12c: {  	s8 =	sadd.s32 @!p0 s6, s8;
	s22 =	simm.s32 @!p0 $0x300  }
0x12d: {  	[tilespmem:s22], [sflag:$0x1] =	stream.linear.gather @!p0 [hbm4b:s8+s23], $0x80, $0x38;
	[tilespmem:$0x1C400] =	vst v63  }
0x12e: {  	v1 =	vld [tilespmem:$0x180]  }
0x12f: {  	v2 =	vld [tilespmem:$0x190]  }
0x130: {  	v3 =	vld [tilespmem:$0x1A0]  }
0x131: {  	v4 =	vld [tilespmem:$0x1B0]  }
0x132: {  	v5 =	vld [tilespmem:$0x1C0]  }
0x133: {  	[tilespmem:$0x280] =	vst v1;
	v1 =	vld [tilespmem:$0x1D0]  }
0x134: {  	[tilespmem:$0x290] =	vst v2;
	v2 =	vld [tilespmem:$0x1E0]  }
0x135: {  	[tilespmem:$0x2A0] =	vst v3;
	v3 =	vld [tilespmem:$0x1F0]  }
0x136: {  	[tilespmem:$0x2B0] =	vst v4  }
0x137: {  	[tilespmem:$0x2C0] =	vst v5  }
0x138: {  	[tilespmem:$0x2D0] =	vst v1  }
0x139: {  	[tilespmem:$0x2E0] =	vst v2  }
0x13a: {  	[tilespmem:$0x2F0] =	vst v3  }
0x13b: {  	_ =	swait.ge [sflag:s18], $0x4000  }
0x13c: {  	[sflag:s18] =	ssyncset.done $0x0  }
0x13d: {  	s8 =	simm.s32 @!p0 $0x5;
	[sflag:s18] =	ssyncadd.s32 $0xFFFFC000  }
0x13e: {  	_ =	swait.ge @!p0 [sflag:s8], $0x4000  }
0x13f: {  	[sflag:s8] =	ssyncset.done @!p0 $0x0  }
0x140: {  	[sflag:s8] =	ssyncadd.s32 @!p0 $0xFFFFC000;
	s8 =	simm.s32 @!p0 $0x1  }
0x141: {  	_ =	swait.ge @!p0 [sflag:s8], $0x80  }
0x142: {  	[sflag:s8] =	ssyncset.done @!p0 $0x0  }
0x143: {  	s30 =	simm.s32 $0x0;
	[sflag:s8] =	ssyncadd.s32 @!p0 $0xFFFFFF80  }
0x144: {  	v1 =	vmov s30;
	_ =	swait.ge @!p0 [sflag:s8], $0x80  }
0x145: {  	v1 =	vand.u32 $0xFFFFFFFC, v1;
	[sflag:s8] =	ssyncset.done @!p0 $0x0  }
0x146: {  	v1 =	vbroadcast v1, $0x0;
	[sflag:s8] =	ssyncadd.s32 @!p0 $0xFFFFFF80  }
0x147: {  	_ =	swait.ge @!p0 [sflag:s8], $0x80  }
0x148: {  	s29 =	simm.s32 $0x4500;
	[sflag:s8] =	ssyncset.done @!p0 $0x0  }
0x149: {  	s22 =	simm.s32 @!p0 $0x400;
	[sflag:s8] =	ssyncadd.s32 @!p0 $0xFFFFFF80;
	s8 =	simm.s32 @!p0 $0x80  }
0x14a: {  	[tilespmem:s22], [sflag:$0x3] =	stream.indirect.gather @!p0 [hbm4b:s7+s8], $0x80, s23, s8, $0xb8;
	[tilespmem:$0x1C400] =	vst v63  }
0x14b: {  	v2 =	vld [tilespmem:s29+$0xFFFFFF70]  }
0x14c: {  	v1 =	vld.idx.msk [tilespmem:v1+s12+$0x0], $0xffff  }
0x14d: {  	v3 =	vld [tilespmem:s29+$0xFFFFFF00]  }
0x14e: {  	v4 =	vld [tilespmem:s29+$0xFFFFFF20]  }
0x14f: {  	v5 =	vld [tilespmem:s29+$0xFFFFFF50]  }
0x150: {  	v6 =	vld [tilespmem:s29+$0xFFFFFF40]  }
0x151: {  	v7 =	vld [tilespmem:s29+$0xFFFFFF60];
	v2 =	vmul.f32 v2, v1  }
0x152: {  	s22 =	simm.s32 $0x1;
	v8 =	vld [tilespmem:s29+$0xFFFFFF30];
	v3 =	vmul.f32 v3, v1  }
0x153: {  	v62 =	vld [tilespmem:s29+$0xFFFFFF10];
	v4 =	vmul.f32 v4, v1;
	[tilespmem:s29+$0xFFFFFF70] =	vst v2;
	v2 =	vmov s22  }
0x154: {  	v5 =	vmul.f32 v5, v1;
	[tilespmem:s29+$0xFFFFFF00] =	vst v3;
	v2 =	vand.u32 $0xFFFFFFFD, v2  }
0x155: {  	v3 =	vmul.f32 v6, v1;
	[tilespmem:s29+$0xFFFFFF20] =	vst v4;
	v2 =	vbroadcast v2, $0x0  }
0x156: {  	v4 =	vmul.f32 v7, v1;
	[tilespmem:s29+$0xFFFFFF50] =	vst v5  }
0x157: {  	v5 =	vmul.f32 v8, v1;
	[tilespmem:s29+$0xFFFFFF40] =	vst v3  }
0x158: {  	v1 =	vmul.f32 v62, v1;
	[tilespmem:s29+$0xFFFFFF60] =	vst v4  }
0x159: {  	[tilespmem:s29+$0xFFFFFF30] =	vst v5  }
0x15a: {  	[tilespmem:s29+$0xFFFFFF10] =	vst v1;
	v1 =	vld [tilespmem:s29+$0xFFFFFF90]  }
0x15b: {  	v3 =	vld.idx.msk [tilespmem:v2+s12+$0x0], $0xffff  }
0x15c: {  	v2 =	vld [tilespmem:s29+$0xFFFFFFA0]  }
0x15d: {  	v4 =	vld [tilespmem:s29+$0xFFFFFF80]  }
0x15e: {  	v5 =	vld [tilespmem:s29+$0xFFFFFFB0]  }
0x15f: {  	v6 =	vld [tilespmem:s29+$0xFFFFFFC0]  }
0x160: {  	v7 =	vld [tilespmem:s29+$0xFFFFFFD0];
	v1 =	vmul.f32 v1, v3  }
0x161: {  	s23 =	simm.s32 $0x2;
	v8 =	vld [tilespmem:s29+$0xFFFFFFF0];
	v2 =	vmul.f32 v2, v3  }
0x162: {  	v63 =	vld [tilespmem:s29+$0xFFFFFFE0];
	v4 =	vmul.f32 v4, v3;
	[tilespmem:s29+$0xFFFFFF90] =	vst v1;
	v1 =	vmov s23  }
0x163: {  	v5 =	vmul.f32 v5, v3;
	[tilespmem:s29+$0xFFFFFFA0] =	vst v2;
	v1 =	vand.u32 $0xFFFFFFFE, v1  }
0x164: {  	v2 =	vmul.f32 v6, v3;
	[tilespmem:s29+$0xFFFFFF80] =	vst v4;
	v6 =	vld [tilespmem:s29+$0x60];
	v10 =	vbroadcast v1, $0x0  }
0x165: {  	v4 =	vmul.f32 v7, v3;
	[tilespmem:s29+$0xFFFFFFB0] =	vst v5;
	v7 =	vld [tilespmem:s29+$0x0]  }
0x166: {  	v5 =	vmul.f32 v8, v3;
	v1 =	vld [tilespmem:s29+$0x20];
	[tilespmem:s29+$0xFFFFFFC0] =	vst v2  }
0x167: {  	v3 =	vmul.f32 v63, v3;
	v2 =	vld [tilespmem:s29+$0x30];
	[tilespmem:s29+$0xFFFFFFD0] =	vst v4  }
0x168: {  	[tilespmem:s29+$0xFFFFFFF0] =	vst v5;
	v4 =	vld [tilespmem:s29+$0x40]  }
0x169: {  	[tilespmem:s29+$0xFFFFFFE0] =	vst v3;
	v5 =	vld [tilespmem:s29+$0x10]  }
0x16a: {  	s31 =	simm.s32 $0x4;
	s22 =	simm.s32 $0x4500;
	v3 =	vld.idx.msk [tilespmem:v10+s12+$0x0], $0xffff  }
.LBB2_7:
0x16b: {  	p1 =	sne.s32 s31, $0x7C  }
0x16c: {  	v8 =	vld [tilespmem:s29+$0x50];
	s22 =	sadd.s32 $0x200, s22;
	s8 =	smov.u32 s31;
	s31 =	sadd.s32 $0x4, s31  }
0x16d: {  	v9 =	vld [tilespmem:s29+$0x70];
	_ =	sdelay $0x1  }
0x16e: {  	v6 =	vmul.f32 v6, v3;
	v7 =	vmul.f32 v7, v3  }
0x16f: {  	v4 =	vmul.f32 v4, v3;
	v5 =	vmul.f32 v5, v3  }
0x170: {  	v1 =	vmul.f32 v1, v3;
	v2 =	vmul.f32 v2, v3;
	[tilespmem:s29+$0x60] =	vst v6  }
0x171: {  	[tilespmem:s29+$0x40] =	vst v4;
	v4 =	vmul.f32 v8, v3;
	v3 =	vmul.f32 v9, v3  }
0x172: {  	s23 =	sadd.s32 $0x3, s30;
	s30 =	smov.u32 s8;
	[tilespmem:s29+$0x20] =	vst v1;
	v6 =	vld [tilespmem:s29+$0x80]  }
0x173: {  	v1 =	vld [tilespmem:s22+$0x20];
	[tilespmem:s29+$0x0] =	vst v7;
	v7 =	vmov s23  }
0x174: {  	[tilespmem:s29+$0x50] =	vst v4;
	v4 =	vld [tilespmem:s29+$0xE0]  }
0x175: {  	[tilespmem:s29+$0x30] =	vst v2;
	v8 =	vld [tilespmem:s29+$0xC0]  }
0x176: {  	v2 =	vld [tilespmem:s22+$0x30];
	[tilespmem:s29+$0x10] =	vst v5  }
0x177: {  	[tilespmem:s29+$0x70] =	vst v3;
	v3 =	vld [tilespmem:s29+$0xA0]  }
0x178: {  	v5 =	vld.idx.msk [tilespmem:v7+s12+$0x0], $0xffff  }
0x179: {  	v7 =	vld [tilespmem:s29+$0x90]  }
0x17a: {  	v9 =	vld [tilespmem:s29+$0xB0]  }
0x17b: {  	v10 =	vld [tilespmem:s29+$0xD0]  }
0x17c: {  	v11 =	vld [tilespmem:s29+$0xF0];
	_ =	sdelay $0x1  }
0x17d: {  	v6 =	vmul.f32 v6, v5;
	v7 =	vmul.f32 v7, v5  }
0x17e: {  	v3 =	vmul.f32 v3, v5;
	v9 =	vmul.f32 v9, v5  }
0x17f: {  	v12 =	vmov s30;
	[tilespmem:s29+$0x80] =	vst v6;
	v6 =	vmul.f32 v8, v5;
	v8 =	vmul.f32 v10, v5  }
0x180: {  	v10 =	vand.u32 $0xFFFFFFFC, v12;
	[tilespmem:s29+$0xA0] =	vst v3;
	v3 =	vmul.f32 v4, v5;
	v4 =	vmul.f32 v11, v5  }
0x181: {  	v5 =	vbroadcast v10, $0x0;
	[tilespmem:s29+$0xC0] =	vst v6  }
0x182: {  	[tilespmem:s29+$0xF0] =	vst v4  }
0x183: {  	v4 =	vld [tilespmem:s22+$0xFFFFFF40];
	[tilespmem:s29+$0xE0] =	vst v3  }
0x184: {  	v3 =	vld [tilespmem:s22+$0xFFFFFF50];
	[tilespmem:s29+$0x90] =	vst v7  }
0x185: {  	v6 =	vld [tilespmem:s22+$0xFFFFFF60];
	[tilespmem:s29+$0xB0] =	vst v9  }
0x186: {  	v7 =	vld [tilespmem:s22+$0xFFFFFF70];
	[tilespmem:s29+$0xD0] =	vst v8;
	s29 =	smov.u32 s22  }
0x187: {  	v5 =	vld.idx.msk [tilespmem:v5+s12+$0x0], $0xffff  }
0x188: {  	v8 =	vld [tilespmem:s22+$0xFFFFFF00]  }
0x189: {  	v9 =	vld [tilespmem:s22+$0xFFFFFF20]  }
0x18a: {  	v10 =	vld [tilespmem:s22+$0xFFFFFF10]  }
0x18b: {  	v11 =	vld [tilespmem:s22+$0xFFFFFF30];
	_ =	sdelay $0x1  }
0x18c: {  	v7 =	vmul.f32 v7, v5;
	v8 =	vmul.f32 v8, v5  }
0x18d: {  	s8 =	sadd.s32 $0x1, s30;
	v6 =	vmul.f32 v6, v5;
	v9 =	vmul.f32 v9, v5  }
0x18e: {  	v3 =	vmul.f32 v3, v5;
	v10 =	vmul.f32 v10, v5;
	[tilespmem:s22+$0xFFFFFF70] =	vst v7;
	v7 =	vmov s8  }
0x18f: {  	v4 =	vmul.f32 v4, v5;
	[tilespmem:s22+$0xFFFFFF00] =	vst v8;
	v8 =	vmul.f32 v11, v5;
	v5 =	vand.u32 $0xFFFFFFFD, v7  }
0x190: {  	[tilespmem:s22+$0xFFFFFF20] =	vst v9;
	v5 =	vbroadcast v5, $0x0  }
0x191: {  	[tilespmem:s22+$0xFFFFFF50] =	vst v3  }
0x192: {  	[tilespmem:s22+$0xFFFFFF40] =	vst v4;
	v3 =	vld [tilespmem:s22+$0xFFFFFFF0]  }
0x193: {  	[tilespmem:s22+$0xFFFFFF60] =	vst v6;
	v4 =	vld [tilespmem:s22+$0xFFFFFFC0]  }
0x194: {  	[tilespmem:s22+$0xFFFFFF30] =	vst v8;
	v6 =	vld [tilespmem:s22+$0xFFFFFFD0]  }
0x195: {  	[tilespmem:s22+$0xFFFFFF10] =	vst v10;
	v7 =	vld [tilespmem:s22+$0xFFFFFF90]  }
0x196: {  	v5 =	vld.idx.msk [tilespmem:v5+s12+$0x0], $0xffff  }
0x197: {  	v8 =	vld [tilespmem:s22+$0xFFFFFF80]  }
0x198: {  	v9 =	vld [tilespmem:s22+$0xFFFFFFA0]  }
0x199: {  	v10 =	vld [tilespmem:s22+$0xFFFFFFB0]  }
0x19a: {  	v11 =	vld [tilespmem:s22+$0xFFFFFFE0];
	_ =	sdelay $0x1  }
0x19b: {  	v7 =	vmul.f32 v7, v5;
	v8 =	vmul.f32 v8, v5  }
0x19c: {  	s8 =	sadd.s32 $0x2, s30;
	v6 =	vmul.f32 v6, v5;
	v9 =	vmul.f32 v9, v5  }
0x19d: {  	v4 =	vmul.f32 v4, v5;
	[tilespmem:s22+$0xFFFFFF90] =	vst v7;
	v7 =	vmul.f32 v10, v5;
	v10 =	vmov s8  }
0x19e: {  	v3 =	vmul.f32 v3, v5;
	[tilespmem:s22+$0xFFFFFFA0] =	vst v9;
	v9 =	vmul.f32 v11, v5;
	v5 =	vand.u32 $0xFFFFFFFE, v10  }
0x19f: {  	[tilespmem:s22+$0xFFFFFF80] =	vst v8;
	v5 =	vbroadcast v5, $0x0  }
0x1a0: {  	[tilespmem:s22+$0xFFFFFFB0] =	vst v7  }
0x1a1: {  	[tilespmem:s22+$0xFFFFFFC0] =	vst v4  }
0x1a2: {  	[tilespmem:s22+$0xFFFFFFD0] =	vst v6  }
.Ltmp4:
0x1a3: {  	[tilespmem:s22+$0xFFFFFFF0] =	vst v3;
	v4 =	vld [tilespmem:s22+$0x40];
	(pc) =	sbr.rel @p1 .LBB2_7-.Ltmp4, $4  }
0x1a4: {  	[tilespmem:s22+$0xFFFFFFE0] =	vst v9;
	v6 =	vld [tilespmem:s22+$0x60]  }
0x1a5: {  	v3 =	vld.idx.msk [tilespmem:v5+s12+$0x0], $0xffff  }
0x1a6: {  	v7 =	vld [tilespmem:s22+$0x0]  }
0x1a7: {  	v5 =	vld [tilespmem:s22+$0x10]  }
0x1a8: {  	_ =	sdelay $0x1  }
0x1a9: {  	v6 =	vmul.f32 v6, v3  }
0x1aa: {  	v8 =	vld [tilespmem:s29+$0x50];
	v4 =	vmul.f32 v4, v3  }
0x1ab: {  	v9 =	vld [tilespmem:s29+$0x70];
	v1 =	vmul.f32 v1, v3;
	[tilespmem:s29+$0x60] =	vst v6  }
0x1ac: {  	v54 =	vmul.f32 v7, v3;
	[tilespmem:s29+$0x40] =	vst v4  }
0x1ad: {  	s8 =	sadd.s32 $0x3, s30;
	[tilespmem:s29+$0x20] =	vst v1;
	v1 =	vmul.f32 v2, v3  }
0x1ae: {  	v56 =	vmov s8;
	v5 =	vmul.f32 v5, v3;
	[tilespmem:s29+$0x0] =	vst v54  }
0x1af: {  	v55 =	vmul.f32 v8, v3;
	[tilespmem:s29+$0x30] =	vst v1  }
0x1b0: {  	v3 =	vmul.f32 v9, v3;
	[tilespmem:s29+$0x10] =	vst v5  }
0x1b1: {  	[tilespmem:s29+$0x50] =	vst v55  }
0x1b2: {  	v2 =	vld [tilespmem:s29+$0x80];
	[tilespmem:s29+$0x70] =	vst v3  }
0x1b3: {  	v1 =	vld.idx.msk [tilespmem:v56+s12+$0x0], $0xffff  }
0x1b4: {  	v3 =	vld [tilespmem:s29+$0xA0]  }
0x1b5: {  	v59 =	vld [tilespmem:s29+$0xE0]  }
0x1b6: {  	v57 =	vld [tilespmem:s29+$0xC0]  }
0x1b7: {  	v58 =	vld [tilespmem:s29+$0xF0]  }
0x1b8: {  	v60 =	vld [tilespmem:s29+$0x90];
	v2 =	vmul.f32 v2, v1  }
0x1b9: {  	v61 =	vld [tilespmem:s29+$0xB0];
	v3 =	vmul.f32 v3, v1  }
0x1ba: {  	v62 =	vld [tilespmem:s29+$0xD0];
	v63 =	vmul.f32 v59, v1;
	[tilespmem:s29+$0x80] =	vst v2  }
0x1bb: {  	v2 =	vmul.f32 v57, v1;
	[tilespmem:s29+$0xA0] =	vst v3  }
0x1bc: {  	v3 =	vmul.f32 v58, v1;
	[tilespmem:s29+$0xE0] =	vst v63  }
0x1bd: {  	[tilespmem:s29+$0xC0] =	vst v2;
	v2 =	vmul.f32 v60, v1  }
.Ltmp5:
0x1be: {  	[tilespmem:s29+$0xF0] =	vst v3;
	v3 =	vmul.f32 v61, v1;
	(pc) =	sbr.rel @p0 .LBB2_10-.Ltmp5, $4  }
0x1bf: {  	v1 =	vmul.f32 v62, v1;
	[tilespmem:s29+$0x90] =	vst v2  }
0x1c0: {  	[tilespmem:s29+$0xB0] =	vst v3  }
0x1c1: {  	[tilespmem:s29+$0xD0] =	vst v1  }
0x1c2: {  	[spmem:s2] =	stream.indirect.scatter.add.f32 [tilespmem:s16], [sflag:$0x6], $0x80, s19, s10, $0xb8;
	[tilespmem:$0x1C400] =	vst v63  }
0x1c3: {  	s8 =	sadd.s32 s28, s21  }
0x1c4: {  	s8 =	sshrl.u32 s8, $0x3  }
0x1c5: {  	s22 =	sadd.s32 s1, s8  }
0x1c6: {  	[tilespmem:s10], [sflag:$0x2] =	stream.linear.gather [hbm4b:s22+s3], $0x80, $0x38;
	[tilespmem:$0x1C400] =	vst v63  }
.Ltmp6:
0x1c7: {  	_ = 	snop;
	(pc) =	sbr.rel .LBB2_4-.Ltmp6, $4  }
0x1c8: {  	s31 =	sadd.s32 s5, s8  }
0x1c9: {  	[tilespmem:s11], [sflag:$0x2] =	stream.linear.gather [hbm4b:s31+s3], $0x80, $0x38;
	[tilespmem:$0x1C400] =	vst v63  }
0x1ca: {  	s26 =	sadd.s32 $0x1, s26;
	s8 =	sadd.s32 s6, s8  }
0x1cb: {  	[tilespmem:s12], [sflag:$0x2] =	stream.linear.gather [hbm4b:s8+s3], $0x80, $0x38;
	[tilespmem:$0x1C400] =	vst v63  }
.LBB2_11:
0x1cc: {  	_ =	sfence.sel $0x180000  }
0x1cd: {  	[bflag:$0x0] =	sbarrier.arrive $0xFFFF  }
0x1ce: {  	_ =	strace $0x90000050  }
0x1cf: {  	s0 =	stileid.u32;
	[bflag:$0x2] =	sbarrier.arrive $0xFFFF  }
0x1d0: {  	p0 =	sne.s32 s0, $0x0;
	s0 =	rddreg [dreg:$0x3]  }
0x1d1: {  	s0 =	sadd.s32 @!p0 $0x100000, s0  }
0x1d2: {  	[sflag:s0] =	ssyncadd.tile.s32 @!p0 $0x1;
	_ =	shalt  }
.Lfunc_end2:
_tile_overlayer_lowered:
.L_overlay_start_2:
0x1d3: {  	(tag) =	ssettag $0x2  }
0x1d4: {  	s0 =	rddreg [dreg:$0x0];
	s2 =	stileid.u32  }
0x1d5: {  	s1 =	rddreg [dreg:$0x1];
	p0 =	sne.s32 s2, $0x0  }
0x1d6: {  	s3 =	rddreg [dreg:$0x2];
	[bflag:$0x3] =	sbarrier.arrive $0xFFFF;
	s2 =	simm.s32 @!p0 $0x1C07  }
0x1d7: {  	[timem:s3], [sflag:s2] =	dma.local @!p0 [hbm:s0], s1  }
0x1d8: {  	s0 =	simm.s32 @!p0 $0x7  }
0x1d9: {  	_ =	swait.ge @!p0 [sflag:s0], s1  }
0x1da: {  	s1 =	ssub.s32 @!p0 $0x0, s1;
	[sflag:s0] =	ssyncset.done @!p0 $0x0  }
0x1db: {  	[sflag:s0] =	ssyncadd.s32 @!p0 s1  }
0x1dc: {  	[bflag:$0x3] =	sbarrier.arrive $0xFFFF  }
0x1dd: {  	_ =	shalt  }

// kernel: kernel.9.cloned.1.call-start
scs
__scs_entry_jumppad:
0x0: {  	(pc) =	sbr.rel $0x88, $3  }
0x1: {  	(tag) =	ssettag $0x0;
	lr =	simm.s32 $0x1  }
0x2: {  	[smem:$0x3F97] =	sst lr;
	_ =	strace $0xD0000000  }
0x3: {  	_ = 	snop  }
0x4: {  	_ = 	snop  }
0x5: {  	_ = 	snop  }
0x6: {  	_ = 	snop  }
0x7: {  	_ = 	snop  }
__scs_overlays_trampoline_lowered:
0x8: {  	[smem:$0x3FA6] =	sst s0  }
0x9: {  	[smem:$0x3FA7] =	sst s1  }
0xa: {  	[smem:$0x3FA8] =	sst s2  }
0xb: {  	[smem:$0x3FA9] =	sst s3  }
0xc: {  	[smem:$0x3FAA] =	sst s4  }
0xd: {  	[smem:$0x3FAB] =	sst s5  }
0xe: {  	[smem:$0x3FAC] =	sst s6  }
0xf: {  	[smem:$0x3FAD] =	sst s7  }
0x10: {  	[smem:$0x3FAE] =	sst s8  }
0x11: {  	[smem:$0x3FAF] =	sst s9;
	s0 =	simm.s32 @!p0 $0x0  }
0x12: {  	s1 =	sld [smem:$0x3F95];
	s0 =	simm.s32 @p0 $0x1  }
0x13: {  	[smem:$0x3FB0] =	sst s0;
	s0 =	simm.s32 @!p1 $0x0  }
0x14: {  	s2 =	sld [smem:$0x3F94];
	s0 =	simm.s32 @p1 $0x1  }
0x15: {  	[smem:$0x3FB1] =	sst s0;
	s0 =	simm.s32 @!p2 $0x0  }
0x16: {  	s3 =	sld [smem:$0x3FDB];
	s0 =	simm.s32 @p2 $0x1  }
0x17: {  	s4 =	simm.s32 $0x1BF5;
	[smem:$0x3FB3] =	sst s0  }
0x18: {  	s0 =	sld [smem:$0x3F96];
	_ =	swait.ge [sflag:s4], $0x0  }
0x19: {  	s7 =	sld [smem:$0x3F97]  }
0x1a: {  	s8 =	sadd.s32 $0xFFFFE003, lr  }
0x1b: {  	s9 =	sadd.s32 $0xFFFFFEF7, lr;
	s5 =	simm.s32 $0xFFFFFFFF;
	p2 =	slt.u32 s8, $0xFFFFF086  }
0x1c: {  	p1 =	slt.u32 s9, $0xF7A;
	s5 =	simm.s32 @!p2 $0x0  }
0x1d: {  	s5 =	simm.s32 @p1 $0x1;
	p0 =	seq.s32 s7, s2  }
0x1e: {  	s7 =	smul.u32 @!p0 $0xF7A, s2;
	p2 =	seq.s32 @!p0 s5, $0x0  }
0x1f: {  	s9 =	smul.u32 $0xF7A, s1;
	s8 =	simm.s32 @!p0 $0x1BF5;
	p2 =	por !p2, p0  }
0x20: {  	[sflag:s8] =	ssyncset.s32 @!p0 $0xFFFFF086;
	s6 =	sadd.s32 @!p0 s3, s7;
	s7 =	simm.s32 @!p0 $0x108  }
0x21: {  	s3 =	sadd.s32 s3, s9;
	s6 =	sadd.s32 @!p0 $0x88, s6;
	s7 =	simm.s32 @p2 $0x1082  }
0x22: {  	[simem:s7], [sflag:s8] =	dma.local @!p0 [hbm:s6], $0xF7A  }
0x23: {  	s9 =	sor.u32 $0xD0000000, s2;
	s6 =	simm.s32 $0x108;
	_ =	swait.ge @!p0 [sflag:s8], $0x0  }
0x24: {  	s3 =	sadd.s32 $0x88, s3;
	s6 =	simm.s32 @!p1 $0x1082;
	[sflag:s4] =	ssyncset.s32 $0xFFFFF086  }
0x25: {  	[simem:s6], [sflag:s4] =	dma.local [hbm:s3], $0xF7A  }
0x26: {  	[smem:$0x3F97] =	sst s1;
	(tag) =	ssettag s2;
	_ =	strace s9  }
0x27: {  	s1 =	sld [smem:$0x3FA7]  }
0x28: {  	s2 =	sld [smem:$0x3FA8]  }
0x29: {  	s4 =	sld [smem:$0x3FAA]  }
0x2a: {  	p0 =	seq.s32 s5, $0x0;
	s5 =	sld [smem:$0x3FAB]  }
0x2b: {  	s6 =	sld [smem:$0x3FAC]  }
0x2c: {  	s7 =	sld [smem:$0x3FAD]  }
0x2d: {  	s3 =	simm.s32 $0x108;
	s8 =	sld [smem:$0x3FAE]  }
0x2e: {  	s3 =	simm.s32 @!p0 $0x1082;
	s9 =	sld [smem:$0x3FAF]  }
0x2f: {  	lr =	sadd.s32 s0, s3;
	s0 =	sld [smem:$0x3FA6]  }
0x30: {  	s3 =	sld [smem:$0x3FA9]  }
0x31: {  	[smem:$0x3FB2] =	sst s10  }
0x32: {  	s10 =	sld [smem:$0x3FB0];
	_ =	sdelay $0x3  }
0x33: {  	p0 =	seq.s32 s10, $0x1;
	s10 =	sld [smem:$0x3FB2];
	_ =	sdelay $0x3  }
0x34: {  	[smem:$0x3FB2] =	sst s10  }
0x35: {  	s10 =	sld [smem:$0x3FB1];
	_ =	sdelay $0x3  }
0x36: {  	p1 =	seq.s32 s10, $0x1;
	s10 =	sld [smem:$0x3FB2];
	_ =	sdelay $0x3  }
0x37: {  	[smem:$0x3FB2] =	sst s10  }
0x38: {  	s10 =	sld [smem:$0x3FB3]  }
0x39: {  	_ = 	snop;
	(pc) =	sbr.ind lr, $3  }
0x3a: {  	_ = 	snop  }
0x3b: {  	_ = 	snop  }
0x3c: {  	p2 =	seq.s32 s10, $0x1;
	s10 =	sld [smem:$0x3FB2]  }
0x3d: {  	_ =	shalt  }
0x3e: {  	_ =	shalt  }
0x3f: {  	_ =	shalt  }
0x40: {  	_ =	shalt  }
0x41: {  	_ =	shalt  }
0x42: {  	_ =	shalt  }
0x43: {  	_ =	shalt  }
0x44: {  	_ =	shalt  }
0x45: {  	_ =	shalt  }
0x46: {  	_ =	shalt  }
0x47: {  	_ =	shalt  }
0x48: {  	_ =	shalt  }
0x49: {  	_ =	shalt  }
0x4a: {  	_ =	shalt  }
0x4b: {  	_ =	shalt  }
0x4c: {  	_ =	shalt  }
0x4d: {  	_ =	shalt  }
0x4e: {  	_ =	shalt  }
0x4f: {  	_ =	shalt  }
0x50: {  	_ =	shalt  }
0x51: {  	_ =	shalt  }
0x52: {  	_ =	shalt  }
0x53: {  	_ =	shalt  }
0x54: {  	_ =	shalt  }
0x55: {  	_ =	shalt  }
0x56: {  	_ =	shalt  }
0x57: {  	_ =	shalt  }
0x58: {  	_ =	shalt  }
0x59: {  	_ =	shalt  }
0x5a: {  	_ =	shalt  }
0x5b: {  	_ =	shalt  }
0x5c: {  	_ =	shalt  }
0x5d: {  	_ =	shalt  }
0x5e: {  	_ =	shalt  }
0x5f: {  	_ =	shalt  }
0x60: {  	_ =	shalt  }
0x61: {  	_ =	shalt  }
0x62: {  	_ =	shalt  }
0x63: {  	_ =	shalt  }
0x64: {  	_ =	shalt  }
0x65: {  	_ =	shalt  }
0x66: {  	_ =	shalt  }
0x67: {  	_ =	shalt  }
0x68: {  	_ =	shalt  }
0x69: {  	_ =	shalt  }
0x6a: {  	_ =	shalt  }
0x6b: {  	_ =	shalt  }
0x6c: {  	_ =	shalt  }
0x6d: {  	_ =	shalt  }
0x6e: {  	_ =	shalt  }
0x6f: {  	_ =	shalt  }
0x70: {  	_ =	shalt  }
0x71: {  	_ =	shalt  }
0x72: {  	_ =	shalt  }
0x73: {  	_ =	shalt  }
0x74: {  	_ =	shalt  }
0x75: {  	_ =	shalt  }
0x76: {  	_ =	shalt  }
0x77: {  	_ =	shalt  }
0x78: {  	_ =	shalt  }
0x79: {  	_ =	shalt  }
0x7a: {  	_ =	shalt  }
0x7b: {  	_ =	shalt  }
0x7c: {  	_ =	shalt  }
0x7d: {  	_ =	shalt  }
0x7e: {  	_ =	shalt  }
0x7f: {  	_ =	shalt  }
0x80: {  	_ =	shalt  }
0x81: {  	_ =	shalt  }
0x82: {  	_ =	shalt  }
0x83: {  	_ =	shalt  }
0x84: {  	_ =	shalt  }
0x85: {  	_ =	shalt  }
0x86: {  	_ =	shalt  }
0x87: {  	_ =	shalt  }
.Lfunc_end0:
.L_simem_size_0:
called_computation_lowered:
.L_overlay_start_0:
0x88: {  	s2 =	sld [smem:$0x3FD9]  }
0x89: {  	s3 =	sld [smem:$0x3FFE];
	_ =	sdelay $0x1  }
0x8a: {  	s1 =	srdreg.scid  }
0x8b: {  	s0 =	sand.u32 $0x1, s1  }
0x8c: {  	s17 =	sshll.u32 s0, $0xA;
	s2 =	sadd.s32 s3, s2  }
0x8d: {  	s2 =	sadd.s32 s2, s17  }
0x8e: {  	[smem:$0x3FBE] =	sst s2  }
0x8f: {  	_ = 	snop  }
0x90: {  	s2 =	sld [smem:$0x3FD0];
	(tm) =	ssettm $0x1  }
0x91: {  	s18 =	sld [smem:$0x3FFB];
	_ =	sdelay $0x3  }
0x92: {  	_ =	strace s18  }
0x93: {  	s3 =	sld [smem:$0x3FFC];
	_ =	sdelay $0x3  }
0x94: {  	_ =	strace s3  }
0x95: {  	s3 =	sld [smem:$0x3FFD];
	_ =	sdelay $0x3  }
0x96: {  	_ =	strace s3  }
0x97: {  	_ =	strace $0x8FFFFFFF  }
0x98: {  	s19 =	sld [smem:$0x3FDB];
	_ =	sdelay $0x1  }
0x99: {  	s4 =	simm.s32 $_scs_section_size  }
0x9a: {  	s5 =	simm.s32 $_size__tile_overlayer_lowered;
	s6 =	simm.s32 $_tile_overlayer_lowered  }
0x9b: {  	s22 =	simm.s32 $0x1BFF;
	s21 =	sshll.u32 s6, $0x1;
	s3 =	sadd.s32 s4, s19  }
0x9c: {  	s7 =	simm.s32 $0x0;
	s20 =	sshll.u32 s5, $0x1;
	s5 =	sadd.s32 s21, s3  }
0x9d: {  	[timem:s7], [sflag:s22] =	dma.local [hbm:s5], s20  }
0x9e: {  	_ =	swait.ge [sflag:s22], s20  }
0x9f: {  	s4 =	ssub.s32 $0x0, s20;
	[sflag:s22] =	ssyncset.done $0x0  }
0xa0: {  	[sflag:s22] =	ssyncadd.s32 s4;
	_ =	sdelay $0x1  }
0xa1: {  	s23 =	simm.s32 $0x1B8B  }
0xa2: {  	_ =	swait.ge [sflag:s23], $0x1  }
0xa3: {  	[sflag:s23] =	ssyncset.done $0x0  }
0xa4: {  	s25 =	simm.s32 $0x1B8E;
	s24 =	sld [smem:$0x3FFE];
	[sflag:s23] =	ssyncadd.s32 $0xFFFFFFFF  }
0xa5: {  	s26 =	simm.s32 $execute0_lowered;
	[smem:$0x3FD2] =	sst s25  }
0xa6: {  	s5 =	sshll.u32 s26, $0x1;
	_ =	strace $0x80000046;
	[dreg:$0x1] =	wrdreg $0xFFFFFFFF  }
0xa7: {  	s28 =	simm.s32 $_size_execute0_lowered;
	s3 =	sadd.s32 s3, s5;
	[dreg:$0x0] =	wrdreg $0x0  }
0xa8: {  	s5 =	sshll.u32 s28, $0x1;
	[dreg:$0x2] =	wrdreg s3  }
0xa9: {  	[dreg:$0x3] =	wrdreg s5  }
0xaa: {  	[dreg:$0x4] =	wrdreg $0xC0  }
0xab: {  	_ =	task [dreg:s7], $0x5FFFF  }
0xac: {  	[dreg:$0x1] =	wrdreg $0xFFFFFFFF  }
0xad: {  	[dreg:$0x0] =	wrdreg $0x60  }
0xae: {  	[dreg:$0x2] =	wrdreg s2  }
0xaf: {  	[dreg:$0x3] =	wrdreg s24  }
0xb0: {  	[dreg:$0x4] =	wrdreg $0x56800  }
0xb1: {  	[dreg:$0x5] =	wrdreg $0x9  }
0xb2: {  	_ =	task.clear_ibuf [dreg:s7], $0x6FFFF;
	_ =	strace $0x90000046  }
0xb3: {  	s29 =	simm.s32 $0x9;
	_ =	strace $0x80000048  }
0xb4: {  	_ =	swait.ge [sflag:s29], $0x1  }
0xb5: {  	[sflag:s29] =	ssyncadd.s32 $0xFFFFFFFF  }
0xb6: {  	_ =	strace $0x90000048  }
0xb7: {  	_ =	sfence  }
0xb8: {  	s30 =	sld [smem:$0x0];
	_ =	sdelay $0x2  }
0xb9: {  	s31 =	sshll.u32 s1, $0xD;
	s1 =	sshrl.u32 s1, $0x2  }
0xba: {  	s3 =	sand.u32 $0x4000, s31;
	s1 =	sadd.s32 s1, s30  }
0xbb: {  	s0 =	sor.u32 s3, s0;
	s1 =	sshll.u32 s1, $0x11  }
0xbc: {  	s0 =	sor.u32 s1, s0  }
0xbd: {  	s0 =	sadd.s32 $0x8F2B, s0  }
0xbe: {  	[sflag:s0] =	ssyncadd.remote.s32 $0x1  }
0xbf: {  	_ =	sfence.sel $0xFFFF  }
0xc0: {  	[dreg:$0x0] =	wrdreg $0xFFFFFFFF;
	(pc) =	sbr.abs _section_cstart, $3  }
0xc1: {  	[dreg:$0x1] =	wrdreg $0xFFFFFFFF  }
0xc2: {  	_ =	task.clear_ibuf [dreg:s7], $0x2FFFF;
	_ =	strace $0x9FFFFFFF  }
0xc3: {  	(tm) =	ssettm $0x7FFFFFFF  }
tec
execute0_lowered:
.L_overlay_start_1:
0x0: {  	(tag) =	ssettag $0x1  }
0x1: {  	s1 =	rddreg [dreg:$0x0]  }
0x2: {  	s0 =	rddreg [dreg:$0x1]  }
0x3: {  	s2 =	rddreg [dreg:$0x2];
	s3 =	simm.s32 $0x0;
	s4 =	srdreg.scid  }
0x4: {  	s11 =	stileid.u32;
	s28 =	simm.s32 $0x1;
	s29 =	simm.s32 $0x5300  }
0x5: {  	s30 =	simm.s32 $0x80;
	s31 =	simm.s32 $0x5200;
	[smem:$0x7FF] =	sst s3  }
0x6: {  	s5 =	sadd.s32 $0x1600, s0;
	s6 =	sadd.s32 $0x34000, s0;
	s13 =	smul.u32 $0x500, s11  }
0x7: {  	s4 =	sand.u32 $0x1, s4;
	s7 =	sadd.s32 $0x33A00, s0;
	s16 =	smul.u32 $0xA00, s11  }
0x8: {  	s9 =	sadd.s32 $0x35000, s0;
	_ =	strace $0x80000047;
	[dreg:$0x4] =	wrdreg s6  }
0x9: {  	[dreg:$0x5] =	wrdreg s7;
	s14 =	sshll.u32 s4, $0x7;
	s8 =	sshll.u32 s4, $0x4  }
0xa: {  	s17 =	ssub.s32 $0x2, s4;
	s4 =	smul.u32 $0x29000, s4;
	s6 =	sor.u32 s14, s13  }
0xb: {  	s15 =	sor.u32 s11, s8;
	s10 =	sshrl.u32 s17, $0x1;
	s11 =	smul.u32 $0x2900, s11  }
0xc: {  	s8 =	sshrl.u32 s16, $0x2;
	s6 =	sshrl.u32 s6, $0x3;
	s7 =	smul.u32 $0x2900, s15  }
0xd: {  	s8 =	sadd.s32 s8, s2;
	s0 =	sadd.s32 s6, s0;
	s4 =	sadd.s32 s11, s4  }
0xe: {  	s6 =	ssub.s32 s17, s10;
	s7 =	sshrl.u32 s7, $0x3;
	s21 =	sadd.s32 $0x180, s4  }
0xf: {  	s0 =	sadd.s32 $0x34600, s0;
	s6 =	smax.u32 s6, $0x1;
	s23 =	sor.u32 $0x80, s4  }
0x10: {  	s25 =	sshrl.u32 s4, $0x3;
	s26 =	sadd.s32 $0x100, s4;
	s4 =	simm.s32 $0x5  }
0x11: {  	s18 =	sadd.s32 s1, s7;
	s19 =	sor.u32 $0x10, s7;
	[dreg:$0xa] =	wrdreg s0  }
0x12: {  	s7 =	sadd.s32 s5, s7;
	s22 =	sshrl.u32 s21, $0x3;
	[dreg:$0xb] =	wrdreg s6  }
0x13: {  	s24 =	sshrl.u32 s23, $0x3;
	[dreg:$0xc] =	wrdreg s26;
	s21 =	simm.s32 $0x7  }
0x14: {  	s26 =	simm.s32 $0x5180;
	s0 =	simm.s32 $0x2;
	[dreg:$0x6] =	wrdreg s18  }
0x15: {  	s23 =	simm.s32 $0x5280;
	s6 =	simm.s32 $0x4;
	[dreg:$0x7] =	wrdreg s7  }
.Ltmp0:
0x16: {  	s20 =	sadd.s32 s1, s19;
	s10 =	sadd.s32 s5, s19;
	(pc) =	sbr.rel .LBB2_1-.Ltmp0, $4  }
0x17: {  	s15 =	sadd.s32 s22, s5;
	s16 =	sadd.s32 s22, s1;
	s17 =	sadd.s32 s24, s9  }
0x18: {  	s19 =	sadd.s32 s25, s9;
	s22 =	simm.s32 $0x2800;
	s25 =	simm.s32 $0x5080  }
0x19: {  	s24 =	simm.s32 $0x3;
	s7 =	simm.s32 $0x6;
	[dreg:$0x8] =	wrdreg s20  }
0x1a: {  	v0 =	vimm.f32 $0.0e+00;
	s9 =	simm.s32 $0x0;
	[dreg:$0x9] =	wrdreg s10;
	s20 =	simm.s32 $0x5380  }
.LBB2_4:
0x1b: {  	_ =	swait.ge [sflag:s24], $0x80  }
0x1c: {  	[sflag:s24] =	ssyncset.done $0x0  }
0x1d: {  	[sflag:s24] =	ssyncadd.s32 $0xFFFFFF80  }
0x1e: {  	_ =	swait.ge [sflag:s4], $0x80  }
0x1f: {  	[sflag:s4] =	ssyncset.done $0x0  }
0x20: {  	[sflag:s4] =	ssyncadd.s32 $0xFFFFFF80  }
0x21: {  	_ =	swait.ge [sflag:s6], $0x80  }
0x22: {  	[sflag:s6] =	ssyncset.done $0x0  }
0x23: {  	[sflag:s6] =	ssyncadd.s32 $0xFFFFFF80  }
0x24: {  	_ =	swait.ge [sflag:s7], $0x80  }
0x25: {  	[sflag:s7] =	ssyncset.done $0x0  }
0x26: {  	s10 =	stileid.u32;
	s11 =	sshrl.u32 s8, $0x3;
	[sflag:s7] =	ssyncadd.s32 $0xFFFFFF80  }
0x27: {  	s13 =	simm.s32 $0x20;
	s10 =	sshll.u32 s10, $0x6;
	[bflag:$0x0] =	sbarrier.arrive $0xFFFF  }
0x28: {  	s14 =	simm.s32 $0x10;
	s10 =	sor.u32 $0x1C07, s10;
	s12 =	rddreg [dreg:$0xa]  }
0x29: {  	[hbm:s12@s13], [sflag:s10] =	dma.strided [spmem:s11@s14], $0x50, s28, $0x10   }
0x2a: {  	_ =	swait.ge [sflag:s21], $0x50  }
0x2b: {  	s9 =	sadd.s32 $0x1, s9;
	s18 =	rddreg [dreg:$0xb]  }
0x2c: {  	p0 =	sne.s32 s9, s18  }
.Ltmp1:
0x2d: {  	_ = 	snop;
	(pc) =	sbr.rel @!p0 .LBB2_5-.Ltmp1, $3  }
0x2e: {  	_ =	sdelay $0x1  }
0x2f: {  	[sflag:s21] =	ssyncset.done $0x0  }
0x30: {  	[sflag:s21] =	ssyncadd.s32 $0xFFFFFFB0  }
.LBB2_1:
0x31: {  	[tilespmem:$0x5400] =	vst v0  }
0x32: {  	[tilespmem:$0x5410] =	vst v0  }
0x33: {  	[tilespmem:$0x5420] =	vst v0  }
0x34: {  	[tilespmem:$0x5430] =	vst v0  }
0x35: {  	[tilespmem:$0x5440] =	vst v0  }
0x36: {  	[tilespmem:$0x5450] =	vst v0  }
0x37: {  	[tilespmem:$0x5460] =	vst v0  }
0x38: {  	[tilespmem:$0x5470] =	vst v0  }
0x39: {  	[tilespmem:$0x5480] =	vst v0  }
0x3a: {  	[tilespmem:$0x5490] =	vst v0  }
0x3b: {  	[tilespmem:$0x54A0] =	vst v0  }
0x3c: {  	[tilespmem:$0x54B0] =	vst v0  }
0x3d: {  	[tilespmem:$0x54C0] =	vst v0  }
0x3e: {  	[tilespmem:$0x54D0] =	vst v0  }
0x3f: {  	[tilespmem:$0x54E0] =	vst v0  }
0x40: {  	[tilespmem:$0x54F0] =	vst v0  }
0x41: {  	[tilespmem:$0x5500] =	vst v0  }
0x42: {  	[tilespmem:$0x5510] =	vst v0  }
0x43: {  	[tilespmem:$0x5520] =	vst v0  }
0x44: {  	[tilespmem:$0x5530] =	vst v0  }
0x45: {  	[tilespmem:$0x5540] =	vst v0  }
0x46: {  	[tilespmem:$0x5550] =	vst v0  }
0x47: {  	[tilespmem:$0x5560] =	vst v0  }
0x48: {  	[tilespmem:$0x5570] =	vst v0  }
0x49: {  	[tilespmem:$0x5580] =	vst v0  }
0x4a: {  	[tilespmem:$0x5590] =	vst v0  }
0x4b: {  	[tilespmem:$0x55A0] =	vst v0  }
0x4c: {  	[tilespmem:$0x55B0] =	vst v0  }
0x4d: {  	[tilespmem:$0x55C0] =	vst v0  }
0x4e: {  	[tilespmem:$0x55D0] =	vst v0  }
0x4f: {  	[tilespmem:$0x55E0] =	vst v0  }
0x50: {  	[tilespmem:$0x55F0] =	vst v0  }
0x51: {  	[tilespmem:$0x5600] =	vst v0  }
0x52: {  	[tilespmem:$0x5610] =	vst v0  }
0x53: {  	[tilespmem:$0x5620] =	vst v0  }
0x54: {  	[tilespmem:$0x5630] =	vst v0  }
0x55: {  	[tilespmem:$0x5640] =	vst v0  }
0x56: {  	[tilespmem:$0x5650] =	vst v0  }
0x57: {  	[tilespmem:$0x5660] =	vst v0  }
0x58: {  	[tilespmem:$0x5670] =	vst v0;
	s10 =	simm.s32 $0x5400  }
0x59: {  	[spmem:s8] =	stream.linear.scatter [tilespmem:s10], [sflag:$0x7], $0x280, $0x38;
	[tilespmem:$0x5900] =	vst v63  }
0x5a: {  	_ =	swait.ge [sflag:s21], $0x280  }
0x5b: {  	[sflag:s21] =	ssyncset.done $0x0  }
0x5c: {  	s13 =	rddreg [dreg:$0x4];
	[sflag:s21] =	ssyncadd.s32 $0xFFFFFD80  }
0x5d: {  	[tilespmem:s3], [sflag:$0x7] =	stream.linear.gather [hbm4b:s13+s3], $0x2800, $0x38;
	[tilespmem:$0x5900] =	vst v63  }
0x5e: {  	_ =	swait.ge [sflag:s21], $0x2800  }
0x5f: {  	[sflag:s21] =	ssyncset.done $0x0  }
0x60: {  	s14 =	rddreg [dreg:$0x5];
	[sflag:s21] =	ssyncadd.s32 $0xFFFFD800  }
0x61: {  	[tilespmem:s22], [sflag:$0x7] =	stream.linear.gather [hbm4b:s14+s3], $0x2800, $0x38;
	[tilespmem:$0x5900] =	vst v63  }
0x62: {  	_ =	swait.ge [sflag:s21], $0x2800  }
0x63: {  	[sflag:s21] =	ssyncset.done $0x0  }
0x64: {  	s11 =	simm.s32 $0x5000;
	s18 =	rddreg [dreg:$0x6];
	[sflag:s21] =	ssyncadd.s32 $0xFFFFD800  }
0x65: {  	[tilespmem:s11], [sflag:$0x1] =	stream.linear.gather [hbm4b:s18+s3], $0x80, $0x38;
	[tilespmem:$0x5900] =	vst v63  }
0x66: {  	s13 =	simm.s32 $0x5100;
	s12 =	rddreg [dreg:$0x7]  }
0x67: {  	[tilespmem:s13], [sflag:$0x1] =	stream.linear.gather [hbm4b:s12+s3], $0x80, $0x38;
	[tilespmem:$0x5900] =	vst v63  }
0x68: {  	s14 =	rddreg [dreg:$0x8]  }
0x69: {  	[tilespmem:s25], [sflag:$0x2] =	stream.linear.gather [hbm4b:s14+s3], $0x80, $0x38;
	[tilespmem:$0x5900] =	vst v63  }
0x6a: {  	s18 =	rddreg [dreg:$0x9]  }
0x6b: {  	[tilespmem:s26], [sflag:$0x2] =	stream.linear.gather [hbm4b:s18+s3], $0x80, $0x38;
	[tilespmem:$0x5900] =	vst v63  }
0x6c: {  	[bflag:$0x0] =	sbarrier.arrive $0xFFFF  }
0x6d: {  	s11 =	simm.s32 $0x0;
	s18 =	rddreg [dreg:$0xc]  }
.LBB2_2:
0x6e: {  	_ =	swait.ge [sflag:s28], $0x80  }
0x6f: {  	[sflag:s28] =	ssyncset.done $0x0  }
0x70: {  	[sflag:s28] =	ssyncadd.s32 $0xFFFFFF80  }
0x71: {  	_ =	swait.ge [sflag:s28], $0x80  }
0x72: {  	p0 =	seq.s32 s11, $0x0;
	[sflag:s28] =	ssyncset.done $0x0  }
0x73: {  	s12 =	simm.s32 @!p0 $0x3;
	[sflag:s28] =	ssyncadd.s32 $0xFFFFFF80  }
0x74: {  	_ =	swait.ge @!p0 [sflag:s12], $0x80  }
0x75: {  	[sflag:s12] =	ssyncset.done @!p0 $0x0  }
0x76: {  	[sflag:s12] =	ssyncadd.s32 @!p0 $0xFFFFFF80;
	s12 =	simm.s32 @!p0 $0x5  }
0x77: {  	_ =	swait.ge @!p0 [sflag:s12], $0x80  }
0x78: {  	[sflag:s12] =	ssyncset.done @!p0 $0x0  }
0x79: {  	[sflag:s12] =	ssyncadd.s32 @!p0 $0xFFFFFF80  }
0x7a: {  	v1 =	vld [tilespmem:$0x5000]  }
0x7b: {  	v2 =	vld [tilespmem:$0x5100];
	_ =	sdelay $0x6  }
0x7c: {  	v1 =	vld.idx.msk [tilespmem:v1+s3+$0x0], $0xffff  }
0x7d: {  	v3 =	vld.idx.msk [tilespmem:v2+s22+$0x0], $0xffff;
	_ =	sdelay $0x4  }
0x7e: {  	v1 =	vadd.f32 v3, v1;
	_ =	sdelay $0x1  }
0x7f: {  	v3 =	vmul.f32 $2.000000030e-01, v1  }
0x80: {  	vm0 =	vge.f32 v1, $0.0e+00  }
0x81: {  	v1 =	vsel vm0, v1, v3  }
0x82: {  	v1 =	vmul.f32 $1.442695020e+00, v1;
	_ =	sdelay $0x1  }
0x83: {  	(erf) = vpow2.f32 v1;
	_ =	sdelay $0x2  }
0x84: {  	v1 =	vld [tilespmem:$0x5010]  }
0x85: {  	v3 =	vld [tilespmem:$0x5110];
	_ =	sdelay $0x4  }
0x86: {  	[tilespmem:$0x5200] =	vst v2;
	v4 =	vpop (erf)  }
0x87: {  	[tilespmem:$0x5300] =	vst v4  }
0x88: {  	v1 =	vld.idx.msk [tilespmem:v1+s3+$0x0], $0xffff  }
0x89: {  	v2 =	vld.idx.msk [tilespmem:v3+s22+$0x0], $0xffff;
	_ =	sdelay $0x4  }
0x8a: {  	v1 =	vadd.f32 v2, v1;
	_ =	sdelay $0x1  }
0x8b: {  	v2 =	vmul.f32 $2.000000030e-01, v1  }
0x8c: {  	vm13 =	vge.f32 v1, $0.0e+00  }
0x8d: {  	v1 =	vsel vm13, v1, v2  }
0x8e: {  	v1 =	vmul.f32 $1.442695020e+00, v1;
	_ =	sdelay $0x1  }
0x8f: {  	(erf) = vpow2.f32 v1;
	_ =	sdelay $0x2  }
0x90: {  	v1 =	vld [tilespmem:$0x5020]  }
0x91: {  	v2 =	vld [tilespmem:$0x5120];
	_ =	sdelay $0x4  }
0x92: {  	[tilespmem:$0x5210] =	vst v3;
	v51 =	vpop (erf)  }
0x93: {  	[tilespmem:$0x5310] =	vst v51  }
0x94: {  	v1 =	vld.idx.msk [tilespmem:v1+s3+$0x0], $0xffff  }
0x95: {  	v3 =	vld.idx.msk [tilespmem:v2+s22+$0x0], $0xffff;
	_ =	sdelay $0x4  }
0x96: {  	v1 =	vadd.f32 v3, v1;
	_ =	sdelay $0x1  }
0x97: {  	v3 =	vmul.f32 $2.000000030e-01, v1  }
0x98: {  	vm14 =	vge.f32 v1, $0.0e+00  }
0x99: {  	v1 =	vsel vm14, v1, v3  }
0x9a: {  	v1 =	vmul.f32 $1.442695020e+00, v1;
	_ =	sdelay $0x1  }
0x9b: {  	(erf) = vpow2.f32 v1;
	_ =	sdelay $0x2  }
0x9c: {  	v1 =	vld [tilespmem:$0x5030]  }
0x9d: {  	v3 =	vld [tilespmem:$0x5130];
	_ =	sdelay $0x4  }
0x9e: {  	[tilespmem:$0x5220] =	vst v2;
	v52 =	vpop (erf)  }
0x9f: {  	[tilespmem:$0x5320] =	vst v52  }
0xa0: {  	v1 =	vld.idx.msk [tilespmem:v1+s3+$0x0], $0xffff  }
0xa1: {  	v2 =	vld.idx.msk [tilespmem:v3+s22+$0x0], $0xffff;
	_ =	sdelay $0x4  }
0xa2: {  	v1 =	vadd.f32 v2, v1;
	_ =	sdelay $0x1  }
0xa3: {  	v2 =	vmul.f32 $2.000000030e-01, v1  }
0xa4: {  	vm15 =	vge.f32 v1, $0.0e+00  }
0xa5: {  	v1 =	vsel vm15, v1, v2  }
0xa6: {  	v1 =	vmul.f32 $1.442695020e+00, v1;
	_ =	sdelay $0x1  }
0xa7: {  	(erf) = vpow2.f32 v1;
	_ =	sdelay $0x2  }
0xa8: {  	v1 =	vld [tilespmem:$0x5040]  }
0xa9: {  	v2 =	vld [tilespmem:$0x5140];
	_ =	sdelay $0x4  }
0xaa: {  	[tilespmem:$0x5230] =	vst v3;
	v53 =	vpop (erf)  }
0xab: {  	[tilespmem:$0x5330] =	vst v53  }
0xac: {  	v1 =	vld.idx.msk [tilespmem:v1+s3+$0x0], $0xffff  }
0xad: {  	v3 =	vld.idx.msk [tilespmem:v2+s22+$0x0], $0xffff;
	_ =	sdelay $0x4  }
0xae: {  	v1 =	vadd.f32 v3, v1;
	_ =	sdelay $0x1  }
0xaf: {  	v3 =	vmul.f32 $2.000000030e-01, v1  }
0xb0: {  	vm4 =	vge.f32 v1, $0.0e+00  }
0xb1: {  	v1 =	vsel vm4, v1, v3  }
0xb2: {  	v1 =	vmul.f32 $1.442695020e+00, v1;
	_ =	sdelay $0x1  }
0xb3: {  	(erf) = vpow2.f32 v1;
	_ =	sdelay $0x2  }
0xb4: {  	v1 =	vld [tilespmem:$0x5050]  }
0xb5: {  	v3 =	vld [tilespmem:$0x5150];
	_ =	sdelay $0x4  }
0xb6: {  	[tilespmem:$0x5240] =	vst v2;
	v54 =	vpop (erf)  }
0xb7: {  	[tilespmem:$0x5340] =	vst v54  }
0xb8: {  	v1 =	vld.idx.msk [tilespmem:v1+s3+$0x0], $0xffff  }
0xb9: {  	v2 =	vld.idx.msk [tilespmem:v3+s22+$0x0], $0xffff;
	_ =	sdelay $0x4  }
0xba: {  	v1 =	vadd.f32 v2, v1;
	_ =	sdelay $0x1  }
0xbb: {  	v2 =	vmul.f32 $2.000000030e-01, v1  }
0xbc: {  	vm5 =	vge.f32 v1, $0.0e+00  }
0xbd: {  	v1 =	vsel vm5, v1, v2  }
0xbe: {  	v1 =	vmul.f32 $1.442695020e+00, v1;
	_ =	sdelay $0x1  }
0xbf: {  	(erf) = vpow2.f32 v1;
	_ =	sdelay $0x2  }
0xc0: {  	v1 =	vld [tilespmem:$0x5060]  }
0xc1: {  	v2 =	vld [tilespmem:$0x5160];
	_ =	sdelay $0x4  }
0xc2: {  	[tilespmem:$0x5250] =	vst v3;
	v55 =	vpop (erf)  }
0xc3: {  	[tilespmem:$0x5350] =	vst v55  }
0xc4: {  	v1 =	vld.idx.msk [tilespmem:v1+s3+$0x0], $0xffff  }
0xc5: {  	v3 =	vld.idx.msk [tilespmem:v2+s22+$0x0], $0xffff;
	_ =	sdelay $0x4  }
0xc6: {  	v1 =	vadd.f32 v3, v1;
	_ =	sdelay $0x1  }
0xc7: {  	v3 =	vmul.f32 $2.000000030e-01, v1  }
0xc8: {  	vm6 =	vge.f32 v1, $0.0e+00  }
0xc9: {  	v1 =	vsel vm6, v1, v3  }
0xca: {  	v1 =	vmul.f32 $1.442695020e+00, v1;
	_ =	sdelay $0x1  }
0xcb: {  	(erf) = vpow2.f32 v1;
	_ =	sdelay $0x2  }
0xcc: {  	v1 =	vld [tilespmem:$0x5070]  }
0xcd: {  	v3 =	vld [tilespmem:$0x5170];
	_ =	sdelay $0x4  }
0xce: {  	[tilespmem:$0x5260] =	vst v2;
	v56 =	vpop (erf)  }
0xcf: {  	[tilespmem:$0x5360] =	vst v56  }
0xd0: {  	v1 =	vld.idx.msk [tilespmem:v1+s3+$0x0], $0xffff  }
0xd1: {  	v2 =	vld.idx.msk [tilespmem:v3+s22+$0x0], $0xffff;
	_ =	sdelay $0x4  }
0xd2: {  	v1 =	vadd.f32 v2, v1;
	_ =	sdelay $0x1  }
0xd3: {  	v2 =	vmul.f32 $2.000000030e-01, v1  }
0xd4: {  	vm7 =	vge.f32 v1, $0.0e+00  }
0xd5: {  	v1 =	vsel vm7, v1, v2  }
0xd6: {  	v1 =	vmul.f32 $1.442695020e+00, v1;
	_ =	sdelay $0x1  }
0xd7: {  	(erf) = vpow2.f32 v1;
	_ =	sdelay $0x8  }
0xd8: {  	[tilespmem:$0x5270] =	vst v3;
	v1 =	vpop (erf)  }
0xd9: {  	s13 =	sadd.s32 s11, s19;
	p1 =	seq.s32 s11, $0x500;
	[tilespmem:$0x5370] =	vst v1  }
0xda: {  	[hbm4b:s13+s3] =	stream.linear.scatter [tilespmem:s29], [sflag:$0x3], $0x80, $0x38;
	[tilespmem:$0x5900] =	vst v63  }
0xdb: {  	s12 =	sshrl.u32 @!p1 s18, $0x3  }
0xdc: {  	[spmem:s2] =	stream.indirect.scatter.add.f32 [tilespmem:s29], [sflag:$0x5], $0x1, s31, s30, $0xb8;
	[tilespmem:$0x5900] =	vst v63  }
0xdd: {  	s14 =	simm.s32 @!p1 $0x0;
	s10 =	simm.s32 @!p1 $0x5000;
	s13 =	sadd.s32 @!p1 s1, s12  }
0xde: {  	[tilespmem:s10], [sflag:$0x1] =	stream.linear.gather @!p1 [hbm4b:s13+s14], $0x80, $0x38;
	[tilespmem:$0x5900] =	vst v63  }
0xdf: {  	s10 =	sadd.s32 @!p1 s5, s12;
	s12 =	simm.s32 @!p1 $0x5100  }
0xe0: {  	[tilespmem:s12], [sflag:$0x1] =	stream.linear.gather @!p1 [hbm4b:s10+s14], $0x80, $0x38;
	[tilespmem:$0x5900] =	vst v63  }
0xe1: {  	_ =	swait.ge [sflag:s0], $0x80  }
0xe2: {  	[sflag:s0] =	ssyncset.done $0x0  }
0xe3: {  	[sflag:s0] =	ssyncadd.s32 $0xFFFFFF80  }
0xe4: {  	_ =	swait.ge [sflag:s0], $0x80  }
0xe5: {  	[sflag:s0] =	ssyncset.done $0x0  }
0xe6: {  	s10 =	simm.s32 @!p0 $0x4;
	[sflag:s0] =	ssyncadd.s32 $0xFFFFFF80  }
0xe7: {  	_ =	swait.ge @!p0 [sflag:s10], $0x80  }
0xe8: {  	[sflag:s10] =	ssyncset.done @!p0 $0x0  }
0xe9: {  	[sflag:s10] =	ssyncadd.s32 @!p0 $0xFFFFFF80;
	s10 =	simm.s32 @!p0 $0x6  }
0xea: {  	_ =	swait.ge @!p0 [sflag:s10], $0x80  }
0xeb: {  	[sflag:s10] =	ssyncset.done @!p0 $0x0  }
0xec: {  	[sflag:s10] =	ssyncadd.s32 @!p0 $0xFFFFFF80  }
0xed: {  	v1 =	vld [tilespmem:$0x5080]  }
0xee: {  	v2 =	vld [tilespmem:$0x5180];
	_ =	sdelay $0x6  }
0xef: {  	v1 =	vld.idx.msk [tilespmem:v1+s3+$0x0], $0xffff  }
0xf0: {  	v3 =	vld.idx.msk [tilespmem:v2+s22+$0x0], $0xffff;
	_ =	sdelay $0x4  }
0xf1: {  	v1 =	vadd.f32 v3, v1;
	_ =	sdelay $0x1  }
0xf2: {  	v3 =	vmul.f32 $2.000000030e-01, v1  }
0xf3: {  	vm8 =	vge.f32 v1, $0.0e+00  }
0xf4: {  	v1 =	vsel vm8, v1, v3  }
0xf5: {  	v1 =	vmul.f32 $1.442695020e+00, v1;
	_ =	sdelay $0x1  }
0xf6: {  	(erf) = vpow2.f32 v1;
	_ =	sdelay $0x2  }
0xf7: {  	v1 =	vld [tilespmem:$0x5090]  }
0xf8: {  	v3 =	vld [tilespmem:$0x5190];
	_ =	sdelay $0x4  }
0xf9: {  	[tilespmem:$0x5280] =	vst v2;
	v57 =	vpop (erf)  }
0xfa: {  	[tilespmem:$0x5380] =	vst v57  }
0xfb: {  	v1 =	vld.idx.msk [tilespmem:v1+s3+$0x0], $0xffff  }
0xfc: {  	v2 =	vld.idx.msk [tilespmem:v3+s22+$0x0], $0xffff;
	_ =	sdelay $0x4  }
0xfd: {  	v1 =	vadd.f32 v2, v1;
	_ =	sdelay $0x1  }
0xfe: {  	v2 =	vmul.f32 $2.000000030e-01, v1  }
0xff: {  	vm9 =	vge.f32 v1, $0.0e+00  }
0x100: {  	v1 =	vsel vm9, v1, v2  }
0x101: {  	v1 =	vmul.f32 $1.442695020e+00, v1;
	_ =	sdelay $0x1  }
0x102: {  	(erf) = vpow2.f32 v1;
	_ =	sdelay $0x2  }
0x103: {  	v1 =	vld [tilespmem:$0x50A0]  }
0x104: {  	v2 =	vld [tilespmem:$0x51A0];
	_ =	sdelay $0x4  }
0x105: {  	[tilespmem:$0x5290] =	vst v3;
	v58 =	vpop (erf)  }
0x106: {  	[tilespmem:$0x5390] =	vst v58  }
0x107: {  	v1 =	vld.idx.msk [tilespmem:v1+s3+$0x0], $0xffff  }
0x108: {  	v3 =	vld.idx.msk [tilespmem:v2+s22+$0x0], $0xffff;
	_ =	sdelay $0x4  }
0x109: {  	v1 =	vadd.f32 v3, v1;
	_ =	sdelay $0x1  }
0x10a: {  	v3 =	vmul.f32 $2.000000030e-01, v1  }
0x10b: {  	vm10 =	vge.f32 v1, $0.0e+00  }
0x10c: {  	v1 =	vsel vm10, v1, v3  }
0x10d: {  	v1 =	vmul.f32 $1.442695020e+00, v1;
	_ =	sdelay $0x1  }
0x10e: {  	(erf) = vpow2.f32 v1;
	_ =	sdelay $0x2  }
0x10f: {  	v1 =	vld [tilespmem:$0x50B0]  }
0x110: {  	v3 =	vld [tilespmem:$0x51B0];
	_ =	sdelay $0x4  }
0x111: {  	[tilespmem:$0x52A0] =	vst v2;
	v59 =	vpop (erf)  }
0x112: {  	[tilespmem:$0x53A0] =	vst v59  }
0x113: {  	v1 =	vld.idx.msk [tilespmem:v1+s3+$0x0], $0xffff  }
0x114: {  	v2 =	vld.idx.msk [tilespmem:v3+s22+$0x0], $0xffff;
	_ =	sdelay $0x4  }
0x115: {  	v1 =	vadd.f32 v2, v1;
	_ =	sdelay $0x1  }
0x116: {  	v2 =	vmul.f32 $2.000000030e-01, v1  }
0x117: {  	vm11 =	vge.f32 v1, $0.0e+00  }
0x118: {  	v1 =	vsel vm11, v1, v2  }
0x119: {  	v1 =	vmul.f32 $1.442695020e+00, v1;
	_ =	sdelay $0x1  }
0x11a: {  	(erf) = vpow2.f32 v1;
	_ =	sdelay $0x2  }
0x11b: {  	v1 =	vld [tilespmem:$0x50C0]  }
0x11c: {  	v2 =	vld [tilespmem:$0x51C0];
	_ =	sdelay $0x4  }
0x11d: {  	[tilespmem:$0x52B0] =	vst v3;
	v60 =	vpop (erf)  }
0x11e: {  	[tilespmem:$0x53B0] =	vst v60  }
0x11f: {  	v1 =	vld.idx.msk [tilespmem:v1+s3+$0x0], $0xffff  }
0x120: {  	v3 =	vld.idx.msk [tilespmem:v2+s22+$0x0], $0xffff;
	_ =	sdelay $0x4  }
0x121: {  	v1 =	vadd.f32 v3, v1;
	_ =	sdelay $0x1  }
0x122: {  	v3 =	vmul.f32 $2.000000030e-01, v1  }
0x123: {  	vm12 =	vge.f32 v1, $0.0e+00  }
0x124: {  	v1 =	vsel vm12, v1, v3  }
0x125: {  	v1 =	vmul.f32 $1.442695020e+00, v1;
	_ =	sdelay $0x1  }
0x126: {  	(erf) = vpow2.f32 v1;
	_ =	sdelay $0x2  }
0x127: {  	v1 =	vld [tilespmem:$0x50D0]  }
0x128: {  	v3 =	vld [tilespmem:$0x51D0];
	_ =	sdelay $0x4  }
0x129: {  	[tilespmem:$0x52C0] =	vst v2;
	v61 =	vpop (erf)  }
0x12a: {  	[tilespmem:$0x53C0] =	vst v61  }
0x12b: {  	v1 =	vld.idx.msk [tilespmem:v1+s3+$0x0], $0xffff  }
0x12c: {  	v2 =	vld.idx.msk [tilespmem:v3+s22+$0x0], $0xffff;
	_ =	sdelay $0x4  }
0x12d: {  	v1 =	vadd.f32 v2, v1;
	_ =	sdelay $0x1  }
0x12e: {  	v2 =	vmul.f32 $2.000000030e-01, v1  }
0x12f: {  	vm13 =	vge.f32 v1, $0.0e+00  }
0x130: {  	v1 =	vsel vm13, v1, v2  }
0x131: {  	v1 =	vmul.f32 $1.442695020e+00, v1;
	_ =	sdelay $0x1  }
0x132: {  	(erf) = vpow2.f32 v1;
	_ =	sdelay $0x2  }
0x133: {  	v1 =	vld [tilespmem:$0x50E0]  }
0x134: {  	v2 =	vld [tilespmem:$0x51E0];
	_ =	sdelay $0x4  }
0x135: {  	[tilespmem:$0x52D0] =	vst v3;
	v62 =	vpop (erf)  }
0x136: {  	[tilespmem:$0x53D0] =	vst v62  }
0x137: {  	v1 =	vld.idx.msk [tilespmem:v1+s3+$0x0], $0xffff  }
0x138: {  	v3 =	vld.idx.msk [tilespmem:v2+s22+$0x0], $0xffff;
	_ =	sdelay $0x4  }
0x139: {  	v1 =	vadd.f32 v3, v1;
	_ =	sdelay $0x1  }
0x13a: {  	v3 =	vmul.f32 $2.000000030e-01, v1  }
0x13b: {  	vm14 =	vge.f32 v1, $0.0e+00  }
0x13c: {  	v1 =	vsel vm14, v1, v3  }
0x13d: {  	v1 =	vmul.f32 $1.442695020e+00, v1;
	_ =	sdelay $0x1  }
0x13e: {  	(erf) = vpow2.f32 v1;
	_ =	sdelay $0x2  }
0x13f: {  	v1 =	vld [tilespmem:$0x50F0]  }
0x140: {  	v3 =	vld [tilespmem:$0x51F0];
	_ =	sdelay $0x4  }
0x141: {  	[tilespmem:$0x52E0] =	vst v2;
	v63 =	vpop (erf)  }
0x142: {  	[tilespmem:$0x53E0] =	vst v63  }
0x143: {  	v1 =	vld.idx.msk [tilespmem:v1+s3+$0x0], $0xffff  }
0x144: {  	v2 =	vld.idx.msk [tilespmem:v3+s22+$0x0], $0xffff;
	_ =	sdelay $0x4  }
0x145: {  	v1 =	vadd.f32 v2, v1;
	_ =	sdelay $0x1  }
0x146: {  	v2 =	vmul.f32 $2.000000030e-01, v1  }
0x147: {  	vm15 =	vge.f32 v1, $0.0e+00  }
0x148: {  	v1 =	vsel vm15, v1, v2  }
0x149: {  	v1 =	vmul.f32 $1.442695020e+00, v1;
	_ =	sdelay $0x1  }
0x14a: {  	(erf) = vpow2.f32 v1;
	_ =	sdelay $0x8  }
.Ltmp2:
0x14b: {  	[tilespmem:$0x52F0] =	vst v3;
	v1 =	vpop (erf);
	(pc) =	sbr.rel @p1 .LBB2_4-.Ltmp2, $4  }
0x14c: {  	s14 =	sadd.s32 s11, s17;
	[tilespmem:$0x53F0] =	vst v1  }
0x14d: {  	[hbm4b:s14+s3] =	stream.linear.scatter [tilespmem:s20], [sflag:$0x4], $0x80, $0x38;
	[tilespmem:$0x5900] =	vst v63  }
0x14e: {  	_ = 	snop  }
0x14f: {  	[spmem:s2] =	stream.indirect.scatter.add.f32 [tilespmem:s20], [sflag:$0x6], $0x1, s23, s30, $0xb8;
	[tilespmem:$0x5900] =	vst v63  }
.Ltmp3:
0x150: {  	(pc) =	sbr.rel .LBB2_2-.Ltmp3, $4  }
0x151: {  	s10 =	sadd.s32 s11, s16  }
0x152: {  	[tilespmem:s25], [sflag:$0x2] =	stream.linear.gather [hbm4b:s10+s3], $0x80, $0x38;
	[tilespmem:$0x5900] =	vst v63  }
0x153: {  	s14 =	sadd.s32 s11, s15;
	s11 =	sadd.s32 $0x20, s11;
	s18 =	sadd.s32 $0x100, s18  }
0x154: {  	[tilespmem:s26], [sflag:$0x2] =	stream.linear.gather [hbm4b:s14+s3], $0x80, $0x38;
	[tilespmem:$0x5900] =	vst v63  }
.LBB2_5:
0x155: {  	_ =	sfence.sel $0x180000  }
0x156: {  	[bflag:$0x0] =	sbarrier.arrive $0xFFFF  }
0x157: {  	_ =	strace $0x90000047  }
0x158: {  	s0 =	stileid.u32;
	[bflag:$0x2] =	sbarrier.arrive $0xFFFF  }
0x159: {  	p0 =	sne.s32 s0, $0x0;
	s0 =	rddreg [dreg:$0x3]  }
0x15a: {  	s0 =	sadd.s32 @!p0 $0x100000, s0  }
0x15b: {  	[sflag:s0] =	ssyncadd.tile.s32 @!p0 $0x1;
	_ =	shalt  }
.Lfunc_end2:
_tile_overlayer_lowered:
.L_overlay_start_2:
0x15c: {  	(tag) =	ssettag $0x2  }
0x15d: {  	s0 =	rddreg [dreg:$0x0];
	s2 =	stileid.u32  }
0x15e: {  	s1 =	rddreg [dreg:$0x1];
	p0 =	sne.s32 s2, $0x0  }
0x15f: {  	s3 =	rddreg [dreg:$0x2];
	[bflag:$0x3] =	sbarrier.arrive $0xFFFF;
	s2 =	simm.s32 @!p0 $0x1C07  }
0x160: {  	[timem:s3], [sflag:s2] =	dma.local @!p0 [hbm:s0], s1  }
0x161: {  	s0 =	simm.s32 @!p0 $0x7  }
0x162: {  	_ =	swait.ge @!p0 [sflag:s0], s1  }
0x163: {  	s1 =	ssub.s32 @!p0 $0x0, s1;
	[sflag:s0] =	ssyncset.done @!p0 $0x0  }
0x164: {  	[sflag:s0] =	ssyncadd.s32 @!p0 s1  }
0x165: {  	[bflag:$0x3] =	sbarrier.arrive $0xFFFF  }
0x166: {  	_ =	shalt  }

</sc_bundles>
